<compile_context>
chip_gen: v7x
topology: tpu7x:2x2x1
jax: 0.10.2.dev20260603
libtpu: 0.0.44.dev20260713+nightly
codegen_flags: <defaults>
</compile_context>

<pallas_src>
import functools

import jax
import jax.numpy as jnp
from jax import lax
from jax.experimental import pallas as pl
from jax.experimental.pallas import tpu as pltpu
from jax.experimental.pallas import tpu_sc as plsc

N = 10000
E = 320000
NG = 64
NC = 2
NS = 16
NW = NC * NS
NPAD = 10240
DEGW = 128

_MESH = plsc.VectorSubcoreMesh(core_axis_name="c", subcore_axis_name="s")

_EW = E // NW
_C = 80
_NCH = _EW // _C


@functools.partial(
    pl.kernel,
    mesh=_MESH,
    out_type=jax.ShapeDtypeStruct((NC, NPAD, DEGW), jnp.float32),
    scratch_types=[
        pltpu.VMEM((_C,), jnp.int32),
        pltpu.VMEM((_C, DEGW), jnp.float32),
        pltpu.VMEM((128,), jnp.int32),
        pltpu.VMEM((128, DEGW), jnp.float32),
        pltpu.VMEM_SHARED((NPAD, DEGW), jnp.float32),
    ],
)
def _sc_deg(dst_hbm, degp_hbm, dstv, onesv, rowidx, zbuf, acc):
    cid = lax.axis_index("c")
    sid = lax.axis_index("s")
    wid = sid * NC + cid
    rpt = NPAD // NS
    lanes = lax.iota(jnp.int32, 16)

    @pl.loop(0, _C)
    def _ones(i):
        for u in range(DEGW // 16):
            onesv[i, pl.ds(u * 16, 16)] = jnp.ones((16,), jnp.float32)

    @pl.loop(0, 128)
    def _zeros(i):
        for u in range(DEGW // 16):
            zbuf[i, pl.ds(u * 16, 16)] = jnp.zeros((16,), jnp.float32)

    @pl.loop(0, rpt // 128)
    def _zero(j):
        base = sid * rpt + j * 128
        for q in range(8):
            rowidx[pl.ds(q * 16, 16)] = base + q * 16 + lanes
        pltpu.sync_copy(zbuf, acc.at[rowidx])

    plsc.subcore_barrier()

    ebase = wid * _EW

    @pl.loop(0, _NCH)
    def _edges(i):
        pltpu.sync_copy(dst_hbm.at[pl.ds(ebase + i * _C, _C)], dstv)
        pltpu.sync_copy(onesv, acc.at[dstv], add=True)

    plsc.subcore_barrier()

    @pl.loop(0, rpt // 128)
    def _wb(j):
        base = sid * rpt + j * 128
        for q in range(8):
            rowidx[pl.ds(q * 16, 16)] = base + q * 16 + lanes
        pltpu.sync_copy(acc.at[rowidx], zbuf)
        pltpu.sync_copy(zbuf, degp_hbm.at[cid, pl.ds(base, 128)])


def _make_agg(W):
    rpt = NPAD // NS
    zr = 128

    @functools.partial(
        pl.kernel,
        mesh=_MESH,
        out_type=jax.ShapeDtypeStruct((NC, NPAD, W), jnp.float32),
        scratch_types=[
            pltpu.VMEM((_C,), jnp.int32),
            pltpu.VMEM((_C,), jnp.int32),
            pltpu.VMEM((_C, W), jnp.float32),
            pltpu.VMEM((zr,), jnp.int32),
            pltpu.VMEM((zr, W), jnp.float32),
            pltpu.VMEM_SHARED((NPAD, W), jnp.float32),
            pltpu.SemaphoreType.DMA,
        ],
    )
    def agg(h_hbm, src_hbm, dst_hbm, out_hbm, srcv, dstv, rows, rowidx, zbuf,
            acc, sem):
        cid = lax.axis_index("c")
        sid = lax.axis_index("s")
        wid = sid * NC + cid
        lanes = lax.iota(jnp.int32, 16)

        @pl.loop(0, zr)
        def _zb(i):
            for u in range(W // 16):
                zbuf[i, pl.ds(u * 16, 16)] = jnp.zeros((16,), jnp.float32)

        @pl.loop(0, rpt // zr)
        def _zero(j):
            base = sid * rpt + j * zr
            for q in range(zr // 16):
                rowidx[pl.ds(q * 16, 16)] = base + q * 16 + lanes
            pltpu.sync_copy(zbuf, acc.at[rowidx])

        plsc.subcore_barrier()

        ebase = wid * _EW

        @pl.loop(0, _NCH)
        def _edges(i):
            pltpu.sync_copy(src_hbm.at[pl.ds(ebase + i * _C, _C)], srcv)
            pltpu.sync_copy(dst_hbm.at[pl.ds(ebase + i * _C, _C)], dstv)
            pltpu.async_copy(h_hbm.at[srcv], rows, sem).wait()
            pltpu.sync_copy(rows, acc.at[dstv], add=True)

        plsc.subcore_barrier()

        @pl.loop(0, rpt // zr)
        def _wb(j):
            base = sid * rpt + j * zr
            for q in range(zr // 16):
                rowidx[pl.ds(q * 16, 16)] = base + q * 16 + lanes
            pltpu.sync_copy(acc.at[rowidx], zbuf)
            pltpu.sync_copy(zbuf, out_hbm.at[cid, pl.ds(base, zr)])

    return agg


_sc_agg128 = _make_agg(128)


_NCHT = N // 16
_POOL_ITERS = -(-_NCHT // NW)


@functools.partial(
    pl.kernel,
    mesh=_MESH,
    compiler_params=pltpu.CompilerParams(needs_layout_passes=False),
    out_type=(
        jax.ShapeDtypeStruct((NW, NG, 64), jnp.float32),
        jax.ShapeDtypeStruct((NW, NG, 64), jnp.float32),
    ),
    scratch_types=[
        pltpu.VMEM((16,), jnp.int32),
        pltpu.VMEM((16, 64), jnp.float32),
        pltpu.VMEM((NG, 64), jnp.float32),
        pltpu.VMEM((NG, 64), jnp.float32),
    ],
)
def _sc_pool(h3_hbm, batch_hbm, psum_hbm, pmax_hbm, bv, hv, sacc, macc):
    cid = lax.axis_index("c")
    sid = lax.axis_index("s")
    wid = sid * NC + cid

    @pl.loop(0, NG)
    def _init(g):
        for u in range(4):
            sacc[g, pl.ds(u * 16, 16)] = jnp.zeros((16,), jnp.float32)
            macc[g, pl.ds(u * 16, 16)] = jnp.full((16,), -jnp.inf, jnp.float32)

    lanes = lax.iota(jnp.int32, 16)

    @pl.loop(0, _POOL_ITERS)
    def _chunk(ci):
        k = wid + ci * NW

        @pl.when(k < _NCHT)
        def _():
            pltpu.sync_copy(batch_hbm.at[pl.ds(k * 16, 16)], bv)
            pltpu.sync_copy(h3_hbm.at[pl.ds(k * 16, 16)], hv)
            for j in range(16):
                gj = plsc.load_gather(bv, [jnp.full((16,), j, jnp.int32)])
                for u in range(4):
                    col = u * 16 + lanes
                    row = hv[j, pl.ds(u * 16, 16)]
                    plsc.addupdate_scatter(sacc, [gj, col], row)
                    cur = plsc.load_gather(macc, [gj, col])
                    plsc.store_scatter(macc, [gj, col], jnp.maximum(cur, row))

    pltpu.sync_copy(sacc, psum_hbm.at[wid])
    pltpu.sync_copy(macc, pmax_hbm.at[wid])


_R = 2000


def _elu(v):
    return jnp.where(v > 0, v, jnp.exp(v) - 1.0)


def _dot(a, b):
    return jnp.dot(a.astype(jnp.bfloat16), b.astype(jnp.bfloat16),
                   preferred_element_type=jnp.float32)


def _bn(z, rm, rs, g, be):
    return ((z - rm) * rs) * g + be


def _tc1_body(degp, x, w1, dinv, hp1a, hp1b):
    dsum = degp[0, :, :1] + degp[1, :, :1] + 1.0
    di = lax.rsqrt(dsum)
    dinv[...] = di
    hp = di * _dot(x[...], w1[...])
    hp1a[...] = hp[:, :128]
    hp1b[...] = hp[:, 128:]


_tc1 = pl.pallas_call(
    _tc1_body,
    grid=(N // _R,),
    in_specs=[
        pl.BlockSpec((NC, _R, DEGW), lambda i: (0, i, 0)),
        pl.BlockSpec((_R, 128), lambda i: (i, 0)),
        pl.BlockSpec((128, 256), lambda i: (0, 0)),
    ],
    out_specs=[
        pl.BlockSpec((_R, 1), lambda i: (i, 0)),
        pl.BlockSpec((_R, 128), lambda i: (i, 0)),
        pl.BlockSpec((_R, 128), lambda i: (i, 0)),
    ],
    out_shape=[
        jax.ShapeDtypeStruct((N, 1), jnp.float32),
        jax.ShapeDtypeStruct((N, 128), jnp.float32),
        jax.ShapeDtypeStruct((N, 128), jnp.float32),
    ],
)


def _tc2_body(s1a, s1b, hp1a, hp1b, dinv, b1, rm1, rs1, g1, be1, w2, hp2):
    di = dinv[...]
    agga = di * (s1a[0] + s1a[1] + hp1a[...])
    aggb = di * (s1b[0] + s1b[1] + hp1b[...])
    z = jnp.concatenate([agga, aggb], axis=1) + b1[...]
    h1 = _elu(_bn(z, rm1[...], rs1[...], g1[...], be1[...]))
    hp2[...] = di * _dot(h1, w2[...])


_tc2 = pl.pallas_call(
    _tc2_body,
    grid=(N // _R,),
    in_specs=[
        pl.BlockSpec((NC, _R, 128), lambda i: (0, i, 0)),
        pl.BlockSpec((NC, _R, 128), lambda i: (0, i, 0)),
        pl.BlockSpec((_R, 128), lambda i: (i, 0)),
        pl.BlockSpec((_R, 128), lambda i: (i, 0)),
        pl.BlockSpec((_R, 1), lambda i: (i, 0)),
        pl.BlockSpec((1, 256), lambda i: (0, 0)),
        pl.BlockSpec((1, 256), lambda i: (0, 0)),
        pl.BlockSpec((1, 256), lambda i: (0, 0)),
        pl.BlockSpec((1, 256), lambda i: (0, 0)),
        pl.BlockSpec((1, 256), lambda i: (0, 0)),
        pl.BlockSpec((256, 128), lambda i: (0, 0)),
    ],
    out_specs=pl.BlockSpec((_R, 128), lambda i: (i, 0)),
    out_shape=jax.ShapeDtypeStruct((N, 128), jnp.float32),
)


def _tc3_body(s2, hp2, dinv, b2, rm2, rs2, g2, be2, w3p, hp3):
    di = dinv[...]
    z = di * (s2[0] + s2[1] + hp2[...]) + b2[...]
    h2 = _elu(_bn(z, rm2[...], rs2[...], g2[...], be2[...]))
    hp3[...] = di * _dot(h2, w3p[...])


_tc3 = pl.pallas_call(
    _tc3_body,
    grid=(N // _R,),
    in_specs=[
        pl.BlockSpec((NC, _R, 128), lambda i: (0, i, 0)),
        pl.BlockSpec((_R, 128), lambda i: (i, 0)),
        pl.BlockSpec((_R, 1), lambda i: (i, 0)),
        pl.BlockSpec((1, 128), lambda i: (0, 0)),
        pl.BlockSpec((1, 128), lambda i: (0, 0)),
        pl.BlockSpec((1, 128), lambda i: (0, 0)),
        pl.BlockSpec((1, 128), lambda i: (0, 0)),
        pl.BlockSpec((1, 128), lambda i: (0, 0)),
        pl.BlockSpec((128, 128), lambda i: (0, 0)),
    ],
    out_specs=pl.BlockSpec((_R, 128), lambda i: (i, 0)),
    out_shape=jax.ShapeDtypeStruct((N, 128), jnp.float32),
)


def _tc4_body(s3, hp3, dinv, b3, rm3, rs3, g3, be3, h3):
    di = dinv[...]
    agg = di * (s3[0] + s3[1] + hp3[...])
    z = agg[:, :64] + b3[...]
    h3[...] = _elu(_bn(z, rm3[...], rs3[...], g3[...], be3[...]))


_tc4 = pl.pallas_call(
    _tc4_body,
    grid=(N // _R,),
    in_specs=[
        pl.BlockSpec((NC, _R, 128), lambda i: (0, i, 0)),
        pl.BlockSpec((_R, 128), lambda i: (i, 0)),
        pl.BlockSpec((_R, 1), lambda i: (i, 0)),
        pl.BlockSpec((1, 64), lambda i: (0, 0)),
        pl.BlockSpec((1, 64), lambda i: (0, 0)),
        pl.BlockSpec((1, 64), lambda i: (0, 0)),
        pl.BlockSpec((1, 64), lambda i: (0, 0)),
        pl.BlockSpec((1, 64), lambda i: (0, 0)),
    ],
    out_specs=pl.BlockSpec((_R, 64), lambda i: (i, 0)),
    out_shape=jax.ShapeDtypeStruct((N, 64), jnp.float32),
)


def _tcf_body(psum, pmax, batchr, wm1, bm1, wm2, bm2, out):
    b = batchr[...]
    gids = lax.broadcasted_iota(jnp.int32, (NG, N), 0)
    mask = (b == gids).astype(jnp.float32)
    cnt = jnp.sum(mask, axis=1, keepdims=True)
    mean = jnp.sum(psum[...], axis=0) / jnp.maximum(cnt, 1.0)
    mx = jnp.max(pmax[...], axis=0)
    g = jnp.concatenate([mean, mx], axis=1)
    hid = _elu(_dot(g, wm1[...]) + bm1[...])
    out[...] = _dot(hid, wm2[...]) + bm2[...]


_tcf = pl.pallas_call(
    _tcf_body,
    out_shape=jax.ShapeDtypeStruct((NG, 2), jnp.float32),
)


def kernel(x, edge_index, edge_attr, batch,
           W1, b1, g1, be1, rm1, rv1,
           W2, b2, g2, be2, rm2, rv2,
           W3, b3, g3, be3, rm3, rv3,
           Wm1, bm1, Wm2, bm2):
    src = edge_index[0]
    dst = edge_index[1]

    r2 = lambda v: v.reshape(1, -1)
    rs1 = r2(lax.rsqrt(rv1 + 1e-5))
    rs2 = r2(lax.rsqrt(rv2 + 1e-5))
    rs3 = r2(lax.rsqrt(rv3 + 1e-5))
    W3p = jnp.concatenate([W3, jnp.zeros((128, 64), jnp.float32)], axis=1)

    degp = _sc_deg(dst)
    dinv, hp1a, hp1b = _tc1(degp, x, W1)
    s1a = _sc_agg128(hp1a, src, dst)
    s1b = _sc_agg128(hp1b, src, dst)
    hp2 = _tc2(s1a, s1b, hp1a, hp1b, dinv,
               r2(b1), r2(rm1), rs1, r2(g1), r2(be1), W2)
    s2 = _sc_agg128(hp2, src, dst)
    hp3 = _tc3(s2, hp2, dinv, r2(b2), r2(rm2), rs2, r2(g2), r2(be2), W3p)
    s3 = _sc_agg128(hp3, src, dst)
    h3 = _tc4(s3, hp3, dinv, r2(b3), r2(rm3), rs3, r2(g3), r2(be3))
    psum, pmax = _sc_pool(h3, batch)
    out = _tcf(psum, pmax, batch.reshape(1, -1),
               Wm1, bm1.reshape(1, -1), Wm2, bm2.reshape(1, -1))
    return out

# --- scband reference (transcript-rebuilt; emitter-appended) ---
"""Pipeline reference for scband-gcnwith-bert-90529320665199 (READ-ONLY COPY).

The authoritative reference and input builder live on the scoring server;
editing this copy changes nothing except your own understanding.
"""

import jax, jax.numpy as jnp
import numpy as np

NUM_GRAPHS = 64

def _gcn_conv(x, edge_index, W, b):
    n = x.shape[0]
    loop = jnp.arange(n, dtype=edge_index.dtype)
    src = jnp.concatenate([edge_index[0], loop])
    dst = jnp.concatenate([edge_index[1], loop])
    deg = jnp.zeros((n,), x.dtype).at[dst].add(1.0)
    dinv = jnp.where(deg > 0, jax.lax.rsqrt(deg), 0.0)
    norm = dinv[src] * dinv[dst]
    h = x @ W
    msg = h[src] * norm[:, None]
    return jnp.zeros((n, W.shape[1]), x.dtype).at[dst].add(msg) + b

def _bn_eval(x, g, b, rm, rv):
    return (x - rm) * jax.lax.rsqrt(rv + 1e-5) * g + b

def setup_inputs(seed: int = 0) -> dict:
    key = jax.random.key(seed)
    ks = [jax.random.fold_in(key, i) for i in range(40)]
    N, E, D = 10000, 320000, 128
    inp = {}
    inp['x'] = jax.random.normal(ks[0], (N, D), dtype=jnp.float32)
    inp['edge_index'] = jax.random.randint(ks[1], (2, E), 0, N, dtype=jnp.int32)
    inp['edge_attr'] = jax.random.normal(ks[2], (E, 4), dtype=jnp.float32)
    inp['batch'] = jnp.sort(jax.random.randint(ks[3], (N,), 0, NUM_GRAPHS, dtype=jnp.int32))
    dims = [(D, 256), (256, 128), (128, 64)]
    for i, (di, do) in enumerate(dims, start=1):
        inp[f'W{i}'] = jax.random.normal(ks[3 + i], (di, do), dtype=jnp.float32) * (1.0 / np.sqrt(di))
        inp[f'b{i}'] = jnp.zeros((do,), dtype=jnp.float32)
        inp[f'g{i}'] = jnp.ones((do,), dtype=jnp.float32)
        inp[f'be{i}'] = jnp.zeros((do,), dtype=jnp.float32)
        inp[f'rm{i}'] = jnp.zeros((do,), dtype=jnp.float32)
        inp[f'rv{i}'] = jnp.ones((do,), dtype=jnp.float32)
    inp['Wm1'] = jax.random.normal(ks[20], (128, 64), dtype=jnp.float32) * (1.0 / np.sqrt(128))
    inp['bm1'] = jnp.zeros((64,), dtype=jnp.float32)
    inp['Wm2'] = jax.random.normal(ks[21], (64, 2), dtype=jnp.float32) * (1.0 / np.sqrt(64))
    inp['bm2'] = jnp.zeros((2,), dtype=jnp.float32)
    return inp

def reference(x, edge_index, edge_attr, batch, W1, b1, g1, be1, rm1, rv1, W2, b2, g2, be2, rm2, rv2, W3, b3, g3, be3, rm3, rv3, Wm1, bm1, Wm2, bm2):
    h = jax.nn.elu(_bn_eval(_gcn_conv(x, edge_index, W1, b1), g1, be1, rm1, rv1))
    h = jax.nn.elu(_bn_eval(_gcn_conv(h, edge_index, W2, b2), g2, be2, rm2, rv2))
    h = jax.nn.elu(_bn_eval(_gcn_conv(h, edge_index, W3, b3), g3, be3, rm3, rv3))
    ones = jnp.ones((batch.shape[0],), dtype=h.dtype)
    cnt = jax.ops.segment_sum(ones, batch, num_segments=NUM_GRAPHS)
    mean = jax.ops.segment_sum(h, batch, num_segments=NUM_GRAPHS) / jnp.maximum(cnt, 1.0)[:, None]
    mx = jax.ops.segment_max(h, batch, num_segments=NUM_GRAPHS)
    g = jnp.concatenate([mean, mx], axis=1)
    hidden = jax.nn.elu(g @ Wm1 + bm1)
    return hidden @ Wm2 + bm2

if __name__ == "__main__":
    import jax
    _d = setup_inputs()
    print(jax.jit(kernel)(*tuple(_d.values())))

</pallas_src>

<mosaic_0001>
#map = affine_map<(d0, d1) -> (0)>
#map1 = affine_map<(d0, d1) -> (0, 0, 0)>
module attributes {stable_mosaic.version = 14 : i64} {
  func.func @_sc_deg(%arg0: i32, %arg1: i32, %arg2: memref<320000xi32, #tpu.memory_space<hbm>>, %arg3: memref<2x10240x128xf32, #tpu.memory_space<hbm>>, %arg4: memref<80xi32, #tpu.memory_space<vmem>>, %arg5: memref<80x128xf32, #tpu.memory_space<vmem>>, %arg6: memref<128xi32, #tpu.memory_space<vmem>>, %arg7: memref<128x128xf32, #tpu.memory_space<vmem>>, %arg8: memref<10240x128xf32, #tpu.memory_space<vmem_shared>>) attributes {dimension_semantics = [#tpu.dimension_semantics<core_parallel>, #tpu.dimension_semantics<subcore_parallel>], iteration_bounds = array<i64: 2, 16>, scalar_prefetch = 0 : i64, scratch_operands = 5 : i64, tpu.core_type = #tpu.core_type<sc_vector_subcore>, window_params = [{transform_indices = #map}, {transform_indices = #map1}]} {
    %mul3A = arith.constant 2 : i32
    %mul3A_0 = arith.muli %arg1, %mul3A : i32
    %add3A = arith.addi %mul3A_0, %arg0 : i32
    %iota3A = tpu.iota {dimensions = array<i32: 0>} : vector<16xi32>
    %scan3A = arith.constant 0 : i32
    %scan3A_1 = arith.constant 80 : i32
    %scan3A_2 = arith.addi %scan3A, %scan3A_1 : i32
    %scan3A_3 = arith.constant 1 : i32
    scf.for %scan3A_28 = %scan3A to %scan3A_2 step %scan3A_3  : i32 {
      %mul3A_29 = arith.constant 1 : i32
      %mul3A_30 = arith.muli %scan3A_28, %mul3A_29 : i32
      %add3A_31 = arith.constant 0 : i32
      %add3A_32 = arith.addi %add3A_31, %mul3A_30 : i32
      %broadcast_in_dim3A = arith.constant 1.000000e+00 : f32
      %broadcast_in_dim3A_33 = vector.broadcast %broadcast_in_dim3A : f32 to vector<16xf32>
      %swap3A = arith.index_cast %add3A_32 : i32 to index
      %swap3A_34 = arith.constant 0 : index
      %swap3A_35 = tpu.vector_load %arg5[%swap3A, %swap3A_34] {strides = array<i32>} : memref<80x128xf32, #tpu.memory_space<vmem>>, vector<1x16xf32>,
      %swap3A_36 = vector.shape_cast %swap3A_35 : vector<1x16xf32> to vector<16xf32>
      %swap3A_37 = vector.shape_cast %broadcast_in_dim3A_33 : vector<16xf32> to vector<1x16xf32>
      tpu.vector_store %arg5[%swap3A, %swap3A_34], %swap3A_37 {strides = array<i32>} : memref<80x128xf32, #tpu.memory_space<vmem>>, vector<1x16xf32>,
      %broadcast_in_dim3A_38 = arith.constant 1.000000e+00 : f32
      %broadcast_in_dim3A_39 = vector.broadcast %broadcast_in_dim3A_38 : f32 to vector<16xf32>
      %swap3A_40 = arith.index_cast %add3A_32 : i32 to index
      %swap3A_41 = arith.constant 16 : index
      %swap3A_42 = tpu.vector_load %arg5[%swap3A_40, %swap3A_41] {strides = array<i32>} : memref<80x128xf32, #tpu.memory_space<vmem>>, vector<1x16xf32>,
      %swap3A_43 = vector.shape_cast %swap3A_42 : vector<1x16xf32> to vector<16xf32>
      %swap3A_44 = vector.shape_cast %broadcast_in_dim3A_39 : vector<16xf32> to vector<1x16xf32>
      tpu.vector_store %arg5[%swap3A_40, %swap3A_41], %swap3A_44 {strides = array<i32>} : memref<80x128xf32, #tpu.memory_space<vmem>>, vector<1x16xf32>,
      %broadcast_in_dim3A_45 = arith.constant 1.000000e+00 : f32
      %broadcast_in_dim3A_46 = vector.broadcast %broadcast_in_dim3A_45 : f32 to vector<16xf32>
      %swap3A_47 = arith.index_cast %add3A_32 : i32 to index
      %swap3A_48 = arith.constant 32 : index
      %swap3A_49 = tpu.vector_load %arg5[%swap3A_47, %swap3A_48] {strides = array<i32>} : memref<80x128xf32, #tpu.memory_space<vmem>>, vector<1x16xf32>,
      %swap3A_50 = vector.shape_cast %swap3A_49 : vector<1x16xf32> to vector<16xf32>
      %swap3A_51 = vector.shape_cast %broadcast_in_dim3A_46 : vector<16xf32> to vector<1x16xf32>
      tpu.vector_store %arg5[%swap3A_47, %swap3A_48], %swap3A_51 {strides = array<i32>} : memref<80x128xf32, #tpu.memory_space<vmem>>, vector<1x16xf32>,
      %broadcast_in_dim3A_52 = arith.constant 1.000000e+00 : f32
      %broadcast_in_dim3A_53 = vector.broadcast %broadcast_in_dim3A_52 : f32 to vector<16xf32>
      %swap3A_54 = arith.index_cast %add3A_32 : i32 to index
      %swap3A_55 = arith.constant 48 : index
      %swap3A_56 = tpu.vector_load %arg5[%swap3A_54, %swap3A_55] {strides = array<i32>} : memref<80x128xf32, #tpu.memory_space<vmem>>, vector<1x16xf32>,
      %swap3A_57 = vector.shape_cast %swap3A_56 : vector<1x16xf32> to vector<16xf32>
      %swap3A_58 = vector.shape_cast %broadcast_in_dim3A_53 : vector<16xf32> to vector<1x16xf32>
      tpu.vector_store %arg5[%swap3A_54, %swap3A_55], %swap3A_58 {strides = array<i32>} : memref<80x128xf32, #tpu.memory_space<vmem>>, vector<1x16xf32>,
      %broadcast_in_dim3A_59 = arith.constant 1.000000e+00 : f32
      %broadcast_in_dim3A_60 = vector.broadcast %broadcast_in_dim3A_59 : f32 to vector<16xf32>
      %swap3A_61 = arith.index_cast %add3A_32 : i32 to index
      %swap3A_62 = arith.constant 64 : index
      %swap3A_63 = tpu.vector_load %arg5[%swap3A_61, %swap3A_62] {strides = array<i32>} : memref<80x128xf32, #tpu.memory_space<vmem>>, vector<1x16xf32>,
      %swap3A_64 = vector.shape_cast %swap3A_63 : vector<1x16xf32> to vector<16xf32>
      %swap3A_65 = vector.shape_cast %broadcast_in_dim3A_60 : vector<16xf32> to vector<1x16xf32>
      tpu.vector_store %arg5[%swap3A_61, %swap3A_62], %swap3A_65 {strides = array<i32>} : memref<80x128xf32, #tpu.memory_space<vmem>>, vector<1x16xf32>,
      %broadcast_in_dim3A_66 = arith.constant 1.000000e+00 : f32
      %broadcast_in_dim3A_67 = vector.broadcast %broadcast_in_dim3A_66 : f32 to vector<16xf32>
      %swap3A_68 = arith.index_cast %add3A_32 : i32 to index
      %swap3A_69 = arith.constant 80 : index
      %swap3A_70 = tpu.vector_load %arg5[%swap3A_68, %swap3A_69] {strides = array<i32>} : memref<80x128xf32, #tpu.memory_space<vmem>>, vector<1x16xf32>,
      %swap3A_71 = vector.shape_cast %swap3A_70 : vector<1x16xf32> to vector<16xf32>
      %swap3A_72 = vector.shape_cast %broadcast_in_dim3A_67 : vector<16xf32> to vector<1x16xf32>
      tpu.vector_store %arg5[%swap3A_68, %swap3A_69], %swap3A_72 {strides = array<i32>} : memref<80x128xf32, #tpu.memory_space<vmem>>, vector<1x16xf32>,
      %broadcast_in_dim3A_73 = arith.constant 1.000000e+00 : f32
      %broadcast_in_dim3A_74 = vector.broadcast %broadcast_in_dim3A_73 : f32 to vector<16xf32>
      %swap3A_75 = arith.index_cast %add3A_32 : i32 to index
      %swap3A_76 = arith.constant 96 : index
      %swap3A_77 = tpu.vector_load %arg5[%swap3A_75, %swap3A_76] {strides = array<i32>} : memref<80x128xf32, #tpu.memory_space<vmem>>, vector<1x16xf32>,
      %swap3A_78 = vector.shape_cast %swap3A_77 : vector<1x16xf32> to vector<16xf32>
      %swap3A_79 = vector.shape_cast %broadcast_in_dim3A_74 : vector<16xf32> to vector<1x16xf32>
      tpu.vector_store %arg5[%swap3A_75, %swap3A_76], %swap3A_79 {strides = array<i32>} : memref<80x128xf32, #tpu.memory_space<vmem>>, vector<1x16xf32>,
      %broadcast_in_dim3A_80 = arith.constant 1.000000e+00 : f32
      %broadcast_in_dim3A_81 = vector.broadcast %broadcast_in_dim3A_80 : f32 to vector<16xf32>
      %swap3A_82 = arith.index_cast %add3A_32 : i32 to index
      %swap3A_83 = arith.constant 112 : index
      %swap3A_84 = tpu.vector_load %arg5[%swap3A_82, %swap3A_83] {strides = array<i32>} : memref<80x128xf32, #tpu.memory_space<vmem>>, vector<1x16xf32>,
      %swap3A_85 = vector.shape_cast %swap3A_84 : vector<1x16xf32> to vector<16xf32>
      %swap3A_86 = vector.shape_cast %broadcast_in_dim3A_81 : vector<16xf32> to vector<1x16xf32>
      tpu.vector_store %arg5[%swap3A_82, %swap3A_83], %swap3A_86 {strides = array<i32>} : memref<80x128xf32, #tpu.memory_space<vmem>>, vector<1x16xf32>,
    }
    %scan3A_4 = arith.constant 80 : i32
    %scan3A_5 = arith.constant 0 : i32
    %scan3A_6 = arith.constant 128 : i32
    %scan3A_7 = arith.addi %scan3A_5, %scan3A_6 : i32
    %scan3A_8 = arith.constant 1 : i32
    scf.for %scan3A_28 = %scan3A_5 to %scan3A_7 step %scan3A_8  : i32 {
      %mul3A_29 = arith.constant 1 : i32
      %mul3A_30 = arith.muli %scan3A_28, %mul3A_29 : i32
      %add3A_31 = arith.constant 0 : i32
      %add3A_32 = arith.addi %add3A_31, %mul3A_30 : i32
      %broadcast_in_dim3A = arith.constant 0.000000e+00 : f32
      %broadcast_in_dim3A_33 = vector.broadcast %broadcast_in_dim3A : f32 to vector<16xf32>
      %swap3A = arith.index_cast %add3A_32 : i32 to index
      %swap3A_34 = arith.constant 0 : index
      %swap3A_35 = tpu.vector_load %arg7[%swap3A, %swap3A_34] {strides = array<i32>} : memref<128x128xf32, #tpu.memory_space<vmem>>, vector<1x16xf32>,
      %swap3A_36 = vector.shape_cast %swap3A_35 : vector<1x16xf32> to vector<16xf32>
      %swap3A_37 = vector.shape_cast %broadcast_in_dim3A_33 : vector<16xf32> to vector<1x16xf32>
      tpu.vector_store %arg7[%swap3A, %swap3A_34], %swap3A_37 {strides = array<i32>} : memref<128x128xf32, #tpu.memory_space<vmem>>, vector<1x16xf32>,
      %broadcast_in_dim3A_38 = arith.constant 0.000000e+00 : f32
      %broadcast_in_dim3A_39 = vector.broadcast %broadcast_in_dim3A_38 : f32 to vector<16xf32>
      %swap3A_40 = arith.index_cast %add3A_32 : i32 to index
      %swap3A_41 = arith.constant 16 : index
      %swap3A_42 = tpu.vector_load %arg7[%swap3A_40, %swap3A_41] {strides = array<i32>} : memref<128x128xf32, #tpu.memory_space<vmem>>, vector<1x16xf32>,
      %swap3A_43 = vector.shape_cast %swap3A_42 : vector<1x16xf32> to vector<16xf32>
      %swap3A_44 = vector.shape_cast %broadcast_in_dim3A_39 : vector<16xf32> to vector<1x16xf32>
      tpu.vector_store %arg7[%swap3A_40, %swap3A_41], %swap3A_44 {strides = array<i32>} : memref<128x128xf32, #tpu.memory_space<vmem>>, vector<1x16xf32>,
      %broadcast_in_dim3A_45 = arith.constant 0.000000e+00 : f32
      %broadcast_in_dim3A_46 = vector.broadcast %broadcast_in_dim3A_45 : f32 to vector<16xf32>
      %swap3A_47 = arith.index_cast %add3A_32 : i32 to index
      %swap3A_48 = arith.constant 32 : index
      %swap3A_49 = tpu.vector_load %arg7[%swap3A_47, %swap3A_48] {strides = array<i32>} : memref<128x128xf32, #tpu.memory_space<vmem>>, vector<1x16xf32>,
      %swap3A_50 = vector.shape_cast %swap3A_49 : vector<1x16xf32> to vector<16xf32>
      %swap3A_51 = vector.shape_cast %broadcast_in_dim3A_46 : vector<16xf32> to vector<1x16xf32>
      tpu.vector_store %arg7[%swap3A_47, %swap3A_48], %swap3A_51 {strides = array<i32>} : memref<128x128xf32, #tpu.memory_space<vmem>>, vector<1x16xf32>,
      %broadcast_in_dim3A_52 = arith.constant 0.000000e+00 : f32
      %broadcast_in_dim3A_53 = vector.broadcast %broadcast_in_dim3A_52 : f32 to vector<16xf32>
      %swap3A_54 = arith.index_cast %add3A_32 : i32 to index
      %swap3A_55 = arith.constant 48 : index
      %swap3A_56 = tpu.vector_load %arg7[%swap3A_54, %swap3A_55] {strides = array<i32>} : memref<128x128xf32, #tpu.memory_space<vmem>>, vector<1x16xf32>,
      %swap3A_57 = vector.shape_cast %swap3A_56 : vector<1x16xf32> to vector<16xf32>
      %swap3A_58 = vector.shape_cast %broadcast_in_dim3A_53 : vector<16xf32> to vector<1x16xf32>
      tpu.vector_store %arg7[%swap3A_54, %swap3A_55], %swap3A_58 {strides = array<i32>} : memref<128x128xf32, #tpu.memory_space<vmem>>, vector<1x16xf32>,
      %broadcast_in_dim3A_59 = arith.constant 0.000000e+00 : f32
      %broadcast_in_dim3A_60 = vector.broadcast %broadcast_in_dim3A_59 : f32 to vector<16xf32>
      %swap3A_61 = arith.index_cast %add3A_32 : i32 to index
      %swap3A_62 = arith.constant 64 : index
      %swap3A_63 = tpu.vector_load %arg7[%swap3A_61, %swap3A_62] {strides = array<i32>} : memref<128x128xf32, #tpu.memory_space<vmem>>, vector<1x16xf32>,
      %swap3A_64 = vector.shape_cast %swap3A_63 : vector<1x16xf32> to vector<16xf32>
      %swap3A_65 = vector.shape_cast %broadcast_in_dim3A_60 : vector<16xf32> to vector<1x16xf32>
      tpu.vector_store %arg7[%swap3A_61, %swap3A_62], %swap3A_65 {strides = array<i32>} : memref<128x128xf32, #tpu.memory_space<vmem>>, vector<1x16xf32>,
      %broadcast_in_dim3A_66 = arith.constant 0.000000e+00 : f32
      %broadcast_in_dim3A_67 = vector.broadcast %broadcast_in_dim3A_66 : f32 to vector<16xf32>
      %swap3A_68 = arith.index_cast %add3A_32 : i32 to index
      %swap3A_69 = arith.constant 80 : index
      %swap3A_70 = tpu.vector_load %arg7[%swap3A_68, %swap3A_69] {strides = array<i32>} : memref<128x128xf32, #tpu.memory_space<vmem>>, vector<1x16xf32>,
      %swap3A_71 = vector.shape_cast %swap3A_70 : vector<1x16xf32> to vector<16xf32>
      %swap3A_72 = vector.shape_cast %broadcast_in_dim3A_67 : vector<16xf32> to vector<1x16xf32>
      tpu.vector_store %arg7[%swap3A_68, %swap3A_69], %swap3A_72 {strides = array<i32>} : memref<128x128xf32, #tpu.memory_space<vmem>>, vector<1x16xf32>,
      %broadcast_in_dim3A_73 = arith.constant 0.000000e+00 : f32
      %broadcast_in_dim3A_74 = vector.broadcast %broadcast_in_dim3A_73 : f32 to vector<16xf32>
      %swap3A_75 = arith.index_cast %add3A_32 : i32 to index
      %swap3A_76 = arith.constant 96 : index
      %swap3A_77 = tpu.vector_load %arg7[%swap3A_75, %swap3A_76] {strides = array<i32>} : memref<128x128xf32, #tpu.memory_space<vmem>>, vector<1x16xf32>,
      %swap3A_78 = vector.shape_cast %swap3A_77 : vector<1x16xf32> to vector<16xf32>
      %swap3A_79 = vector.shape_cast %broadcast_in_dim3A_74 : vector<16xf32> to vector<1x16xf32>
      tpu.vector_store %arg7[%swap3A_75, %swap3A_76], %swap3A_79 {strides = array<i32>} : memref<128x128xf32, #tpu.memory_space<vmem>>, vector<1x16xf32>,
      %broadcast_in_dim3A_80 = arith.constant 0.000000e+00 : f32
      %broadcast_in_dim3A_81 = vector.broadcast %broadcast_in_dim3A_80 : f32 to vector<16xf32>
      %swap3A_82 = arith.index_cast %add3A_32 : i32 to index
      %swap3A_83 = arith.constant 112 : index
      %swap3A_84 = tpu.vector_load %arg7[%swap3A_82, %swap3A_83] {strides = array<i32>} : memref<128x128xf32, #tpu.memory_space<vmem>>, vector<1x16xf32>,
      %swap3A_85 = vector.shape_cast %swap3A_84 : vector<1x16xf32> to vector<16xf32>
      %swap3A_86 = vector.shape_cast %broadcast_in_dim3A_81 : vector<16xf32> to vector<1x16xf32>
      tpu.vector_store %arg7[%swap3A_82, %swap3A_83], %swap3A_86 {strides = array<i32>} : memref<128x128xf32, #tpu.memory_space<vmem>>, vector<1x16xf32>,
    }
    %scan3A_9 = arith.constant 128 : i32
    %scan3A_10 = arith.constant 0 : i32
    %scan3A_11 = arith.constant 5 : i32
    %scan3A_12 = arith.addi %scan3A_10, %scan3A_11 : i32
    %scan3A_13 = arith.constant 1 : i32
    scf.for %scan3A_28 = %scan3A_10 to %scan3A_12 step %scan3A_13  : i32 {
      %mul3A_29 = arith.constant 1 : i32
      %mul3A_30 = arith.muli %scan3A_28, %mul3A_29 : i32
      %add3A_31 = arith.constant 0 : i32
      %add3A_32 = arith.addi %add3A_31, %mul3A_30 : i32
      %mul3A_33 = arith.constant 640 : i32
      %mul3A_34 = arith.muli %arg1, %mul3A_33 : i32
      %mul3A_35 = arith.constant 128 : i32
      %mul3A_36 = arith.muli %add3A_32, %mul3A_35 : i32
      %add3A_37 = arith.addi %mul3A_34, %mul3A_36 : i32
      %add3A_38 = arith.constant 0 : i32
      %add3A_39 = arith.addi %add3A_37, %add3A_38 : i32
      %add3A_40 = vector.broadcast %add3A_39 : i32 to vector<16xi32>
      %add3A_41 = arith.addi %add3A_40, %iota3A : vector<16xi32>
      %swap3A = arith.constant 0 : index
      %swap3A_42 = tpu.vector_load %arg6[%swap3A] {strides = array<i32>} : memref<128xi32, #tpu.memory_space<vmem>>, vector<16xi32>,
      %swap3A_43 = vector.shape_cast %swap3A_42 : vector<16xi32> to vector<16xi32>
      %swap3A_44 = vector.shape_cast %add3A_41 : vector<16xi32> to vector<16xi32>
      tpu.vector_store %arg6[%swap3A], %swap3A_44 {strides = array<i32>} : memref<128xi32, #tpu.memory_space<vmem>>, vector<16xi32>,
      %add3A_45 = arith.constant 16 : i32
      %add3A_46 = arith.addi %add3A_37, %add3A_45 : i32
      %add3A_47 = vector.broadcast %add3A_46 : i32 to vector<16xi32>
      %add3A_48 = arith.addi %add3A_47, %iota3A : vector<16xi32>
      %swap3A_49 = arith.constant 16 : index
      %swap3A_50 = tpu.vector_load %arg6[%swap3A_49] {strides = array<i32>} : memref<128xi32, #tpu.memory_space<vmem>>, vector<16xi32>,
      %swap3A_51 = vector.shape_cast %swap3A_50 : vector<16xi32> to vector<16xi32>
      %swap3A_52 = vector.shape_cast %add3A_48 : vector<16xi32> to vector<16xi32>
      tpu.vector_store %arg6[%swap3A_49], %swap3A_52 {strides = array<i32>} : memref<128xi32, #tpu.memory_space<vmem>>, vector<16xi32>,
      %add3A_53 = arith.constant 32 : i32
      %add3A_54 = arith.addi %add3A_37, %add3A_53 : i32
      %add3A_55 = vector.broadcast %add3A_54 : i32 to vector<16xi32>
      %add3A_56 = arith.addi %add3A_55, %iota3A : vector<16xi32>
      %swap3A_57 = arith.constant 32 : index
      %swap3A_58 = tpu.vector_load %arg6[%swap3A_57] {strides = array<i32>} : memref<128xi32, #tpu.memory_space<vmem>>, vector<16xi32>,
      %swap3A_59 = vector.shape_cast %swap3A_58 : vector<16xi32> to vector<16xi32>
      %swap3A_60 = vector.shape_cast %add3A_56 : vector<16xi32> to vector<16xi32>
      tpu.vector_store %arg6[%swap3A_57], %swap3A_60 {strides = array<i32>} : memref<128xi32, #tpu.memory_space<vmem>>, vector<16xi32>,
      %add3A_61 = arith.constant 48 : i32
      %add3A_62 = arith.addi %add3A_37, %add3A_61 : i32
      %add3A_63 = vector.broadcast %add3A_62 : i32 to vector<16xi32>
      %add3A_64 = arith.addi %add3A_63, %iota3A : vector<16xi32>
      %swap3A_65 = arith.constant 48 : index
      %swap3A_66 = tpu.vector_load %arg6[%swap3A_65] {strides = array<i32>} : memref<128xi32, #tpu.memory_space<vmem>>, vector<16xi32>,
      %swap3A_67 = vector.shape_cast %swap3A_66 : vector<16xi32> to vector<16xi32>
      %swap3A_68 = vector.shape_cast %add3A_64 : vector<16xi32> to vector<16xi32>
      tpu.vector_store %arg6[%swap3A_65], %swap3A_68 {strides = array<i32>} : memref<128xi32, #tpu.memory_space<vmem>>, vector<16xi32>,
      %add3A_69 = arith.constant 64 : i32
      %add3A_70 = arith.addi %add3A_37, %add3A_69 : i32
      %add3A_71 = vector.broadcast %add3A_70 : i32 to vector<16xi32>
      %add3A_72 = arith.addi %add3A_71, %iota3A : vector<16xi32>
      %swap3A_73 = arith.constant 64 : index
      %swap3A_74 = tpu.vector_load %arg6[%swap3A_73] {strides = array<i32>} : memref<128xi32, #tpu.memory_space<vmem>>, vector<16xi32>,
      %swap3A_75 = vector.shape_cast %swap3A_74 : vector<16xi32> to vector<16xi32>
      %swap3A_76 = vector.shape_cast %add3A_72 : vector<16xi32> to vector<16xi32>
      tpu.vector_store %arg6[%swap3A_73], %swap3A_76 {strides = array<i32>} : memref<128xi32, #tpu.memory_space<vmem>>, vector<16xi32>,
      %add3A_77 = arith.constant 80 : i32
      %add3A_78 = arith.addi %add3A_37, %add3A_77 : i32
      %add3A_79 = vector.broadcast %add3A_78 : i32 to vector<16xi32>
      %add3A_80 = arith.addi %add3A_79, %iota3A : vector<16xi32>
      %swap3A_81 = arith.constant 80 : index
      %swap3A_82 = tpu.vector_load %arg6[%swap3A_81] {strides = array<i32>} : memref<128xi32, #tpu.memory_space<vmem>>, vector<16xi32>,
      %swap3A_83 = vector.shape_cast %swap3A_82 : vector<16xi32> to vector<16xi32>
      %swap3A_84 = vector.shape_cast %add3A_80 : vector<16xi32> to vector<16xi32>
      tpu.vector_store %arg6[%swap3A_81], %swap3A_84 {strides = array<i32>} : memref<128xi32, #tpu.memory_space<vmem>>, vector<16xi32>,
      %add3A_85 = arith.constant 96 : i32
      %add3A_86 = arith.addi %add3A_37, %add3A_85 : i32
      %add3A_87 = vector.broadcast %add3A_86 : i32 to vector<16xi32>
      %add3A_88 = arith.addi %add3A_87, %iota3A : vector<16xi32>
      %swap3A_89 = arith.constant 96 : index
      %swap3A_90 = tpu.vector_load %arg6[%swap3A_89] {strides = array<i32>} : memref<128xi32, #tpu.memory_space<vmem>>, vector<16xi32>,
      %swap3A_91 = vector.shape_cast %swap3A_90 : vector<16xi32> to vector<16xi32>
      %swap3A_92 = vector.shape_cast %add3A_88 : vector<16xi32> to vector<16xi32>
      tpu.vector_store %arg6[%swap3A_89], %swap3A_92 {strides = array<i32>} : memref<128xi32, #tpu.memory_space<vmem>>, vector<16xi32>,
      %add3A_93 = arith.constant 112 : i32
      %add3A_94 = arith.addi %add3A_37, %add3A_93 : i32
      %add3A_95 = vector.broadcast %add3A_94 : i32 to vector<16xi32>
      %add3A_96 = arith.addi %add3A_95, %iota3A : vector<16xi32>
      %swap3A_97 = arith.constant 112 : index
      %swap3A_98 = tpu.vector_load %arg6[%swap3A_97] {strides = array<i32>} : memref<128xi32, #tpu.memory_space<vmem>>, vector<16xi32>,
      %swap3A_99 = vector.shape_cast %swap3A_98 : vector<16xi32> to vector<16xi32>
      %swap3A_100 = vector.shape_cast %add3A_96 : vector<16xi32> to vector<16xi32>
      tpu.vector_store %arg6[%swap3A_97], %swap3A_100 {strides = array<i32>} : memref<128xi32, #tpu.memory_space<vmem>>, vector<16xi32>,
      "tpu.region"() ({
        %run_scoped3A = tpu.sem_alloc : memref<!tpu.dma_semaphore, #tpu.memory_space<semaphore_mem>>
        %dma_start3A = arith.constant 0 : i32
        %dma_start3A_101 = arith.constant 0 : i32
        %dma_start3A_102 = tpu.memref_slice %arg8[%dma_start3A, %dma_start3A_101] : memref<10240x128xf32, #tpu.memory_space<vmem_shared>> -> memref<10240x128xf32, #tpu.memory_space<vmem_shared>>
        tpu.enqueue_indirect_dma source(%arg7 : memref<128x128xf32, #tpu.memory_space<vmem>>) target(%dma_start3A_102 : memref<10240x128xf32, #tpu.memory_space<vmem_shared>>) offsets(%arg6 : memref<128xi32, #tpu.memory_space<vmem>>) semaphore(%run_scoped3A : memref<!tpu.dma_semaphore, #tpu.memory_space<semaphore_mem>>)
        %dma_wait3A = arith.constant 0 : i32
        %dma_wait3A_103 = arith.constant 0 : i32
        %dma_wait3A_104 = tpu.memref_slice %arg8[%dma_wait3A, %dma_wait3A_103] : memref<10240x128xf32, #tpu.memory_space<vmem_shared>> -> memref<10240x128xf32, #tpu.memory_space<vmem_shared>>
        tpu.wait_indirect_dma semaphore(%run_scoped3A : memref<!tpu.dma_semaphore, #tpu.memory_space<semaphore_mem>>) src(%arg7 : memref<128x128xf32, #tpu.memory_space<vmem>>) dst(%dma_wait3A_104 : memref<10240x128xf32, #tpu.memory_space<vmem_shared>>)
        tpu.yield
      }) : () -> ()
    }
    %scan3A_14 = arith.constant 5 : i32
    %barrier3A = arith.constant 0 : index
    tpu.barrier barrier_id(%barrier3A)
    %mul3A_15 = arith.constant 10000 : i32
    %mul3A_16 = arith.muli %add3A, %mul3A_15 : i32
    %scan3A_17 = arith.constant 0 : i32
    %scan3A_18 = arith.constant 125 : i32
    %scan3A_19 = arith.addi %scan3A_17, %scan3A_18 : i32
    %scan3A_20 = arith.constant 1 : i32
    scf.for %scan3A_28 = %scan3A_17 to %scan3A_19 step %scan3A_20  : i32 {
      %mul3A_29 = arith.constant 1 : i32
      %mul3A_30 = arith.muli %scan3A_28, %mul3A_29 : i32
      %add3A_31 = arith.constant 0 : i32
      %add3A_32 = arith.addi %add3A_31, %mul3A_30 : i32
      %mul3A_33 = arith.constant 80 : i32
      %mul3A_34 = arith.muli %add3A_32, %mul3A_33 : i32
      %add3A_35 = arith.addi %mul3A_16, %mul3A_34 : i32
      "tpu.region"() ({
        %run_scoped3A = tpu.sem_alloc : memref<!tpu.dma_semaphore, #tpu.memory_space<semaphore_mem>>
        %dma_start3A = tpu.memref_slice %arg2[%add3A_35] : memref<320000xi32, #tpu.memory_space<hbm>> -> memref<80xi32, #tpu.memory_space<hbm>>
        %dma_start3A_36 = tpu.memref_slice %arg2[%add3A_35] : memref<320000xi32, #tpu.memory_space<hbm>> -> memref<80xi32, #tpu.memory_space<hbm>>
        tpu.enqueue_dma source(%dma_start3A_36 : memref<80xi32, #tpu.memory_space<hbm>>) target(%arg4 : memref<80xi32, #tpu.memory_space<vmem>>) target_semaphore(%run_scoped3A : memref<!tpu.dma_semaphore, #tpu.memory_space<semaphore_mem>>)
        %dma_wait3A = tpu.memref_slice %arg2[%add3A_35] : memref<320000xi32, #tpu.memory_space<hbm>> -> memref<80xi32, #tpu.memory_space<hbm>>
        %dma_wait3A_37 = tpu.memref_slice %arg2[%add3A_35] : memref<320000xi32, #tpu.memory_space<hbm>> -> memref<80xi32, #tpu.memory_space<hbm>>
        tpu.wait_dma2 semaphore(%run_scoped3A : memref<!tpu.dma_semaphore, #tpu.memory_space<semaphore_mem>>) src(%dma_wait3A_37 : memref<80xi32, #tpu.memory_space<hbm>>) dst(%arg4 : memref<80xi32, #tpu.memory_space<vmem>>)
        tpu.yield
      }) : () -> ()
      "tpu.region"() ({
        %run_scoped3A = tpu.sem_alloc : memref<!tpu.dma_semaphore, #tpu.memory_space<semaphore_mem>>
        %dma_start3A = arith.constant 0 : i32
        %dma_start3A_36 = arith.constant 0 : i32
        %dma_start3A_37 = tpu.memref_slice %arg8[%dma_start3A, %dma_start3A_36] : memref<10240x128xf32, #tpu.memory_space<vmem_shared>> -> memref<10240x128xf32, #tpu.memory_space<vmem_shared>>
        tpu.enqueue_indirect_dma source(%arg5 : memref<80x128xf32, #tpu.memory_space<vmem>>) target(%dma_start3A_37 : memref<10240x128xf32, #tpu.memory_space<vmem_shared>>) offsets(%arg4 : memref<80xi32, #tpu.memory_space<vmem>>) semaphore(%run_scoped3A : memref<!tpu.dma_semaphore, #tpu.memory_space<semaphore_mem>>) {add = true}
        %dma_wait3A = arith.constant 0 : i32
        %dma_wait3A_38 = arith.constant 0 : i32
        %dma_wait3A_39 = tpu.memref_slice %arg8[%dma_wait3A, %dma_wait3A_38] : memref<10240x128xf32, #tpu.memory_space<vmem_shared>> -> memref<10240x128xf32, #tpu.memory_space<vmem_shared>>
        tpu.wait_indirect_dma semaphore(%run_scoped3A : memref<!tpu.dma_semaphore, #tpu.memory_space<semaphore_mem>>) src(%arg5 : memref<80x128xf32, #tpu.memory_space<vmem>>) dst(%dma_wait3A_39 : memref<10240x128xf32, #tpu.memory_space<vmem_shared>>)
        tpu.yield
      }) : () -> ()
    }
    %scan3A_21 = arith.constant 125 : i32
    %barrier3A_22 = arith.constant 0 : index
    tpu.barrier barrier_id(%barrier3A_22)
    %scan3A_23 = arith.constant 0 : i32
    %scan3A_24 = arith.constant 5 : i32
    %scan3A_25 = arith.addi %scan3A_23, %scan3A_24 : i32
    %scan3A_26 = arith.constant 1 : i32
    scf.for %scan3A_28 = %scan3A_23 to %scan3A_25 step %scan3A_26  : i32 {
      %mul3A_29 = arith.constant 1 : i32
      %mul3A_30 = arith.muli %scan3A_28, %mul3A_29 : i32
      %add3A_31 = arith.constant 0 : i32
      %add3A_32 = arith.addi %add3A_31, %mul3A_30 : i32
      %mul3A_33 = arith.constant 640 : i32
      %mul3A_34 = arith.muli %arg1, %mul3A_33 : i32
      %mul3A_35 = arith.constant 128 : i32
      %mul3A_36 = arith.muli %add3A_32, %mul3A_35 : i32
      %add3A_37 = arith.addi %mul3A_34, %mul3A_36 : i32
      %add3A_38 = arith.constant 0 : i32
      %add3A_39 = arith.addi %add3A_37, %add3A_38 : i32
      %add3A_40 = vector.broadcast %add3A_39 : i32 to vector<16xi32>
      %add3A_41 = arith.addi %add3A_40, %iota3A : vector<16xi32>
      %swap3A = arith.constant 0 : index
      %swap3A_42 = tpu.vector_load %arg6[%swap3A] {strides = array<i32>} : memref<128xi32, #tpu.memory_space<vmem>>, vector<16xi32>,
      %swap3A_43 = vector.shape_cast %swap3A_42 : vector<16xi32> to vector<16xi32>
      %swap3A_44 = vector.shape_cast %add3A_41 : vector<16xi32> to vector<16xi32>
      tpu.vector_store %arg6[%swap3A], %swap3A_44 {strides = array<i32>} : memref<128xi32, #tpu.memory_space<vmem>>, vector<16xi32>,
      %add3A_45 = arith.constant 16 : i32
      %add3A_46 = arith.addi %add3A_37, %add3A_45 : i32
      %add3A_47 = vector.broadcast %add3A_46 : i32 to vector<16xi32>
      %add3A_48 = arith.addi %add3A_47, %iota3A : vector<16xi32>
      %swap3A_49 = arith.constant 16 : index
      %swap3A_50 = tpu.vector_load %arg6[%swap3A_49] {strides = array<i32>} : memref<128xi32, #tpu.memory_space<vmem>>, vector<16xi32>,
      %swap3A_51 = vector.shape_cast %swap3A_50 : vector<16xi32> to vector<16xi32>
      %swap3A_52 = vector.shape_cast %add3A_48 : vector<16xi32> to vector<16xi32>
      tpu.vector_store %arg6[%swap3A_49], %swap3A_52 {strides = array<i32>} : memref<128xi32, #tpu.memory_space<vmem>>, vector<16xi32>,
      %add3A_53 = arith.constant 32 : i32
      %add3A_54 = arith.addi %add3A_37, %add3A_53 : i32
      %add3A_55 = vector.broadcast %add3A_54 : i32 to vector<16xi32>
      %add3A_56 = arith.addi %add3A_55, %iota3A : vector<16xi32>
      %swap3A_57 = arith.constant 32 : index
      %swap3A_58 = tpu.vector_load %arg6[%swap3A_57] {strides = array<i32>} : memref<128xi32, #tpu.memory_space<vmem>>, vector<16xi32>,
      %swap3A_59 = vector.shape_cast %swap3A_58 : vector<16xi32> to vector<16xi32>
      %swap3A_60 = vector.shape_cast %add3A_56 : vector<16xi32> to vector<16xi32>
      tpu.vector_store %arg6[%swap3A_57], %swap3A_60 {strides = array<i32>} : memref<128xi32, #tpu.memory_space<vmem>>, vector<16xi32>,
      %add3A_61 = arith.constant 48 : i32
      %add3A_62 = arith.addi %add3A_37, %add3A_61 : i32
      %add3A_63 = vector.broadcast %add3A_62 : i32 to vector<16xi32>
      %add3A_64 = arith.addi %add3A_63, %iota3A : vector<16xi32>
      %swap3A_65 = arith.constant 48 : index
      %swap3A_66 = tpu.vector_load %arg6[%swap3A_65] {strides = array<i32>} : memref<128xi32, #tpu.memory_space<vmem>>, vector<16xi32>,
      %swap3A_67 = vector.shape_cast %swap3A_66 : vector<16xi32> to vector<16xi32>
      %swap3A_68 = vector.shape_cast %add3A_64 : vector<16xi32> to vector<16xi32>
      tpu.vector_store %arg6[%swap3A_65], %swap3A_68 {strides = array<i32>} : memref<128xi32, #tpu.memory_space<vmem>>, vector<16xi32>,
      %add3A_69 = arith.constant 64 : i32
      %add3A_70 = arith.addi %add3A_37, %add3A_69 : i32
      %add3A_71 = vector.broadcast %add3A_70 : i32 to vector<16xi32>
      %add3A_72 = arith.addi %add3A_71, %iota3A : vector<16xi32>
      %swap3A_73 = arith.constant 64 : index
      %swap3A_74 = tpu.vector_load %arg6[%swap3A_73] {strides = array<i32>} : memref<128xi32, #tpu.memory_space<vmem>>, vector<16xi32>,
      %swap3A_75 = vector.shape_cast %swap3A_74 : vector<16xi32> to vector<16xi32>
      %swap3A_76 = vector.shape_cast %add3A_72 : vector<16xi32> to vector<16xi32>
      tpu.vector_store %arg6[%swap3A_73], %swap3A_76 {strides = array<i32>} : memref<128xi32, #tpu.memory_space<vmem>>, vector<16xi32>,
      %add3A_77 = arith.constant 80 : i32
      %add3A_78 = arith.addi %add3A_37, %add3A_77 : i32
      %add3A_79 = vector.broadcast %add3A_78 : i32 to vector<16xi32>
      %add3A_80 = arith.addi %add3A_79, %iota3A : vector<16xi32>
      %swap3A_81 = arith.constant 80 : index
      %swap3A_82 = tpu.vector_load %arg6[%swap3A_81] {strides = array<i32>} : memref<128xi32, #tpu.memory_space<vmem>>, vector<16xi32>,
      %swap3A_83 = vector.shape_cast %swap3A_82 : vector<16xi32> to vector<16xi32>
      %swap3A_84 = vector.shape_cast %add3A_80 : vector<16xi32> to vector<16xi32>
      tpu.vector_store %arg6[%swap3A_81], %swap3A_84 {strides = array<i32>} : memref<128xi32, #tpu.memory_space<vmem>>, vector<16xi32>,
      %add3A_85 = arith.constant 96 : i32
      %add3A_86 = arith.addi %add3A_37, %add3A_85 : i32
      %add3A_87 = vector.broadcast %add3A_86 : i32 to vector<16xi32>
      %add3A_88 = arith.addi %add3A_87, %iota3A : vector<16xi32>
      %swap3A_89 = arith.constant 96 : index
      %swap3A_90 = tpu.vector_load %arg6[%swap3A_89] {strides = array<i32>} : memref<128xi32, #tpu.memory_space<vmem>>, vector<16xi32>,
      %swap3A_91 = vector.shape_cast %swap3A_90 : vector<16xi32> to vector<16xi32>
      %swap3A_92 = vector.shape_cast %add3A_88 : vector<16xi32> to vector<16xi32>
      tpu.vector_store %arg6[%swap3A_89], %swap3A_92 {strides = array<i32>} : memref<128xi32, #tpu.memory_space<vmem>>, vector<16xi32>,
      %add3A_93 = arith.constant 112 : i32
      %add3A_94 = arith.addi %add3A_37, %add3A_93 : i32
      %add3A_95 = vector.broadcast %add3A_94 : i32 to vector<16xi32>
      %add3A_96 = arith.addi %add3A_95, %iota3A : vector<16xi32>
      %swap3A_97 = arith.constant 112 : index
      %swap3A_98 = tpu.vector_load %arg6[%swap3A_97] {strides = array<i32>} : memref<128xi32, #tpu.memory_space<vmem>>, vector<16xi32>,
      %swap3A_99 = vector.shape_cast %swap3A_98 : vector<16xi32> to vector<16xi32>
      %swap3A_100 = vector.shape_cast %add3A_96 : vector<16xi32> to vector<16xi32>
      tpu.vector_store %arg6[%swap3A_97], %swap3A_100 {strides = array<i32>} : memref<128xi32, #tpu.memory_space<vmem>>, vector<16xi32>,
      "tpu.region"() ({
        %run_scoped3A = tpu.sem_alloc : memref<!tpu.dma_semaphore, #tpu.memory_space<semaphore_mem>>
        %dma_start3A = arith.constant 0 : i32
        %dma_start3A_101 = arith.constant 0 : i32
        %dma_start3A_102 = tpu.memref_slice %arg8[%dma_start3A, %dma_start3A_101] : memref<10240x128xf32, #tpu.memory_space<vmem_shared>> -> memref<10240x128xf32, #tpu.memory_space<vmem_shared>>
        tpu.enqueue_indirect_dma source(%dma_start3A_102 : memref<10240x128xf32, #tpu.memory_space<vmem_shared>>) target(%arg7 : memref<128x128xf32, #tpu.memory_space<vmem>>) offsets(%arg6 : memref<128xi32, #tpu.memory_space<vmem>>) semaphore(%run_scoped3A : memref<!tpu.dma_semaphore, #tpu.memory_space<semaphore_mem>>)
        %dma_wait3A = arith.constant 0 : i32
        %dma_wait3A_103 = arith.constant 0 : i32
        %dma_wait3A_104 = tpu.memref_slice %arg8[%dma_wait3A, %dma_wait3A_103] : memref<10240x128xf32, #tpu.memory_space<vmem_shared>> -> memref<10240x128xf32, #tpu.memory_space<vmem_shared>>
        tpu.wait_indirect_dma semaphore(%run_scoped3A : memref<!tpu.dma_semaphore, #tpu.memory_space<semaphore_mem>>) src(%dma_wait3A_104 : memref<10240x128xf32, #tpu.memory_space<vmem_shared>>) dst(%arg7 : memref<128x128xf32, #tpu.memory_space<vmem>>)
        tpu.yield
      }) : () -> ()
      "tpu.region"() ({
        %run_scoped3A = tpu.sem_alloc : memref<!tpu.dma_semaphore, #tpu.memory_space<semaphore_mem>>
        %dma_start3A = arith.constant 0 : i32
        %dma_start3A_101 = tpu.memref_slice %arg3[%arg0, %add3A_37, %dma_start3A] : memref<2x10240x128xf32, #tpu.memory_space<hbm>> -> memref<1x128x128xf32, #tpu.memory_space<hbm>>
        %dma_start3A_102 = tpu.memref_squeeze %dma_start3A_101 : memref<1x128x128xf32, #tpu.memory_space<hbm>> -> memref<128x128xf32, #tpu.memory_space<hbm>>
        %dma_start3A_103 = arith.constant 0 : i32
        %dma_start3A_104 = tpu.memref_slice %arg3[%arg0, %add3A_37, %dma_start3A_103] : memref<2x10240x128xf32, #tpu.memory_space<hbm>> -> memref<1x128x128xf32, #tpu.memory_space<hbm>>
        %dma_start3A_105 = tpu.memref_squeeze %dma_start3A_104 : memref<1x128x128xf32, #tpu.memory_space<hbm>> -> memref<128x128xf32, #tpu.memory_space<hbm>>
        tpu.enqueue_dma source(%arg7 : memref<128x128xf32, #tpu.memory_space<vmem>>) target(%dma_start3A_105 : memref<128x128xf32, #tpu.memory_space<hbm>>) target_semaphore(%run_scoped3A : memref<!tpu.dma_semaphore, #tpu.memory_space<semaphore_mem>>)
        %dma_wait3A = arith.constant 0 : i32
        %dma_wait3A_106 = tpu.memref_slice %arg3[%arg0, %add3A_37, %dma_wait3A] : memref<2x10240x128xf32, #tpu.memory_space<hbm>> -> memref<1x128x128xf32, #tpu.memory_space<hbm>>
        %dma_wait3A_107 = tpu.memref_squeeze %dma_wait3A_106 : memref<1x128x128xf32, #tpu.memory_space<hbm>> -> memref<128x128xf32, #tpu.memory_space<hbm>>
        %dma_wait3A_108 = arith.constant 0 : i32
        %dma_wait3A_109 = tpu.memref_slice %arg3[%arg0, %add3A_37, %dma_wait3A_108] : memref<2x10240x128xf32, #tpu.memory_space<hbm>> -> memref<1x128x128xf32, #tpu.memory_space<hbm>>
        %dma_wait3A_110 = tpu.memref_squeeze %dma_wait3A_109 : memref<1x128x128xf32, #tpu.memory_space<hbm>> -> memref<128x128xf32, #tpu.memory_space<hbm>>
        tpu.wait_dma2 semaphore(%run_scoped3A : memref<!tpu.dma_semaphore, #tpu.memory_space<semaphore_mem>>) src(%arg7 : memref<128x128xf32, #tpu.memory_space<vmem>>) dst(%dma_wait3A_110 : memref<128x128xf32, #tpu.memory_space<hbm>>)
        tpu.yield
      }) : () -> ()
    }
    %scan3A_27 = arith.constant 5 : i32
    return
  }
}

#map = affine_map<(d0, d1) -> (0, 0)>
#map1 = affine_map<(d0, d1) -> (0)>
#map2 = affine_map<(d0, d1) -> (0, 0, 0)>
module attributes {stable_mosaic.version = 14 : i64} {
  func.func @agg(%arg0: i32, %arg1: i32, %arg2: memref<10000x128xf32, #tpu.memory_space<hbm>>, %arg3: memref<320000xi32, #tpu.memory_space<hbm>>, %arg4: memref<320000xi32, #tpu.memory_space<hbm>>, %arg5: memref<2x10240x128xf32, #tpu.memory_space<hbm>>, %arg6: memref<80xi32, #tpu.memory_space<vmem>>, %arg7: memref<80xi32, #tpu.memory_space<vmem>>, %arg8: memref<80x128xf32, #tpu.memory_space<vmem>>, %arg9: memref<128xi32, #tpu.memory_space<vmem>>, %arg10: memref<128x128xf32, #tpu.memory_space<vmem>>, %arg11: memref<10240x128xf32, #tpu.memory_space<vmem_shared>>, %arg12: memref<!tpu.dma_semaphore, #tpu.memory_space<semaphore_mem>>) attributes {dimension_semantics = [#tpu.dimension_semantics<core_parallel>, #tpu.dimension_semantics<subcore_parallel>], iteration_bounds = array<i64: 2, 16>, scalar_prefetch = 0 : i64, scratch_operands = 7 : i64, tpu.core_type = #tpu.core_type<sc_vector_subcore>, window_params = [{transform_indices = #map}, {transform_indices = #map1}, {transform_indices = #map1}, {transform_indices = #map2}]} {
    %mul3A = arith.constant 2 : i32
    %mul3A_0 = arith.muli %arg1, %mul3A : i32
    %add3A = arith.addi %mul3A_0, %arg0 : i32
    %iota3A = tpu.iota {dimensions = array<i32: 0>} : vector<16xi32>
    %scan3A = arith.constant 0 : i32
    %scan3A_1 = arith.constant 128 : i32
    %scan3A_2 = arith.addi %scan3A, %scan3A_1 : i32
    %scan3A_3 = arith.constant 1 : i32
    scf.for %scan3A_23 = %scan3A to %scan3A_2 step %scan3A_3  : i32 {
      %mul3A_24 = arith.constant 1 : i32
      %mul3A_25 = arith.muli %scan3A_23, %mul3A_24 : i32
      %add3A_26 = arith.constant 0 : i32
      %add3A_27 = arith.addi %add3A_26, %mul3A_25 : i32
      %broadcast_in_dim3A = arith.constant 0.000000e+00 : f32
      %broadcast_in_dim3A_28 = vector.broadcast %broadcast_in_dim3A : f32 to vector<16xf32>
      %swap3A = arith.index_cast %add3A_27 : i32 to index
      %swap3A_29 = arith.constant 0 : index
      %swap3A_30 = tpu.vector_load %arg10[%swap3A, %swap3A_29] {strides = array<i32>} : memref<128x128xf32, #tpu.memory_space<vmem>>, vector<1x16xf32>,
      %swap3A_31 = vector.shape_cast %swap3A_30 : vector<1x16xf32> to vector<16xf32>
      %swap3A_32 = vector.shape_cast %broadcast_in_dim3A_28 : vector<16xf32> to vector<1x16xf32>
      tpu.vector_store %arg10[%swap3A, %swap3A_29], %swap3A_32 {strides = array<i32>} : memref<128x128xf32, #tpu.memory_space<vmem>>, vector<1x16xf32>,
      %broadcast_in_dim3A_33 = arith.constant 0.000000e+00 : f32
      %broadcast_in_dim3A_34 = vector.broadcast %broadcast_in_dim3A_33 : f32 to vector<16xf32>
      %swap3A_35 = arith.index_cast %add3A_27 : i32 to index
      %swap3A_36 = arith.constant 16 : index
      %swap3A_37 = tpu.vector_load %arg10[%swap3A_35, %swap3A_36] {strides = array<i32>} : memref<128x128xf32, #tpu.memory_space<vmem>>, vector<1x16xf32>,
      %swap3A_38 = vector.shape_cast %swap3A_37 : vector<1x16xf32> to vector<16xf32>
      %swap3A_39 = vector.shape_cast %broadcast_in_dim3A_34 : vector<16xf32> to vector<1x16xf32>
      tpu.vector_store %arg10[%swap3A_35, %swap3A_36], %swap3A_39 {strides = array<i32>} : memref<128x128xf32, #tpu.memory_space<vmem>>, vector<1x16xf32>,
      %broadcast_in_dim3A_40 = arith.constant 0.000000e+00 : f32
      %broadcast_in_dim3A_41 = vector.broadcast %broadcast_in_dim3A_40 : f32 to vector<16xf32>
      %swap3A_42 = arith.index_cast %add3A_27 : i32 to index
      %swap3A_43 = arith.constant 32 : index
      %swap3A_44 = tpu.vector_load %arg10[%swap3A_42, %swap3A_43] {strides = array<i32>} : memref<128x128xf32, #tpu.memory_space<vmem>>, vector<1x16xf32>,
      %swap3A_45 = vector.shape_cast %swap3A_44 : vector<1x16xf32> to vector<16xf32>
      %swap3A_46 = vector.shape_cast %broadcast_in_dim3A_41 : vector<16xf32> to vector<1x16xf32>
      tpu.vector_store %arg10[%swap3A_42, %swap3A_43], %swap3A_46 {strides = array<i32>} : memref<128x128xf32, #tpu.memory_space<vmem>>, vector<1x16xf32>,
      %broadcast_in_dim3A_47 = arith.constant 0.000000e+00 : f32
      %broadcast_in_dim3A_48 = vector.broadcast %broadcast_in_dim3A_47 : f32 to vector<16xf32>
      %swap3A_49 = arith.index_cast %add3A_27 : i32 to index
      %swap3A_50 = arith.constant 48 : index
      %swap3A_51 = tpu.vector_load %arg10[%swap3A_49, %swap3A_50] {strides = array<i32>} : memref<128x128xf32, #tpu.memory_space<vmem>>, vector<1x16xf32>,
      %swap3A_52 = vector.shape_cast %swap3A_51 : vector<1x16xf32> to vector<16xf32>
      %swap3A_53 = vector.shape_cast %broadcast_in_dim3A_48 : vector<16xf32> to vector<1x16xf32>
      tpu.vector_store %arg10[%swap3A_49, %swap3A_50], %swap3A_53 {strides = array<i32>} : memref<128x128xf32, #tpu.memory_space<vmem>>, vector<1x16xf32>,
      %broadcast_in_dim3A_54 = arith.constant 0.000000e+00 : f32
      %broadcast_in_dim3A_55 = vector.broadcast %broadcast_in_dim3A_54 : f32 to vector<16xf32>
      %swap3A_56 = arith.index_cast %add3A_27 : i32 to index
      %swap3A_57 = arith.constant 64 : index
      %swap3A_58 = tpu.vector_load %arg10[%swap3A_56, %swap3A_57] {strides = array<i32>} : memref<128x128xf32, #tpu.memory_space<vmem>>, vector<1x16xf32>,
      %swap3A_59 = vector.shape_cast %swap3A_58 : vector<1x16xf32> to vector<16xf32>
      %swap3A_60 = vector.shape_cast %broadcast_in_dim3A_55 : vector<16xf32> to vector<1x16xf32>
      tpu.vector_store %arg10[%swap3A_56, %swap3A_57], %swap3A_60 {strides = array<i32>} : memref<128x128xf32, #tpu.memory_space<vmem>>, vector<1x16xf32>,
      %broadcast_in_dim3A_61 = arith.constant 0.000000e+00 : f32
      %broadcast_in_dim3A_62 = vector.broadcast %broadcast_in_dim3A_61 : f32 to vector<16xf32>
      %swap3A_63 = arith.index_cast %add3A_27 : i32 to index
      %swap3A_64 = arith.constant 80 : index
      %swap3A_65 = tpu.vector_load %arg10[%swap3A_63, %swap3A_64] {strides = array<i32>} : memref<128x128xf32, #tpu.memory_space<vmem>>, vector<1x16xf32>,
      %swap3A_66 = vector.shape_cast %swap3A_65 : vector<1x16xf32> to vector<16xf32>
      %swap3A_67 = vector.shape_cast %broadcast_in_dim3A_62 : vector<16xf32> to vector<1x16xf32>
      tpu.vector_store %arg10[%swap3A_63, %swap3A_64], %swap3A_67 {strides = array<i32>} : memref<128x128xf32, #tpu.memory_space<vmem>>, vector<1x16xf32>,
      %broadcast_in_dim3A_68 = arith.constant 0.000000e+00 : f32
      %broadcast_in_dim3A_69 = vector.broadcast %broadcast_in_dim3A_68 : f32 to vector<16xf32>
      %swap3A_70 = arith.index_cast %add3A_27 : i32 to index
      %swap3A_71 = arith.constant 96 : index
      %swap3A_72 = tpu.vector_load %arg10[%swap3A_70, %swap3A_71] {strides = array<i32>} : memref<128x128xf32, #tpu.memory_space<vmem>>, vector<1x16xf32>,
      %swap3A_73 = vector.shape_cast %swap3A_72 : vector<1x16xf32> to vector<16xf32>
      %swap3A_74 = vector.shape_cast %broadcast_in_dim3A_69 : vector<16xf32> to vector<1x16xf32>
      tpu.vector_store %arg10[%swap3A_70, %swap3A_71], %swap3A_74 {strides = array<i32>} : memref<128x128xf32, #tpu.memory_space<vmem>>, vector<1x16xf32>,
      %broadcast_in_dim3A_75 = arith.constant 0.000000e+00 : f32
      %broadcast_in_dim3A_76 = vector.broadcast %broadcast_in_dim3A_75 : f32 to vector<16xf32>
      %swap3A_77 = arith.index_cast %add3A_27 : i32 to index
      %swap3A_78 = arith.constant 112 : index
      %swap3A_79 = tpu.vector_load %arg10[%swap3A_77, %swap3A_78] {strides = array<i32>} : memref<128x128xf32, #tpu.memory_space<vmem>>, vector<1x16xf32>,
      %swap3A_80 = vector.shape_cast %swap3A_79 : vector<1x16xf32> to vector<16xf32>
      %swap3A_81 = vector.shape_cast %broadcast_in_dim3A_76 : vector<16xf32> to vector<1x16xf32>
      tpu.vector_store %arg10[%swap3A_77, %swap3A_78], %swap3A_81 {strides = array<i32>} : memref<128x128xf32, #tpu.memory_space<vmem>>, vector<1x16xf32>,
    }
    %scan3A_4 = arith.constant 128 : i32
    %scan3A_5 = arith.constant 0 : i32
    %scan3A_6 = arith.constant 5 : i32
    %scan3A_7 = arith.addi %scan3A_5, %scan3A_6 : i32
    %scan3A_8 = arith.constant 1 : i32
    scf.for %scan3A_23 = %scan3A_5 to %scan3A_7 step %scan3A_8  : i32 {
      %mul3A_24 = arith.constant 1 : i32
      %mul3A_25 = arith.muli %scan3A_23, %mul3A_24 : i32
      %add3A_26 = arith.constant 0 : i32
      %add3A_27 = arith.addi %add3A_26, %mul3A_25 : i32
      %mul3A_28 = arith.constant 640 : i32
      %mul3A_29 = arith.muli %arg1, %mul3A_28 : i32
      %mul3A_30 = arith.constant 128 : i32
      %mul3A_31 = arith.muli %add3A_27, %mul3A_30 : i32
      %add3A_32 = arith.addi %mul3A_29, %mul3A_31 : i32
      %add3A_33 = arith.constant 0 : i32
      %add3A_34 = arith.addi %add3A_32, %add3A_33 : i32
      %add3A_35 = vector.broadcast %add3A_34 : i32 to vector<16xi32>
      %add3A_36 = arith.addi %add3A_35, %iota3A : vector<16xi32>
      %swap3A = arith.constant 0 : index
      %swap3A_37 = tpu.vector_load %arg9[%swap3A] {strides = array<i32>} : memref<128xi32, #tpu.memory_space<vmem>>, vector<16xi32>,
      %swap3A_38 = vector.shape_cast %swap3A_37 : vector<16xi32> to vector<16xi32>
      %swap3A_39 = vector.shape_cast %add3A_36 : vector<16xi32> to vector<16xi32>
      tpu.vector_store %arg9[%swap3A], %swap3A_39 {strides = array<i32>} : memref<128xi32, #tpu.memory_space<vmem>>, vector<16xi32>,
      %add3A_40 = arith.constant 16 : i32
      %add3A_41 = arith.addi %add3A_32, %add3A_40 : i32
      %add3A_42 = vector.broadcast %add3A_41 : i32 to vector<16xi32>
      %add3A_43 = arith.addi %add3A_42, %iota3A : vector<16xi32>
      %swap3A_44 = arith.constant 16 : index
      %swap3A_45 = tpu.vector_load %arg9[%swap3A_44] {strides = array<i32>} : memref<128xi32, #tpu.memory_space<vmem>>, vector<16xi32>,
      %swap3A_46 = vector.shape_cast %swap3A_45 : vector<16xi32> to vector<16xi32>
      %swap3A_47 = vector.shape_cast %add3A_43 : vector<16xi32> to vector<16xi32>
      tpu.vector_store %arg9[%swap3A_44], %swap3A_47 {strides = array<i32>} : memref<128xi32, #tpu.memory_space<vmem>>, vector<16xi32>,
      %add3A_48 = arith.constant 32 : i32
      %add3A_49 = arith.addi %add3A_32, %add3A_48 : i32
      %add3A_50 = vector.broadcast %add3A_49 : i32 to vector<16xi32>
      %add3A_51 = arith.addi %add3A_50, %iota3A : vector<16xi32>
      %swap3A_52 = arith.constant 32 : index
      %swap3A_53 = tpu.vector_load %arg9[%swap3A_52] {strides = array<i32>} : memref<128xi32, #tpu.memory_space<vmem>>, vector<16xi32>,
      %swap3A_54 = vector.shape_cast %swap3A_53 : vector<16xi32> to vector<16xi32>
      %swap3A_55 = vector.shape_cast %add3A_51 : vector<16xi32> to vector<16xi32>
      tpu.vector_store %arg9[%swap3A_52], %swap3A_55 {strides = array<i32>} : memref<128xi32, #tpu.memory_space<vmem>>, vector<16xi32>,
      %add3A_56 = arith.constant 48 : i32
      %add3A_57 = arith.addi %add3A_32, %add3A_56 : i32
      %add3A_58 = vector.broadcast %add3A_57 : i32 to vector<16xi32>
      %add3A_59 = arith.addi %add3A_58, %iota3A : vector<16xi32>
      %swap3A_60 = arith.constant 48 : index
      %swap3A_61 = tpu.vector_load %arg9[%swap3A_60] {strides = array<i32>} : memref<128xi32, #tpu.memory_space<vmem>>, vector<16xi32>,
      %swap3A_62 = vector.shape_cast %swap3A_61 : vector<16xi32> to vector<16xi32>
      %swap3A_63 = vector.shape_cast %add3A_59 : vector<16xi32> to vector<16xi32>
      tpu.vector_store %arg9[%swap3A_60], %swap3A_63 {strides = array<i32>} : memref<128xi32, #tpu.memory_space<vmem>>, vector<16xi32>,
      %add3A_64 = arith.constant 64 : i32
      %add3A_65 = arith.addi %add3A_32, %add3A_64 : i32
      %add3A_66 = vector.broadcast %add3A_65 : i32 to vector<16xi32>
      %add3A_67 = arith.addi %add3A_66, %iota3A : vector<16xi32>
      %swap3A_68 = arith.constant 64 : index
      %swap3A_69 = tpu.vector_load %arg9[%swap3A_68] {strides = array<i32>} : memref<128xi32, #tpu.memory_space<vmem>>, vector<16xi32>,
      %swap3A_70 = vector.shape_cast %swap3A_69 : vector<16xi32> to vector<16xi32>
      %swap3A_71 = vector.shape_cast %add3A_67 : vector<16xi32> to vector<16xi32>
      tpu.vector_store %arg9[%swap3A_68], %swap3A_71 {strides = array<i32>} : memref<128xi32, #tpu.memory_space<vmem>>, vector<16xi32>,
      %add3A_72 = arith.constant 80 : i32
      %add3A_73 = arith.addi %add3A_32, %add3A_72 : i32
      %add3A_74 = vector.broadcast %add3A_73 : i32 to vector<16xi32>
      %add3A_75 = arith.addi %add3A_74, %iota3A : vector<16xi32>
      %swap3A_76 = arith.constant 80 : index
      %swap3A_77 = tpu.vector_load %arg9[%swap3A_76] {strides = array<i32>} : memref<128xi32, #tpu.memory_space<vmem>>, vector<16xi32>,
      %swap3A_78 = vector.shape_cast %swap3A_77 : vector<16xi32> to vector<16xi32>
      %swap3A_79 = vector.shape_cast %add3A_75 : vector<16xi32> to vector<16xi32>
      tpu.vector_store %arg9[%swap3A_76], %swap3A_79 {strides = array<i32>} : memref<128xi32, #tpu.memory_space<vmem>>, vector<16xi32>,
      %add3A_80 = arith.constant 96 : i32
      %add3A_81 = arith.addi %add3A_32, %add3A_80 : i32
      %add3A_82 = vector.broadcast %add3A_81 : i32 to vector<16xi32>
      %add3A_83 = arith.addi %add3A_82, %iota3A : vector<16xi32>
      %swap3A_84 = arith.constant 96 : index
      %swap3A_85 = tpu.vector_load %arg9[%swap3A_84] {strides = array<i32>} : memref<128xi32, #tpu.memory_space<vmem>>, vector<16xi32>,
      %swap3A_86 = vector.shape_cast %swap3A_85 : vector<16xi32> to vector<16xi32>
      %swap3A_87 = vector.shape_cast %add3A_83 : vector<16xi32> to vector<16xi32>
      tpu.vector_store %arg9[%swap3A_84], %swap3A_87 {strides = array<i32>} : memref<128xi32, #tpu.memory_space<vmem>>, vector<16xi32>,
      %add3A_88 = arith.constant 112 : i32
      %add3A_89 = arith.addi %add3A_32, %add3A_88 : i32
      %add3A_90 = vector.broadcast %add3A_89 : i32 to vector<16xi32>
      %add3A_91 = arith.addi %add3A_90, %iota3A : vector<16xi32>
      %swap3A_92 = arith.constant 112 : index
      %swap3A_93 = tpu.vector_load %arg9[%swap3A_92] {strides = array<i32>} : memref<128xi32, #tpu.memory_space<vmem>>, vector<16xi32>,
      %swap3A_94 = vector.shape_cast %swap3A_93 : vector<16xi32> to vector<16xi32>
      %swap3A_95 = vector.shape_cast %add3A_91 : vector<16xi32> to vector<16xi32>
      tpu.vector_store %arg9[%swap3A_92], %swap3A_95 {strides = array<i32>} : memref<128xi32, #tpu.memory_space<vmem>>, vector<16xi32>,
      "tpu.region"() ({
        %run_scoped3A = tpu.sem_alloc : memref<!tpu.dma_semaphore, #tpu.memory_space<semaphore_mem>>
        %dma_start3A = arith.constant 0 : i32
        %dma_start3A_96 = arith.constant 0 : i32
        %dma_start3A_97 = tpu.memref_slice %arg11[%dma_start3A, %dma_start3A_96] : memref<10240x128xf32, #tpu.memory_space<vmem_shared>> -> memref<10240x128xf32, #tpu.memory_space<vmem_shared>>
        tpu.enqueue_indirect_dma source(%arg10 : memref<128x128xf32, #tpu.memory_space<vmem>>) target(%dma_start3A_97 : memref<10240x128xf32, #tpu.memory_space<vmem_shared>>) offsets(%arg9 : memref<128xi32, #tpu.memory_space<vmem>>) semaphore(%run_scoped3A : memref<!tpu.dma_semaphore, #tpu.memory_space<semaphore_mem>>)
        %dma_wait3A = arith.constant 0 : i32
        %dma_wait3A_98 = arith.constant 0 : i32
        %dma_wait3A_99 = tpu.memref_slice %arg11[%dma_wait3A, %dma_wait3A_98] : memref<10240x128xf32, #tpu.memory_space<vmem_shared>> -> memref<10240x128xf32, #tpu.memory_space<vmem_shared>>
        tpu.wait_indirect_dma semaphore(%run_scoped3A : memref<!tpu.dma_semaphore, #tpu.memory_space<semaphore_mem>>) src(%arg10 : memref<128x128xf32, #tpu.memory_space<vmem>>) dst(%dma_wait3A_99 : memref<10240x128xf32, #tpu.memory_space<vmem_shared>>)
        tpu.yield
      }) : () -> ()
    }
    %scan3A_9 = arith.constant 5 : i32
    %barrier3A = arith.constant 0 : index
    tpu.barrier barrier_id(%barrier3A)
    %mul3A_10 = arith.constant 10000 : i32
    %mul3A_11 = arith.muli %add3A, %mul3A_10 : i32
    %scan3A_12 = arith.constant 0 : i32
    %scan3A_13 = arith.constant 125 : i32
    %scan3A_14 = arith.addi %scan3A_12, %scan3A_13 : i32
    %scan3A_15 = arith.constant 1 : i32
    scf.for %scan3A_23 = %scan3A_12 to %scan3A_14 step %scan3A_15  : i32 {
      %mul3A_24 = arith.constant 1 : i32
      %mul3A_25 = arith.muli %scan3A_23, %mul3A_24 : i32
      %add3A_26 = arith.constant 0 : i32
      %add3A_27 = arith.addi %add3A_26, %mul3A_25 : i32
      %mul3A_28 = arith.constant 80 : i32
      %mul3A_29 = arith.muli %add3A_27, %mul3A_28 : i32
      %add3A_30 = arith.addi %mul3A_11, %mul3A_29 : i32
      "tpu.region"() ({
        %run_scoped3A = tpu.sem_alloc : memref<!tpu.dma_semaphore, #tpu.memory_space<semaphore_mem>>
        %dma_start3A_38 = tpu.memref_slice %arg3[%add3A_30] : memref<320000xi32, #tpu.memory_space<hbm>> -> memref<80xi32, #tpu.memory_space<hbm>>
        %dma_start3A_39 = tpu.memref_slice %arg3[%add3A_30] : memref<320000xi32, #tpu.memory_space<hbm>> -> memref<80xi32, #tpu.memory_space<hbm>>
        tpu.enqueue_dma source(%dma_start3A_39 : memref<80xi32, #tpu.memory_space<hbm>>) target(%arg6 : memref<80xi32, #tpu.memory_space<vmem>>) target_semaphore(%run_scoped3A : memref<!tpu.dma_semaphore, #tpu.memory_space<semaphore_mem>>)
        %dma_wait3A_40 = tpu.memref_slice %arg3[%add3A_30] : memref<320000xi32, #tpu.memory_space<hbm>> -> memref<80xi32, #tpu.memory_space<hbm>>
        %dma_wait3A_41 = tpu.memref_slice %arg3[%add3A_30] : memref<320000xi32, #tpu.memory_space<hbm>> -> memref<80xi32, #tpu.memory_space<hbm>>
        tpu.wait_dma2 semaphore(%run_scoped3A : memref<!tpu.dma_semaphore, #tpu.memory_space<semaphore_mem>>) src(%dma_wait3A_41 : memref<80xi32, #tpu.memory_space<hbm>>) dst(%arg6 : memref<80xi32, #tpu.memory_space<vmem>>)
        tpu.yield
      }) : () -> ()
      %mul3A_31 = arith.constant 80 : i32
      %mul3A_32 = arith.muli %add3A_27, %mul3A_31 : i32
      %add3A_33 = arith.addi %mul3A_11, %mul3A_32 : i32
      "tpu.region"() ({
        %run_scoped3A = tpu.sem_alloc : memref<!tpu.dma_semaphore, #tpu.memory_space<semaphore_mem>>
        %dma_start3A_38 = tpu.memref_slice %arg4[%add3A_33] : memref<320000xi32, #tpu.memory_space<hbm>> -> memref<80xi32, #tpu.memory_space<hbm>>
        %dma_start3A_39 = tpu.memref_slice %arg4[%add3A_33] : memref<320000xi32, #tpu.memory_space<hbm>> -> memref<80xi32, #tpu.memory_space<hbm>>
        tpu.enqueue_dma source(%dma_start3A_39 : memref<80xi32, #tpu.memory_space<hbm>>) target(%arg7 : memref<80xi32, #tpu.memory_space<vmem>>) target_semaphore(%run_scoped3A : memref<!tpu.dma_semaphore, #tpu.memory_space<semaphore_mem>>)
        %dma_wait3A_40 = tpu.memref_slice %arg4[%add3A_33] : memref<320000xi32, #tpu.memory_space<hbm>> -> memref<80xi32, #tpu.memory_space<hbm>>
        %dma_wait3A_41 = tpu.memref_slice %arg4[%add3A_33] : memref<320000xi32, #tpu.memory_space<hbm>> -> memref<80xi32, #tpu.memory_space<hbm>>
        tpu.wait_dma2 semaphore(%run_scoped3A : memref<!tpu.dma_semaphore, #tpu.memory_space<semaphore_mem>>) src(%dma_wait3A_41 : memref<80xi32, #tpu.memory_space<hbm>>) dst(%arg7 : memref<80xi32, #tpu.memory_space<vmem>>)
        tpu.yield
      }) : () -> ()
      %dma_start3A = arith.constant 0 : i32
      %dma_start3A_34 = arith.constant 0 : i32
      %dma_start3A_35 = tpu.memref_slice %arg2[%dma_start3A, %dma_start3A_34] : memref<10000x128xf32, #tpu.memory_space<hbm>> -> memref<10000x128xf32, #tpu.memory_space<hbm>>
      tpu.enqueue_indirect_dma source(%dma_start3A_35 : memref<10000x128xf32, #tpu.memory_space<hbm>>) target(%arg8 : memref<80x128xf32, #tpu.memory_space<vmem>>) offsets(%arg6 : memref<80xi32, #tpu.memory_space<vmem>>) semaphore(%arg12 : memref<!tpu.dma_semaphore, #tpu.memory_space<semaphore_mem>>)
      %dma_wait3A = arith.constant 0 : i32
      %dma_wait3A_36 = arith.constant 0 : i32
      %dma_wait3A_37 = tpu.memref_slice %arg2[%dma_wait3A, %dma_wait3A_36] : memref<10000x128xf32, #tpu.memory_space<hbm>> -> memref<10000x128xf32, #tpu.memory_space<hbm>>
      tpu.wait_indirect_dma semaphore(%arg12 : memref<!tpu.dma_semaphore, #tpu.memory_space<semaphore_mem>>) src(%dma_wait3A_37 : memref<10000x128xf32, #tpu.memory_space<hbm>>) dst(%arg8 : memref<80x128xf32, #tpu.memory_space<vmem>>)
      "tpu.region"() ({
        %run_scoped3A = tpu.sem_alloc : memref<!tpu.dma_semaphore, #tpu.memory_space<semaphore_mem>>
        %dma_start3A_38 = arith.constant 0 : i32
        %dma_start3A_39 = arith.constant 0 : i32
        %dma_start3A_40 = tpu.memref_slice %arg11[%dma_start3A_38, %dma_start3A_39] : memref<10240x128xf32, #tpu.memory_space<vmem_shared>> -> memref<10240x128xf32, #tpu.memory_space<vmem_shared>>
        tpu.enqueue_indirect_dma source(%arg8 : memref<80x128xf32, #tpu.memory_space<vmem>>) target(%dma_start3A_40 : memref<10240x128xf32, #tpu.memory_space<vmem_shared>>) offsets(%arg7 : memref<80xi32, #tpu.memory_space<vmem>>) semaphore(%run_scoped3A : memref<!tpu.dma_semaphore, #tpu.memory_space<semaphore_mem>>) {add = true}
        %dma_wait3A_41 = arith.constant 0 : i32
        %dma_wait3A_42 = arith.constant 0 : i32
        %dma_wait3A_43 = tpu.memref_slice %arg11[%dma_wait3A_41, %dma_wait3A_42] : memref<10240x128xf32, #tpu.memory_space<vmem_shared>> -> memref<10240x128xf32, #tpu.memory_space<vmem_shared>>
        tpu.wait_indirect_dma semaphore(%run_scoped3A : memref<!tpu.dma_semaphore, #tpu.memory_space<semaphore_mem>>) src(%arg8 : memref<80x128xf32, #tpu.memory_space<vmem>>) dst(%dma_wait3A_43 : memref<10240x128xf32, #tpu.memory_space<vmem_shared>>)
        tpu.yield
      }) : () -> ()
    }
    %scan3A_16 = arith.constant 125 : i32
    %barrier3A_17 = arith.constant 0 : index
    tpu.barrier barrier_id(%barrier3A_17)
    %scan3A_18 = arith.constant 0 : i32
    %scan3A_19 = arith.constant 5 : i32
    %scan3A_20 = arith.addi %scan3A_18, %scan3A_19 : i32
    %scan3A_21 = arith.constant 1 : i32
    scf.for %scan3A_23 = %scan3A_18 to %scan3A_20 step %scan3A_21  : i32 {
      %mul3A_24 = arith.constant 1 : i32
      %mul3A_25 = arith.muli %scan3A_23, %mul3A_24 : i32
      %add3A_26 = arith.constant 0 : i32
      %add3A_27 = arith.addi %add3A_26, %mul3A_25 : i32
      %mul3A_28 = arith.constant 640 : i32
      %mul3A_29 = arith.muli %arg1, %mul3A_28 : i32
      %mul3A_30 = arith.constant 128 : i32
      %mul3A_31 = arith.muli %add3A_27, %mul3A_30 : i32
      %add3A_32 = arith.addi %mul3A_29, %mul3A_31 : i32
      %add3A_33 = arith.constant 0 : i32
      %add3A_34 = arith.addi %add3A_32, %add3A_33 : i32
      %add3A_35 = vector.broadcast %add3A_34 : i32 to vector<16xi32>
      %add3A_36 = arith.addi %add3A_35, %iota3A : vector<16xi32>
      %swap3A = arith.constant 0 : index
      %swap3A_37 = tpu.vector_load %arg9[%swap3A] {strides = array<i32>} : memref<128xi32, #tpu.memory_space<vmem>>, vector<16xi32>,
      %swap3A_38 = vector.shape_cast %swap3A_37 : vector<16xi32> to vector<16xi32>
      %swap3A_39 = vector.shape_cast %add3A_36 : vector<16xi32> to vector<16xi32>
      tpu.vector_store %arg9[%swap3A], %swap3A_39 {strides = array<i32>} : memref<128xi32, #tpu.memory_space<vmem>>, vector<16xi32>,
      %add3A_40 = arith.constant 16 : i32
      %add3A_41 = arith.addi %add3A_32, %add3A_40 : i32
      %add3A_42 = vector.broadcast %add3A_41 : i32 to vector<16xi32>
      %add3A_43 = arith.addi %add3A_42, %iota3A : vector<16xi32>
      %swap3A_44 = arith.constant 16 : index
      %swap3A_45 = tpu.vector_load %arg9[%swap3A_44] {strides = array<i32>} : memref<128xi32, #tpu.memory_space<vmem>>, vector<16xi32>,
      %swap3A_46 = vector.shape_cast %swap3A_45 : vector<16xi32> to vector<16xi32>
      %swap3A_47 = vector.shape_cast %add3A_43 : vector<16xi32> to vector<16xi32>
      tpu.vector_store %arg9[%swap3A_44], %swap3A_47 {strides = array<i32>} : memref<128xi32, #tpu.memory_space<vmem>>, vector<16xi32>,
      %add3A_48 = arith.constant 32 : i32
      %add3A_49 = arith.addi %add3A_32, %add3A_48 : i32
      %add3A_50 = vector.broadcast %add3A_49 : i32 to vector<16xi32>
      %add3A_51 = arith.addi %add3A_50, %iota3A : vector<16xi32>
      %swap3A_52 = arith.constant 32 : index
      %swap3A_53 = tpu.vector_load %arg9[%swap3A_52] {strides = array<i32>} : memref<128xi32, #tpu.memory_space<vmem>>, vector<16xi32>,
      %swap3A_54 = vector.shape_cast %swap3A_53 : vector<16xi32> to vector<16xi32>
      %swap3A_55 = vector.shape_cast %add3A_51 : vector<16xi32> to vector<16xi32>
      tpu.vector_store %arg9[%swap3A_52], %swap3A_55 {strides = array<i32>} : memref<128xi32, #tpu.memory_space<vmem>>, vector<16xi32>,
      %add3A_56 = arith.constant 48 : i32
      %add3A_57 = arith.addi %add3A_32, %add3A_56 : i32
      %add3A_58 = vector.broadcast %add3A_57 : i32 to vector<16xi32>
      %add3A_59 = arith.addi %add3A_58, %iota3A : vector<16xi32>
      %swap3A_60 = arith.constant 48 : index
      %swap3A_61 = tpu.vector_load %arg9[%swap3A_60] {strides = array<i32>} : memref<128xi32, #tpu.memory_space<vmem>>, vector<16xi32>,
      %swap3A_62 = vector.shape_cast %swap3A_61 : vector<16xi32> to vector<16xi32>
      %swap3A_63 = vector.shape_cast %add3A_59 : vector<16xi32> to vector<16xi32>
      tpu.vector_store %arg9[%swap3A_60], %swap3A_63 {strides = array<i32>} : memref<128xi32, #tpu.memory_space<vmem>>, vector<16xi32>,
      %add3A_64 = arith.constant 64 : i32
      %add3A_65 = arith.addi %add3A_32, %add3A_64 : i32
      %add3A_66 = vector.broadcast %add3A_65 : i32 to vector<16xi32>
      %add3A_67 = arith.addi %add3A_66, %iota3A : vector<16xi32>
      %swap3A_68 = arith.constant 64 : index
      %swap3A_69 = tpu.vector_load %arg9[%swap3A_68] {strides = array<i32>} : memref<128xi32, #tpu.memory_space<vmem>>, vector<16xi32>,
      %swap3A_70 = vector.shape_cast %swap3A_69 : vector<16xi32> to vector<16xi32>
      %swap3A_71 = vector.shape_cast %add3A_67 : vector<16xi32> to vector<16xi32>
      tpu.vector_store %arg9[%swap3A_68], %swap3A_71 {strides = array<i32>} : memref<128xi32, #tpu.memory_space<vmem>>, vector<16xi32>,
      %add3A_72 = arith.constant 80 : i32
      %add3A_73 = arith.addi %add3A_32, %add3A_72 : i32
      %add3A_74 = vector.broadcast %add3A_73 : i32 to vector<16xi32>
      %add3A_75 = arith.addi %add3A_74, %iota3A : vector<16xi32>
      %swap3A_76 = arith.constant 80 : index
      %swap3A_77 = tpu.vector_load %arg9[%swap3A_76] {strides = array<i32>} : memref<128xi32, #tpu.memory_space<vmem>>, vector<16xi32>,
      %swap3A_78 = vector.shape_cast %swap3A_77 : vector<16xi32> to vector<16xi32>
      %swap3A_79 = vector.shape_cast %add3A_75 : vector<16xi32> to vector<16xi32>
      tpu.vector_store %arg9[%swap3A_76], %swap3A_79 {strides = array<i32>} : memref<128xi32, #tpu.memory_space<vmem>>, vector<16xi32>,
      %add3A_80 = arith.constant 96 : i32
      %add3A_81 = arith.addi %add3A_32, %add3A_80 : i32
      %add3A_82 = vector.broadcast %add3A_81 : i32 to vector<16xi32>
      %add3A_83 = arith.addi %add3A_82, %iota3A : vector<16xi32>
      %swap3A_84 = arith.constant 96 : index
      %swap3A_85 = tpu.vector_load %arg9[%swap3A_84] {strides = array<i32>} : memref<128xi32, #tpu.memory_space<vmem>>, vector<16xi32>,
      %swap3A_86 = vector.shape_cast %swap3A_85 : vector<16xi32> to vector<16xi32>
      %swap3A_87 = vector.shape_cast %add3A_83 : vector<16xi32> to vector<16xi32>
      tpu.vector_store %arg9[%swap3A_84], %swap3A_87 {strides = array<i32>} : memref<128xi32, #tpu.memory_space<vmem>>, vector<16xi32>,
      %add3A_88 = arith.constant 112 : i32
      %add3A_89 = arith.addi %add3A_32, %add3A_88 : i32
      %add3A_90 = vector.broadcast %add3A_89 : i32 to vector<16xi32>
      %add3A_91 = arith.addi %add3A_90, %iota3A : vector<16xi32>
      %swap3A_92 = arith.constant 112 : index
      %swap3A_93 = tpu.vector_load %arg9[%swap3A_92] {strides = array<i32>} : memref<128xi32, #tpu.memory_space<vmem>>, vector<16xi32>,
      %swap3A_94 = vector.shape_cast %swap3A_93 : vector<16xi32> to vector<16xi32>
      %swap3A_95 = vector.shape_cast %add3A_91 : vector<16xi32> to vector<16xi32>
      tpu.vector_store %arg9[%swap3A_92], %swap3A_95 {strides = array<i32>} : memref<128xi32, #tpu.memory_space<vmem>>, vector<16xi32>,
      "tpu.region"() ({
        %run_scoped3A = tpu.sem_alloc : memref<!tpu.dma_semaphore, #tpu.memory_space<semaphore_mem>>
        %dma_start3A = arith.constant 0 : i32
        %dma_start3A_96 = arith.constant 0 : i32
        %dma_start3A_97 = tpu.memref_slice %arg11[%dma_start3A, %dma_start3A_96] : memref<10240x128xf32, #tpu.memory_space<vmem_shared>> -> memref<10240x128xf32, #tpu.memory_space<vmem_shared>>
        tpu.enqueue_indirect_dma source(%dma_start3A_97 : memref<10240x128xf32, #tpu.memory_space<vmem_shared>>) target(%arg10 : memref<128x128xf32, #tpu.memory_space<vmem>>) offsets(%arg9 : memref<128xi32, #tpu.memory_space<vmem>>) semaphore(%run_scoped3A : memref<!tpu.dma_semaphore, #tpu.memory_space<semaphore_mem>>)
        %dma_wait3A = arith.constant 0 : i32
        %dma_wait3A_98 = arith.constant 0 : i32
        %dma_wait3A_99 = tpu.memref_slice %arg11[%dma_wait3A, %dma_wait3A_98] : memref<10240x128xf32, #tpu.memory_space<vmem_shared>> -> memref<10240x128xf32, #tpu.memory_space<vmem_shared>>
        tpu.wait_indirect_dma semaphore(%run_scoped3A : memref<!tpu.dma_semaphore, #tpu.memory_space<semaphore_mem>>) src(%dma_wait3A_99 : memref<10240x128xf32, #tpu.memory_space<vmem_shared>>) dst(%arg10 : memref<128x128xf32, #tpu.memory_space<vmem>>)
        tpu.yield
      }) : () -> ()
      "tpu.region"() ({
        %run_scoped3A = tpu.sem_alloc : memref<!tpu.dma_semaphore, #tpu.memory_space<semaphore_mem>>
        %dma_start3A = arith.constant 0 : i32
        %dma_start3A_96 = tpu.memref_slice %arg5[%arg0, %add3A_32, %dma_start3A] : memref<2x10240x128xf32, #tpu.memory_space<hbm>> -> memref<1x128x128xf32, #tpu.memory_space<hbm>>
        %dma_start3A_97 = tpu.memref_squeeze %dma_start3A_96 : memref<1x128x128xf32, #tpu.memory_space<hbm>> -> memref<128x128xf32, #tpu.memory_space<hbm>>
        %dma_start3A_98 = arith.constant 0 : i32
        %dma_start3A_99 = tpu.memref_slice %arg5[%arg0, %add3A_32, %dma_start3A_98] : memref<2x10240x128xf32, #tpu.memory_space<hbm>> -> memref<1x128x128xf32, #tpu.memory_space<hbm>>
        %dma_start3A_100 = tpu.memref_squeeze %dma_start3A_99 : memref<1x128x128xf32, #tpu.memory_space<hbm>> -> memref<128x128xf32, #tpu.memory_space<hbm>>
        tpu.enqueue_dma source(%arg10 : memref<128x128xf32, #tpu.memory_space<vmem>>) target(%dma_start3A_100 : memref<128x128xf32, #tpu.memory_space<hbm>>) target_semaphore(%run_scoped3A : memref<!tpu.dma_semaphore, #tpu.memory_space<semaphore_mem>>)
        %dma_wait3A = arith.constant 0 : i32
        %dma_wait3A_101 = tpu.memref_slice %arg5[%arg0, %add3A_32, %dma_wait3A] : memref<2x10240x128xf32, #tpu.memory_space<hbm>> -> memref<1x128x128xf32, #tpu.memory_space<hbm>>
        %dma_wait3A_102 = tpu.memref_squeeze %dma_wait3A_101 : memref<1x128x128xf32, #tpu.memory_space<hbm>> -> memref<128x128xf32, #tpu.memory_space<hbm>>
        %dma_wait3A_103 = arith.constant 0 : i32
        %dma_wait3A_104 = tpu.memref_slice %arg5[%arg0, %add3A_32, %dma_wait3A_103] : memref<2x10240x128xf32, #tpu.memory_space<hbm>> -> memref<1x128x128xf32, #tpu.memory_space<hbm>>
        %dma_wait3A_105 = tpu.memref_squeeze %dma_wait3A_104 : memref<1x128x128xf32, #tpu.memory_space<hbm>> -> memref<128x128xf32, #tpu.memory_space<hbm>>
        tpu.wait_dma2 semaphore(%run_scoped3A : memref<!tpu.dma_semaphore, #tpu.memory_space<semaphore_mem>>) src(%arg10 : memref<128x128xf32, #tpu.memory_space<vmem>>) dst(%dma_wait3A_105 : memref<128x128xf32, #tpu.memory_space<hbm>>)
        tpu.yield
      }) : () -> ()
    }
    %scan3A_22 = arith.constant 5 : i32
    return
  }
}

#map = affine_map<(d0, d1) -> (0, 0)>
#map1 = affine_map<(d0, d1) -> (0)>
#map2 = affine_map<(d0, d1) -> (0, 0, 0)>
module attributes {stable_mosaic.version = 14 : i64} {
  func.func @agg(%arg0: i32, %arg1: i32, %arg2: memref<10000x128xf32, #tpu.memory_space<hbm>>, %arg3: memref<320000xi32, #tpu.memory_space<hbm>>, %arg4: memref<320000xi32, #tpu.memory_space<hbm>>, %arg5: memref<2x10240x128xf32, #tpu.memory_space<hbm>>, %arg6: memref<80xi32, #tpu.memory_space<vmem>>, %arg7: memref<80xi32, #tpu.memory_space<vmem>>, %arg8: memref<80x128xf32, #tpu.memory_space<vmem>>, %arg9: memref<128xi32, #tpu.memory_space<vmem>>, %arg10: memref<128x128xf32, #tpu.memory_space<vmem>>, %arg11: memref<10240x128xf32, #tpu.memory_space<vmem_shared>>, %arg12: memref<!tpu.dma_semaphore, #tpu.memory_space<semaphore_mem>>) attributes {dimension_semantics = [#tpu.dimension_semantics<core_parallel>, #tpu.dimension_semantics<subcore_parallel>], iteration_bounds = array<i64: 2, 16>, scalar_prefetch = 0 : i64, scratch_operands = 7 : i64, tpu.core_type = #tpu.core_type<sc_vector_subcore>, window_params = [{transform_indices = #map}, {transform_indices = #map1}, {transform_indices = #map1}, {transform_indices = #map2}]} {
    %mul3A = arith.constant 2 : i32
    %mul3A_0 = arith.muli %arg1, %mul3A : i32
    %add3A = arith.addi %mul3A_0, %arg0 : i32
    %iota3A = tpu.iota {dimensions = array<i32: 0>} : vector<16xi32>
    %scan3A = arith.constant 0 : i32
    %scan3A_1 = arith.constant 128 : i32
    %scan3A_2 = arith.addi %scan3A, %scan3A_1 : i32
    %scan3A_3 = arith.constant 1 : i32
    scf.for %scan3A_23 = %scan3A to %scan3A_2 step %scan3A_3  : i32 {
      %mul3A_24 = arith.constant 1 : i32
      %mul3A_25 = arith.muli %scan3A_23, %mul3A_24 : i32
      %add3A_26 = arith.constant 0 : i32
      %add3A_27 = arith.addi %add3A_26, %mul3A_25 : i32
      %broadcast_in_dim3A = arith.constant 0.000000e+00 : f32
      %broadcast_in_dim3A_28 = vector.broadcast %broadcast_in_dim3A : f32 to vector<16xf32>
      %swap3A = arith.index_cast %add3A_27 : i32 to index
      %swap3A_29 = arith.constant 0 : index
      %swap3A_30 = tpu.vector_load %arg10[%swap3A, %swap3A_29] {strides = array<i32>} : memref<128x128xf32, #tpu.memory_space<vmem>>, vector<1x16xf32>,
      %swap3A_31 = vector.shape_cast %swap3A_30 : vector<1x16xf32> to vector<16xf32>
      %swap3A_32 = vector.shape_cast %broadcast_in_dim3A_28 : vector<16xf32> to vector<1x16xf32>
      tpu.vector_store %arg10[%swap3A, %swap3A_29], %swap3A_32 {strides = array<i32>} : memref<128x128xf32, #tpu.memory_space<vmem>>, vector<1x16xf32>,
      %broadcast_in_dim3A_33 = arith.constant 0.000000e+00 : f32
      %broadcast_in_dim3A_34 = vector.broadcast %broadcast_in_dim3A_33 : f32 to vector<16xf32>
      %swap3A_35 = arith.index_cast %add3A_27 : i32 to index
      %swap3A_36 = arith.constant 16 : index
      %swap3A_37 = tpu.vector_load %arg10[%swap3A_35, %swap3A_36] {strides = array<i32>} : memref<128x128xf32, #tpu.memory_space<vmem>>, vector<1x16xf32>,
      %swap3A_38 = vector.shape_cast %swap3A_37 : vector<1x16xf32> to vector<16xf32>
      %swap3A_39 = vector.shape_cast %broadcast_in_dim3A_34 : vector<16xf32> to vector<1x16xf32>
      tpu.vector_store %arg10[%swap3A_35, %swap3A_36], %swap3A_39 {strides = array<i32>} : memref<128x128xf32, #tpu.memory_space<vmem>>, vector<1x16xf32>,
      %broadcast_in_dim3A_40 = arith.constant 0.000000e+00 : f32
      %broadcast_in_dim3A_41 = vector.broadcast %broadcast_in_dim3A_40 : f32 to vector<16xf32>
      %swap3A_42 = arith.index_cast %add3A_27 : i32 to index
      %swap3A_43 = arith.constant 32 : index
      %swap3A_44 = tpu.vector_load %arg10[%swap3A_42, %swap3A_43] {strides = array<i32>} : memref<128x128xf32, #tpu.memory_space<vmem>>, vector<1x16xf32>,
      %swap3A_45 = vector.shape_cast %swap3A_44 : vector<1x16xf32> to vector<16xf32>
      %swap3A_46 = vector.shape_cast %broadcast_in_dim3A_41 : vector<16xf32> to vector<1x16xf32>
      tpu.vector_store %arg10[%swap3A_42, %swap3A_43], %swap3A_46 {strides = array<i32>} : memref<128x128xf32, #tpu.memory_space<vmem>>, vector<1x16xf32>,
      %broadcast_in_dim3A_47 = arith.constant 0.000000e+00 : f32
      %broadcast_in_dim3A_48 = vector.broadcast %broadcast_in_dim3A_47 : f32 to vector<16xf32>
      %swap3A_49 = arith.index_cast %add3A_27 : i32 to index
      %swap3A_50 = arith.constant 48 : index
      %swap3A_51 = tpu.vector_load %arg10[%swap3A_49, %swap3A_50] {strides = array<i32>} : memref<128x128xf32, #tpu.memory_space<vmem>>, vector<1x16xf32>,
      %swap3A_52 = vector.shape_cast %swap3A_51 : vector<1x16xf32> to vector<16xf32>
      %swap3A_53 = vector.shape_cast %broadcast_in_dim3A_48 : vector<16xf32> to vector<1x16xf32>
      tpu.vector_store %arg10[%swap3A_49, %swap3A_50], %swap3A_53 {strides = array<i32>} : memref<128x128xf32, #tpu.memory_space<vmem>>, vector<1x16xf32>,
      %broadcast_in_dim3A_54 = arith.constant 0.000000e+00 : f32
      %broadcast_in_dim3A_55 = vector.broadcast %broadcast_in_dim3A_54 : f32 to vector<16xf32>
      %swap3A_56 = arith.index_cast %add3A_27 : i32 to index
      %swap3A_57 = arith.constant 64 : index
      %swap3A_58 = tpu.vector_load %arg10[%swap3A_56, %swap3A_57] {strides = array<i32>} : memref<128x128xf32, #tpu.memory_space<vmem>>, vector<1x16xf32>,
      %swap3A_59 = vector.shape_cast %swap3A_58 : vector<1x16xf32> to vector<16xf32>
      %swap3A_60 = vector.shape_cast %broadcast_in_dim3A_55 : vector<16xf32> to vector<1x16xf32>
      tpu.vector_store %arg10[%swap3A_56, %swap3A_57], %swap3A_60 {strides = array<i32>} : memref<128x128xf32, #tpu.memory_space<vmem>>, vector<1x16xf32>,
      %broadcast_in_dim3A_61 = arith.constant 0.000000e+00 : f32
      %broadcast_in_dim3A_62 = vector.broadcast %broadcast_in_dim3A_61 : f32 to vector<16xf32>
      %swap3A_63 = arith.index_cast %add3A_27 : i32 to index
      %swap3A_64 = arith.constant 80 : index
      %swap3A_65 = tpu.vector_load %arg10[%swap3A_63, %swap3A_64] {strides = array<i32>} : memref<128x128xf32, #tpu.memory_space<vmem>>, vector<1x16xf32>,
      %swap3A_66 = vector.shape_cast %swap3A_65 : vector<1x16xf32> to vector<16xf32>
      %swap3A_67 = vector.shape_cast %broadcast_in_dim3A_62 : vector<16xf32> to vector<1x16xf32>
      tpu.vector_store %arg10[%swap3A_63, %swap3A_64], %swap3A_67 {strides = array<i32>} : memref<128x128xf32, #tpu.memory_space<vmem>>, vector<1x16xf32>,
      %broadcast_in_dim3A_68 = arith.constant 0.000000e+00 : f32
      %broadcast_in_dim3A_69 = vector.broadcast %broadcast_in_dim3A_68 : f32 to vector<16xf32>
      %swap3A_70 = arith.index_cast %add3A_27 : i32 to index
      %swap3A_71 = arith.constant 96 : index
      %swap3A_72 = tpu.vector_load %arg10[%swap3A_70, %swap3A_71] {strides = array<i32>} : memref<128x128xf32, #tpu.memory_space<vmem>>, vector<1x16xf32>,
      %swap3A_73 = vector.shape_cast %swap3A_72 : vector<1x16xf32> to vector<16xf32>
      %swap3A_74 = vector.shape_cast %broadcast_in_dim3A_69 : vector<16xf32> to vector<1x16xf32>
      tpu.vector_store %arg10[%swap3A_70, %swap3A_71], %swap3A_74 {strides = array<i32>} : memref<128x128xf32, #tpu.memory_space<vmem>>, vector<1x16xf32>,
      %broadcast_in_dim3A_75 = arith.constant 0.000000e+00 : f32
      %broadcast_in_dim3A_76 = vector.broadcast %broadcast_in_dim3A_75 : f32 to vector<16xf32>
      %swap3A_77 = arith.index_cast %add3A_27 : i32 to index
      %swap3A_78 = arith.constant 112 : index
      %swap3A_79 = tpu.vector_load %arg10[%swap3A_77, %swap3A_78] {strides = array<i32>} : memref<128x128xf32, #tpu.memory_space<vmem>>, vector<1x16xf32>,
      %swap3A_80 = vector.shape_cast %swap3A_79 : vector<1x16xf32> to vector<16xf32>
      %swap3A_81 = vector.shape_cast %broadcast_in_dim3A_76 : vector<16xf32> to vector<1x16xf32>
      tpu.vector_store %arg10[%swap3A_77, %swap3A_78], %swap3A_81 {strides = array<i32>} : memref<128x128xf32, #tpu.memory_space<vmem>>, vector<1x16xf32>,
    }
    %scan3A_4 = arith.constant 128 : i32
    %scan3A_5 = arith.constant 0 : i32
    %scan3A_6 = arith.constant 5 : i32
    %scan3A_7 = arith.addi %scan3A_5, %scan3A_6 : i32
    %scan3A_8 = arith.constant 1 : i32
    scf.for %scan3A_23 = %scan3A_5 to %scan3A_7 step %scan3A_8  : i32 {
      %mul3A_24 = arith.constant 1 : i32
      %mul3A_25 = arith.muli %scan3A_23, %mul3A_24 : i32
      %add3A_26 = arith.constant 0 : i32
      %add3A_27 = arith.addi %add3A_26, %mul3A_25 : i32
      %mul3A_28 = arith.constant 640 : i32
      %mul3A_29 = arith.muli %arg1, %mul3A_28 : i32
      %mul3A_30 = arith.constant 128 : i32
      %mul3A_31 = arith.muli %add3A_27, %mul3A_30 : i32
      %add3A_32 = arith.addi %mul3A_29, %mul3A_31 : i32
      %add3A_33 = arith.constant 0 : i32
      %add3A_34 = arith.addi %add3A_32, %add3A_33 : i32
      %add3A_35 = vector.broadcast %add3A_34 : i32 to vector<16xi32>
      %add3A_36 = arith.addi %add3A_35, %iota3A : vector<16xi32>
      %swap3A = arith.constant 0 : index
      %swap3A_37 = tpu.vector_load %arg9[%swap3A] {strides = array<i32>} : memref<128xi32, #tpu.memory_space<vmem>>, vector<16xi32>,
      %swap3A_38 = vector.shape_cast %swap3A_37 : vector<16xi32> to vector<16xi32>
      %swap3A_39 = vector.shape_cast %add3A_36 : vector<16xi32> to vector<16xi32>
      tpu.vector_store %arg9[%swap3A], %swap3A_39 {strides = array<i32>} : memref<128xi32, #tpu.memory_space<vmem>>, vector<16xi32>,
      %add3A_40 = arith.constant 16 : i32
      %add3A_41 = arith.addi %add3A_32, %add3A_40 : i32
      %add3A_42 = vector.broadcast %add3A_41 : i32 to vector<16xi32>
      %add3A_43 = arith.addi %add3A_42, %iota3A : vector<16xi32>
      %swap3A_44 = arith.constant 16 : index
      %swap3A_45 = tpu.vector_load %arg9[%swap3A_44] {strides = array<i32>} : memref<128xi32, #tpu.memory_space<vmem>>, vector<16xi32>,
      %swap3A_46 = vector.shape_cast %swap3A_45 : vector<16xi32> to vector<16xi32>
      %swap3A_47 = vector.shape_cast %add3A_43 : vector<16xi32> to vector<16xi32>
      tpu.vector_store %arg9[%swap3A_44], %swap3A_47 {strides = array<i32>} : memref<128xi32, #tpu.memory_space<vmem>>, vector<16xi32>,
      %add3A_48 = arith.constant 32 : i32
      %add3A_49 = arith.addi %add3A_32, %add3A_48 : i32
      %add3A_50 = vector.broadcast %add3A_49 : i32 to vector<16xi32>
      %add3A_51 = arith.addi %add3A_50, %iota3A : vector<16xi32>
      %swap3A_52 = arith.constant 32 : index
      %swap3A_53 = tpu.vector_load %arg9[%swap3A_52] {strides = array<i32>} : memref<128xi32, #tpu.memory_space<vmem>>, vector<16xi32>,
      %swap3A_54 = vector.shape_cast %swap3A_53 : vector<16xi32> to vector<16xi32>
      %swap3A_55 = vector.shape_cast %add3A_51 : vector<16xi32> to vector<16xi32>
      tpu.vector_store %arg9[%swap3A_52], %swap3A_55 {strides = array<i32>} : memref<128xi32, #tpu.memory_space<vmem>>, vector<16xi32>,
      %add3A_56 = arith.constant 48 : i32
      %add3A_57 = arith.addi %add3A_32, %add3A_56 : i32
      %add3A_58 = vector.broadcast %add3A_57 : i32 to vector<16xi32>
      %add3A_59 = arith.addi %add3A_58, %iota3A : vector<16xi32>
      %swap3A_60 = arith.constant 48 : index
      %swap3A_61 = tpu.vector_load %arg9[%swap3A_60] {strides = array<i32>} : memref<128xi32, #tpu.memory_space<vmem>>, vector<16xi32>,
      %swap3A_62 = vector.shape_cast %swap3A_61 : vector<16xi32> to vector<16xi32>
      %swap3A_63 = vector.shape_cast %add3A_59 : vector<16xi32> to vector<16xi32>
      tpu.vector_store %arg9[%swap3A_60], %swap3A_63 {strides = array<i32>} : memref<128xi32, #tpu.memory_space<vmem>>, vector<16xi32>,
      %add3A_64 = arith.constant 64 : i32
      %add3A_65 = arith.addi %add3A_32, %add3A_64 : i32
      %add3A_66 = vector.broadcast %add3A_65 : i32 to vector<16xi32>
      %add3A_67 = arith.addi %add3A_66, %iota3A : vector<16xi32>
      %swap3A_68 = arith.constant 64 : index
      %swap3A_69 = tpu.vector_load %arg9[%swap3A_68] {strides = array<i32>} : memref<128xi32, #tpu.memory_space<vmem>>, vector<16xi32>,
      %swap3A_70 = vector.shape_cast %swap3A_69 : vector<16xi32> to vector<16xi32>
      %swap3A_71 = vector.shape_cast %add3A_67 : vector<16xi32> to vector<16xi32>
      tpu.vector_store %arg9[%swap3A_68], %swap3A_71 {strides = array<i32>} : memref<128xi32, #tpu.memory_space<vmem>>, vector<16xi32>,
      %add3A_72 = arith.constant 80 : i32
      %add3A_73 = arith.addi %add3A_32, %add3A_72 : i32
      %add3A_74 = vector.broadcast %add3A_73 : i32 to vector<16xi32>
      %add3A_75 = arith.addi %add3A_74, %iota3A : vector<16xi32>
      %swap3A_76 = arith.constant 80 : index
      %swap3A_77 = tpu.vector_load %arg9[%swap3A_76] {strides = array<i32>} : memref<128xi32, #tpu.memory_space<vmem>>, vector<16xi32>,
      %swap3A_78 = vector.shape_cast %swap3A_77 : vector<16xi32> to vector<16xi32>
      %swap3A_79 = vector.shape_cast %add3A_75 : vector<16xi32> to vector<16xi32>
      tpu.vector_store %arg9[%swap3A_76], %swap3A_79 {strides = array<i32>} : memref<128xi32, #tpu.memory_space<vmem>>, vector<16xi32>,
      %add3A_80 = arith.constant 96 : i32
      %add3A_81 = arith.addi %add3A_32, %add3A_80 : i32
      %add3A_82 = vector.broadcast %add3A_81 : i32 to vector<16xi32>
      %add3A_83 = arith.addi %add3A_82, %iota3A : vector<16xi32>
      %swap3A_84 = arith.constant 96 : index
      %swap3A_85 = tpu.vector_load %arg9[%swap3A_84] {strides = array<i32>} : memref<128xi32, #tpu.memory_space<vmem>>, vector<16xi32>,
      %swap3A_86 = vector.shape_cast %swap3A_85 : vector<16xi32> to vector<16xi32>
      %swap3A_87 = vector.shape_cast %add3A_83 : vector<16xi32> to vector<16xi32>
      tpu.vector_store %arg9[%swap3A_84], %swap3A_87 {strides = array<i32>} : memref<128xi32, #tpu.memory_space<vmem>>, vector<16xi32>,
      %add3A_88 = arith.constant 112 : i32
      %add3A_89 = arith.addi %add3A_32, %add3A_88 : i32
      %add3A_90 = vector.broadcast %add3A_89 : i32 to vector<16xi32>
      %add3A_91 = arith.addi %add3A_90, %iota3A : vector<16xi32>
      %swap3A_92 = arith.constant 112 : index
      %swap3A_93 = tpu.vector_load %arg9[%swap3A_92] {strides = array<i32>} : memref<128xi32, #tpu.memory_space<vmem>>, vector<16xi32>,
      %swap3A_94 = vector.shape_cast %swap3A_93 : vector<16xi32> to vector<16xi32>
      %swap3A_95 = vector.shape_cast %add3A_91 : vector<16xi32> to vector<16xi32>
      tpu.vector_store %arg9[%swap3A_92], %swap3A_95 {strides = array<i32>} : memref<128xi32, #tpu.memory_space<vmem>>, vector<16xi32>,
      "tpu.region"() ({
        %run_scoped3A = tpu.sem_alloc : memref<!tpu.dma_semaphore, #tpu.memory_space<semaphore_mem>>
        %dma_start3A = arith.constant 0 : i32
        %dma_start3A_96 = arith.constant 0 : i32
        %dma_start3A_97 = tpu.memref_slice %arg11[%dma_start3A, %dma_start3A_96] : memref<10240x128xf32, #tpu.memory_space<vmem_shared>> -> memref<10240x128xf32, #tpu.memory_space<vmem_shared>>
        tpu.enqueue_indirect_dma source(%arg10 : memref<128x128xf32, #tpu.memory_space<vmem>>) target(%dma_start3A_97 : memref<10240x128xf32, #tpu.memory_space<vmem_shared>>) offsets(%arg9 : memref<128xi32, #tpu.memory_space<vmem>>) semaphore(%run_scoped3A : memref<!tpu.dma_semaphore, #tpu.memory_space<semaphore_mem>>)
        %dma_wait3A = arith.constant 0 : i32
        %dma_wait3A_98 = arith.constant 0 : i32
        %dma_wait3A_99 = tpu.memref_slice %arg11[%dma_wait3A, %dma_wait3A_98] : memref<10240x128xf32, #tpu.memory_space<vmem_shared>> -> memref<10240x128xf32, #tpu.memory_space<vmem_shared>>
        tpu.wait_indirect_dma semaphore(%run_scoped3A : memref<!tpu.dma_semaphore, #tpu.memory_space<semaphore_mem>>) src(%arg10 : memref<128x128xf32, #tpu.memory_space<vmem>>) dst(%dma_wait3A_99 : memref<10240x128xf32, #tpu.memory_space<vmem_shared>>)
        tpu.yield
      }) : () -> ()
    }
    %scan3A_9 = arith.constant 5 : i32
    %barrier3A = arith.constant 0 : index
    tpu.barrier barrier_id(%barrier3A)
    %mul3A_10 = arith.constant 10000 : i32
    %mul3A_11 = arith.muli %add3A, %mul3A_10 : i32
    %scan3A_12 = arith.constant 0 : i32
    %scan3A_13 = arith.constant 125 : i32
    %scan3A_14 = arith.addi %scan3A_12, %scan3A_13 : i32
    %scan3A_15 = arith.constant 1 : i32
    scf.for %scan3A_23 = %scan3A_12 to %scan3A_14 step %scan3A_15  : i32 {
      %mul3A_24 = arith.constant 1 : i32
      %mul3A_25 = arith.muli %scan3A_23, %mul3A_24 : i32
      %add3A_26 = arith.constant 0 : i32
      %add3A_27 = arith.addi %add3A_26, %mul3A_25 : i32
      %mul3A_28 = arith.constant 80 : i32
      %mul3A_29 = arith.muli %add3A_27, %mul3A_28 : i32
      %add3A_30 = arith.addi %mul3A_11, %mul3A_29 : i32
      "tpu.region"() ({
        %run_scoped3A = tpu.sem_alloc : memref<!tpu.dma_semaphore, #tpu.memory_space<semaphore_mem>>
        %dma_start3A_38 = tpu.memref_slice %arg3[%add3A_30] : memref<320000xi32, #tpu.memory_space<hbm>> -> memref<80xi32, #tpu.memory_space<hbm>>
        %dma_start3A_39 = tpu.memref_slice %arg3[%add3A_30] : memref<320000xi32, #tpu.memory_space<hbm>> -> memref<80xi32, #tpu.memory_space<hbm>>
        tpu.enqueue_dma source(%dma_start3A_39 : memref<80xi32, #tpu.memory_space<hbm>>) target(%arg6 : memref<80xi32, #tpu.memory_space<vmem>>) target_semaphore(%run_scoped3A : memref<!tpu.dma_semaphore, #tpu.memory_space<semaphore_mem>>)
        %dma_wait3A_40 = tpu.memref_slice %arg3[%add3A_30] : memref<320000xi32, #tpu.memory_space<hbm>> -> memref<80xi32, #tpu.memory_space<hbm>>
        %dma_wait3A_41 = tpu.memref_slice %arg3[%add3A_30] : memref<320000xi32, #tpu.memory_space<hbm>> -> memref<80xi32, #tpu.memory_space<hbm>>
        tpu.wait_dma2 semaphore(%run_scoped3A : memref<!tpu.dma_semaphore, #tpu.memory_space<semaphore_mem>>) src(%dma_wait3A_41 : memref<80xi32, #tpu.memory_space<hbm>>) dst(%arg6 : memref<80xi32, #tpu.memory_space<vmem>>)
        tpu.yield
      }) : () -> ()
      %mul3A_31 = arith.constant 80 : i32
      %mul3A_32 = arith.muli %add3A_27, %mul3A_31 : i32
      %add3A_33 = arith.addi %mul3A_11, %mul3A_32 : i32
      "tpu.region"() ({
        %run_scoped3A = tpu.sem_alloc : memref<!tpu.dma_semaphore, #tpu.memory_space<semaphore_mem>>
        %dma_start3A_38 = tpu.memref_slice %arg4[%add3A_33] : memref<320000xi32, #tpu.memory_space<hbm>> -> memref<80xi32, #tpu.memory_space<hbm>>
        %dma_start3A_39 = tpu.memref_slice %arg4[%add3A_33] : memref<320000xi32, #tpu.memory_space<hbm>> -> memref<80xi32, #tpu.memory_space<hbm>>
        tpu.enqueue_dma source(%dma_start3A_39 : memref<80xi32, #tpu.memory_space<hbm>>) target(%arg7 : memref<80xi32, #tpu.memory_space<vmem>>) target_semaphore(%run_scoped3A : memref<!tpu.dma_semaphore, #tpu.memory_space<semaphore_mem>>)
        %dma_wait3A_40 = tpu.memref_slice %arg4[%add3A_33] : memref<320000xi32, #tpu.memory_space<hbm>> -> memref<80xi32, #tpu.memory_space<hbm>>
        %dma_wait3A_41 = tpu.memref_slice %arg4[%add3A_33] : memref<320000xi32, #tpu.memory_space<hbm>> -> memref<80xi32, #tpu.memory_space<hbm>>
        tpu.wait_dma2 semaphore(%run_scoped3A : memref<!tpu.dma_semaphore, #tpu.memory_space<semaphore_mem>>) src(%dma_wait3A_41 : memref<80xi32, #tpu.memory_space<hbm>>) dst(%arg7 : memref<80xi32, #tpu.memory_space<vmem>>)
        tpu.yield
      }) : () -> ()
      %dma_start3A = arith.constant 0 : i32
      %dma_start3A_34 = arith.constant 0 : i32
      %dma_start3A_35 = tpu.memref_slice %arg2[%dma_start3A, %dma_start3A_34] : memref<10000x128xf32, #tpu.memory_space<hbm>> -> memref<10000x128xf32, #tpu.memory_space<hbm>>
      tpu.enqueue_indirect_dma source(%dma_start3A_35 : memref<10000x128xf32, #tpu.memory_space<hbm>>) target(%arg8 : memref<80x128xf32, #tpu.memory_space<vmem>>) offsets(%arg6 : memref<80xi32, #tpu.memory_space<vmem>>) semaphore(%arg12 : memref<!tpu.dma_semaphore, #tpu.memory_space<semaphore_mem>>)
      %dma_wait3A = arith.constant 0 : i32
      %dma_wait3A_36 = arith.constant 0 : i32
      %dma_wait3A_37 = tpu.memref_slice %arg2[%dma_wait3A, %dma_wait3A_36] : memref<10000x128xf32, #tpu.memory_space<hbm>> -> memref<10000x128xf32, #tpu.memory_space<hbm>>
      tpu.wait_indirect_dma semaphore(%arg12 : memref<!tpu.dma_semaphore, #tpu.memory_space<semaphore_mem>>) src(%dma_wait3A_37 : memref<10000x128xf32, #tpu.memory_space<hbm>>) dst(%arg8 : memref<80x128xf32, #tpu.memory_space<vmem>>)
      "tpu.region"() ({
        %run_scoped3A = tpu.sem_alloc : memref<!tpu.dma_semaphore, #tpu.memory_space<semaphore_mem>>
        %dma_start3A_38 = arith.constant 0 : i32
        %dma_start3A_39 = arith.constant 0 : i32
        %dma_start3A_40 = tpu.memref_slice %arg11[%dma_start3A_38, %dma_start3A_39] : memref<10240x128xf32, #tpu.memory_space<vmem_shared>> -> memref<10240x128xf32, #tpu.memory_space<vmem_shared>>
        tpu.enqueue_indirect_dma source(%arg8 : memref<80x128xf32, #tpu.memory_space<vmem>>) target(%dma_start3A_40 : memref<10240x128xf32, #tpu.memory_space<vmem_shared>>) offsets(%arg7 : memref<80xi32, #tpu.memory_space<vmem>>) semaphore(%run_scoped3A : memref<!tpu.dma_semaphore, #tpu.memory_space<semaphore_mem>>) {add = true}
        %dma_wait3A_41 = arith.constant 0 : i32
        %dma_wait3A_42 = arith.constant 0 : i32
        %dma_wait3A_43 = tpu.memref_slice %arg11[%dma_wait3A_41, %dma_wait3A_42] : memref<10240x128xf32, #tpu.memory_space<vmem_shared>> -> memref<10240x128xf32, #tpu.memory_space<vmem_shared>>
        tpu.wait_indirect_dma semaphore(%run_scoped3A : memref<!tpu.dma_semaphore, #tpu.memory_space<semaphore_mem>>) src(%arg8 : memref<80x128xf32, #tpu.memory_space<vmem>>) dst(%dma_wait3A_43 : memref<10240x128xf32, #tpu.memory_space<vmem_shared>>)
        tpu.yield
      }) : () -> ()
    }
    %scan3A_16 = arith.constant 125 : i32
    %barrier3A_17 = arith.constant 0 : index
    tpu.barrier barrier_id(%barrier3A_17)
    %scan3A_18 = arith.constant 0 : i32
    %scan3A_19 = arith.constant 5 : i32
    %scan3A_20 = arith.addi %scan3A_18, %scan3A_19 : i32
    %scan3A_21 = arith.constant 1 : i32
    scf.for %scan3A_23 = %scan3A_18 to %scan3A_20 step %scan3A_21  : i32 {
      %mul3A_24 = arith.constant 1 : i32
      %mul3A_25 = arith.muli %scan3A_23, %mul3A_24 : i32
      %add3A_26 = arith.constant 0 : i32
      %add3A_27 = arith.addi %add3A_26, %mul3A_25 : i32
      %mul3A_28 = arith.constant 640 : i32
      %mul3A_29 = arith.muli %arg1, %mul3A_28 : i32
      %mul3A_30 = arith.constant 128 : i32
      %mul3A_31 = arith.muli %add3A_27, %mul3A_30 : i32
      %add3A_32 = arith.addi %mul3A_29, %mul3A_31 : i32
      %add3A_33 = arith.constant 0 : i32
      %add3A_34 = arith.addi %add3A_32, %add3A_33 : i32
      %add3A_35 = vector.broadcast %add3A_34 : i32 to vector<16xi32>
      %add3A_36 = arith.addi %add3A_35, %iota3A : vector<16xi32>
      %swap3A = arith.constant 0 : index
      %swap3A_37 = tpu.vector_load %arg9[%swap3A] {strides = array<i32>} : memref<128xi32, #tpu.memory_space<vmem>>, vector<16xi32>,
      %swap3A_38 = vector.shape_cast %swap3A_37 : vector<16xi32> to vector<16xi32>
      %swap3A_39 = vector.shape_cast %add3A_36 : vector<16xi32> to vector<16xi32>
      tpu.vector_store %arg9[%swap3A], %swap3A_39 {strides = array<i32>} : memref<128xi32, #tpu.memory_space<vmem>>, vector<16xi32>,
      %add3A_40 = arith.constant 16 : i32
      %add3A_41 = arith.addi %add3A_32, %add3A_40 : i32
      %add3A_42 = vector.broadcast %add3A_41 : i32 to vector<16xi32>
      %add3A_43 = arith.addi %add3A_42, %iota3A : vector<16xi32>
      %swap3A_44 = arith.constant 16 : index
      %swap3A_45 = tpu.vector_load %arg9[%swap3A_44] {strides = array<i32>} : memref<128xi32, #tpu.memory_space<vmem>>, vector<16xi32>,
      %swap3A_46 = vector.shape_cast %swap3A_45 : vector<16xi32> to vector<16xi32>
      %swap3A_47 = vector.shape_cast %add3A_43 : vector<16xi32> to vector<16xi32>
      tpu.vector_store %arg9[%swap3A_44], %swap3A_47 {strides = array<i32>} : memref<128xi32, #tpu.memory_space<vmem>>, vector<16xi32>,
      %add3A_48 = arith.constant 32 : i32
      %add3A_49 = arith.addi %add3A_32, %add3A_48 : i32
      %add3A_50 = vector.broadcast %add3A_49 : i32 to vector<16xi32>
      %add3A_51 = arith.addi %add3A_50, %iota3A : vector<16xi32>
      %swap3A_52 = arith.constant 32 : index
      %swap3A_53 = tpu.vector_load %arg9[%swap3A_52] {strides = array<i32>} : memref<128xi32, #tpu.memory_space<vmem>>, vector<16xi32>,
      %swap3A_54 = vector.shape_cast %swap3A_53 : vector<16xi32> to vector<16xi32>
      %swap3A_55 = vector.shape_cast %add3A_51 : vector<16xi32> to vector<16xi32>
      tpu.vector_store %arg9[%swap3A_52], %swap3A_55 {strides = array<i32>} : memref<128xi32, #tpu.memory_space<vmem>>, vector<16xi32>,
      %add3A_56 = arith.constant 48 : i32
      %add3A_57 = arith.addi %add3A_32, %add3A_56 : i32
      %add3A_58 = vector.broadcast %add3A_57 : i32 to vector<16xi32>
      %add3A_59 = arith.addi %add3A_58, %iota3A : vector<16xi32>
      %swap3A_60 = arith.constant 48 : index
      %swap3A_61 = tpu.vector_load %arg9[%swap3A_60] {strides = array<i32>} : memref<128xi32, #tpu.memory_space<vmem>>, vector<16xi32>,
      %swap3A_62 = vector.shape_cast %swap3A_61 : vector<16xi32> to vector<16xi32>
      %swap3A_63 = vector.shape_cast %add3A_59 : vector<16xi32> to vector<16xi32>
      tpu.vector_store %arg9[%swap3A_60], %swap3A_63 {strides = array<i32>} : memref<128xi32, #tpu.memory_space<vmem>>, vector<16xi32>,
      %add3A_64 = arith.constant 64 : i32
      %add3A_65 = arith.addi %add3A_32, %add3A_64 : i32
      %add3A_66 = vector.broadcast %add3A_65 : i32 to vector<16xi32>
      %add3A_67 = arith.addi %add3A_66, %iota3A : vector<16xi32>
      %swap3A_68 = arith.constant 64 : index
      %swap3A_69 = tpu.vector_load %arg9[%swap3A_68] {strides = array<i32>} : memref<128xi32, #tpu.memory_space<vmem>>, vector<16xi32>,
      %swap3A_70 = vector.shape_cast %swap3A_69 : vector<16xi32> to vector<16xi32>
      %swap3A_71 = vector.shape_cast %add3A_67 : vector<16xi32> to vector<16xi32>
      tpu.vector_store %arg9[%swap3A_68], %swap3A_71 {strides = array<i32>} : memref<128xi32, #tpu.memory_space<vmem>>, vector<16xi32>,
      %add3A_72 = arith.constant 80 : i32
      %add3A_73 = arith.addi %add3A_32, %add3A_72 : i32
      %add3A_74 = vector.broadcast %add3A_73 : i32 to vector<16xi32>
      %add3A_75 = arith.addi %add3A_74, %iota3A : vector<16xi32>
      %swap3A_76 = arith.constant 80 : index
      %swap3A_77 = tpu.vector_load %arg9[%swap3A_76] {strides = array<i32>} : memref<128xi32, #tpu.memory_space<vmem>>, vector<16xi32>,
      %swap3A_78 = vector.shape_cast %swap3A_77 : vector<16xi32> to vector<16xi32>
      %swap3A_79 = vector.shape_cast %add3A_75 : vector<16xi32> to vector<16xi32>
      tpu.vector_store %arg9[%swap3A_76], %swap3A_79 {strides = array<i32>} : memref<128xi32, #tpu.memory_space<vmem>>, vector<16xi32>,
      %add3A_80 = arith.constant 96 : i32
      %add3A_81 = arith.addi %add3A_32, %add3A_80 : i32
      %add3A_82 = vector.broadcast %add3A_81 : i32 to vector<16xi32>
      %add3A_83 = arith.addi %add3A_82, %iota3A : vector<16xi32>
      %swap3A_84 = arith.constant 96 : index
      %swap3A_85 = tpu.vector_load %arg9[%swap3A_84] {strides = array<i32>} : memref<128xi32, #tpu.memory_space<vmem>>, vector<16xi32>,
      %swap3A_86 = vector.shape_cast %swap3A_85 : vector<16xi32> to vector<16xi32>
      %swap3A_87 = vector.shape_cast %add3A_83 : vector<16xi32> to vector<16xi32>
      tpu.vector_store %arg9[%swap3A_84], %swap3A_87 {strides = array<i32>} : memref<128xi32, #tpu.memory_space<vmem>>, vector<16xi32>,
      %add3A_88 = arith.constant 112 : i32
      %add3A_89 = arith.addi %add3A_32, %add3A_88 : i32
      %add3A_90 = vector.broadcast %add3A_89 : i32 to vector<16xi32>
      %add3A_91 = arith.addi %add3A_90, %iota3A : vector<16xi32>
      %swap3A_92 = arith.constant 112 : index
      %swap3A_93 = tpu.vector_load %arg9[%swap3A_92] {strides = array<i32>} : memref<128xi32, #tpu.memory_space<vmem>>, vector<16xi32>,
      %swap3A_94 = vector.shape_cast %swap3A_93 : vector<16xi32> to vector<16xi32>
      %swap3A_95 = vector.shape_cast %add3A_91 : vector<16xi32> to vector<16xi32>
      tpu.vector_store %arg9[%swap3A_92], %swap3A_95 {strides = array<i32>} : memref<128xi32, #tpu.memory_space<vmem>>, vector<16xi32>,
      "tpu.region"() ({
        %run_scoped3A = tpu.sem_alloc : memref<!tpu.dma_semaphore, #tpu.memory_space<semaphore_mem>>
        %dma_start3A = arith.constant 0 : i32
        %dma_start3A_96 = arith.constant 0 : i32
        %dma_start3A_97 = tpu.memref_slice %arg11[%dma_start3A, %dma_start3A_96] : memref<10240x128xf32, #tpu.memory_space<vmem_shared>> -> memref<10240x128xf32, #tpu.memory_space<vmem_shared>>
        tpu.enqueue_indirect_dma source(%dma_start3A_97 : memref<10240x128xf32, #tpu.memory_space<vmem_shared>>) target(%arg10 : memref<128x128xf32, #tpu.memory_space<vmem>>) offsets(%arg9 : memref<128xi32, #tpu.memory_space<vmem>>) semaphore(%run_scoped3A : memref<!tpu.dma_semaphore, #tpu.memory_space<semaphore_mem>>)
        %dma_wait3A = arith.constant 0 : i32
        %dma_wait3A_98 = arith.constant 0 : i32
        %dma_wait3A_99 = tpu.memref_slice %arg11[%dma_wait3A, %dma_wait3A_98] : memref<10240x128xf32, #tpu.memory_space<vmem_shared>> -> memref<10240x128xf32, #tpu.memory_space<vmem_shared>>
        tpu.wait_indirect_dma semaphore(%run_scoped3A : memref<!tpu.dma_semaphore, #tpu.memory_space<semaphore_mem>>) src(%dma_wait3A_99 : memref<10240x128xf32, #tpu.memory_space<vmem_shared>>) dst(%arg10 : memref<128x128xf32, #tpu.memory_space<vmem>>)
        tpu.yield
      }) : () -> ()
      "tpu.region"() ({
        %run_scoped3A = tpu.sem_alloc : memref<!tpu.dma_semaphore, #tpu.memory_space<semaphore_mem>>
        %dma_start3A = arith.constant 0 : i32
        %dma_start3A_96 = tpu.memref_slice %arg5[%arg0, %add3A_32, %dma_start3A] : memref<2x10240x128xf32, #tpu.memory_space<hbm>> -> memref<1x128x128xf32, #tpu.memory_space<hbm>>
        %dma_start3A_97 = tpu.memref_squeeze %dma_start3A_96 : memref<1x128x128xf32, #tpu.memory_space<hbm>> -> memref<128x128xf32, #tpu.memory_space<hbm>>
        %dma_start3A_98 = arith.constant 0 : i32
        %dma_start3A_99 = tpu.memref_slice %arg5[%arg0, %add3A_32, %dma_start3A_98] : memref<2x10240x128xf32, #tpu.memory_space<hbm>> -> memref<1x128x128xf32, #tpu.memory_space<hbm>>
        %dma_start3A_100 = tpu.memref_squeeze %dma_start3A_99 : memref<1x128x128xf32, #tpu.memory_space<hbm>> -> memref<128x128xf32, #tpu.memory_space<hbm>>
        tpu.enqueue_dma source(%arg10 : memref<128x128xf32, #tpu.memory_space<vmem>>) target(%dma_start3A_100 : memref<128x128xf32, #tpu.memory_space<hbm>>) target_semaphore(%run_scoped3A : memref<!tpu.dma_semaphore, #tpu.memory_space<semaphore_mem>>)
        %dma_wait3A = arith.constant 0 : i32
        %dma_wait3A_101 = tpu.memref_slice %arg5[%arg0, %add3A_32, %dma_wait3A] : memref<2x10240x128xf32, #tpu.memory_space<hbm>> -> memref<1x128x128xf32, #tpu.memory_space<hbm>>
        %dma_wait3A_102 = tpu.memref_squeeze %dma_wait3A_101 : memref<1x128x128xf32, #tpu.memory_space<hbm>> -> memref<128x128xf32, #tpu.memory_space<hbm>>
        %dma_wait3A_103 = arith.constant 0 : i32
        %dma_wait3A_104 = tpu.memref_slice %arg5[%arg0, %add3A_32, %dma_wait3A_103] : memref<2x10240x128xf32, #tpu.memory_space<hbm>> -> memref<1x128x128xf32, #tpu.memory_space<hbm>>
        %dma_wait3A_105 = tpu.memref_squeeze %dma_wait3A_104 : memref<1x128x128xf32, #tpu.memory_space<hbm>> -> memref<128x128xf32, #tpu.memory_space<hbm>>
        tpu.wait_dma2 semaphore(%run_scoped3A : memref<!tpu.dma_semaphore, #tpu.memory_space<semaphore_mem>>) src(%arg10 : memref<128x128xf32, #tpu.memory_space<vmem>>) dst(%dma_wait3A_105 : memref<128x128xf32, #tpu.memory_space<hbm>>)
        tpu.yield
      }) : () -> ()
    }
    %scan3A_22 = arith.constant 5 : i32
    return
  }
}

#map = affine_map<(d0, d1) -> (0, 0)>
#map1 = affine_map<(d0, d1) -> (0)>
#map2 = affine_map<(d0, d1) -> (0, 0, 0)>
module attributes {stable_mosaic.version = 14 : i64} {
  func.func @agg(%arg0: i32, %arg1: i32, %arg2: memref<10000x128xf32, #tpu.memory_space<hbm>>, %arg3: memref<320000xi32, #tpu.memory_space<hbm>>, %arg4: memref<320000xi32, #tpu.memory_space<hbm>>, %arg5: memref<2x10240x128xf32, #tpu.memory_space<hbm>>, %arg6: memref<80xi32, #tpu.memory_space<vmem>>, %arg7: memref<80xi32, #tpu.memory_space<vmem>>, %arg8: memref<80x128xf32, #tpu.memory_space<vmem>>, %arg9: memref<128xi32, #tpu.memory_space<vmem>>, %arg10: memref<128x128xf32, #tpu.memory_space<vmem>>, %arg11: memref<10240x128xf32, #tpu.memory_space<vmem_shared>>, %arg12: memref<!tpu.dma_semaphore, #tpu.memory_space<semaphore_mem>>) attributes {dimension_semantics = [#tpu.dimension_semantics<core_parallel>, #tpu.dimension_semantics<subcore_parallel>], iteration_bounds = array<i64: 2, 16>, scalar_prefetch = 0 : i64, scratch_operands = 7 : i64, tpu.core_type = #tpu.core_type<sc_vector_subcore>, window_params = [{transform_indices = #map}, {transform_indices = #map1}, {transform_indices = #map1}, {transform_indices = #map2}]} {
    %mul3A = arith.constant 2 : i32
    %mul3A_0 = arith.muli %arg1, %mul3A : i32
    %add3A = arith.addi %mul3A_0, %arg0 : i32
    %iota3A = tpu.iota {dimensions = array<i32: 0>} : vector<16xi32>
    %scan3A = arith.constant 0 : i32
    %scan3A_1 = arith.constant 128 : i32
    %scan3A_2 = arith.addi %scan3A, %scan3A_1 : i32
    %scan3A_3 = arith.constant 1 : i32
    scf.for %scan3A_23 = %scan3A to %scan3A_2 step %scan3A_3  : i32 {
      %mul3A_24 = arith.constant 1 : i32
      %mul3A_25 = arith.muli %scan3A_23, %mul3A_24 : i32
      %add3A_26 = arith.constant 0 : i32
      %add3A_27 = arith.addi %add3A_26, %mul3A_25 : i32
      %broadcast_in_dim3A = arith.constant 0.000000e+00 : f32
      %broadcast_in_dim3A_28 = vector.broadcast %broadcast_in_dim3A : f32 to vector<16xf32>
      %swap3A = arith.index_cast %add3A_27 : i32 to index
      %swap3A_29 = arith.constant 0 : index
      %swap3A_30 = tpu.vector_load %arg10[%swap3A, %swap3A_29] {strides = array<i32>} : memref<128x128xf32, #tpu.memory_space<vmem>>, vector<1x16xf32>,
      %swap3A_31 = vector.shape_cast %swap3A_30 : vector<1x16xf32> to vector<16xf32>
      %swap3A_32 = vector.shape_cast %broadcast_in_dim3A_28 : vector<16xf32> to vector<1x16xf32>
      tpu.vector_store %arg10[%swap3A, %swap3A_29], %swap3A_32 {strides = array<i32>} : memref<128x128xf32, #tpu.memory_space<vmem>>, vector<1x16xf32>,
      %broadcast_in_dim3A_33 = arith.constant 0.000000e+00 : f32
      %broadcast_in_dim3A_34 = vector.broadcast %broadcast_in_dim3A_33 : f32 to vector<16xf32>
      %swap3A_35 = arith.index_cast %add3A_27 : i32 to index
      %swap3A_36 = arith.constant 16 : index
      %swap3A_37 = tpu.vector_load %arg10[%swap3A_35, %swap3A_36] {strides = array<i32>} : memref<128x128xf32, #tpu.memory_space<vmem>>, vector<1x16xf32>,
      %swap3A_38 = vector.shape_cast %swap3A_37 : vector<1x16xf32> to vector<16xf32>
      %swap3A_39 = vector.shape_cast %broadcast_in_dim3A_34 : vector<16xf32> to vector<1x16xf32>
      tpu.vector_store %arg10[%swap3A_35, %swap3A_36], %swap3A_39 {strides = array<i32>} : memref<128x128xf32, #tpu.memory_space<vmem>>, vector<1x16xf32>,
      %broadcast_in_dim3A_40 = arith.constant 0.000000e+00 : f32
      %broadcast_in_dim3A_41 = vector.broadcast %broadcast_in_dim3A_40 : f32 to vector<16xf32>
      %swap3A_42 = arith.index_cast %add3A_27 : i32 to index
      %swap3A_43 = arith.constant 32 : index
      %swap3A_44 = tpu.vector_load %arg10[%swap3A_42, %swap3A_43] {strides = array<i32>} : memref<128x128xf32, #tpu.memory_space<vmem>>, vector<1x16xf32>,
      %swap3A_45 = vector.shape_cast %swap3A_44 : vector<1x16xf32> to vector<16xf32>
      %swap3A_46 = vector.shape_cast %broadcast_in_dim3A_41 : vector<16xf32> to vector<1x16xf32>
      tpu.vector_store %arg10[%swap3A_42, %swap3A_43], %swap3A_46 {strides = array<i32>} : memref<128x128xf32, #tpu.memory_space<vmem>>, vector<1x16xf32>,
      %broadcast_in_dim3A_47 = arith.constant 0.000000e+00 : f32
      %broadcast_in_dim3A_48 = vector.broadcast %broadcast_in_dim3A_47 : f32 to vector<16xf32>
      %swap3A_49 = arith.index_cast %add3A_27 : i32 to index
      %swap3A_50 = arith.constant 48 : index
      %swap3A_51 = tpu.vector_load %arg10[%swap3A_49, %swap3A_50] {strides = array<i32>} : memref<128x128xf32, #tpu.memory_space<vmem>>, vector<1x16xf32>,
      %swap3A_52 = vector.shape_cast %swap3A_51 : vector<1x16xf32> to vector<16xf32>
      %swap3A_53 = vector.shape_cast %broadcast_in_dim3A_48 : vector<16xf32> to vector<1x16xf32>
      tpu.vector_store %arg10[%swap3A_49, %swap3A_50], %swap3A_53 {strides = array<i32>} : memref<128x128xf32, #tpu.memory_space<vmem>>, vector<1x16xf32>,
      %broadcast_in_dim3A_54 = arith.constant 0.000000e+00 : f32
      %broadcast_in_dim3A_55 = vector.broadcast %broadcast_in_dim3A_54 : f32 to vector<16xf32>
      %swap3A_56 = arith.index_cast %add3A_27 : i32 to index
      %swap3A_57 = arith.constant 64 : index
      %swap3A_58 = tpu.vector_load %arg10[%swap3A_56, %swap3A_57] {strides = array<i32>} : memref<128x128xf32, #tpu.memory_space<vmem>>, vector<1x16xf32>,
      %swap3A_59 = vector.shape_cast %swap3A_58 : vector<1x16xf32> to vector<16xf32>
      %swap3A_60 = vector.shape_cast %broadcast_in_dim3A_55 : vector<16xf32> to vector<1x16xf32>
      tpu.vector_store %arg10[%swap3A_56, %swap3A_57], %swap3A_60 {strides = array<i32>} : memref<128x128xf32, #tpu.memory_space<vmem>>, vector<1x16xf32>,
      %broadcast_in_dim3A_61 = arith.constant 0.000000e+00 : f32
      %broadcast_in_dim3A_62 = vector.broadcast %broadcast_in_dim3A_61 : f32 to vector<16xf32>
      %swap3A_63 = arith.index_cast %add3A_27 : i32 to index
      %swap3A_64 = arith.constant 80 : index
      %swap3A_65 = tpu.vector_load %arg10[%swap3A_63, %swap3A_64] {strides = array<i32>} : memref<128x128xf32, #tpu.memory_space<vmem>>, vector<1x16xf32>,
      %swap3A_66 = vector.shape_cast %swap3A_65 : vector<1x16xf32> to vector<16xf32>
      %swap3A_67 = vector.shape_cast %broadcast_in_dim3A_62 : vector<16xf32> to vector<1x16xf32>
      tpu.vector_store %arg10[%swap3A_63, %swap3A_64], %swap3A_67 {strides = array<i32>} : memref<128x128xf32, #tpu.memory_space<vmem>>, vector<1x16xf32>,
      %broadcast_in_dim3A_68 = arith.constant 0.000000e+00 : f32
      %broadcast_in_dim3A_69 = vector.broadcast %broadcast_in_dim3A_68 : f32 to vector<16xf32>
      %swap3A_70 = arith.index_cast %add3A_27 : i32 to index
      %swap3A_71 = arith.constant 96 : index
      %swap3A_72 = tpu.vector_load %arg10[%swap3A_70, %swap3A_71] {strides = array<i32>} : memref<128x128xf32, #tpu.memory_space<vmem>>, vector<1x16xf32>,
      %swap3A_73 = vector.shape_cast %swap3A_72 : vector<1x16xf32> to vector<16xf32>
      %swap3A_74 = vector.shape_cast %broadcast_in_dim3A_69 : vector<16xf32> to vector<1x16xf32>
      tpu.vector_store %arg10[%swap3A_70, %swap3A_71], %swap3A_74 {strides = array<i32>} : memref<128x128xf32, #tpu.memory_space<vmem>>, vector<1x16xf32>,
      %broadcast_in_dim3A_75 = arith.constant 0.000000e+00 : f32
      %broadcast_in_dim3A_76 = vector.broadcast %broadcast_in_dim3A_75 : f32 to vector<16xf32>
      %swap3A_77 = arith.index_cast %add3A_27 : i32 to index
      %swap3A_78 = arith.constant 112 : index
      %swap3A_79 = tpu.vector_load %arg10[%swap3A_77, %swap3A_78] {strides = array<i32>} : memref<128x128xf32, #tpu.memory_space<vmem>>, vector<1x16xf32>,
      %swap3A_80 = vector.shape_cast %swap3A_79 : vector<1x16xf32> to vector<16xf32>
      %swap3A_81 = vector.shape_cast %broadcast_in_dim3A_76 : vector<16xf32> to vector<1x16xf32>
      tpu.vector_store %arg10[%swap3A_77, %swap3A_78], %swap3A_81 {strides = array<i32>} : memref<128x128xf32, #tpu.memory_space<vmem>>, vector<1x16xf32>,
    }
    %scan3A_4 = arith.constant 128 : i32
    %scan3A_5 = arith.constant 0 : i32
    %scan3A_6 = arith.constant 5 : i32
    %scan3A_7 = arith.addi %scan3A_5, %scan3A_6 : i32
    %scan3A_8 = arith.constant 1 : i32
    scf.for %scan3A_23 = %scan3A_5 to %scan3A_7 step %scan3A_8  : i32 {
      %mul3A_24 = arith.constant 1 : i32
      %mul3A_25 = arith.muli %scan3A_23, %mul3A_24 : i32
      %add3A_26 = arith.constant 0 : i32
      %add3A_27 = arith.addi %add3A_26, %mul3A_25 : i32
      %mul3A_28 = arith.constant 640 : i32
      %mul3A_29 = arith.muli %arg1, %mul3A_28 : i32
      %mul3A_30 = arith.constant 128 : i32
      %mul3A_31 = arith.muli %add3A_27, %mul3A_30 : i32
      %add3A_32 = arith.addi %mul3A_29, %mul3A_31 : i32
      %add3A_33 = arith.constant 0 : i32
      %add3A_34 = arith.addi %add3A_32, %add3A_33 : i32
      %add3A_35 = vector.broadcast %add3A_34 : i32 to vector<16xi32>
      %add3A_36 = arith.addi %add3A_35, %iota3A : vector<16xi32>
      %swap3A = arith.constant 0 : index
      %swap3A_37 = tpu.vector_load %arg9[%swap3A] {strides = array<i32>} : memref<128xi32, #tpu.memory_space<vmem>>, vector<16xi32>,
      %swap3A_38 = vector.shape_cast %swap3A_37 : vector<16xi32> to vector<16xi32>
      %swap3A_39 = vector.shape_cast %add3A_36 : vector<16xi32> to vector<16xi32>
      tpu.vector_store %arg9[%swap3A], %swap3A_39 {strides = array<i32>} : memref<128xi32, #tpu.memory_space<vmem>>, vector<16xi32>,
      %add3A_40 = arith.constant 16 : i32
      %add3A_41 = arith.addi %add3A_32, %add3A_40 : i32
      %add3A_42 = vector.broadcast %add3A_41 : i32 to vector<16xi32>
      %add3A_43 = arith.addi %add3A_42, %iota3A : vector<16xi32>
      %swap3A_44 = arith.constant 16 : index
      %swap3A_45 = tpu.vector_load %arg9[%swap3A_44] {strides = array<i32>} : memref<128xi32, #tpu.memory_space<vmem>>, vector<16xi32>,
      %swap3A_46 = vector.shape_cast %swap3A_45 : vector<16xi32> to vector<16xi32>
      %swap3A_47 = vector.shape_cast %add3A_43 : vector<16xi32> to vector<16xi32>
      tpu.vector_store %arg9[%swap3A_44], %swap3A_47 {strides = array<i32>} : memref<128xi32, #tpu.memory_space<vmem>>, vector<16xi32>,
      %add3A_48 = arith.constant 32 : i32
      %add3A_49 = arith.addi %add3A_32, %add3A_48 : i32
      %add3A_50 = vector.broadcast %add3A_49 : i32 to vector<16xi32>
      %add3A_51 = arith.addi %add3A_50, %iota3A : vector<16xi32>
      %swap3A_52 = arith.constant 32 : index
      %swap3A_53 = tpu.vector_load %arg9[%swap3A_52] {strides = array<i32>} : memref<128xi32, #tpu.memory_space<vmem>>, vector<16xi32>,
      %swap3A_54 = vector.shape_cast %swap3A_53 : vector<16xi32> to vector<16xi32>
      %swap3A_55 = vector.shape_cast %add3A_51 : vector<16xi32> to vector<16xi32>
      tpu.vector_store %arg9[%swap3A_52], %swap3A_55 {strides = array<i32>} : memref<128xi32, #tpu.memory_space<vmem>>, vector<16xi32>,
      %add3A_56 = arith.constant 48 : i32
      %add3A_57 = arith.addi %add3A_32, %add3A_56 : i32
      %add3A_58 = vector.broadcast %add3A_57 : i32 to vector<16xi32>
      %add3A_59 = arith.addi %add3A_58, %iota3A : vector<16xi32>
      %swap3A_60 = arith.constant 48 : index
      %swap3A_61 = tpu.vector_load %arg9[%swap3A_60] {strides = array<i32>} : memref<128xi32, #tpu.memory_space<vmem>>, vector<16xi32>,
      %swap3A_62 = vector.shape_cast %swap3A_61 : vector<16xi32> to vector<16xi32>
      %swap3A_63 = vector.shape_cast %add3A_59 : vector<16xi32> to vector<16xi32>
      tpu.vector_store %arg9[%swap3A_60], %swap3A_63 {strides = array<i32>} : memref<128xi32, #tpu.memory_space<vmem>>, vector<16xi32>,
      %add3A_64 = arith.constant 64 : i32
      %add3A_65 = arith.addi %add3A_32, %add3A_64 : i32
      %add3A_66 = vector.broadcast %add3A_65 : i32 to vector<16xi32>
      %add3A_67 = arith.addi %add3A_66, %iota3A : vector<16xi32>
      %swap3A_68 = arith.constant 64 : index
      %swap3A_69 = tpu.vector_load %arg9[%swap3A_68] {strides = array<i32>} : memref<128xi32, #tpu.memory_space<vmem>>, vector<16xi32>,
      %swap3A_70 = vector.shape_cast %swap3A_69 : vector<16xi32> to vector<16xi32>
      %swap3A_71 = vector.shape_cast %add3A_67 : vector<16xi32> to vector<16xi32>
      tpu.vector_store %arg9[%swap3A_68], %swap3A_71 {strides = array<i32>} : memref<128xi32, #tpu.memory_space<vmem>>, vector<16xi32>,
      %add3A_72 = arith.constant 80 : i32
      %add3A_73 = arith.addi %add3A_32, %add3A_72 : i32
      %add3A_74 = vector.broadcast %add3A_73 : i32 to vector<16xi32>
      %add3A_75 = arith.addi %add3A_74, %iota3A : vector<16xi32>
      %swap3A_76 = arith.constant 80 : index
      %swap3A_77 = tpu.vector_load %arg9[%swap3A_76] {strides = array<i32>} : memref<128xi32, #tpu.memory_space<vmem>>, vector<16xi32>,
      %swap3A_78 = vector.shape_cast %swap3A_77 : vector<16xi32> to vector<16xi32>
      %swap3A_79 = vector.shape_cast %add3A_75 : vector<16xi32> to vector<16xi32>
      tpu.vector_store %arg9[%swap3A_76], %swap3A_79 {strides = array<i32>} : memref<128xi32, #tpu.memory_space<vmem>>, vector<16xi32>,
      %add3A_80 = arith.constant 96 : i32
      %add3A_81 = arith.addi %add3A_32, %add3A_80 : i32
      %add3A_82 = vector.broadcast %add3A_81 : i32 to vector<16xi32>
      %add3A_83 = arith.addi %add3A_82, %iota3A : vector<16xi32>
      %swap3A_84 = arith.constant 96 : index
      %swap3A_85 = tpu.vector_load %arg9[%swap3A_84] {strides = array<i32>} : memref<128xi32, #tpu.memory_space<vmem>>, vector<16xi32>,
      %swap3A_86 = vector.shape_cast %swap3A_85 : vector<16xi32> to vector<16xi32>
      %swap3A_87 = vector.shape_cast %add3A_83 : vector<16xi32> to vector<16xi32>
      tpu.vector_store %arg9[%swap3A_84], %swap3A_87 {strides = array<i32>} : memref<128xi32, #tpu.memory_space<vmem>>, vector<16xi32>,
      %add3A_88 = arith.constant 112 : i32
      %add3A_89 = arith.addi %add3A_32, %add3A_88 : i32
      %add3A_90 = vector.broadcast %add3A_89 : i32 to vector<16xi32>
      %add3A_91 = arith.addi %add3A_90, %iota3A : vector<16xi32>
      %swap3A_92 = arith.constant 112 : index
      %swap3A_93 = tpu.vector_load %arg9[%swap3A_92] {strides = array<i32>} : memref<128xi32, #tpu.memory_space<vmem>>, vector<16xi32>,
      %swap3A_94 = vector.shape_cast %swap3A_93 : vector<16xi32> to vector<16xi32>
      %swap3A_95 = vector.shape_cast %add3A_91 : vector<16xi32> to vector<16xi32>
      tpu.vector_store %arg9[%swap3A_92], %swap3A_95 {strides = array<i32>} : memref<128xi32, #tpu.memory_space<vmem>>, vector<16xi32>,
      "tpu.region"() ({
        %run_scoped3A = tpu.sem_alloc : memref<!tpu.dma_semaphore, #tpu.memory_space<semaphore_mem>>
        %dma_start3A = arith.constant 0 : i32
        %dma_start3A_96 = arith.constant 0 : i32
        %dma_start3A_97 = tpu.memref_slice %arg11[%dma_start3A, %dma_start3A_96] : memref<10240x128xf32, #tpu.memory_space<vmem_shared>> -> memref<10240x128xf32, #tpu.memory_space<vmem_shared>>
        tpu.enqueue_indirect_dma source(%arg10 : memref<128x128xf32, #tpu.memory_space<vmem>>) target(%dma_start3A_97 : memref<10240x128xf32, #tpu.memory_space<vmem_shared>>) offsets(%arg9 : memref<128xi32, #tpu.memory_space<vmem>>) semaphore(%run_scoped3A : memref<!tpu.dma_semaphore, #tpu.memory_space<semaphore_mem>>)
        %dma_wait3A = arith.constant 0 : i32
        %dma_wait3A_98 = arith.constant 0 : i32
        %dma_wait3A_99 = tpu.memref_slice %arg11[%dma_wait3A, %dma_wait3A_98] : memref<10240x128xf32, #tpu.memory_space<vmem_shared>> -> memref<10240x128xf32, #tpu.memory_space<vmem_shared>>
        tpu.wait_indirect_dma semaphore(%run_scoped3A : memref<!tpu.dma_semaphore, #tpu.memory_space<semaphore_mem>>) src(%arg10 : memref<128x128xf32, #tpu.memory_space<vmem>>) dst(%dma_wait3A_99 : memref<10240x128xf32, #tpu.memory_space<vmem_shared>>)
        tpu.yield
      }) : () -> ()
    }
    %scan3A_9 = arith.constant 5 : i32
    %barrier3A = arith.constant 0 : index
    tpu.barrier barrier_id(%barrier3A)
    %mul3A_10 = arith.constant 10000 : i32
    %mul3A_11 = arith.muli %add3A, %mul3A_10 : i32
    %scan3A_12 = arith.constant 0 : i32
    %scan3A_13 = arith.constant 125 : i32
    %scan3A_14 = arith.addi %scan3A_12, %scan3A_13 : i32
    %scan3A_15 = arith.constant 1 : i32
    scf.for %scan3A_23 = %scan3A_12 to %scan3A_14 step %scan3A_15  : i32 {
      %mul3A_24 = arith.constant 1 : i32
      %mul3A_25 = arith.muli %scan3A_23, %mul3A_24 : i32
      %add3A_26 = arith.constant 0 : i32
      %add3A_27 = arith.addi %add3A_26, %mul3A_25 : i32
      %mul3A_28 = arith.constant 80 : i32
      %mul3A_29 = arith.muli %add3A_27, %mul3A_28 : i32
      %add3A_30 = arith.addi %mul3A_11, %mul3A_29 : i32
      "tpu.region"() ({
        %run_scoped3A = tpu.sem_alloc : memref<!tpu.dma_semaphore, #tpu.memory_space<semaphore_mem>>
        %dma_start3A_38 = tpu.memref_slice %arg3[%add3A_30] : memref<320000xi32, #tpu.memory_space<hbm>> -> memref<80xi32, #tpu.memory_space<hbm>>
        %dma_start3A_39 = tpu.memref_slice %arg3[%add3A_30] : memref<320000xi32, #tpu.memory_space<hbm>> -> memref<80xi32, #tpu.memory_space<hbm>>
        tpu.enqueue_dma source(%dma_start3A_39 : memref<80xi32, #tpu.memory_space<hbm>>) target(%arg6 : memref<80xi32, #tpu.memory_space<vmem>>) target_semaphore(%run_scoped3A : memref<!tpu.dma_semaphore, #tpu.memory_space<semaphore_mem>>)
        %dma_wait3A_40 = tpu.memref_slice %arg3[%add3A_30] : memref<320000xi32, #tpu.memory_space<hbm>> -> memref<80xi32, #tpu.memory_space<hbm>>
        %dma_wait3A_41 = tpu.memref_slice %arg3[%add3A_30] : memref<320000xi32, #tpu.memory_space<hbm>> -> memref<80xi32, #tpu.memory_space<hbm>>
        tpu.wait_dma2 semaphore(%run_scoped3A : memref<!tpu.dma_semaphore, #tpu.memory_space<semaphore_mem>>) src(%dma_wait3A_41 : memref<80xi32, #tpu.memory_space<hbm>>) dst(%arg6 : memref<80xi32, #tpu.memory_space<vmem>>)
        tpu.yield
      }) : () -> ()
      %mul3A_31 = arith.constant 80 : i32
      %mul3A_32 = arith.muli %add3A_27, %mul3A_31 : i32
      %add3A_33 = arith.addi %mul3A_11, %mul3A_32 : i32
      "tpu.region"() ({
        %run_scoped3A = tpu.sem_alloc : memref<!tpu.dma_semaphore, #tpu.memory_space<semaphore_mem>>
        %dma_start3A_38 = tpu.memref_slice %arg4[%add3A_33] : memref<320000xi32, #tpu.memory_space<hbm>> -> memref<80xi32, #tpu.memory_space<hbm>>
        %dma_start3A_39 = tpu.memref_slice %arg4[%add3A_33] : memref<320000xi32, #tpu.memory_space<hbm>> -> memref<80xi32, #tpu.memory_space<hbm>>
        tpu.enqueue_dma source(%dma_start3A_39 : memref<80xi32, #tpu.memory_space<hbm>>) target(%arg7 : memref<80xi32, #tpu.memory_space<vmem>>) target_semaphore(%run_scoped3A : memref<!tpu.dma_semaphore, #tpu.memory_space<semaphore_mem>>)
        %dma_wait3A_40 = tpu.memref_slice %arg4[%add3A_33] : memref<320000xi32, #tpu.memory_space<hbm>> -> memref<80xi32, #tpu.memory_space<hbm>>
        %dma_wait3A_41 = tpu.memref_slice %arg4[%add3A_33] : memref<320000xi32, #tpu.memory_space<hbm>> -> memref<80xi32, #tpu.memory_space<hbm>>
        tpu.wait_dma2 semaphore(%run_scoped3A : memref<!tpu.dma_semaphore, #tpu.memory_space<semaphore_mem>>) src(%dma_wait3A_41 : memref<80xi32, #tpu.memory_space<hbm>>) dst(%arg7 : memref<80xi32, #tpu.memory_space<vmem>>)
        tpu.yield
      }) : () -> ()
      %dma_start3A = arith.constant 0 : i32
      %dma_start3A_34 = arith.constant 0 : i32
      %dma_start3A_35 = tpu.memref_slice %arg2[%dma_start3A, %dma_start3A_34] : memref<10000x128xf32, #tpu.memory_space<hbm>> -> memref<10000x128xf32, #tpu.memory_space<hbm>>
      tpu.enqueue_indirect_dma source(%dma_start3A_35 : memref<10000x128xf32, #tpu.memory_space<hbm>>) target(%arg8 : memref<80x128xf32, #tpu.memory_space<vmem>>) offsets(%arg6 : memref<80xi32, #tpu.memory_space<vmem>>) semaphore(%arg12 : memref<!tpu.dma_semaphore, #tpu.memory_space<semaphore_mem>>)
      %dma_wait3A = arith.constant 0 : i32
      %dma_wait3A_36 = arith.constant 0 : i32
      %dma_wait3A_37 = tpu.memref_slice %arg2[%dma_wait3A, %dma_wait3A_36] : memref<10000x128xf32, #tpu.memory_space<hbm>> -> memref<10000x128xf32, #tpu.memory_space<hbm>>
      tpu.wait_indirect_dma semaphore(%arg12 : memref<!tpu.dma_semaphore, #tpu.memory_space<semaphore_mem>>) src(%dma_wait3A_37 : memref<10000x128xf32, #tpu.memory_space<hbm>>) dst(%arg8 : memref<80x128xf32, #tpu.memory_space<vmem>>)
      "tpu.region"() ({
        %run_scoped3A = tpu.sem_alloc : memref<!tpu.dma_semaphore, #tpu.memory_space<semaphore_mem>>
        %dma_start3A_38 = arith.constant 0 : i32
        %dma_start3A_39 = arith.constant 0 : i32
        %dma_start3A_40 = tpu.memref_slice %arg11[%dma_start3A_38, %dma_start3A_39] : memref<10240x128xf32, #tpu.memory_space<vmem_shared>> -> memref<10240x128xf32, #tpu.memory_space<vmem_shared>>
        tpu.enqueue_indirect_dma source(%arg8 : memref<80x128xf32, #tpu.memory_space<vmem>>) target(%dma_start3A_40 : memref<10240x128xf32, #tpu.memory_space<vmem_shared>>) offsets(%arg7 : memref<80xi32, #tpu.memory_space<vmem>>) semaphore(%run_scoped3A : memref<!tpu.dma_semaphore, #tpu.memory_space<semaphore_mem>>) {add = true}
        %dma_wait3A_41 = arith.constant 0 : i32
        %dma_wait3A_42 = arith.constant 0 : i32
        %dma_wait3A_43 = tpu.memref_slice %arg11[%dma_wait3A_41, %dma_wait3A_42] : memref<10240x128xf32, #tpu.memory_space<vmem_shared>> -> memref<10240x128xf32, #tpu.memory_space<vmem_shared>>
        tpu.wait_indirect_dma semaphore(%run_scoped3A : memref<!tpu.dma_semaphore, #tpu.memory_space<semaphore_mem>>) src(%arg8 : memref<80x128xf32, #tpu.memory_space<vmem>>) dst(%dma_wait3A_43 : memref<10240x128xf32, #tpu.memory_space<vmem_shared>>)
        tpu.yield
      }) : () -> ()
    }
    %scan3A_16 = arith.constant 125 : i32
    %barrier3A_17 = arith.constant 0 : index
    tpu.barrier barrier_id(%barrier3A_17)
    %scan3A_18 = arith.constant 0 : i32
    %scan3A_19 = arith.constant 5 : i32
    %scan3A_20 = arith.addi %scan3A_18, %scan3A_19 : i32
    %scan3A_21 = arith.constant 1 : i32
    scf.for %scan3A_23 = %scan3A_18 to %scan3A_20 step %scan3A_21  : i32 {
      %mul3A_24 = arith.constant 1 : i32
      %mul3A_25 = arith.muli %scan3A_23, %mul3A_24 : i32
      %add3A_26 = arith.constant 0 : i32
      %add3A_27 = arith.addi %add3A_26, %mul3A_25 : i32
      %mul3A_28 = arith.constant 640 : i32
      %mul3A_29 = arith.muli %arg1, %mul3A_28 : i32
      %mul3A_30 = arith.constant 128 : i32
      %mul3A_31 = arith.muli %add3A_27, %mul3A_30 : i32
      %add3A_32 = arith.addi %mul3A_29, %mul3A_31 : i32
      %add3A_33 = arith.constant 0 : i32
      %add3A_34 = arith.addi %add3A_32, %add3A_33 : i32
      %add3A_35 = vector.broadcast %add3A_34 : i32 to vector<16xi32>
      %add3A_36 = arith.addi %add3A_35, %iota3A : vector<16xi32>
      %swap3A = arith.constant 0 : index
      %swap3A_37 = tpu.vector_load %arg9[%swap3A] {strides = array<i32>} : memref<128xi32, #tpu.memory_space<vmem>>, vector<16xi32>,
      %swap3A_38 = vector.shape_cast %swap3A_37 : vector<16xi32> to vector<16xi32>
      %swap3A_39 = vector.shape_cast %add3A_36 : vector<16xi32> to vector<16xi32>
      tpu.vector_store %arg9[%swap3A], %swap3A_39 {strides = array<i32>} : memref<128xi32, #tpu.memory_space<vmem>>, vector<16xi32>,
      %add3A_40 = arith.constant 16 : i32
      %add3A_41 = arith.addi %add3A_32, %add3A_40 : i32
      %add3A_42 = vector.broadcast %add3A_41 : i32 to vector<16xi32>
      %add3A_43 = arith.addi %add3A_42, %iota3A : vector<16xi32>
      %swap3A_44 = arith.constant 16 : index
      %swap3A_45 = tpu.vector_load %arg9[%swap3A_44] {strides = array<i32>} : memref<128xi32, #tpu.memory_space<vmem>>, vector<16xi32>,
      %swap3A_46 = vector.shape_cast %swap3A_45 : vector<16xi32> to vector<16xi32>
      %swap3A_47 = vector.shape_cast %add3A_43 : vector<16xi32> to vector<16xi32>
      tpu.vector_store %arg9[%swap3A_44], %swap3A_47 {strides = array<i32>} : memref<128xi32, #tpu.memory_space<vmem>>, vector<16xi32>,
      %add3A_48 = arith.constant 32 : i32
      %add3A_49 = arith.addi %add3A_32, %add3A_48 : i32
      %add3A_50 = vector.broadcast %add3A_49 : i32 to vector<16xi32>
      %add3A_51 = arith.addi %add3A_50, %iota3A : vector<16xi32>
      %swap3A_52 = arith.constant 32 : index
      %swap3A_53 = tpu.vector_load %arg9[%swap3A_52] {strides = array<i32>} : memref<128xi32, #tpu.memory_space<vmem>>, vector<16xi32>,
      %swap3A_54 = vector.shape_cast %swap3A_53 : vector<16xi32> to vector<16xi32>
      %swap3A_55 = vector.shape_cast %add3A_51 : vector<16xi32> to vector<16xi32>
      tpu.vector_store %arg9[%swap3A_52], %swap3A_55 {strides = array<i32>} : memref<128xi32, #tpu.memory_space<vmem>>, vector<16xi32>,
      %add3A_56 = arith.constant 48 : i32
      %add3A_57 = arith.addi %add3A_32, %add3A_56 : i32
      %add3A_58 = vector.broadcast %add3A_57 : i32 to vector<16xi32>
      %add3A_59 = arith.addi %add3A_58, %iota3A : vector<16xi32>
      %swap3A_60 = arith.constant 48 : index
      %swap3A_61 = tpu.vector_load %arg9[%swap3A_60] {strides = array<i32>} : memref<128xi32, #tpu.memory_space<vmem>>, vector<16xi32>,
      %swap3A_62 = vector.shape_cast %swap3A_61 : vector<16xi32> to vector<16xi32>
      %swap3A_63 = vector.shape_cast %add3A_59 : vector<16xi32> to vector<16xi32>
      tpu.vector_store %arg9[%swap3A_60], %swap3A_63 {strides = array<i32>} : memref<128xi32, #tpu.memory_space<vmem>>, vector<16xi32>,
      %add3A_64 = arith.constant 64 : i32
      %add3A_65 = arith.addi %add3A_32, %add3A_64 : i32
      %add3A_66 = vector.broadcast %add3A_65 : i32 to vector<16xi32>
      %add3A_67 = arith.addi %add3A_66, %iota3A : vector<16xi32>
      %swap3A_68 = arith.constant 64 : index
      %swap3A_69 = tpu.vector_load %arg9[%swap3A_68] {strides = array<i32>} : memref<128xi32, #tpu.memory_space<vmem>>, vector<16xi32>,
      %swap3A_70 = vector.shape_cast %swap3A_69 : vector<16xi32> to vector<16xi32>
      %swap3A_71 = vector.shape_cast %add3A_67 : vector<16xi32> to vector<16xi32>
      tpu.vector_store %arg9[%swap3A_68], %swap3A_71 {strides = array<i32>} : memref<128xi32, #tpu.memory_space<vmem>>, vector<16xi32>,
      %add3A_72 = arith.constant 80 : i32
      %add3A_73 = arith.addi %add3A_32, %add3A_72 : i32
      %add3A_74 = vector.broadcast %add3A_73 : i32 to vector<16xi32>
      %add3A_75 = arith.addi %add3A_74, %iota3A : vector<16xi32>
      %swap3A_76 = arith.constant 80 : index
      %swap3A_77 = tpu.vector_load %arg9[%swap3A_76] {strides = array<i32>} : memref<128xi32, #tpu.memory_space<vmem>>, vector<16xi32>,
      %swap3A_78 = vector.shape_cast %swap3A_77 : vector<16xi32> to vector<16xi32>
      %swap3A_79 = vector.shape_cast %add3A_75 : vector<16xi32> to vector<16xi32>
      tpu.vector_store %arg9[%swap3A_76], %swap3A_79 {strides = array<i32>} : memref<128xi32, #tpu.memory_space<vmem>>, vector<16xi32>,
      %add3A_80 = arith.constant 96 : i32
      %add3A_81 = arith.addi %add3A_32, %add3A_80 : i32
      %add3A_82 = vector.broadcast %add3A_81 : i32 to vector<16xi32>
      %add3A_83 = arith.addi %add3A_82, %iota3A : vector<16xi32>
      %swap3A_84 = arith.constant 96 : index
      %swap3A_85 = tpu.vector_load %arg9[%swap3A_84] {strides = array<i32>} : memref<128xi32, #tpu.memory_space<vmem>>, vector<16xi32>,
      %swap3A_86 = vector.shape_cast %swap3A_85 : vector<16xi32> to vector<16xi32>
      %swap3A_87 = vector.shape_cast %add3A_83 : vector<16xi32> to vector<16xi32>
      tpu.vector_store %arg9[%swap3A_84], %swap3A_87 {strides = array<i32>} : memref<128xi32, #tpu.memory_space<vmem>>, vector<16xi32>,
      %add3A_88 = arith.constant 112 : i32
      %add3A_89 = arith.addi %add3A_32, %add3A_88 : i32
      %add3A_90 = vector.broadcast %add3A_89 : i32 to vector<16xi32>
      %add3A_91 = arith.addi %add3A_90, %iota3A : vector<16xi32>
      %swap3A_92 = arith.constant 112 : index
      %swap3A_93 = tpu.vector_load %arg9[%swap3A_92] {strides = array<i32>} : memref<128xi32, #tpu.memory_space<vmem>>, vector<16xi32>,
      %swap3A_94 = vector.shape_cast %swap3A_93 : vector<16xi32> to vector<16xi32>
      %swap3A_95 = vector.shape_cast %add3A_91 : vector<16xi32> to vector<16xi32>
      tpu.vector_store %arg9[%swap3A_92], %swap3A_95 {strides = array<i32>} : memref<128xi32, #tpu.memory_space<vmem>>, vector<16xi32>,
      "tpu.region"() ({
        %run_scoped3A = tpu.sem_alloc : memref<!tpu.dma_semaphore, #tpu.memory_space<semaphore_mem>>
        %dma_start3A = arith.constant 0 : i32
        %dma_start3A_96 = arith.constant 0 : i32
        %dma_start3A_97 = tpu.memref_slice %arg11[%dma_start3A, %dma_start3A_96] : memref<10240x128xf32, #tpu.memory_space<vmem_shared>> -> memref<10240x128xf32, #tpu.memory_space<vmem_shared>>
        tpu.enqueue_indirect_dma source(%dma_start3A_97 : memref<10240x128xf32, #tpu.memory_space<vmem_shared>>) target(%arg10 : memref<128x128xf32, #tpu.memory_space<vmem>>) offsets(%arg9 : memref<128xi32, #tpu.memory_space<vmem>>) semaphore(%run_scoped3A : memref<!tpu.dma_semaphore, #tpu.memory_space<semaphore_mem>>)
        %dma_wait3A = arith.constant 0 : i32
        %dma_wait3A_98 = arith.constant 0 : i32
        %dma_wait3A_99 = tpu.memref_slice %arg11[%dma_wait3A, %dma_wait3A_98] : memref<10240x128xf32, #tpu.memory_space<vmem_shared>> -> memref<10240x128xf32, #tpu.memory_space<vmem_shared>>
        tpu.wait_indirect_dma semaphore(%run_scoped3A : memref<!tpu.dma_semaphore, #tpu.memory_space<semaphore_mem>>) src(%dma_wait3A_99 : memref<10240x128xf32, #tpu.memory_space<vmem_shared>>) dst(%arg10 : memref<128x128xf32, #tpu.memory_space<vmem>>)
        tpu.yield
      }) : () -> ()
      "tpu.region"() ({
        %run_scoped3A = tpu.sem_alloc : memref<!tpu.dma_semaphore, #tpu.memory_space<semaphore_mem>>
        %dma_start3A = arith.constant 0 : i32
        %dma_start3A_96 = tpu.memref_slice %arg5[%arg0, %add3A_32, %dma_start3A] : memref<2x10240x128xf32, #tpu.memory_space<hbm>> -> memref<1x128x128xf32, #tpu.memory_space<hbm>>
        %dma_start3A_97 = tpu.memref_squeeze %dma_start3A_96 : memref<1x128x128xf32, #tpu.memory_space<hbm>> -> memref<128x128xf32, #tpu.memory_space<hbm>>
        %dma_start3A_98 = arith.constant 0 : i32
        %dma_start3A_99 = tpu.memref_slice %arg5[%arg0, %add3A_32, %dma_start3A_98] : memref<2x10240x128xf32, #tpu.memory_space<hbm>> -> memref<1x128x128xf32, #tpu.memory_space<hbm>>
        %dma_start3A_100 = tpu.memref_squeeze %dma_start3A_99 : memref<1x128x128xf32, #tpu.memory_space<hbm>> -> memref<128x128xf32, #tpu.memory_space<hbm>>
        tpu.enqueue_dma source(%arg10 : memref<128x128xf32, #tpu.memory_space<vmem>>) target(%dma_start3A_100 : memref<128x128xf32, #tpu.memory_space<hbm>>) target_semaphore(%run_scoped3A : memref<!tpu.dma_semaphore, #tpu.memory_space<semaphore_mem>>)
        %dma_wait3A = arith.constant 0 : i32
        %dma_wait3A_101 = tpu.memref_slice %arg5[%arg0, %add3A_32, %dma_wait3A] : memref<2x10240x128xf32, #tpu.memory_space<hbm>> -> memref<1x128x128xf32, #tpu.memory_space<hbm>>
        %dma_wait3A_102 = tpu.memref_squeeze %dma_wait3A_101 : memref<1x128x128xf32, #tpu.memory_space<hbm>> -> memref<128x128xf32, #tpu.memory_space<hbm>>
        %dma_wait3A_103 = arith.constant 0 : i32
        %dma_wait3A_104 = tpu.memref_slice %arg5[%arg0, %add3A_32, %dma_wait3A_103] : memref<2x10240x128xf32, #tpu.memory_space<hbm>> -> memref<1x128x128xf32, #tpu.memory_space<hbm>>
        %dma_wait3A_105 = tpu.memref_squeeze %dma_wait3A_104 : memref<1x128x128xf32, #tpu.memory_space<hbm>> -> memref<128x128xf32, #tpu.memory_space<hbm>>
        tpu.wait_dma2 semaphore(%run_scoped3A : memref<!tpu.dma_semaphore, #tpu.memory_space<semaphore_mem>>) src(%arg10 : memref<128x128xf32, #tpu.memory_space<vmem>>) dst(%dma_wait3A_105 : memref<128x128xf32, #tpu.memory_space<hbm>>)
        tpu.yield
      }) : () -> ()
    }
    %scan3A_22 = arith.constant 5 : i32
    return
  }
}

#map = affine_map<(d0, d1) -> (0, 0)>
#map1 = affine_map<(d0, d1) -> (0)>
#map2 = affine_map<(d0, d1) -> (0, 0, 0)>
module attributes {stable_mosaic.version = 14 : i64} {
  func.func @agg(%arg0: i32, %arg1: i32, %arg2: memref<10000x128xf32, #tpu.memory_space<hbm>>, %arg3: memref<320000xi32, #tpu.memory_space<hbm>>, %arg4: memref<320000xi32, #tpu.memory_space<hbm>>, %arg5: memref<2x10240x128xf32, #tpu.memory_space<hbm>>, %arg6: memref<80xi32, #tpu.memory_space<vmem>>, %arg7: memref<80xi32, #tpu.memory_space<vmem>>, %arg8: memref<80x128xf32, #tpu.memory_space<vmem>>, %arg9: memref<128xi32, #tpu.memory_space<vmem>>, %arg10: memref<128x128xf32, #tpu.memory_space<vmem>>, %arg11: memref<10240x128xf32, #tpu.memory_space<vmem_shared>>, %arg12: memref<!tpu.dma_semaphore, #tpu.memory_space<semaphore_mem>>) attributes {dimension_semantics = [#tpu.dimension_semantics<core_parallel>, #tpu.dimension_semantics<subcore_parallel>], iteration_bounds = array<i64: 2, 16>, scalar_prefetch = 0 : i64, scratch_operands = 7 : i64, tpu.core_type = #tpu.core_type<sc_vector_subcore>, window_params = [{transform_indices = #map}, {transform_indices = #map1}, {transform_indices = #map1}, {transform_indices = #map2}]} {
    %mul3A = arith.constant 2 : i32
    %mul3A_0 = arith.muli %arg1, %mul3A : i32
    %add3A = arith.addi %mul3A_0, %arg0 : i32
    %iota3A = tpu.iota {dimensions = array<i32: 0>} : vector<16xi32>
    %scan3A = arith.constant 0 : i32
    %scan3A_1 = arith.constant 128 : i32
    %scan3A_2 = arith.addi %scan3A, %scan3A_1 : i32
    %scan3A_3 = arith.constant 1 : i32
    scf.for %scan3A_23 = %scan3A to %scan3A_2 step %scan3A_3  : i32 {
      %mul3A_24 = arith.constant 1 : i32
      %mul3A_25 = arith.muli %scan3A_23, %mul3A_24 : i32
      %add3A_26 = arith.constant 0 : i32
      %add3A_27 = arith.addi %add3A_26, %mul3A_25 : i32
      %broadcast_in_dim3A = arith.constant 0.000000e+00 : f32
      %broadcast_in_dim3A_28 = vector.broadcast %broadcast_in_dim3A : f32 to vector<16xf32>
      %swap3A = arith.index_cast %add3A_27 : i32 to index
      %swap3A_29 = arith.constant 0 : index
      %swap3A_30 = tpu.vector_load %arg10[%swap3A, %swap3A_29] {strides = array<i32>} : memref<128x128xf32, #tpu.memory_space<vmem>>, vector<1x16xf32>,
      %swap3A_31 = vector.shape_cast %swap3A_30 : vector<1x16xf32> to vector<16xf32>
      %swap3A_32 = vector.shape_cast %broadcast_in_dim3A_28 : vector<16xf32> to vector<1x16xf32>
      tpu.vector_store %arg10[%swap3A, %swap3A_29], %swap3A_32 {strides = array<i32>} : memref<128x128xf32, #tpu.memory_space<vmem>>, vector<1x16xf32>,
      %broadcast_in_dim3A_33 = arith.constant 0.000000e+00 : f32
      %broadcast_in_dim3A_34 = vector.broadcast %broadcast_in_dim3A_33 : f32 to vector<16xf32>
      %swap3A_35 = arith.index_cast %add3A_27 : i32 to index
      %swap3A_36 = arith.constant 16 : index
      %swap3A_37 = tpu.vector_load %arg10[%swap3A_35, %swap3A_36] {strides = array<i32>} : memref<128x128xf32, #tpu.memory_space<vmem>>, vector<1x16xf32>,
      %swap3A_38 = vector.shape_cast %swap3A_37 : vector<1x16xf32> to vector<16xf32>
      %swap3A_39 = vector.shape_cast %broadcast_in_dim3A_34 : vector<16xf32> to vector<1x16xf32>
      tpu.vector_store %arg10[%swap3A_35, %swap3A_36], %swap3A_39 {strides = array<i32>} : memref<128x128xf32, #tpu.memory_space<vmem>>, vector<1x16xf32>,
      %broadcast_in_dim3A_40 = arith.constant 0.000000e+00 : f32
      %broadcast_in_dim3A_41 = vector.broadcast %broadcast_in_dim3A_40 : f32 to vector<16xf32>
      %swap3A_42 = arith.index_cast %add3A_27 : i32 to index
      %swap3A_43 = arith.constant 32 : index
      %swap3A_44 = tpu.vector_load %arg10[%swap3A_42, %swap3A_43] {strides = array<i32>} : memref<128x128xf32, #tpu.memory_space<vmem>>, vector<1x16xf32>,
      %swap3A_45 = vector.shape_cast %swap3A_44 : vector<1x16xf32> to vector<16xf32>
      %swap3A_46 = vector.shape_cast %broadcast_in_dim3A_41 : vector<16xf32> to vector<1x16xf32>
      tpu.vector_store %arg10[%swap3A_42, %swap3A_43], %swap3A_46 {strides = array<i32>} : memref<128x128xf32, #tpu.memory_space<vmem>>, vector<1x16xf32>,
      %broadcast_in_dim3A_47 = arith.constant 0.000000e+00 : f32
      %broadcast_in_dim3A_48 = vector.broadcast %broadcast_in_dim3A_47 : f32 to vector<16xf32>
      %swap3A_49 = arith.index_cast %add3A_27 : i32 to index
      %swap3A_50 = arith.constant 48 : index
      %swap3A_51 = tpu.vector_load %arg10[%swap3A_49, %swap3A_50] {strides = array<i32>} : memref<128x128xf32, #tpu.memory_space<vmem>>, vector<1x16xf32>,
      %swap3A_52 = vector.shape_cast %swap3A_51 : vector<1x16xf32> to vector<16xf32>
      %swap3A_53 = vector.shape_cast %broadcast_in_dim3A_48 : vector<16xf32> to vector<1x16xf32>
      tpu.vector_store %arg10[%swap3A_49, %swap3A_50], %swap3A_53 {strides = array<i32>} : memref<128x128xf32, #tpu.memory_space<vmem>>, vector<1x16xf32>,
      %broadcast_in_dim3A_54 = arith.constant 0.000000e+00 : f32
      %broadcast_in_dim3A_55 = vector.broadcast %broadcast_in_dim3A_54 : f32 to vector<16xf32>
      %swap3A_56 = arith.index_cast %add3A_27 : i32 to index
      %swap3A_57 = arith.constant 64 : index
      %swap3A_58 = tpu.vector_load %arg10[%swap3A_56, %swap3A_57] {strides = array<i32>} : memref<128x128xf32, #tpu.memory_space<vmem>>, vector<1x16xf32>,
      %swap3A_59 = vector.shape_cast %swap3A_58 : vector<1x16xf32> to vector<16xf32>
      %swap3A_60 = vector.shape_cast %broadcast_in_dim3A_55 : vector<16xf32> to vector<1x16xf32>
      tpu.vector_store %arg10[%swap3A_56, %swap3A_57], %swap3A_60 {strides = array<i32>} : memref<128x128xf32, #tpu.memory_space<vmem>>, vector<1x16xf32>,
      %broadcast_in_dim3A_61 = arith.constant 0.000000e+00 : f32
      %broadcast_in_dim3A_62 = vector.broadcast %broadcast_in_dim3A_61 : f32 to vector<16xf32>
      %swap3A_63 = arith.index_cast %add3A_27 : i32 to index
      %swap3A_64 = arith.constant 80 : index
      %swap3A_65 = tpu.vector_load %arg10[%swap3A_63, %swap3A_64] {strides = array<i32>} : memref<128x128xf32, #tpu.memory_space<vmem>>, vector<1x16xf32>,
      %swap3A_66 = vector.shape_cast %swap3A_65 : vector<1x16xf32> to vector<16xf32>
      %swap3A_67 = vector.shape_cast %broadcast_in_dim3A_62 : vector<16xf32> to vector<1x16xf32>
      tpu.vector_store %arg10[%swap3A_63, %swap3A_64], %swap3A_67 {strides = array<i32>} : memref<128x128xf32, #tpu.memory_space<vmem>>, vector<1x16xf32>,
      %broadcast_in_dim3A_68 = arith.constant 0.000000e+00 : f32
      %broadcast_in_dim3A_69 = vector.broadcast %broadcast_in_dim3A_68 : f32 to vector<16xf32>
      %swap3A_70 = arith.index_cast %add3A_27 : i32 to index
      %swap3A_71 = arith.constant 96 : index
      %swap3A_72 = tpu.vector_load %arg10[%swap3A_70, %swap3A_71] {strides = array<i32>} : memref<128x128xf32, #tpu.memory_space<vmem>>, vector<1x16xf32>,
      %swap3A_73 = vector.shape_cast %swap3A_72 : vector<1x16xf32> to vector<16xf32>
      %swap3A_74 = vector.shape_cast %broadcast_in_dim3A_69 : vector<16xf32> to vector<1x16xf32>
      tpu.vector_store %arg10[%swap3A_70, %swap3A_71], %swap3A_74 {strides = array<i32>} : memref<128x128xf32, #tpu.memory_space<vmem>>, vector<1x16xf32>,
      %broadcast_in_dim3A_75 = arith.constant 0.000000e+00 : f32
      %broadcast_in_dim3A_76 = vector.broadcast %broadcast_in_dim3A_75 : f32 to vector<16xf32>
      %swap3A_77 = arith.index_cast %add3A_27 : i32 to index
      %swap3A_78 = arith.constant 112 : index
      %swap3A_79 = tpu.vector_load %arg10[%swap3A_77, %swap3A_78] {strides = array<i32>} : memref<128x128xf32, #tpu.memory_space<vmem>>, vector<1x16xf32>,
      %swap3A_80 = vector.shape_cast %swap3A_79 : vector<1x16xf32> to vector<16xf32>
      %swap3A_81 = vector.shape_cast %broadcast_in_dim3A_76 : vector<16xf32> to vector<1x16xf32>
      tpu.vector_store %arg10[%swap3A_77, %swap3A_78], %swap3A_81 {strides = array<i32>} : memref<128x128xf32, #tpu.memory_space<vmem>>, vector<1x16xf32>,
    }
    %scan3A_4 = arith.constant 128 : i32
    %scan3A_5 = arith.constant 0 : i32
    %scan3A_6 = arith.constant 5 : i32
    %scan3A_7 = arith.addi %scan3A_5, %scan3A_6 : i32
    %scan3A_8 = arith.constant 1 : i32
    scf.for %scan3A_23 = %scan3A_5 to %scan3A_7 step %scan3A_8  : i32 {
      %mul3A_24 = arith.constant 1 : i32
      %mul3A_25 = arith.muli %scan3A_23, %mul3A_24 : i32
      %add3A_26 = arith.constant 0 : i32
      %add3A_27 = arith.addi %add3A_26, %mul3A_25 : i32
      %mul3A_28 = arith.constant 640 : i32
      %mul3A_29 = arith.muli %arg1, %mul3A_28 : i32
      %mul3A_30 = arith.constant 128 : i32
      %mul3A_31 = arith.muli %add3A_27, %mul3A_30 : i32
      %add3A_32 = arith.addi %mul3A_29, %mul3A_31 : i32
      %add3A_33 = arith.constant 0 : i32
      %add3A_34 = arith.addi %add3A_32, %add3A_33 : i32
      %add3A_35 = vector.broadcast %add3A_34 : i32 to vector<16xi32>
      %add3A_36 = arith.addi %add3A_35, %iota3A : vector<16xi32>
      %swap3A = arith.constant 0 : index
      %swap3A_37 = tpu.vector_load %arg9[%swap3A] {strides = array<i32>} : memref<128xi32, #tpu.memory_space<vmem>>, vector<16xi32>,
      %swap3A_38 = vector.shape_cast %swap3A_37 : vector<16xi32> to vector<16xi32>
      %swap3A_39 = vector.shape_cast %add3A_36 : vector<16xi32> to vector<16xi32>
      tpu.vector_store %arg9[%swap3A], %swap3A_39 {strides = array<i32>} : memref<128xi32, #tpu.memory_space<vmem>>, vector<16xi32>,
      %add3A_40 = arith.constant 16 : i32
      %add3A_41 = arith.addi %add3A_32, %add3A_40 : i32
      %add3A_42 = vector.broadcast %add3A_41 : i32 to vector<16xi32>
      %add3A_43 = arith.addi %add3A_42, %iota3A : vector<16xi32>
      %swap3A_44 = arith.constant 16 : index
      %swap3A_45 = tpu.vector_load %arg9[%swap3A_44] {strides = array<i32>} : memref<128xi32, #tpu.memory_space<vmem>>, vector<16xi32>,
      %swap3A_46 = vector.shape_cast %swap3A_45 : vector<16xi32> to vector<16xi32>
      %swap3A_47 = vector.shape_cast %add3A_43 : vector<16xi32> to vector<16xi32>
      tpu.vector_store %arg9[%swap3A_44], %swap3A_47 {strides = array<i32>} : memref<128xi32, #tpu.memory_space<vmem>>, vector<16xi32>,
      %add3A_48 = arith.constant 32 : i32
      %add3A_49 = arith.addi %add3A_32, %add3A_48 : i32
      %add3A_50 = vector.broadcast %add3A_49 : i32 to vector<16xi32>
      %add3A_51 = arith.addi %add3A_50, %iota3A : vector<16xi32>
      %swap3A_52 = arith.constant 32 : index
      %swap3A_53 = tpu.vector_load %arg9[%swap3A_52] {strides = array<i32>} : memref<128xi32, #tpu.memory_space<vmem>>, vector<16xi32>,
      %swap3A_54 = vector.shape_cast %swap3A_53 : vector<16xi32> to vector<16xi32>
      %swap3A_55 = vector.shape_cast %add3A_51 : vector<16xi32> to vector<16xi32>
      tpu.vector_store %arg9[%swap3A_52], %swap3A_55 {strides = array<i32>} : memref<128xi32, #tpu.memory_space<vmem>>, vector<16xi32>,
      %add3A_56 = arith.constant 48 : i32
      %add3A_57 = arith.addi %add3A_32, %add3A_56 : i32
      %add3A_58 = vector.broadcast %add3A_57 : i32 to vector<16xi32>
      %add3A_59 = arith.addi %add3A_58, %iota3A : vector<16xi32>
      %swap3A_60 = arith.constant 48 : index
      %swap3A_61 = tpu.vector_load %arg9[%swap3A_60] {strides = array<i32>} : memref<128xi32, #tpu.memory_space<vmem>>, vector<16xi32>,
      %swap3A_62 = vector.shape_cast %swap3A_61 : vector<16xi32> to vector<16xi32>
      %swap3A_63 = vector.shape_cast %add3A_59 : vector<16xi32> to vector<16xi32>
      tpu.vector_store %arg9[%swap3A_60], %swap3A_63 {strides = array<i32>} : memref<128xi32, #tpu.memory_space<vmem>>, vector<16xi32>,
      %add3A_64 = arith.constant 64 : i32
      %add3A_65 = arith.addi %add3A_32, %add3A_64 : i32
      %add3A_66 = vector.broadcast %add3A_65 : i32 to vector<16xi32>
      %add3A_67 = arith.addi %add3A_66, %iota3A : vector<16xi32>
      %swap3A_68 = arith.constant 64 : index
      %swap3A_69 = tpu.vector_load %arg9[%swap3A_68] {strides = array<i32>} : memref<128xi32, #tpu.memory_space<vmem>>, vector<16xi32>,
      %swap3A_70 = vector.shape_cast %swap3A_69 : vector<16xi32> to vector<16xi32>
      %swap3A_71 = vector.shape_cast %add3A_67 : vector<16xi32> to vector<16xi32>
      tpu.vector_store %arg9[%swap3A_68], %swap3A_71 {strides = array<i32>} : memref<128xi32, #tpu.memory_space<vmem>>, vector<16xi32>,
      %add3A_72 = arith.constant 80 : i32
      %add3A_73 = arith.addi %add3A_32, %add3A_72 : i32
      %add3A_74 = vector.broadcast %add3A_73 : i32 to vector<16xi32>
      %add3A_75 = arith.addi %add3A_74, %iota3A : vector<16xi32>
      %swap3A_76 = arith.constant 80 : index
      %swap3A_77 = tpu.vector_load %arg9[%swap3A_76] {strides = array<i32>} : memref<128xi32, #tpu.memory_space<vmem>>, vector<16xi32>,
      %swap3A_78 = vector.shape_cast %swap3A_77 : vector<16xi32> to vector<16xi32>
      %swap3A_79 = vector.shape_cast %add3A_75 : vector<16xi32> to vector<16xi32>
      tpu.vector_store %arg9[%swap3A_76], %swap3A_79 {strides = array<i32>} : memref<128xi32, #tpu.memory_space<vmem>>, vector<16xi32>,
      %add3A_80 = arith.constant 96 : i32
      %add3A_81 = arith.addi %add3A_32, %add3A_80 : i32
      %add3A_82 = vector.broadcast %add3A_81 : i32 to vector<16xi32>
      %add3A_83 = arith.addi %add3A_82, %iota3A : vector<16xi32>
      %swap3A_84 = arith.constant 96 : index
      %swap3A_85 = tpu.vector_load %arg9[%swap3A_84] {strides = array<i32>} : memref<128xi32, #tpu.memory_space<vmem>>, vector<16xi32>,
      %swap3A_86 = vector.shape_cast %swap3A_85 : vector<16xi32> to vector<16xi32>
      %swap3A_87 = vector.shape_cast %add3A_83 : vector<16xi32> to vector<16xi32>
      tpu.vector_store %arg9[%swap3A_84], %swap3A_87 {strides = array<i32>} : memref<128xi32, #tpu.memory_space<vmem>>, vector<16xi32>,
      %add3A_88 = arith.constant 112 : i32
      %add3A_89 = arith.addi %add3A_32, %add3A_88 : i32
      %add3A_90 = vector.broadcast %add3A_89 : i32 to vector<16xi32>
      %add3A_91 = arith.addi %add3A_90, %iota3A : vector<16xi32>
      %swap3A_92 = arith.constant 112 : index
      %swap3A_93 = tpu.vector_load %arg9[%swap3A_92] {strides = array<i32>} : memref<128xi32, #tpu.memory_space<vmem>>, vector<16xi32>,
      %swap3A_94 = vector.shape_cast %swap3A_93 : vector<16xi32> to vector<16xi32>
      %swap3A_95 = vector.shape_cast %add3A_91 : vector<16xi32> to vector<16xi32>
      tpu.vector_store %arg9[%swap3A_92], %swap3A_95 {strides = array<i32>} : memref<128xi32, #tpu.memory_space<vmem>>, vector<16xi32>,
      "tpu.region"() ({
        %run_scoped3A = tpu.sem_alloc : memref<!tpu.dma_semaphore, #tpu.memory_space<semaphore_mem>>
        %dma_start3A = arith.constant 0 : i32
        %dma_start3A_96 = arith.constant 0 : i32
        %dma_start3A_97 = tpu.memref_slice %arg11[%dma_start3A, %dma_start3A_96] : memref<10240x128xf32, #tpu.memory_space<vmem_shared>> -> memref<10240x128xf32, #tpu.memory_space<vmem_shared>>
        tpu.enqueue_indirect_dma source(%arg10 : memref<128x128xf32, #tpu.memory_space<vmem>>) target(%dma_start3A_97 : memref<10240x128xf32, #tpu.memory_space<vmem_shared>>) offsets(%arg9 : memref<128xi32, #tpu.memory_space<vmem>>) semaphore(%run_scoped3A : memref<!tpu.dma_semaphore, #tpu.memory_space<semaphore_mem>>)
        %dma_wait3A = arith.constant 0 : i32
        %dma_wait3A_98 = arith.constant 0 : i32
        %dma_wait3A_99 = tpu.memref_slice %arg11[%dma_wait3A, %dma_wait3A_98] : memref<10240x128xf32, #tpu.memory_space<vmem_shared>> -> memref<10240x128xf32, #tpu.memory_space<vmem_shared>>
        tpu.wait_indirect_dma semaphore(%run_scoped3A : memref<!tpu.dma_semaphore, #tpu.memory_space<semaphore_mem>>) src(%arg10 : memref<128x128xf32, #tpu.memory_space<vmem>>) dst(%dma_wait3A_99 : memref<10240x128xf32, #tpu.memory_space<vmem_shared>>)
        tpu.yield
      }) : () -> ()
    }
    %scan3A_9 = arith.constant 5 : i32
    %barrier3A = arith.constant 0 : index
    tpu.barrier barrier_id(%barrier3A)
    %mul3A_10 = arith.constant 10000 : i32
    %mul3A_11 = arith.muli %add3A, %mul3A_10 : i32
    %scan3A_12 = arith.constant 0 : i32
    %scan3A_13 = arith.constant 125 : i32
    %scan3A_14 = arith.addi %scan3A_12, %scan3A_13 : i32
    %scan3A_15 = arith.constant 1 : i32
    scf.for %scan3A_23 = %scan3A_12 to %scan3A_14 step %scan3A_15  : i32 {
      %mul3A_24 = arith.constant 1 : i32
      %mul3A_25 = arith.muli %scan3A_23, %mul3A_24 : i32
      %add3A_26 = arith.constant 0 : i32
      %add3A_27 = arith.addi %add3A_26, %mul3A_25 : i32
      %mul3A_28 = arith.constant 80 : i32
      %mul3A_29 = arith.muli %add3A_27, %mul3A_28 : i32
      %add3A_30 = arith.addi %mul3A_11, %mul3A_29 : i32
      "tpu.region"() ({
        %run_scoped3A = tpu.sem_alloc : memref<!tpu.dma_semaphore, #tpu.memory_space<semaphore_mem>>
        %dma_start3A_38 = tpu.memref_slice %arg3[%add3A_30] : memref<320000xi32, #tpu.memory_space<hbm>> -> memref<80xi32, #tpu.memory_space<hbm>>
        %dma_start3A_39 = tpu.memref_slice %arg3[%add3A_30] : memref<320000xi32, #tpu.memory_space<hbm>> -> memref<80xi32, #tpu.memory_space<hbm>>
        tpu.enqueue_dma source(%dma_start3A_39 : memref<80xi32, #tpu.memory_space<hbm>>) target(%arg6 : memref<80xi32, #tpu.memory_space<vmem>>) target_semaphore(%run_scoped3A : memref<!tpu.dma_semaphore, #tpu.memory_space<semaphore_mem>>)
        %dma_wait3A_40 = tpu.memref_slice %arg3[%add3A_30] : memref<320000xi32, #tpu.memory_space<hbm>> -> memref<80xi32, #tpu.memory_space<hbm>>
        %dma_wait3A_41 = tpu.memref_slice %arg3[%add3A_30] : memref<320000xi32, #tpu.memory_space<hbm>> -> memref<80xi32, #tpu.memory_space<hbm>>
        tpu.wait_dma2 semaphore(%run_scoped3A : memref<!tpu.dma_semaphore, #tpu.memory_space<semaphore_mem>>) src(%dma_wait3A_41 : memref<80xi32, #tpu.memory_space<hbm>>) dst(%arg6 : memref<80xi32, #tpu.memory_space<vmem>>)
        tpu.yield
      }) : () -> ()
      %mul3A_31 = arith.constant 80 : i32
      %mul3A_32 = arith.muli %add3A_27, %mul3A_31 : i32
      %add3A_33 = arith.addi %mul3A_11, %mul3A_32 : i32
      "tpu.region"() ({
        %run_scoped3A = tpu.sem_alloc : memref<!tpu.dma_semaphore, #tpu.memory_space<semaphore_mem>>
        %dma_start3A_38 = tpu.memref_slice %arg4[%add3A_33] : memref<320000xi32, #tpu.memory_space<hbm>> -> memref<80xi32, #tpu.memory_space<hbm>>
        %dma_start3A_39 = tpu.memref_slice %arg4[%add3A_33] : memref<320000xi32, #tpu.memory_space<hbm>> -> memref<80xi32, #tpu.memory_space<hbm>>
        tpu.enqueue_dma source(%dma_start3A_39 : memref<80xi32, #tpu.memory_space<hbm>>) target(%arg7 : memref<80xi32, #tpu.memory_space<vmem>>) target_semaphore(%run_scoped3A : memref<!tpu.dma_semaphore, #tpu.memory_space<semaphore_mem>>)
        %dma_wait3A_40 = tpu.memref_slice %arg4[%add3A_33] : memref<320000xi32, #tpu.memory_space<hbm>> -> memref<80xi32, #tpu.memory_space<hbm>>
        %dma_wait3A_41 = tpu.memref_slice %arg4[%add3A_33] : memref<320000xi32, #tpu.memory_space<hbm>> -> memref<80xi32, #tpu.memory_space<hbm>>
        tpu.wait_dma2 semaphore(%run_scoped3A : memref<!tpu.dma_semaphore, #tpu.memory_space<semaphore_mem>>) src(%dma_wait3A_41 : memref<80xi32, #tpu.memory_space<hbm>>) dst(%arg7 : memref<80xi32, #tpu.memory_space<vmem>>)
        tpu.yield
      }) : () -> ()
      %dma_start3A = arith.constant 0 : i32
      %dma_start3A_34 = arith.constant 0 : i32
      %dma_start3A_35 = tpu.memref_slice %arg2[%dma_start3A, %dma_start3A_34] : memref<10000x128xf32, #tpu.memory_space<hbm>> -> memref<10000x128xf32, #tpu.memory_space<hbm>>
      tpu.enqueue_indirect_dma source(%dma_start3A_35 : memref<10000x128xf32, #tpu.memory_space<hbm>>) target(%arg8 : memref<80x128xf32, #tpu.memory_space<vmem>>) offsets(%arg6 : memref<80xi32, #tpu.memory_space<vmem>>) semaphore(%arg12 : memref<!tpu.dma_semaphore, #tpu.memory_space<semaphore_mem>>)
      %dma_wait3A = arith.constant 0 : i32
      %dma_wait3A_36 = arith.constant 0 : i32
      %dma_wait3A_37 = tpu.memref_slice %arg2[%dma_wait3A, %dma_wait3A_36] : memref<10000x128xf32, #tpu.memory_space<hbm>> -> memref<10000x128xf32, #tpu.memory_space<hbm>>
      tpu.wait_indirect_dma semaphore(%arg12 : memref<!tpu.dma_semaphore, #tpu.memory_space<semaphore_mem>>) src(%dma_wait3A_37 : memref<10000x128xf32, #tpu.memory_space<hbm>>) dst(%arg8 : memref<80x128xf32, #tpu.memory_space<vmem>>)
      "tpu.region"() ({
        %run_scoped3A = tpu.sem_alloc : memref<!tpu.dma_semaphore, #tpu.memory_space<semaphore_mem>>
        %dma_start3A_38 = arith.constant 0 : i32
        %dma_start3A_39 = arith.constant 0 : i32
        %dma_start3A_40 = tpu.memref_slice %arg11[%dma_start3A_38, %dma_start3A_39] : memref<10240x128xf32, #tpu.memory_space<vmem_shared>> -> memref<10240x128xf32, #tpu.memory_space<vmem_shared>>
        tpu.enqueue_indirect_dma source(%arg8 : memref<80x128xf32, #tpu.memory_space<vmem>>) target(%dma_start3A_40 : memref<10240x128xf32, #tpu.memory_space<vmem_shared>>) offsets(%arg7 : memref<80xi32, #tpu.memory_space<vmem>>) semaphore(%run_scoped3A : memref<!tpu.dma_semaphore, #tpu.memory_space<semaphore_mem>>) {add = true}
        %dma_wait3A_41 = arith.constant 0 : i32
        %dma_wait3A_42 = arith.constant 0 : i32
        %dma_wait3A_43 = tpu.memref_slice %arg11[%dma_wait3A_41, %dma_wait3A_42] : memref<10240x128xf32, #tpu.memory_space<vmem_shared>> -> memref<10240x128xf32, #tpu.memory_space<vmem_shared>>
        tpu.wait_indirect_dma semaphore(%run_scoped3A : memref<!tpu.dma_semaphore, #tpu.memory_space<semaphore_mem>>) src(%arg8 : memref<80x128xf32, #tpu.memory_space<vmem>>) dst(%dma_wait3A_43 : memref<10240x128xf32, #tpu.memory_space<vmem_shared>>)
        tpu.yield
      }) : () -> ()
    }
    %scan3A_16 = arith.constant 125 : i32
    %barrier3A_17 = arith.constant 0 : index
    tpu.barrier barrier_id(%barrier3A_17)
    %scan3A_18 = arith.constant 0 : i32
    %scan3A_19 = arith.constant 5 : i32
    %scan3A_20 = arith.addi %scan3A_18, %scan3A_19 : i32
    %scan3A_21 = arith.constant 1 : i32
    scf.for %scan3A_23 = %scan3A_18 to %scan3A_20 step %scan3A_21  : i32 {
      %mul3A_24 = arith.constant 1 : i32
      %mul3A_25 = arith.muli %scan3A_23, %mul3A_24 : i32
      %add3A_26 = arith.constant 0 : i32
      %add3A_27 = arith.addi %add3A_26, %mul3A_25 : i32
      %mul3A_28 = arith.constant 640 : i32
      %mul3A_29 = arith.muli %arg1, %mul3A_28 : i32
      %mul3A_30 = arith.constant 128 : i32
      %mul3A_31 = arith.muli %add3A_27, %mul3A_30 : i32
      %add3A_32 = arith.addi %mul3A_29, %mul3A_31 : i32
      %add3A_33 = arith.constant 0 : i32
      %add3A_34 = arith.addi %add3A_32, %add3A_33 : i32
      %add3A_35 = vector.broadcast %add3A_34 : i32 to vector<16xi32>
      %add3A_36 = arith.addi %add3A_35, %iota3A : vector<16xi32>
      %swap3A = arith.constant 0 : index
      %swap3A_37 = tpu.vector_load %arg9[%swap3A] {strides = array<i32>} : memref<128xi32, #tpu.memory_space<vmem>>, vector<16xi32>,
      %swap3A_38 = vector.shape_cast %swap3A_37 : vector<16xi32> to vector<16xi32>
      %swap3A_39 = vector.shape_cast %add3A_36 : vector<16xi32> to vector<16xi32>
      tpu.vector_store %arg9[%swap3A], %swap3A_39 {strides = array<i32>} : memref<128xi32, #tpu.memory_space<vmem>>, vector<16xi32>,
      %add3A_40 = arith.constant 16 : i32
      %add3A_41 = arith.addi %add3A_32, %add3A_40 : i32
      %add3A_42 = vector.broadcast %add3A_41 : i32 to vector<16xi32>
      %add3A_43 = arith.addi %add3A_42, %iota3A : vector<16xi32>
      %swap3A_44 = arith.constant 16 : index
      %swap3A_45 = tpu.vector_load %arg9[%swap3A_44] {strides = array<i32>} : memref<128xi32, #tpu.memory_space<vmem>>, vector<16xi32>,
      %swap3A_46 = vector.shape_cast %swap3A_45 : vector<16xi32> to vector<16xi32>
      %swap3A_47 = vector.shape_cast %add3A_43 : vector<16xi32> to vector<16xi32>
      tpu.vector_store %arg9[%swap3A_44], %swap3A_47 {strides = array<i32>} : memref<128xi32, #tpu.memory_space<vmem>>, vector<16xi32>,
      %add3A_48 = arith.constant 32 : i32
      %add3A_49 = arith.addi %add3A_32, %add3A_48 : i32
      %add3A_50 = vector.broadcast %add3A_49 : i32 to vector<16xi32>
      %add3A_51 = arith.addi %add3A_50, %iota3A : vector<16xi32>
      %swap3A_52 = arith.constant 32 : index
      %swap3A_53 = tpu.vector_load %arg9[%swap3A_52] {strides = array<i32>} : memref<128xi32, #tpu.memory_space<vmem>>, vector<16xi32>,
      %swap3A_54 = vector.shape_cast %swap3A_53 : vector<16xi32> to vector<16xi32>
      %swap3A_55 = vector.shape_cast %add3A_51 : vector<16xi32> to vector<16xi32>
      tpu.vector_store %arg9[%swap3A_52], %swap3A_55 {strides = array<i32>} : memref<128xi32, #tpu.memory_space<vmem>>, vector<16xi32>,
      %add3A_56 = arith.constant 48 : i32
      %add3A_57 = arith.addi %add3A_32, %add3A_56 : i32
      %add3A_58 = vector.broadcast %add3A_57 : i32 to vector<16xi32>
      %add3A_59 = arith.addi %add3A_58, %iota3A : vector<16xi32>
      %swap3A_60 = arith.constant 48 : index
      %swap3A_61 = tpu.vector_load %arg9[%swap3A_60] {strides = array<i32>} : memref<128xi32, #tpu.memory_space<vmem>>, vector<16xi32>,
      %swap3A_62 = vector.shape_cast %swap3A_61 : vector<16xi32> to vector<16xi32>
      %swap3A_63 = vector.shape_cast %add3A_59 : vector<16xi32> to vector<16xi32>
      tpu.vector_store %arg9[%swap3A_60], %swap3A_63 {strides = array<i32>} : memref<128xi32, #tpu.memory_space<vmem>>, vector<16xi32>,
      %add3A_64 = arith.constant 64 : i32
      %add3A_65 = arith.addi %add3A_32, %add3A_64 : i32
      %add3A_66 = vector.broadcast %add3A_65 : i32 to vector<16xi32>
      %add3A_67 = arith.addi %add3A_66, %iota3A : vector<16xi32>
      %swap3A_68 = arith.constant 64 : index
      %swap3A_69 = tpu.vector_load %arg9[%swap3A_68] {strides = array<i32>} : memref<128xi32, #tpu.memory_space<vmem>>, vector<16xi32>,
      %swap3A_70 = vector.shape_cast %swap3A_69 : vector<16xi32> to vector<16xi32>
      %swap3A_71 = vector.shape_cast %add3A_67 : vector<16xi32> to vector<16xi32>
      tpu.vector_store %arg9[%swap3A_68], %swap3A_71 {strides = array<i32>} : memref<128xi32, #tpu.memory_space<vmem>>, vector<16xi32>,
      %add3A_72 = arith.constant 80 : i32
      %add3A_73 = arith.addi %add3A_32, %add3A_72 : i32
      %add3A_74 = vector.broadcast %add3A_73 : i32 to vector<16xi32>
      %add3A_75 = arith.addi %add3A_74, %iota3A : vector<16xi32>
      %swap3A_76 = arith.constant 80 : index
      %swap3A_77 = tpu.vector_load %arg9[%swap3A_76] {strides = array<i32>} : memref<128xi32, #tpu.memory_space<vmem>>, vector<16xi32>,
      %swap3A_78 = vector.shape_cast %swap3A_77 : vector<16xi32> to vector<16xi32>
      %swap3A_79 = vector.shape_cast %add3A_75 : vector<16xi32> to vector<16xi32>
      tpu.vector_store %arg9[%swap3A_76], %swap3A_79 {strides = array<i32>} : memref<128xi32, #tpu.memory_space<vmem>>, vector<16xi32>,
      %add3A_80 = arith.constant 96 : i32
      %add3A_81 = arith.addi %add3A_32, %add3A_80 : i32
      %add3A_82 = vector.broadcast %add3A_81 : i32 to vector<16xi32>
      %add3A_83 = arith.addi %add3A_82, %iota3A : vector<16xi32>
      %swap3A_84 = arith.constant 96 : index
      %swap3A_85 = tpu.vector_load %arg9[%swap3A_84] {strides = array<i32>} : memref<128xi32, #tpu.memory_space<vmem>>, vector<16xi32>,
      %swap3A_86 = vector.shape_cast %swap3A_85 : vector<16xi32> to vector<16xi32>
      %swap3A_87 = vector.shape_cast %add3A_83 : vector<16xi32> to vector<16xi32>
      tpu.vector_store %arg9[%swap3A_84], %swap3A_87 {strides = array<i32>} : memref<128xi32, #tpu.memory_space<vmem>>, vector<16xi32>,
      %add3A_88 = arith.constant 112 : i32
      %add3A_89 = arith.addi %add3A_32, %add3A_88 : i32
      %add3A_90 = vector.broadcast %add3A_89 : i32 to vector<16xi32>
      %add3A_91 = arith.addi %add3A_90, %iota3A : vector<16xi32>
      %swap3A_92 = arith.constant 112 : index
      %swap3A_93 = tpu.vector_load %arg9[%swap3A_92] {strides = array<i32>} : memref<128xi32, #tpu.memory_space<vmem>>, vector<16xi32>,
      %swap3A_94 = vector.shape_cast %swap3A_93 : vector<16xi32> to vector<16xi32>
      %swap3A_95 = vector.shape_cast %add3A_91 : vector<16xi32> to vector<16xi32>
      tpu.vector_store %arg9[%swap3A_92], %swap3A_95 {strides = array<i32>} : memref<128xi32, #tpu.memory_space<vmem>>, vector<16xi32>,
      "tpu.region"() ({
        %run_scoped3A = tpu.sem_alloc : memref<!tpu.dma_semaphore, #tpu.memory_space<semaphore_mem>>
        %dma_start3A = arith.constant 0 : i32
        %dma_start3A_96 = arith.constant 0 : i32
        %dma_start3A_97 = tpu.memref_slice %arg11[%dma_start3A, %dma_start3A_96] : memref<10240x128xf32, #tpu.memory_space<vmem_shared>> -> memref<10240x128xf32, #tpu.memory_space<vmem_shared>>
        tpu.enqueue_indirect_dma source(%dma_start3A_97 : memref<10240x128xf32, #tpu.memory_space<vmem_shared>>) target(%arg10 : memref<128x128xf32, #tpu.memory_space<vmem>>) offsets(%arg9 : memref<128xi32, #tpu.memory_space<vmem>>) semaphore(%run_scoped3A : memref<!tpu.dma_semaphore, #tpu.memory_space<semaphore_mem>>)
        %dma_wait3A = arith.constant 0 : i32
        %dma_wait3A_98 = arith.constant 0 : i32
        %dma_wait3A_99 = tpu.memref_slice %arg11[%dma_wait3A, %dma_wait3A_98] : memref<10240x128xf32, #tpu.memory_space<vmem_shared>> -> memref<10240x128xf32, #tpu.memory_space<vmem_shared>>
        tpu.wait_indirect_dma semaphore(%run_scoped3A : memref<!tpu.dma_semaphore, #tpu.memory_space<semaphore_mem>>) src(%dma_wait3A_99 : memref<10240x128xf32, #tpu.memory_space<vmem_shared>>) dst(%arg10 : memref<128x128xf32, #tpu.memory_space<vmem>>)
        tpu.yield
      }) : () -> ()
      "tpu.region"() ({
        %run_scoped3A = tpu.sem_alloc : memref<!tpu.dma_semaphore, #tpu.memory_space<semaphore_mem>>
        %dma_start3A = arith.constant 0 : i32
        %dma_start3A_96 = tpu.memref_slice %arg5[%arg0, %add3A_32, %dma_start3A] : memref<2x10240x128xf32, #tpu.memory_space<hbm>> -> memref<1x128x128xf32, #tpu.memory_space<hbm>>
        %dma_start3A_97 = tpu.memref_squeeze %dma_start3A_96 : memref<1x128x128xf32, #tpu.memory_space<hbm>> -> memref<128x128xf32, #tpu.memory_space<hbm>>
        %dma_start3A_98 = arith.constant 0 : i32
        %dma_start3A_99 = tpu.memref_slice %arg5[%arg0, %add3A_32, %dma_start3A_98] : memref<2x10240x128xf32, #tpu.memory_space<hbm>> -> memref<1x128x128xf32, #tpu.memory_space<hbm>>
        %dma_start3A_100 = tpu.memref_squeeze %dma_start3A_99 : memref<1x128x128xf32, #tpu.memory_space<hbm>> -> memref<128x128xf32, #tpu.memory_space<hbm>>
        tpu.enqueue_dma source(%arg10 : memref<128x128xf32, #tpu.memory_space<vmem>>) target(%dma_start3A_100 : memref<128x128xf32, #tpu.memory_space<hbm>>) target_semaphore(%run_scoped3A : memref<!tpu.dma_semaphore, #tpu.memory_space<semaphore_mem>>)
        %dma_wait3A = arith.constant 0 : i32
        %dma_wait3A_101 = tpu.memref_slice %arg5[%arg0, %add3A_32, %dma_wait3A] : memref<2x10240x128xf32, #tpu.memory_space<hbm>> -> memref<1x128x128xf32, #tpu.memory_space<hbm>>
        %dma_wait3A_102 = tpu.memref_squeeze %dma_wait3A_101 : memref<1x128x128xf32, #tpu.memory_space<hbm>> -> memref<128x128xf32, #tpu.memory_space<hbm>>
        %dma_wait3A_103 = arith.constant 0 : i32
        %dma_wait3A_104 = tpu.memref_slice %arg5[%arg0, %add3A_32, %dma_wait3A_103] : memref<2x10240x128xf32, #tpu.memory_space<hbm>> -> memref<1x128x128xf32, #tpu.memory_space<hbm>>
        %dma_wait3A_105 = tpu.memref_squeeze %dma_wait3A_104 : memref<1x128x128xf32, #tpu.memory_space<hbm>> -> memref<128x128xf32, #tpu.memory_space<hbm>>
        tpu.wait_dma2 semaphore(%run_scoped3A : memref<!tpu.dma_semaphore, #tpu.memory_space<semaphore_mem>>) src(%arg10 : memref<128x128xf32, #tpu.memory_space<vmem>>) dst(%dma_wait3A_105 : memref<128x128xf32, #tpu.memory_space<hbm>>)
        tpu.yield
      }) : () -> ()
    }
    %scan3A_22 = arith.constant 5 : i32
    return
  }
}

#map = affine_map<(d0, d1) -> (0, 0)>
#map1 = affine_map<(d0, d1) -> (0)>
#map2 = affine_map<(d0, d1) -> (0, 0, 0)>
module attributes {stable_mosaic.version = 14 : i64} {
  func.func @_sc_pool(%arg0: i32, %arg1: i32, %arg2: memref<10000x64xf32, #tpu.memory_space<hbm>>, %arg3: memref<10000xi32, #tpu.memory_space<hbm>>, %arg4: memref<32x64x64xf32, #tpu.memory_space<hbm>>, %arg5: memref<32x64x64xf32, #tpu.memory_space<hbm>>, %arg6: memref<16xi32, #tpu.memory_space<vmem>>, %arg7: memref<16x64xf32, #tpu.memory_space<vmem>>, %arg8: memref<64x64xf32, #tpu.memory_space<vmem>>, %arg9: memref<64x64xf32, #tpu.memory_space<vmem>>) attributes {dimension_semantics = [#tpu.dimension_semantics<core_parallel>, #tpu.dimension_semantics<subcore_parallel>], iteration_bounds = array<i64: 2, 16>, scalar_prefetch = 0 : i64, scratch_operands = 4 : i64, tpu.core_type = #tpu.core_type<sc_vector_subcore>, window_params = [{transform_indices = #map}, {transform_indices = #map1}, {transform_indices = #map2}, {transform_indices = #map2}]} {
    %mul3A = arith.constant 2 : i32
    %mul3A_0 = arith.muli %arg1, %mul3A : i32
    %add3A = arith.addi %mul3A_0, %arg0 : i32
    %scan3A = arith.constant 0 : i32
    %scan3A_1 = arith.constant 64 : i32
    %scan3A_2 = arith.addi %scan3A, %scan3A_1 : i32
    %scan3A_3 = arith.constant 1 : i32
    scf.for %scan3A_10 = %scan3A to %scan3A_2 step %scan3A_3  : i32 {
      %mul3A_11 = arith.constant 1 : i32
      %mul3A_12 = arith.muli %scan3A_10, %mul3A_11 : i32
      %add3A_13 = arith.constant 0 : i32
      %add3A_14 = arith.addi %add3A_13, %mul3A_12 : i32
      %broadcast_in_dim3A = arith.constant 0.000000e+00 : f32
      %broadcast_in_dim3A_15 = vector.broadcast %broadcast_in_dim3A : f32 to vector<16xf32>
      %swap3A = arith.index_cast %add3A_14 : i32 to index
      %swap3A_16 = arith.constant 0 : index
      %swap3A_17 = tpu.vector_load %arg8[%swap3A, %swap3A_16] {strides = array<i32>} : memref<64x64xf32, #tpu.memory_space<vmem>>, vector<16xf32>,
      tpu.vector_store %arg8[%swap3A, %swap3A_16], %broadcast_in_dim3A_15 {strides = array<i32>} : memref<64x64xf32, #tpu.memory_space<vmem>>, vector<16xf32>,
      %broadcast_in_dim3A_18 = arith.constant 0xFF800000 : f32
      %broadcast_in_dim3A_19 = vector.broadcast %broadcast_in_dim3A_18 : f32 to vector<16xf32>
      %swap3A_20 = arith.index_cast %add3A_14 : i32 to index
      %swap3A_21 = arith.constant 0 : index
      %swap3A_22 = tpu.vector_load %arg9[%swap3A_20, %swap3A_21] {strides = array<i32>} : memref<64x64xf32, #tpu.memory_space<vmem>>, vector<16xf32>,
      tpu.vector_store %arg9[%swap3A_20, %swap3A_21], %broadcast_in_dim3A_19 {strides = array<i32>} : memref<64x64xf32, #tpu.memory_space<vmem>>, vector<16xf32>,
      %broadcast_in_dim3A_23 = arith.constant 0.000000e+00 : f32
      %broadcast_in_dim3A_24 = vector.broadcast %broadcast_in_dim3A_23 : f32 to vector<16xf32>
      %swap3A_25 = arith.index_cast %add3A_14 : i32 to index
      %swap3A_26 = arith.constant 16 : index
      %swap3A_27 = tpu.vector_load %arg8[%swap3A_25, %swap3A_26] {strides = array<i32>} : memref<64x64xf32, #tpu.memory_space<vmem>>, vector<16xf32>,
      tpu.vector_store %arg8[%swap3A_25, %swap3A_26], %broadcast_in_dim3A_24 {strides = array<i32>} : memref<64x64xf32, #tpu.memory_space<vmem>>, vector<16xf32>,
      %broadcast_in_dim3A_28 = arith.constant 0xFF800000 : f32
      %broadcast_in_dim3A_29 = vector.broadcast %broadcast_in_dim3A_28 : f32 to vector<16xf32>
      %swap3A_30 = arith.index_cast %add3A_14 : i32 to index
      %swap3A_31 = arith.constant 16 : index
      %swap3A_32 = tpu.vector_load %arg9[%swap3A_30, %swap3A_31] {strides = array<i32>} : memref<64x64xf32, #tpu.memory_space<vmem>>, vector<16xf32>,
      tpu.vector_store %arg9[%swap3A_30, %swap3A_31], %broadcast_in_dim3A_29 {strides = array<i32>} : memref<64x64xf32, #tpu.memory_space<vmem>>, vector<16xf32>,
      %broadcast_in_dim3A_33 = arith.constant 0.000000e+00 : f32
      %broadcast_in_dim3A_34 = vector.broadcast %broadcast_in_dim3A_33 : f32 to vector<16xf32>
      %swap3A_35 = arith.index_cast %add3A_14 : i32 to index
      %swap3A_36 = arith.constant 32 : index
      %swap3A_37 = tpu.vector_load %arg8[%swap3A_35, %swap3A_36] {strides = array<i32>} : memref<64x64xf32, #tpu.memory_space<vmem>>, vector<16xf32>,
      tpu.vector_store %arg8[%swap3A_35, %swap3A_36], %broadcast_in_dim3A_34 {strides = array<i32>} : memref<64x64xf32, #tpu.memory_space<vmem>>, vector<16xf32>,
      %broadcast_in_dim3A_38 = arith.constant 0xFF800000 : f32
      %broadcast_in_dim3A_39 = vector.broadcast %broadcast_in_dim3A_38 : f32 to vector<16xf32>
      %swap3A_40 = arith.index_cast %add3A_14 : i32 to index
      %swap3A_41 = arith.constant 32 : index
      %swap3A_42 = tpu.vector_load %arg9[%swap3A_40, %swap3A_41] {strides = array<i32>} : memref<64x64xf32, #tpu.memory_space<vmem>>, vector<16xf32>,
      tpu.vector_store %arg9[%swap3A_40, %swap3A_41], %broadcast_in_dim3A_39 {strides = array<i32>} : memref<64x64xf32, #tpu.memory_space<vmem>>, vector<16xf32>,
      %broadcast_in_dim3A_43 = arith.constant 0.000000e+00 : f32
      %broadcast_in_dim3A_44 = vector.broadcast %broadcast_in_dim3A_43 : f32 to vector<16xf32>
      %swap3A_45 = arith.index_cast %add3A_14 : i32 to index
      %swap3A_46 = arith.constant 48 : index
      %swap3A_47 = tpu.vector_load %arg8[%swap3A_45, %swap3A_46] {strides = array<i32>} : memref<64x64xf32, #tpu.memory_space<vmem>>, vector<16xf32>,
      tpu.vector_store %arg8[%swap3A_45, %swap3A_46], %broadcast_in_dim3A_44 {strides = array<i32>} : memref<64x64xf32, #tpu.memory_space<vmem>>, vector<16xf32>,
      %broadcast_in_dim3A_48 = arith.constant 0xFF800000 : f32
      %broadcast_in_dim3A_49 = vector.broadcast %broadcast_in_dim3A_48 : f32 to vector<16xf32>
      %swap3A_50 = arith.index_cast %add3A_14 : i32 to index
      %swap3A_51 = arith.constant 48 : index
      %swap3A_52 = tpu.vector_load %arg9[%swap3A_50, %swap3A_51] {strides = array<i32>} : memref<64x64xf32, #tpu.memory_space<vmem>>, vector<16xf32>,
      tpu.vector_store %arg9[%swap3A_50, %swap3A_51], %broadcast_in_dim3A_49 {strides = array<i32>} : memref<64x64xf32, #tpu.memory_space<vmem>>, vector<16xf32>,
    }
    %scan3A_4 = arith.constant 64 : i32
    %iota3A = tpu.iota {dimensions = array<i32: 0>} : vector<16xi32>
    %scan3A_5 = arith.constant 0 : i32
    %scan3A_6 = arith.constant 20 : i32
    %scan3A_7 = arith.addi %scan3A_5, %scan3A_6 : i32
    %scan3A_8 = arith.constant 1 : i32
    scf.for %scan3A_10 = %scan3A_5 to %scan3A_7 step %scan3A_8  : i32 {
      %mul3A_11 = arith.constant 1 : i32
      %mul3A_12 = arith.muli %scan3A_10, %mul3A_11 : i32
      %add3A_13 = arith.constant 0 : i32
      %add3A_14 = arith.addi %add3A_13, %mul3A_12 : i32
      %mul3A_15 = arith.constant 32 : i32
      %mul3A_16 = arith.muli %add3A_14, %mul3A_15 : i32
      %add3A_17 = arith.addi %add3A, %mul3A_16 : i32
      %lt3A = arith.constant 625 : i32
      %lt3A_18 = arith.cmpi slt, %add3A_17, %lt3A : i32
      %convert_element_type3A = arith.extui %lt3A_18 : i1 to i32
      %cond3A = arith.constant 0 : i32
      %cond3A_19 = arith.cmpi ne, %convert_element_type3A, %cond3A : i32
      scf.if %cond3A_19 {
        %mul3A_20 = arith.constant 16 : i32
        %mul3A_21 = arith.muli %add3A_17, %mul3A_20 : i32
        "tpu.region"() ({
          %run_scoped3A = tpu.sem_alloc : memref<!tpu.dma_semaphore, #tpu.memory_space<semaphore_mem>>
          %dma_start3A = tpu.memref_slice %arg3[%mul3A_21] : memref<10000xi32, #tpu.memory_space<hbm>> -> memref<16xi32, #tpu.memory_space<hbm>>
          %dma_start3A_644 = tpu.memref_slice %arg3[%mul3A_21] : memref<10000xi32, #tpu.memory_space<hbm>> -> memref<16xi32, #tpu.memory_space<hbm>>
          tpu.enqueue_dma source(%dma_start3A_644 : memref<16xi32, #tpu.memory_space<hbm>>) target(%arg6 : memref<16xi32, #tpu.memory_space<vmem>>) target_semaphore(%run_scoped3A : memref<!tpu.dma_semaphore, #tpu.memory_space<semaphore_mem>>)
          %dma_wait3A = tpu.memref_slice %arg3[%mul3A_21] : memref<10000xi32, #tpu.memory_space<hbm>> -> memref<16xi32, #tpu.memory_space<hbm>>
          %dma_wait3A_645 = tpu.memref_slice %arg3[%mul3A_21] : memref<10000xi32, #tpu.memory_space<hbm>> -> memref<16xi32, #tpu.memory_space<hbm>>
          tpu.wait_dma2 semaphore(%run_scoped3A : memref<!tpu.dma_semaphore, #tpu.memory_space<semaphore_mem>>) src(%dma_wait3A_645 : memref<16xi32, #tpu.memory_space<hbm>>) dst(%arg6 : memref<16xi32, #tpu.memory_space<vmem>>)
          tpu.yield
        }) : () -> ()
        %mul3A_22 = arith.constant 16 : i32
        %mul3A_23 = arith.muli %add3A_17, %mul3A_22 : i32
        "tpu.region"() ({
          %run_scoped3A = tpu.sem_alloc : memref<!tpu.dma_semaphore, #tpu.memory_space<semaphore_mem>>
          %dma_start3A = arith.constant 0 : i32
          %dma_start3A_644 = tpu.memref_slice %arg2[%mul3A_23, %dma_start3A] : memref<10000x64xf32, #tpu.memory_space<hbm>> -> memref<16x64xf32, #tpu.memory_space<hbm>>
          %dma_start3A_645 = arith.constant 0 : i32
          %dma_start3A_646 = tpu.memref_slice %arg2[%mul3A_23, %dma_start3A_645] : memref<10000x64xf32, #tpu.memory_space<hbm>> -> memref<16x64xf32, #tpu.memory_space<hbm>>
          tpu.enqueue_dma source(%dma_start3A_646 : memref<16x64xf32, #tpu.memory_space<hbm>>) target(%arg7 : memref<16x64xf32, #tpu.memory_space<vmem>>) target_semaphore(%run_scoped3A : memref<!tpu.dma_semaphore, #tpu.memory_space<semaphore_mem>>)
          %dma_wait3A = arith.constant 0 : i32
          %dma_wait3A_647 = tpu.memref_slice %arg2[%mul3A_23, %dma_wait3A] : memref<10000x64xf32, #tpu.memory_space<hbm>> -> memref<16x64xf32, #tpu.memory_space<hbm>>
          %dma_wait3A_648 = arith.constant 0 : i32
          %dma_wait3A_649 = tpu.memref_slice %arg2[%mul3A_23, %dma_wait3A_648] : memref<10000x64xf32, #tpu.memory_space<hbm>> -> memref<16x64xf32, #tpu.memory_space<hbm>>
          tpu.wait_dma2 semaphore(%run_scoped3A : memref<!tpu.dma_semaphore, #tpu.memory_space<semaphore_mem>>) src(%dma_wait3A_649 : memref<16x64xf32, #tpu.memory_space<hbm>>) dst(%arg7 : memref<16x64xf32, #tpu.memory_space<vmem>>)
          tpu.yield
        }) : () -> ()
        %broadcast_in_dim3A = arith.constant 0 : i32
        %broadcast_in_dim3A_24 = vector.broadcast %broadcast_in_dim3A : i32 to vector<16xi32>
        %gather3A = tpu.vector_load_idx %arg6[%broadcast_in_dim3A_24] : memref<16xi32, #tpu.memory_space<vmem>>[vector<16xi32>], vector<16xi32>,
        %add3A_25 = arith.constant 0 : i32
        %add3A_26 = vector.broadcast %add3A_25 : i32 to vector<16xi32>
        %add3A_27 = arith.addi %add3A_26, %iota3A : vector<16xi32>
        %get3A = arith.constant 0 : i32
        %get3A_28 = arith.index_cast %get3A : i32 to index
        %get3A_29 = arith.constant 0 : index
        %get3A_30 = tpu.vector_load %arg7[%get3A_28, %get3A_29] {strides = array<i32>} : memref<16x64xf32, #tpu.memory_space<vmem>>, vector<16xf32>,
        tpu.vector_store_idx %arg8[%gather3A, %add3A_27], %get3A_30 {add = true} : memref<64x64xf32, #tpu.memory_space<vmem>>[vector<16xi32>, vector<16xi32>], vector<16xf32>,
        %gather3A_31 = tpu.vector_load_idx %arg9[%gather3A, %add3A_27] : memref<64x64xf32, #tpu.memory_space<vmem>>[vector<16xi32>, vector<16xi32>], vector<16xf32>,
        %max3A = arith.maximumf %gather3A_31, %get3A_30 : vector<16xf32>
        tpu.vector_store_idx %arg9[%gather3A, %add3A_27], %max3A : memref<64x64xf32, #tpu.memory_space<vmem>>[vector<16xi32>, vector<16xi32>], vector<16xf32>,
        %add3A_32 = arith.constant 16 : i32
        %add3A_33 = vector.broadcast %add3A_32 : i32 to vector<16xi32>
        %add3A_34 = arith.addi %add3A_33, %iota3A : vector<16xi32>
        %get3A_35 = arith.constant 0 : i32
        %get3A_36 = arith.index_cast %get3A_35 : i32 to index
        %get3A_37 = arith.constant 16 : index
        %get3A_38 = tpu.vector_load %arg7[%get3A_36, %get3A_37] {strides = array<i32>} : memref<16x64xf32, #tpu.memory_space<vmem>>, vector<16xf32>,
        tpu.vector_store_idx %arg8[%gather3A, %add3A_34], %get3A_38 {add = true} : memref<64x64xf32, #tpu.memory_space<vmem>>[vector<16xi32>, vector<16xi32>], vector<16xf32>,
        %gather3A_39 = tpu.vector_load_idx %arg9[%gather3A, %add3A_34] : memref<64x64xf32, #tpu.memory_space<vmem>>[vector<16xi32>, vector<16xi32>], vector<16xf32>,
        %max3A_40 = arith.maximumf %gather3A_39, %get3A_38 : vector<16xf32>
        tpu.vector_store_idx %arg9[%gather3A, %add3A_34], %max3A_40 : memref<64x64xf32, #tpu.memory_space<vmem>>[vector<16xi32>, vector<16xi32>], vector<16xf32>,
        %add3A_41 = arith.constant 32 : i32
        %add3A_42 = vector.broadcast %add3A_41 : i32 to vector<16xi32>
        %add3A_43 = arith.addi %add3A_42, %iota3A : vector<16xi32>
        %get3A_44 = arith.constant 0 : i32
        %get3A_45 = arith.index_cast %get3A_44 : i32 to index
        %get3A_46 = arith.constant 32 : index
        %get3A_47 = tpu.vector_load %arg7[%get3A_45, %get3A_46] {strides = array<i32>} : memref<16x64xf32, #tpu.memory_space<vmem>>, vector<16xf32>,
        tpu.vector_store_idx %arg8[%gather3A, %add3A_43], %get3A_47 {add = true} : memref<64x64xf32, #tpu.memory_space<vmem>>[vector<16xi32>, vector<16xi32>], vector<16xf32>,
        %gather3A_48 = tpu.vector_load_idx %arg9[%gather3A, %add3A_43] : memref<64x64xf32, #tpu.memory_space<vmem>>[vector<16xi32>, vector<16xi32>], vector<16xf32>,
        %max3A_49 = arith.maximumf %gather3A_48, %get3A_47 : vector<16xf32>
        tpu.vector_store_idx %arg9[%gather3A, %add3A_43], %max3A_49 : memref<64x64xf32, #tpu.memory_space<vmem>>[vector<16xi32>, vector<16xi32>], vector<16xf32>,
        %add3A_50 = arith.constant 48 : i32
        %add3A_51 = vector.broadcast %add3A_50 : i32 to vector<16xi32>
        %add3A_52 = arith.addi %add3A_51, %iota3A : vector<16xi32>
        %get3A_53 = arith.constant 0 : i32
        %get3A_54 = arith.index_cast %get3A_53 : i32 to index
        %get3A_55 = arith.constant 48 : index
        %get3A_56 = tpu.vector_load %arg7[%get3A_54, %get3A_55] {strides = array<i32>} : memref<16x64xf32, #tpu.memory_space<vmem>>, vector<16xf32>,
        tpu.vector_store_idx %arg8[%gather3A, %add3A_52], %get3A_56 {add = true} : memref<64x64xf32, #tpu.memory_space<vmem>>[vector<16xi32>, vector<16xi32>], vector<16xf32>,
        %gather3A_57 = tpu.vector_load_idx %arg9[%gather3A, %add3A_52] : memref<64x64xf32, #tpu.memory_space<vmem>>[vector<16xi32>, vector<16xi32>], vector<16xf32>,
        %max3A_58 = arith.maximumf %gather3A_57, %get3A_56 : vector<16xf32>
        tpu.vector_store_idx %arg9[%gather3A, %add3A_52], %max3A_58 : memref<64x64xf32, #tpu.memory_space<vmem>>[vector<16xi32>, vector<16xi32>], vector<16xf32>,
        %broadcast_in_dim3A_59 = arith.constant 1 : i32
        %broadcast_in_dim3A_60 = vector.broadcast %broadcast_in_dim3A_59 : i32 to vector<16xi32>
        %gather3A_61 = tpu.vector_load_idx %arg6[%broadcast_in_dim3A_60] : memref<16xi32, #tpu.memory_space<vmem>>[vector<16xi32>], vector<16xi32>,
        %add3A_62 = arith.constant 0 : i32
        %add3A_63 = vector.broadcast %add3A_62 : i32 to vector<16xi32>
        %add3A_64 = arith.addi %add3A_63, %iota3A : vector<16xi32>
        %get3A_65 = arith.constant 1 : i32
        %get3A_66 = arith.index_cast %get3A_65 : i32 to index
        %get3A_67 = arith.constant 0 : index
        %get3A_68 = tpu.vector_load %arg7[%get3A_66, %get3A_67] {strides = array<i32>} : memref<16x64xf32, #tpu.memory_space<vmem>>, vector<16xf32>,
        tpu.vector_store_idx %arg8[%gather3A_61, %add3A_64], %get3A_68 {add = true} : memref<64x64xf32, #tpu.memory_space<vmem>>[vector<16xi32>, vector<16xi32>], vector<16xf32>,
        %gather3A_69 = tpu.vector_load_idx %arg9[%gather3A_61, %add3A_64] : memref<64x64xf32, #tpu.memory_space<vmem>>[vector<16xi32>, vector<16xi32>], vector<16xf32>,
        %max3A_70 = arith.maximumf %gather3A_69, %get3A_68 : vector<16xf32>
        tpu.vector_store_idx %arg9[%gather3A_61, %add3A_64], %max3A_70 : memref<64x64xf32, #tpu.memory_space<vmem>>[vector<16xi32>, vector<16xi32>], vector<16xf32>,
        %add3A_71 = arith.constant 16 : i32
        %add3A_72 = vector.broadcast %add3A_71 : i32 to vector<16xi32>
        %add3A_73 = arith.addi %add3A_72, %iota3A : vector<16xi32>
        %get3A_74 = arith.constant 1 : i32
        %get3A_75 = arith.index_cast %get3A_74 : i32 to index
        %get3A_76 = arith.constant 16 : index
        %get3A_77 = tpu.vector_load %arg7[%get3A_75, %get3A_76] {strides = array<i32>} : memref<16x64xf32, #tpu.memory_space<vmem>>, vector<16xf32>,
        tpu.vector_store_idx %arg8[%gather3A_61, %add3A_73], %get3A_77 {add = true} : memref<64x64xf32, #tpu.memory_space<vmem>>[vector<16xi32>, vector<16xi32>], vector<16xf32>,
        %gather3A_78 = tpu.vector_load_idx %arg9[%gather3A_61, %add3A_73] : memref<64x64xf32, #tpu.memory_space<vmem>>[vector<16xi32>, vector<16xi32>], vector<16xf32>,
        %max3A_79 = arith.maximumf %gather3A_78, %get3A_77 : vector<16xf32>
        tpu.vector_store_idx %arg9[%gather3A_61, %add3A_73], %max3A_79 : memref<64x64xf32, #tpu.memory_space<vmem>>[vector<16xi32>, vector<16xi32>], vector<16xf32>,
        %add3A_80 = arith.constant 32 : i32
        %add3A_81 = vector.broadcast %add3A_80 : i32 to vector<16xi32>
        %add3A_82 = arith.addi %add3A_81, %iota3A : vector<16xi32>
        %get3A_83 = arith.constant 1 : i32
        %get3A_84 = arith.index_cast %get3A_83 : i32 to index
        %get3A_85 = arith.constant 32 : index
        %get3A_86 = tpu.vector_load %arg7[%get3A_84, %get3A_85] {strides = array<i32>} : memref<16x64xf32, #tpu.memory_space<vmem>>, vector<16xf32>,
        tpu.vector_store_idx %arg8[%gather3A_61, %add3A_82], %get3A_86 {add = true} : memref<64x64xf32, #tpu.memory_space<vmem>>[vector<16xi32>, vector<16xi32>], vector<16xf32>,
        %gather3A_87 = tpu.vector_load_idx %arg9[%gather3A_61, %add3A_82] : memref<64x64xf32, #tpu.memory_space<vmem>>[vector<16xi32>, vector<16xi32>], vector<16xf32>,
        %max3A_88 = arith.maximumf %gather3A_87, %get3A_86 : vector<16xf32>
        tpu.vector_store_idx %arg9[%gather3A_61, %add3A_82], %max3A_88 : memref<64x64xf32, #tpu.memory_space<vmem>>[vector<16xi32>, vector<16xi32>], vector<16xf32>,
        %add3A_89 = arith.constant 48 : i32
        %add3A_90 = vector.broadcast %add3A_89 : i32 to vector<16xi32>
        %add3A_91 = arith.addi %add3A_90, %iota3A : vector<16xi32>
        %get3A_92 = arith.constant 1 : i32
        %get3A_93 = arith.index_cast %get3A_92 : i32 to index
        %get3A_94 = arith.constant 48 : index
        %get3A_95 = tpu.vector_load %arg7[%get3A_93, %get3A_94] {strides = array<i32>} : memref<16x64xf32, #tpu.memory_space<vmem>>, vector<16xf32>,
        tpu.vector_store_idx %arg8[%gather3A_61, %add3A_91], %get3A_95 {add = true} : memref<64x64xf32, #tpu.memory_space<vmem>>[vector<16xi32>, vector<16xi32>], vector<16xf32>,
        %gather3A_96 = tpu.vector_load_idx %arg9[%gather3A_61, %add3A_91] : memref<64x64xf32, #tpu.memory_space<vmem>>[vector<16xi32>, vector<16xi32>], vector<16xf32>,
        %max3A_97 = arith.maximumf %gather3A_96, %get3A_95 : vector<16xf32>
        tpu.vector_store_idx %arg9[%gather3A_61, %add3A_91], %max3A_97 : memref<64x64xf32, #tpu.memory_space<vmem>>[vector<16xi32>, vector<16xi32>], vector<16xf32>,
        %broadcast_in_dim3A_98 = arith.constant 2 : i32
        %broadcast_in_dim3A_99 = vector.broadcast %broadcast_in_dim3A_98 : i32 to vector<16xi32>
        %gather3A_100 = tpu.vector_load_idx %arg6[%broadcast_in_dim3A_99] : memref<16xi32, #tpu.memory_space<vmem>>[vector<16xi32>], vector<16xi32>,
        %add3A_101 = arith.constant 0 : i32
        %add3A_102 = vector.broadcast %add3A_101 : i32 to vector<16xi32>
        %add3A_103 = arith.addi %add3A_102, %iota3A : vector<16xi32>
        %get3A_104 = arith.constant 2 : i32
        %get3A_105 = arith.index_cast %get3A_104 : i32 to index
        %get3A_106 = arith.constant 0 : index
        %get3A_107 = tpu.vector_load %arg7[%get3A_105, %get3A_106] {strides = array<i32>} : memref<16x64xf32, #tpu.memory_space<vmem>>, vector<16xf32>,
        tpu.vector_store_idx %arg8[%gather3A_100, %add3A_103], %get3A_107 {add = true} : memref<64x64xf32, #tpu.memory_space<vmem>>[vector<16xi32>, vector<16xi32>], vector<16xf32>,
        %gather3A_108 = tpu.vector_load_idx %arg9[%gather3A_100, %add3A_103] : memref<64x64xf32, #tpu.memory_space<vmem>>[vector<16xi32>, vector<16xi32>], vector<16xf32>,
        %max3A_109 = arith.maximumf %gather3A_108, %get3A_107 : vector<16xf32>
        tpu.vector_store_idx %arg9[%gather3A_100, %add3A_103], %max3A_109 : memref<64x64xf32, #tpu.memory_space<vmem>>[vector<16xi32>, vector<16xi32>], vector<16xf32>,
        %add3A_110 = arith.constant 16 : i32
        %add3A_111 = vector.broadcast %add3A_110 : i32 to vector<16xi32>
        %add3A_112 = arith.addi %add3A_111, %iota3A : vector<16xi32>
        %get3A_113 = arith.constant 2 : i32
        %get3A_114 = arith.index_cast %get3A_113 : i32 to index
        %get3A_115 = arith.constant 16 : index
        %get3A_116 = tpu.vector_load %arg7[%get3A_114, %get3A_115] {strides = array<i32>} : memref<16x64xf32, #tpu.memory_space<vmem>>, vector<16xf32>,
        tpu.vector_store_idx %arg8[%gather3A_100, %add3A_112], %get3A_116 {add = true} : memref<64x64xf32, #tpu.memory_space<vmem>>[vector<16xi32>, vector<16xi32>], vector<16xf32>,
        %gather3A_117 = tpu.vector_load_idx %arg9[%gather3A_100, %add3A_112] : memref<64x64xf32, #tpu.memory_space<vmem>>[vector<16xi32>, vector<16xi32>], vector<16xf32>,
        %max3A_118 = arith.maximumf %gather3A_117, %get3A_116 : vector<16xf32>
        tpu.vector_store_idx %arg9[%gather3A_100, %add3A_112], %max3A_118 : memref<64x64xf32, #tpu.memory_space<vmem>>[vector<16xi32>, vector<16xi32>], vector<16xf32>,
        %add3A_119 = arith.constant 32 : i32
        %add3A_120 = vector.broadcast %add3A_119 : i32 to vector<16xi32>
        %add3A_121 = arith.addi %add3A_120, %iota3A : vector<16xi32>
        %get3A_122 = arith.constant 2 : i32
        %get3A_123 = arith.index_cast %get3A_122 : i32 to index
        %get3A_124 = arith.constant 32 : index
        %get3A_125 = tpu.vector_load %arg7[%get3A_123, %get3A_124] {strides = array<i32>} : memref<16x64xf32, #tpu.memory_space<vmem>>, vector<16xf32>,
        tpu.vector_store_idx %arg8[%gather3A_100, %add3A_121], %get3A_125 {add = true} : memref<64x64xf32, #tpu.memory_space<vmem>>[vector<16xi32>, vector<16xi32>], vector<16xf32>,
        %gather3A_126 = tpu.vector_load_idx %arg9[%gather3A_100, %add3A_121] : memref<64x64xf32, #tpu.memory_space<vmem>>[vector<16xi32>, vector<16xi32>], vector<16xf32>,
        %max3A_127 = arith.maximumf %gather3A_126, %get3A_125 : vector<16xf32>
        tpu.vector_store_idx %arg9[%gather3A_100, %add3A_121], %max3A_127 : memref<64x64xf32, #tpu.memory_space<vmem>>[vector<16xi32>, vector<16xi32>], vector<16xf32>,
        %add3A_128 = arith.constant 48 : i32
        %add3A_129 = vector.broadcast %add3A_128 : i32 to vector<16xi32>
        %add3A_130 = arith.addi %add3A_129, %iota3A : vector<16xi32>
        %get3A_131 = arith.constant 2 : i32
        %get3A_132 = arith.index_cast %get3A_131 : i32 to index
        %get3A_133 = arith.constant 48 : index
        %get3A_134 = tpu.vector_load %arg7[%get3A_132, %get3A_133] {strides = array<i32>} : memref<16x64xf32, #tpu.memory_space<vmem>>, vector<16xf32>,
        tpu.vector_store_idx %arg8[%gather3A_100, %add3A_130], %get3A_134 {add = true} : memref<64x64xf32, #tpu.memory_space<vmem>>[vector<16xi32>, vector<16xi32>], vector<16xf32>,
        %gather3A_135 = tpu.vector_load_idx %arg9[%gather3A_100, %add3A_130] : memref<64x64xf32, #tpu.memory_space<vmem>>[vector<16xi32>, vector<16xi32>], vector<16xf32>,
        %max3A_136 = arith.maximumf %gather3A_135, %get3A_134 : vector<16xf32>
        tpu.vector_store_idx %arg9[%gather3A_100, %add3A_130], %max3A_136 : memref<64x64xf32, #tpu.memory_space<vmem>>[vector<16xi32>, vector<16xi32>], vector<16xf32>,
        %broadcast_in_dim3A_137 = arith.constant 3 : i32
        %broadcast_in_dim3A_138 = vector.broadcast %broadcast_in_dim3A_137 : i32 to vector<16xi32>
        %gather3A_139 = tpu.vector_load_idx %arg6[%broadcast_in_dim3A_138] : memref<16xi32, #tpu.memory_space<vmem>>[vector<16xi32>], vector<16xi32>,
        %add3A_140 = arith.constant 0 : i32
        %add3A_141 = vector.broadcast %add3A_140 : i32 to vector<16xi32>
        %add3A_142 = arith.addi %add3A_141, %iota3A : vector<16xi32>
        %get3A_143 = arith.constant 3 : i32
        %get3A_144 = arith.index_cast %get3A_143 : i32 to index
        %get3A_145 = arith.constant 0 : index
        %get3A_146 = tpu.vector_load %arg7[%get3A_144, %get3A_145] {strides = array<i32>} : memref<16x64xf32, #tpu.memory_space<vmem>>, vector<16xf32>,
        tpu.vector_store_idx %arg8[%gather3A_139, %add3A_142], %get3A_146 {add = true} : memref<64x64xf32, #tpu.memory_space<vmem>>[vector<16xi32>, vector<16xi32>], vector<16xf32>,
        %gather3A_147 = tpu.vector_load_idx %arg9[%gather3A_139, %add3A_142] : memref<64x64xf32, #tpu.memory_space<vmem>>[vector<16xi32>, vector<16xi32>], vector<16xf32>,
        %max3A_148 = arith.maximumf %gather3A_147, %get3A_146 : vector<16xf32>
        tpu.vector_store_idx %arg9[%gather3A_139, %add3A_142], %max3A_148 : memref<64x64xf32, #tpu.memory_space<vmem>>[vector<16xi32>, vector<16xi32>], vector<16xf32>,
        %add3A_149 = arith.constant 16 : i32
        %add3A_150 = vector.broadcast %add3A_149 : i32 to vector<16xi32>
        %add3A_151 = arith.addi %add3A_150, %iota3A : vector<16xi32>
        %get3A_152 = arith.constant 3 : i32
        %get3A_153 = arith.index_cast %get3A_152 : i32 to index
        %get3A_154 = arith.constant 16 : index
        %get3A_155 = tpu.vector_load %arg7[%get3A_153, %get3A_154] {strides = array<i32>} : memref<16x64xf32, #tpu.memory_space<vmem>>, vector<16xf32>,
        tpu.vector_store_idx %arg8[%gather3A_139, %add3A_151], %get3A_155 {add = true} : memref<64x64xf32, #tpu.memory_space<vmem>>[vector<16xi32>, vector<16xi32>], vector<16xf32>,
        %gather3A_156 = tpu.vector_load_idx %arg9[%gather3A_139, %add3A_151] : memref<64x64xf32, #tpu.memory_space<vmem>>[vector<16xi32>, vector<16xi32>], vector<16xf32>,
        %max3A_157 = arith.maximumf %gather3A_156, %get3A_155 : vector<16xf32>
        tpu.vector_store_idx %arg9[%gather3A_139, %add3A_151], %max3A_157 : memref<64x64xf32, #tpu.memory_space<vmem>>[vector<16xi32>, vector<16xi32>], vector<16xf32>,
        %add3A_158 = arith.constant 32 : i32
        %add3A_159 = vector.broadcast %add3A_158 : i32 to vector<16xi32>
        %add3A_160 = arith.addi %add3A_159, %iota3A : vector<16xi32>
        %get3A_161 = arith.constant 3 : i32
        %get3A_162 = arith.index_cast %get3A_161 : i32 to index
        %get3A_163 = arith.constant 32 : index
        %get3A_164 = tpu.vector_load %arg7[%get3A_162, %get3A_163] {strides = array<i32>} : memref<16x64xf32, #tpu.memory_space<vmem>>, vector<16xf32>,
        tpu.vector_store_idx %arg8[%gather3A_139, %add3A_160], %get3A_164 {add = true} : memref<64x64xf32, #tpu.memory_space<vmem>>[vector<16xi32>, vector<16xi32>], vector<16xf32>,
        %gather3A_165 = tpu.vector_load_idx %arg9[%gather3A_139, %add3A_160] : memref<64x64xf32, #tpu.memory_space<vmem>>[vector<16xi32>, vector<16xi32>], vector<16xf32>,
        %max3A_166 = arith.maximumf %gather3A_165, %get3A_164 : vector<16xf32>
        tpu.vector_store_idx %arg9[%gather3A_139, %add3A_160], %max3A_166 : memref<64x64xf32, #tpu.memory_space<vmem>>[vector<16xi32>, vector<16xi32>], vector<16xf32>,
        %add3A_167 = arith.constant 48 : i32
        %add3A_168 = vector.broadcast %add3A_167 : i32 to vector<16xi32>
        %add3A_169 = arith.addi %add3A_168, %iota3A : vector<16xi32>
        %get3A_170 = arith.constant 3 : i32
        %get3A_171 = arith.index_cast %get3A_170 : i32 to index
        %get3A_172 = arith.constant 48 : index
        %get3A_173 = tpu.vector_load %arg7[%get3A_171, %get3A_172] {strides = array<i32>} : memref<16x64xf32, #tpu.memory_space<vmem>>, vector<16xf32>,
        tpu.vector_store_idx %arg8[%gather3A_139, %add3A_169], %get3A_173 {add = true} : memref<64x64xf32, #tpu.memory_space<vmem>>[vector<16xi32>, vector<16xi32>], vector<16xf32>,
        %gather3A_174 = tpu.vector_load_idx %arg9[%gather3A_139, %add3A_169] : memref<64x64xf32, #tpu.memory_space<vmem>>[vector<16xi32>, vector<16xi32>], vector<16xf32>,
        %max3A_175 = arith.maximumf %gather3A_174, %get3A_173 : vector<16xf32>
        tpu.vector_store_idx %arg9[%gather3A_139, %add3A_169], %max3A_175 : memref<64x64xf32, #tpu.memory_space<vmem>>[vector<16xi32>, vector<16xi32>], vector<16xf32>,
        %broadcast_in_dim3A_176 = arith.constant 4 : i32
        %broadcast_in_dim3A_177 = vector.broadcast %broadcast_in_dim3A_176 : i32 to vector<16xi32>
        %gather3A_178 = tpu.vector_load_idx %arg6[%broadcast_in_dim3A_177] : memref<16xi32, #tpu.memory_space<vmem>>[vector<16xi32>], vector<16xi32>,
        %add3A_179 = arith.constant 0 : i32
        %add3A_180 = vector.broadcast %add3A_179 : i32 to vector<16xi32>
        %add3A_181 = arith.addi %add3A_180, %iota3A : vector<16xi32>
        %get3A_182 = arith.constant 4 : i32
        %get3A_183 = arith.index_cast %get3A_182 : i32 to index
        %get3A_184 = arith.constant 0 : index
        %get3A_185 = tpu.vector_load %arg7[%get3A_183, %get3A_184] {strides = array<i32>} : memref<16x64xf32, #tpu.memory_space<vmem>>, vector<16xf32>,
        tpu.vector_store_idx %arg8[%gather3A_178, %add3A_181], %get3A_185 {add = true} : memref<64x64xf32, #tpu.memory_space<vmem>>[vector<16xi32>, vector<16xi32>], vector<16xf32>,
        %gather3A_186 = tpu.vector_load_idx %arg9[%gather3A_178, %add3A_181] : memref<64x64xf32, #tpu.memory_space<vmem>>[vector<16xi32>, vector<16xi32>], vector<16xf32>,
        %max3A_187 = arith.maximumf %gather3A_186, %get3A_185 : vector<16xf32>
        tpu.vector_store_idx %arg9[%gather3A_178, %add3A_181], %max3A_187 : memref<64x64xf32, #tpu.memory_space<vmem>>[vector<16xi32>, vector<16xi32>], vector<16xf32>,
        %add3A_188 = arith.constant 16 : i32
        %add3A_189 = vector.broadcast %add3A_188 : i32 to vector<16xi32>
        %add3A_190 = arith.addi %add3A_189, %iota3A : vector<16xi32>
        %get3A_191 = arith.constant 4 : i32
        %get3A_192 = arith.index_cast %get3A_191 : i32 to index
        %get3A_193 = arith.constant 16 : index
        %get3A_194 = tpu.vector_load %arg7[%get3A_192, %get3A_193] {strides = array<i32>} : memref<16x64xf32, #tpu.memory_space<vmem>>, vector<16xf32>,
        tpu.vector_store_idx %arg8[%gather3A_178, %add3A_190], %get3A_194 {add = true} : memref<64x64xf32, #tpu.memory_space<vmem>>[vector<16xi32>, vector<16xi32>], vector<16xf32>,
        %gather3A_195 = tpu.vector_load_idx %arg9[%gather3A_178, %add3A_190] : memref<64x64xf32, #tpu.memory_space<vmem>>[vector<16xi32>, vector<16xi32>], vector<16xf32>,
        %max3A_196 = arith.maximumf %gather3A_195, %get3A_194 : vector<16xf32>
        tpu.vector_store_idx %arg9[%gather3A_178, %add3A_190], %max3A_196 : memref<64x64xf32, #tpu.memory_space<vmem>>[vector<16xi32>, vector<16xi32>], vector<16xf32>,
        %add3A_197 = arith.constant 32 : i32
        %add3A_198 = vector.broadcast %add3A_197 : i32 to vector<16xi32>
        %add3A_199 = arith.addi %add3A_198, %iota3A : vector<16xi32>
        %get3A_200 = arith.constant 4 : i32
        %get3A_201 = arith.index_cast %get3A_200 : i32 to index
        %get3A_202 = arith.constant 32 : index
        %get3A_203 = tpu.vector_load %arg7[%get3A_201, %get3A_202] {strides = array<i32>} : memref<16x64xf32, #tpu.memory_space<vmem>>, vector<16xf32>,
        tpu.vector_store_idx %arg8[%gather3A_178, %add3A_199], %get3A_203 {add = true} : memref<64x64xf32, #tpu.memory_space<vmem>>[vector<16xi32>, vector<16xi32>], vector<16xf32>,
        %gather3A_204 = tpu.vector_load_idx %arg9[%gather3A_178, %add3A_199] : memref<64x64xf32, #tpu.memory_space<vmem>>[vector<16xi32>, vector<16xi32>], vector<16xf32>,
        %max3A_205 = arith.maximumf %gather3A_204, %get3A_203 : vector<16xf32>
        tpu.vector_store_idx %arg9[%gather3A_178, %add3A_199], %max3A_205 : memref<64x64xf32, #tpu.memory_space<vmem>>[vector<16xi32>, vector<16xi32>], vector<16xf32>,
        %add3A_206 = arith.constant 48 : i32
        %add3A_207 = vector.broadcast %add3A_206 : i32 to vector<16xi32>
        %add3A_208 = arith.addi %add3A_207, %iota3A : vector<16xi32>
        %get3A_209 = arith.constant 4 : i32
        %get3A_210 = arith.index_cast %get3A_209 : i32 to index
        %get3A_211 = arith.constant 48 : index
        %get3A_212 = tpu.vector_load %arg7[%get3A_210, %get3A_211] {strides = array<i32>} : memref<16x64xf32, #tpu.memory_space<vmem>>, vector<16xf32>,
        tpu.vector_store_idx %arg8[%gather3A_178, %add3A_208], %get3A_212 {add = true} : memref<64x64xf32, #tpu.memory_space<vmem>>[vector<16xi32>, vector<16xi32>], vector<16xf32>,
        %gather3A_213 = tpu.vector_load_idx %arg9[%gather3A_178, %add3A_208] : memref<64x64xf32, #tpu.memory_space<vmem>>[vector<16xi32>, vector<16xi32>], vector<16xf32>,
        %max3A_214 = arith.maximumf %gather3A_213, %get3A_212 : vector<16xf32>
        tpu.vector_store_idx %arg9[%gather3A_178, %add3A_208], %max3A_214 : memref<64x64xf32, #tpu.memory_space<vmem>>[vector<16xi32>, vector<16xi32>], vector<16xf32>,
        %broadcast_in_dim3A_215 = arith.constant 5 : i32
        %broadcast_in_dim3A_216 = vector.broadcast %broadcast_in_dim3A_215 : i32 to vector<16xi32>
        %gather3A_217 = tpu.vector_load_idx %arg6[%broadcast_in_dim3A_216] : memref<16xi32, #tpu.memory_space<vmem>>[vector<16xi32>], vector<16xi32>,
        %add3A_218 = arith.constant 0 : i32
        %add3A_219 = vector.broadcast %add3A_218 : i32 to vector<16xi32>
        %add3A_220 = arith.addi %add3A_219, %iota3A : vector<16xi32>
        %get3A_221 = arith.constant 5 : i32
        %get3A_222 = arith.index_cast %get3A_221 : i32 to index
        %get3A_223 = arith.constant 0 : index
        %get3A_224 = tpu.vector_load %arg7[%get3A_222, %get3A_223] {strides = array<i32>} : memref<16x64xf32, #tpu.memory_space<vmem>>, vector<16xf32>,
        tpu.vector_store_idx %arg8[%gather3A_217, %add3A_220], %get3A_224 {add = true} : memref<64x64xf32, #tpu.memory_space<vmem>>[vector<16xi32>, vector<16xi32>], vector<16xf32>,
        %gather3A_225 = tpu.vector_load_idx %arg9[%gather3A_217, %add3A_220] : memref<64x64xf32, #tpu.memory_space<vmem>>[vector<16xi32>, vector<16xi32>], vector<16xf32>,
        %max3A_226 = arith.maximumf %gather3A_225, %get3A_224 : vector<16xf32>
        tpu.vector_store_idx %arg9[%gather3A_217, %add3A_220], %max3A_226 : memref<64x64xf32, #tpu.memory_space<vmem>>[vector<16xi32>, vector<16xi32>], vector<16xf32>,
        %add3A_227 = arith.constant 16 : i32
        %add3A_228 = vector.broadcast %add3A_227 : i32 to vector<16xi32>
        %add3A_229 = arith.addi %add3A_228, %iota3A : vector<16xi32>
        %get3A_230 = arith.constant 5 : i32
        %get3A_231 = arith.index_cast %get3A_230 : i32 to index
        %get3A_232 = arith.constant 16 : index
        %get3A_233 = tpu.vector_load %arg7[%get3A_231, %get3A_232] {strides = array<i32>} : memref<16x64xf32, #tpu.memory_space<vmem>>, vector<16xf32>,
        tpu.vector_store_idx %arg8[%gather3A_217, %add3A_229], %get3A_233 {add = true} : memref<64x64xf32, #tpu.memory_space<vmem>>[vector<16xi32>, vector<16xi32>], vector<16xf32>,
        %gather3A_234 = tpu.vector_load_idx %arg9[%gather3A_217, %add3A_229] : memref<64x64xf32, #tpu.memory_space<vmem>>[vector<16xi32>, vector<16xi32>], vector<16xf32>,
        %max3A_235 = arith.maximumf %gather3A_234, %get3A_233 : vector<16xf32>
        tpu.vector_store_idx %arg9[%gather3A_217, %add3A_229], %max3A_235 : memref<64x64xf32, #tpu.memory_space<vmem>>[vector<16xi32>, vector<16xi32>], vector<16xf32>,
        %add3A_236 = arith.constant 32 : i32
        %add3A_237 = vector.broadcast %add3A_236 : i32 to vector<16xi32>
        %add3A_238 = arith.addi %add3A_237, %iota3A : vector<16xi32>
        %get3A_239 = arith.constant 5 : i32
        %get3A_240 = arith.index_cast %get3A_239 : i32 to index
        %get3A_241 = arith.constant 32 : index
        %get3A_242 = tpu.vector_load %arg7[%get3A_240, %get3A_241] {strides = array<i32>} : memref<16x64xf32, #tpu.memory_space<vmem>>, vector<16xf32>,
        tpu.vector_store_idx %arg8[%gather3A_217, %add3A_238], %get3A_242 {add = true} : memref<64x64xf32, #tpu.memory_space<vmem>>[vector<16xi32>, vector<16xi32>], vector<16xf32>,
        %gather3A_243 = tpu.vector_load_idx %arg9[%gather3A_217, %add3A_238] : memref<64x64xf32, #tpu.memory_space<vmem>>[vector<16xi32>, vector<16xi32>], vector<16xf32>,
        %max3A_244 = arith.maximumf %gather3A_243, %get3A_242 : vector<16xf32>
        tpu.vector_store_idx %arg9[%gather3A_217, %add3A_238], %max3A_244 : memref<64x64xf32, #tpu.memory_space<vmem>>[vector<16xi32>, vector<16xi32>], vector<16xf32>,
        %add3A_245 = arith.constant 48 : i32
        %add3A_246 = vector.broadcast %add3A_245 : i32 to vector<16xi32>
        %add3A_247 = arith.addi %add3A_246, %iota3A : vector<16xi32>
        %get3A_248 = arith.constant 5 : i32
        %get3A_249 = arith.index_cast %get3A_248 : i32 to index
        %get3A_250 = arith.constant 48 : index
        %get3A_251 = tpu.vector_load %arg7[%get3A_249, %get3A_250] {strides = array<i32>} : memref<16x64xf32, #tpu.memory_space<vmem>>, vector<16xf32>,
        tpu.vector_store_idx %arg8[%gather3A_217, %add3A_247], %get3A_251 {add = true} : memref<64x64xf32, #tpu.memory_space<vmem>>[vector<16xi32>, vector<16xi32>], vector<16xf32>,
        %gather3A_252 = tpu.vector_load_idx %arg9[%gather3A_217, %add3A_247] : memref<64x64xf32, #tpu.memory_space<vmem>>[vector<16xi32>, vector<16xi32>], vector<16xf32>,
        %max3A_253 = arith.maximumf %gather3A_252, %get3A_251 : vector<16xf32>
        tpu.vector_store_idx %arg9[%gather3A_217, %add3A_247], %max3A_253 : memref<64x64xf32, #tpu.memory_space<vmem>>[vector<16xi32>, vector<16xi32>], vector<16xf32>,
        %broadcast_in_dim3A_254 = arith.constant 6 : i32
        %broadcast_in_dim3A_255 = vector.broadcast %broadcast_in_dim3A_254 : i32 to vector<16xi32>
        %gather3A_256 = tpu.vector_load_idx %arg6[%broadcast_in_dim3A_255] : memref<16xi32, #tpu.memory_space<vmem>>[vector<16xi32>], vector<16xi32>,
        %add3A_257 = arith.constant 0 : i32
        %add3A_258 = vector.broadcast %add3A_257 : i32 to vector<16xi32>
        %add3A_259 = arith.addi %add3A_258, %iota3A : vector<16xi32>
        %get3A_260 = arith.constant 6 : i32
        %get3A_261 = arith.index_cast %get3A_260 : i32 to index
        %get3A_262 = arith.constant 0 : index
        %get3A_263 = tpu.vector_load %arg7[%get3A_261, %get3A_262] {strides = array<i32>} : memref<16x64xf32, #tpu.memory_space<vmem>>, vector<16xf32>,
        tpu.vector_store_idx %arg8[%gather3A_256, %add3A_259], %get3A_263 {add = true} : memref<64x64xf32, #tpu.memory_space<vmem>>[vector<16xi32>, vector<16xi32>], vector<16xf32>,
        %gather3A_264 = tpu.vector_load_idx %arg9[%gather3A_256, %add3A_259] : memref<64x64xf32, #tpu.memory_space<vmem>>[vector<16xi32>, vector<16xi32>], vector<16xf32>,
        %max3A_265 = arith.maximumf %gather3A_264, %get3A_263 : vector<16xf32>
        tpu.vector_store_idx %arg9[%gather3A_256, %add3A_259], %max3A_265 : memref<64x64xf32, #tpu.memory_space<vmem>>[vector<16xi32>, vector<16xi32>], vector<16xf32>,
        %add3A_266 = arith.constant 16 : i32
        %add3A_267 = vector.broadcast %add3A_266 : i32 to vector<16xi32>
        %add3A_268 = arith.addi %add3A_267, %iota3A : vector<16xi32>
        %get3A_269 = arith.constant 6 : i32
        %get3A_270 = arith.index_cast %get3A_269 : i32 to index
        %get3A_271 = arith.constant 16 : index
        %get3A_272 = tpu.vector_load %arg7[%get3A_270, %get3A_271] {strides = array<i32>} : memref<16x64xf32, #tpu.memory_space<vmem>>, vector<16xf32>,
        tpu.vector_store_idx %arg8[%gather3A_256, %add3A_268], %get3A_272 {add = true} : memref<64x64xf32, #tpu.memory_space<vmem>>[vector<16xi32>, vector<16xi32>], vector<16xf32>,
        %gather3A_273 = tpu.vector_load_idx %arg9[%gather3A_256, %add3A_268] : memref<64x64xf32, #tpu.memory_space<vmem>>[vector<16xi32>, vector<16xi32>], vector<16xf32>,
        %max3A_274 = arith.maximumf %gather3A_273, %get3A_272 : vector<16xf32>
        tpu.vector_store_idx %arg9[%gather3A_256, %add3A_268], %max3A_274 : memref<64x64xf32, #tpu.memory_space<vmem>>[vector<16xi32>, vector<16xi32>], vector<16xf32>,
        %add3A_275 = arith.constant 32 : i32
        %add3A_276 = vector.broadcast %add3A_275 : i32 to vector<16xi32>
        %add3A_277 = arith.addi %add3A_276, %iota3A : vector<16xi32>
        %get3A_278 = arith.constant 6 : i32
        %get3A_279 = arith.index_cast %get3A_278 : i32 to index
        %get3A_280 = arith.constant 32 : index
        %get3A_281 = tpu.vector_load %arg7[%get3A_279, %get3A_280] {strides = array<i32>} : memref<16x64xf32, #tpu.memory_space<vmem>>, vector<16xf32>,
        tpu.vector_store_idx %arg8[%gather3A_256, %add3A_277], %get3A_281 {add = true} : memref<64x64xf32, #tpu.memory_space<vmem>>[vector<16xi32>, vector<16xi32>], vector<16xf32>,
        %gather3A_282 = tpu.vector_load_idx %arg9[%gather3A_256, %add3A_277] : memref<64x64xf32, #tpu.memory_space<vmem>>[vector<16xi32>, vector<16xi32>], vector<16xf32>,
        %max3A_283 = arith.maximumf %gather3A_282, %get3A_281 : vector<16xf32>
        tpu.vector_store_idx %arg9[%gather3A_256, %add3A_277], %max3A_283 : memref<64x64xf32, #tpu.memory_space<vmem>>[vector<16xi32>, vector<16xi32>], vector<16xf32>,
        %add3A_284 = arith.constant 48 : i32
        %add3A_285 = vector.broadcast %add3A_284 : i32 to vector<16xi32>
        %add3A_286 = arith.addi %add3A_285, %iota3A : vector<16xi32>
        %get3A_287 = arith.constant 6 : i32
        %get3A_288 = arith.index_cast %get3A_287 : i32 to index
        %get3A_289 = arith.constant 48 : index
        %get3A_290 = tpu.vector_load %arg7[%get3A_288, %get3A_289] {strides = array<i32>} : memref<16x64xf32, #tpu.memory_space<vmem>>, vector<16xf32>,
        tpu.vector_store_idx %arg8[%gather3A_256, %add3A_286], %get3A_290 {add = true} : memref<64x64xf32, #tpu.memory_space<vmem>>[vector<16xi32>, vector<16xi32>], vector<16xf32>,
        %gather3A_291 = tpu.vector_load_idx %arg9[%gather3A_256, %add3A_286] : memref<64x64xf32, #tpu.memory_space<vmem>>[vector<16xi32>, vector<16xi32>], vector<16xf32>,
        %max3A_292 = arith.maximumf %gather3A_291, %get3A_290 : vector<16xf32>
        tpu.vector_store_idx %arg9[%gather3A_256, %add3A_286], %max3A_292 : memref<64x64xf32, #tpu.memory_space<vmem>>[vector<16xi32>, vector<16xi32>], vector<16xf32>,
        %broadcast_in_dim3A_293 = arith.constant 7 : i32
        %broadcast_in_dim3A_294 = vector.broadcast %broadcast_in_dim3A_293 : i32 to vector<16xi32>
        %gather3A_295 = tpu.vector_load_idx %arg6[%broadcast_in_dim3A_294] : memref<16xi32, #tpu.memory_space<vmem>>[vector<16xi32>], vector<16xi32>,
        %add3A_296 = arith.constant 0 : i32
        %add3A_297 = vector.broadcast %add3A_296 : i32 to vector<16xi32>
        %add3A_298 = arith.addi %add3A_297, %iota3A : vector<16xi32>
        %get3A_299 = arith.constant 7 : i32
        %get3A_300 = arith.index_cast %get3A_299 : i32 to index
        %get3A_301 = arith.constant 0 : index
        %get3A_302 = tpu.vector_load %arg7[%get3A_300, %get3A_301] {strides = array<i32>} : memref<16x64xf32, #tpu.memory_space<vmem>>, vector<16xf32>,
        tpu.vector_store_idx %arg8[%gather3A_295, %add3A_298], %get3A_302 {add = true} : memref<64x64xf32, #tpu.memory_space<vmem>>[vector<16xi32>, vector<16xi32>], vector<16xf32>,
        %gather3A_303 = tpu.vector_load_idx %arg9[%gather3A_295, %add3A_298] : memref<64x64xf32, #tpu.memory_space<vmem>>[vector<16xi32>, vector<16xi32>], vector<16xf32>,
        %max3A_304 = arith.maximumf %gather3A_303, %get3A_302 : vector<16xf32>
        tpu.vector_store_idx %arg9[%gather3A_295, %add3A_298], %max3A_304 : memref<64x64xf32, #tpu.memory_space<vmem>>[vector<16xi32>, vector<16xi32>], vector<16xf32>,
        %add3A_305 = arith.constant 16 : i32
        %add3A_306 = vector.broadcast %add3A_305 : i32 to vector<16xi32>
        %add3A_307 = arith.addi %add3A_306, %iota3A : vector<16xi32>
        %get3A_308 = arith.constant 7 : i32
        %get3A_309 = arith.index_cast %get3A_308 : i32 to index
        %get3A_310 = arith.constant 16 : index
        %get3A_311 = tpu.vector_load %arg7[%get3A_309, %get3A_310] {strides = array<i32>} : memref<16x64xf32, #tpu.memory_space<vmem>>, vector<16xf32>,
        tpu.vector_store_idx %arg8[%gather3A_295, %add3A_307], %get3A_311 {add = true} : memref<64x64xf32, #tpu.memory_space<vmem>>[vector<16xi32>, vector<16xi32>], vector<16xf32>,
        %gather3A_312 = tpu.vector_load_idx %arg9[%gather3A_295, %add3A_307] : memref<64x64xf32, #tpu.memory_space<vmem>>[vector<16xi32>, vector<16xi32>], vector<16xf32>,
        %max3A_313 = arith.maximumf %gather3A_312, %get3A_311 : vector<16xf32>
        tpu.vector_store_idx %arg9[%gather3A_295, %add3A_307], %max3A_313 : memref<64x64xf32, #tpu.memory_space<vmem>>[vector<16xi32>, vector<16xi32>], vector<16xf32>,
        %add3A_314 = arith.constant 32 : i32
        %add3A_315 = vector.broadcast %add3A_314 : i32 to vector<16xi32>
        %add3A_316 = arith.addi %add3A_315, %iota3A : vector<16xi32>
        %get3A_317 = arith.constant 7 : i32
        %get3A_318 = arith.index_cast %get3A_317 : i32 to index
        %get3A_319 = arith.constant 32 : index
        %get3A_320 = tpu.vector_load %arg7[%get3A_318, %get3A_319] {strides = array<i32>} : memref<16x64xf32, #tpu.memory_space<vmem>>, vector<16xf32>,
        tpu.vector_store_idx %arg8[%gather3A_295, %add3A_316], %get3A_320 {add = true} : memref<64x64xf32, #tpu.memory_space<vmem>>[vector<16xi32>, vector<16xi32>], vector<16xf32>,
        %gather3A_321 = tpu.vector_load_idx %arg9[%gather3A_295, %add3A_316] : memref<64x64xf32, #tpu.memory_space<vmem>>[vector<16xi32>, vector<16xi32>], vector<16xf32>,
        %max3A_322 = arith.maximumf %gather3A_321, %get3A_320 : vector<16xf32>
        tpu.vector_store_idx %arg9[%gather3A_295, %add3A_316], %max3A_322 : memref<64x64xf32, #tpu.memory_space<vmem>>[vector<16xi32>, vector<16xi32>], vector<16xf32>,
        %add3A_323 = arith.constant 48 : i32
        %add3A_324 = vector.broadcast %add3A_323 : i32 to vector<16xi32>
        %add3A_325 = arith.addi %add3A_324, %iota3A : vector<16xi32>
        %get3A_326 = arith.constant 7 : i32
        %get3A_327 = arith.index_cast %get3A_326 : i32 to index
        %get3A_328 = arith.constant 48 : index
        %get3A_329 = tpu.vector_load %arg7[%get3A_327, %get3A_328] {strides = array<i32>} : memref<16x64xf32, #tpu.memory_space<vmem>>, vector<16xf32>,
        tpu.vector_store_idx %arg8[%gather3A_295, %add3A_325], %get3A_329 {add = true} : memref<64x64xf32, #tpu.memory_space<vmem>>[vector<16xi32>, vector<16xi32>], vector<16xf32>,
        %gather3A_330 = tpu.vector_load_idx %arg9[%gather3A_295, %add3A_325] : memref<64x64xf32, #tpu.memory_space<vmem>>[vector<16xi32>, vector<16xi32>], vector<16xf32>,
        %max3A_331 = arith.maximumf %gather3A_330, %get3A_329 : vector<16xf32>
        tpu.vector_store_idx %arg9[%gather3A_295, %add3A_325], %max3A_331 : memref<64x64xf32, #tpu.memory_space<vmem>>[vector<16xi32>, vector<16xi32>], vector<16xf32>,
        %broadcast_in_dim3A_332 = arith.constant 8 : i32
        %broadcast_in_dim3A_333 = vector.broadcast %broadcast_in_dim3A_332 : i32 to vector<16xi32>
        %gather3A_334 = tpu.vector_load_idx %arg6[%broadcast_in_dim3A_333] : memref<16xi32, #tpu.memory_space<vmem>>[vector<16xi32>], vector<16xi32>,
        %add3A_335 = arith.constant 0 : i32
        %add3A_336 = vector.broadcast %add3A_335 : i32 to vector<16xi32>
        %add3A_337 = arith.addi %add3A_336, %iota3A : vector<16xi32>
        %get3A_338 = arith.constant 8 : i32
        %get3A_339 = arith.index_cast %get3A_338 : i32 to index
        %get3A_340 = arith.constant 0 : index
        %get3A_341 = tpu.vector_load %arg7[%get3A_339, %get3A_340] {strides = array<i32>} : memref<16x64xf32, #tpu.memory_space<vmem>>, vector<16xf32>,
        tpu.vector_store_idx %arg8[%gather3A_334, %add3A_337], %get3A_341 {add = true} : memref<64x64xf32, #tpu.memory_space<vmem>>[vector<16xi32>, vector<16xi32>], vector<16xf32>,
        %gather3A_342 = tpu.vector_load_idx %arg9[%gather3A_334, %add3A_337] : memref<64x64xf32, #tpu.memory_space<vmem>>[vector<16xi32>, vector<16xi32>], vector<16xf32>,
        %max3A_343 = arith.maximumf %gather3A_342, %get3A_341 : vector<16xf32>
        tpu.vector_store_idx %arg9[%gather3A_334, %add3A_337], %max3A_343 : memref<64x64xf32, #tpu.memory_space<vmem>>[vector<16xi32>, vector<16xi32>], vector<16xf32>,
        %add3A_344 = arith.constant 16 : i32
        %add3A_345 = vector.broadcast %add3A_344 : i32 to vector<16xi32>
        %add3A_346 = arith.addi %add3A_345, %iota3A : vector<16xi32>
        %get3A_347 = arith.constant 8 : i32
        %get3A_348 = arith.index_cast %get3A_347 : i32 to index
        %get3A_349 = arith.constant 16 : index
        %get3A_350 = tpu.vector_load %arg7[%get3A_348, %get3A_349] {strides = array<i32>} : memref<16x64xf32, #tpu.memory_space<vmem>>, vector<16xf32>,
        tpu.vector_store_idx %arg8[%gather3A_334, %add3A_346], %get3A_350 {add = true} : memref<64x64xf32, #tpu.memory_space<vmem>>[vector<16xi32>, vector<16xi32>], vector<16xf32>,
        %gather3A_351 = tpu.vector_load_idx %arg9[%gather3A_334, %add3A_346] : memref<64x64xf32, #tpu.memory_space<vmem>>[vector<16xi32>, vector<16xi32>], vector<16xf32>,
        %max3A_352 = arith.maximumf %gather3A_351, %get3A_350 : vector<16xf32>
        tpu.vector_store_idx %arg9[%gather3A_334, %add3A_346], %max3A_352 : memref<64x64xf32, #tpu.memory_space<vmem>>[vector<16xi32>, vector<16xi32>], vector<16xf32>,
        %add3A_353 = arith.constant 32 : i32
        %add3A_354 = vector.broadcast %add3A_353 : i32 to vector<16xi32>
        %add3A_355 = arith.addi %add3A_354, %iota3A : vector<16xi32>
        %get3A_356 = arith.constant 8 : i32
        %get3A_357 = arith.index_cast %get3A_356 : i32 to index
        %get3A_358 = arith.constant 32 : index
        %get3A_359 = tpu.vector_load %arg7[%get3A_357, %get3A_358] {strides = array<i32>} : memref<16x64xf32, #tpu.memory_space<vmem>>, vector<16xf32>,
        tpu.vector_store_idx %arg8[%gather3A_334, %add3A_355], %get3A_359 {add = true} : memref<64x64xf32, #tpu.memory_space<vmem>>[vector<16xi32>, vector<16xi32>], vector<16xf32>,
        %gather3A_360 = tpu.vector_load_idx %arg9[%gather3A_334, %add3A_355] : memref<64x64xf32, #tpu.memory_space<vmem>>[vector<16xi32>, vector<16xi32>], vector<16xf32>,
        %max3A_361 = arith.maximumf %gather3A_360, %get3A_359 : vector<16xf32>
        tpu.vector_store_idx %arg9[%gather3A_334, %add3A_355], %max3A_361 : memref<64x64xf32, #tpu.memory_space<vmem>>[vector<16xi32>, vector<16xi32>], vector<16xf32>,
        %add3A_362 = arith.constant 48 : i32
        %add3A_363 = vector.broadcast %add3A_362 : i32 to vector<16xi32>
        %add3A_364 = arith.addi %add3A_363, %iota3A : vector<16xi32>
        %get3A_365 = arith.constant 8 : i32
        %get3A_366 = arith.index_cast %get3A_365 : i32 to index
        %get3A_367 = arith.constant 48 : index
        %get3A_368 = tpu.vector_load %arg7[%get3A_366, %get3A_367] {strides = array<i32>} : memref<16x64xf32, #tpu.memory_space<vmem>>, vector<16xf32>,
        tpu.vector_store_idx %arg8[%gather3A_334, %add3A_364], %get3A_368 {add = true} : memref<64x64xf32, #tpu.memory_space<vmem>>[vector<16xi32>, vector<16xi32>], vector<16xf32>,
        %gather3A_369 = tpu.vector_load_idx %arg9[%gather3A_334, %add3A_364] : memref<64x64xf32, #tpu.memory_space<vmem>>[vector<16xi32>, vector<16xi32>], vector<16xf32>,
        %max3A_370 = arith.maximumf %gather3A_369, %get3A_368 : vector<16xf32>
        tpu.vector_store_idx %arg9[%gather3A_334, %add3A_364], %max3A_370 : memref<64x64xf32, #tpu.memory_space<vmem>>[vector<16xi32>, vector<16xi32>], vector<16xf32>,
        %broadcast_in_dim3A_371 = arith.constant 9 : i32
        %broadcast_in_dim3A_372 = vector.broadcast %broadcast_in_dim3A_371 : i32 to vector<16xi32>
        %gather3A_373 = tpu.vector_load_idx %arg6[%broadcast_in_dim3A_372] : memref<16xi32, #tpu.memory_space<vmem>>[vector<16xi32>], vector<16xi32>,
        %add3A_374 = arith.constant 0 : i32
        %add3A_375 = vector.broadcast %add3A_374 : i32 to vector<16xi32>
        %add3A_376 = arith.addi %add3A_375, %iota3A : vector<16xi32>
        %get3A_377 = arith.constant 9 : i32
        %get3A_378 = arith.index_cast %get3A_377 : i32 to index
        %get3A_379 = arith.constant 0 : index
        %get3A_380 = tpu.vector_load %arg7[%get3A_378, %get3A_379] {strides = array<i32>} : memref<16x64xf32, #tpu.memory_space<vmem>>, vector<16xf32>,
        tpu.vector_store_idx %arg8[%gather3A_373, %add3A_376], %get3A_380 {add = true} : memref<64x64xf32, #tpu.memory_space<vmem>>[vector<16xi32>, vector<16xi32>], vector<16xf32>,
        %gather3A_381 = tpu.vector_load_idx %arg9[%gather3A_373, %add3A_376] : memref<64x64xf32, #tpu.memory_space<vmem>>[vector<16xi32>, vector<16xi32>], vector<16xf32>,
        %max3A_382 = arith.maximumf %gather3A_381, %get3A_380 : vector<16xf32>
        tpu.vector_store_idx %arg9[%gather3A_373, %add3A_376], %max3A_382 : memref<64x64xf32, #tpu.memory_space<vmem>>[vector<16xi32>, vector<16xi32>], vector<16xf32>,
        %add3A_383 = arith.constant 16 : i32
        %add3A_384 = vector.broadcast %add3A_383 : i32 to vector<16xi32>
        %add3A_385 = arith.addi %add3A_384, %iota3A : vector<16xi32>
        %get3A_386 = arith.constant 9 : i32
        %get3A_387 = arith.index_cast %get3A_386 : i32 to index
        %get3A_388 = arith.constant 16 : index
        %get3A_389 = tpu.vector_load %arg7[%get3A_387, %get3A_388] {strides = array<i32>} : memref<16x64xf32, #tpu.memory_space<vmem>>, vector<16xf32>,
        tpu.vector_store_idx %arg8[%gather3A_373, %add3A_385], %get3A_389 {add = true} : memref<64x64xf32, #tpu.memory_space<vmem>>[vector<16xi32>, vector<16xi32>], vector<16xf32>,
        %gather3A_390 = tpu.vector_load_idx %arg9[%gather3A_373, %add3A_385] : memref<64x64xf32, #tpu.memory_space<vmem>>[vector<16xi32>, vector<16xi32>], vector<16xf32>,
        %max3A_391 = arith.maximumf %gather3A_390, %get3A_389 : vector<16xf32>
        tpu.vector_store_idx %arg9[%gather3A_373, %add3A_385], %max3A_391 : memref<64x64xf32, #tpu.memory_space<vmem>>[vector<16xi32>, vector<16xi32>], vector<16xf32>,
        %add3A_392 = arith.constant 32 : i32
        %add3A_393 = vector.broadcast %add3A_392 : i32 to vector<16xi32>
        %add3A_394 = arith.addi %add3A_393, %iota3A : vector<16xi32>
        %get3A_395 = arith.constant 9 : i32
        %get3A_396 = arith.index_cast %get3A_395 : i32 to index
        %get3A_397 = arith.constant 32 : index
        %get3A_398 = tpu.vector_load %arg7[%get3A_396, %get3A_397] {strides = array<i32>} : memref<16x64xf32, #tpu.memory_space<vmem>>, vector<16xf32>,
        tpu.vector_store_idx %arg8[%gather3A_373, %add3A_394], %get3A_398 {add = true} : memref<64x64xf32, #tpu.memory_space<vmem>>[vector<16xi32>, vector<16xi32>], vector<16xf32>,
        %gather3A_399 = tpu.vector_load_idx %arg9[%gather3A_373, %add3A_394] : memref<64x64xf32, #tpu.memory_space<vmem>>[vector<16xi32>, vector<16xi32>], vector<16xf32>,
        %max3A_400 = arith.maximumf %gather3A_399, %get3A_398 : vector<16xf32>
        tpu.vector_store_idx %arg9[%gather3A_373, %add3A_394], %max3A_400 : memref<64x64xf32, #tpu.memory_space<vmem>>[vector<16xi32>, vector<16xi32>], vector<16xf32>,
        %add3A_401 = arith.constant 48 : i32
        %add3A_402 = vector.broadcast %add3A_401 : i32 to vector<16xi32>
        %add3A_403 = arith.addi %add3A_402, %iota3A : vector<16xi32>
        %get3A_404 = arith.constant 9 : i32
        %get3A_405 = arith.index_cast %get3A_404 : i32 to index
        %get3A_406 = arith.constant 48 : index
        %get3A_407 = tpu.vector_load %arg7[%get3A_405, %get3A_406] {strides = array<i32>} : memref<16x64xf32, #tpu.memory_space<vmem>>, vector<16xf32>,
        tpu.vector_store_idx %arg8[%gather3A_373, %add3A_403], %get3A_407 {add = true} : memref<64x64xf32, #tpu.memory_space<vmem>>[vector<16xi32>, vector<16xi32>], vector<16xf32>,
        %gather3A_408 = tpu.vector_load_idx %arg9[%gather3A_373, %add3A_403] : memref<64x64xf32, #tpu.memory_space<vmem>>[vector<16xi32>, vector<16xi32>], vector<16xf32>,
        %max3A_409 = arith.maximumf %gather3A_408, %get3A_407 : vector<16xf32>
        tpu.vector_store_idx %arg9[%gather3A_373, %add3A_403], %max3A_409 : memref<64x64xf32, #tpu.memory_space<vmem>>[vector<16xi32>, vector<16xi32>], vector<16xf32>,
        %broadcast_in_dim3A_410 = arith.constant 10 : i32
        %broadcast_in_dim3A_411 = vector.broadcast %broadcast_in_dim3A_410 : i32 to vector<16xi32>
        %gather3A_412 = tpu.vector_load_idx %arg6[%broadcast_in_dim3A_411] : memref<16xi32, #tpu.memory_space<vmem>>[vector<16xi32>], vector<16xi32>,
        %add3A_413 = arith.constant 0 : i32
        %add3A_414 = vector.broadcast %add3A_413 : i32 to vector<16xi32>
        %add3A_415 = arith.addi %add3A_414, %iota3A : vector<16xi32>
        %get3A_416 = arith.constant 10 : i32
        %get3A_417 = arith.index_cast %get3A_416 : i32 to index
        %get3A_418 = arith.constant 0 : index
        %get3A_419 = tpu.vector_load %arg7[%get3A_417, %get3A_418] {strides = array<i32>} : memref<16x64xf32, #tpu.memory_space<vmem>>, vector<16xf32>,
        tpu.vector_store_idx %arg8[%gather3A_412, %add3A_415], %get3A_419 {add = true} : memref<64x64xf32, #tpu.memory_space<vmem>>[vector<16xi32>, vector<16xi32>], vector<16xf32>,
        %gather3A_420 = tpu.vector_load_idx %arg9[%gather3A_412, %add3A_415] : memref<64x64xf32, #tpu.memory_space<vmem>>[vector<16xi32>, vector<16xi32>], vector<16xf32>,
        %max3A_421 = arith.maximumf %gather3A_420, %get3A_419 : vector<16xf32>
        tpu.vector_store_idx %arg9[%gather3A_412, %add3A_415], %max3A_421 : memref<64x64xf32, #tpu.memory_space<vmem>>[vector<16xi32>, vector<16xi32>], vector<16xf32>,
        %add3A_422 = arith.constant 16 : i32
        %add3A_423 = vector.broadcast %add3A_422 : i32 to vector<16xi32>
        %add3A_424 = arith.addi %add3A_423, %iota3A : vector<16xi32>
        %get3A_425 = arith.constant 10 : i32
        %get3A_426 = arith.index_cast %get3A_425 : i32 to index
        %get3A_427 = arith.constant 16 : index
        %get3A_428 = tpu.vector_load %arg7[%get3A_426, %get3A_427] {strides = array<i32>} : memref<16x64xf32, #tpu.memory_space<vmem>>, vector<16xf32>,
        tpu.vector_store_idx %arg8[%gather3A_412, %add3A_424], %get3A_428 {add = true} : memref<64x64xf32, #tpu.memory_space<vmem>>[vector<16xi32>, vector<16xi32>], vector<16xf32>,
        %gather3A_429 = tpu.vector_load_idx %arg9[%gather3A_412, %add3A_424] : memref<64x64xf32, #tpu.memory_space<vmem>>[vector<16xi32>, vector<16xi32>], vector<16xf32>,
        %max3A_430 = arith.maximumf %gather3A_429, %get3A_428 : vector<16xf32>
        tpu.vector_store_idx %arg9[%gather3A_412, %add3A_424], %max3A_430 : memref<64x64xf32, #tpu.memory_space<vmem>>[vector<16xi32>, vector<16xi32>], vector<16xf32>,
        %add3A_431 = arith.constant 32 : i32
        %add3A_432 = vector.broadcast %add3A_431 : i32 to vector<16xi32>
        %add3A_433 = arith.addi %add3A_432, %iota3A : vector<16xi32>
        %get3A_434 = arith.constant 10 : i32
        %get3A_435 = arith.index_cast %get3A_434 : i32 to index
        %get3A_436 = arith.constant 32 : index
        %get3A_437 = tpu.vector_load %arg7[%get3A_435, %get3A_436] {strides = array<i32>} : memref<16x64xf32, #tpu.memory_space<vmem>>, vector<16xf32>,
        tpu.vector_store_idx %arg8[%gather3A_412, %add3A_433], %get3A_437 {add = true} : memref<64x64xf32, #tpu.memory_space<vmem>>[vector<16xi32>, vector<16xi32>], vector<16xf32>,
        %gather3A_438 = tpu.vector_load_idx %arg9[%gather3A_412, %add3A_433] : memref<64x64xf32, #tpu.memory_space<vmem>>[vector<16xi32>, vector<16xi32>], vector<16xf32>,
        %max3A_439 = arith.maximumf %gather3A_438, %get3A_437 : vector<16xf32>
        tpu.vector_store_idx %arg9[%gather3A_412, %add3A_433], %max3A_439 : memref<64x64xf32, #tpu.memory_space<vmem>>[vector<16xi32>, vector<16xi32>], vector<16xf32>,
        %add3A_440 = arith.constant 48 : i32
        %add3A_441 = vector.broadcast %add3A_440 : i32 to vector<16xi32>
        %add3A_442 = arith.addi %add3A_441, %iota3A : vector<16xi32>
        %get3A_443 = arith.constant 10 : i32
        %get3A_444 = arith.index_cast %get3A_443 : i32 to index
        %get3A_445 = arith.constant 48 : index
        %get3A_446 = tpu.vector_load %arg7[%get3A_444, %get3A_445] {strides = array<i32>} : memref<16x64xf32, #tpu.memory_space<vmem>>, vector<16xf32>,
        tpu.vector_store_idx %arg8[%gather3A_412, %add3A_442], %get3A_446 {add = true} : memref<64x64xf32, #tpu.memory_space<vmem>>[vector<16xi32>, vector<16xi32>], vector<16xf32>,
        %gather3A_447 = tpu.vector_load_idx %arg9[%gather3A_412, %add3A_442] : memref<64x64xf32, #tpu.memory_space<vmem>>[vector<16xi32>, vector<16xi32>], vector<16xf32>,
        %max3A_448 = arith.maximumf %gather3A_447, %get3A_446 : vector<16xf32>
        tpu.vector_store_idx %arg9[%gather3A_412, %add3A_442], %max3A_448 : memref<64x64xf32, #tpu.memory_space<vmem>>[vector<16xi32>, vector<16xi32>], vector<16xf32>,
        %broadcast_in_dim3A_449 = arith.constant 11 : i32
        %broadcast_in_dim3A_450 = vector.broadcast %broadcast_in_dim3A_449 : i32 to vector<16xi32>
        %gather3A_451 = tpu.vector_load_idx %arg6[%broadcast_in_dim3A_450] : memref<16xi32, #tpu.memory_space<vmem>>[vector<16xi32>], vector<16xi32>,
        %add3A_452 = arith.constant 0 : i32
        %add3A_453 = vector.broadcast %add3A_452 : i32 to vector<16xi32>
        %add3A_454 = arith.addi %add3A_453, %iota3A : vector<16xi32>
        %get3A_455 = arith.constant 11 : i32
        %get3A_456 = arith.index_cast %get3A_455 : i32 to index
        %get3A_457 = arith.constant 0 : index
        %get3A_458 = tpu.vector_load %arg7[%get3A_456, %get3A_457] {strides = array<i32>} : memref<16x64xf32, #tpu.memory_space<vmem>>, vector<16xf32>,
        tpu.vector_store_idx %arg8[%gather3A_451, %add3A_454], %get3A_458 {add = true} : memref<64x64xf32, #tpu.memory_space<vmem>>[vector<16xi32>, vector<16xi32>], vector<16xf32>,
        %gather3A_459 = tpu.vector_load_idx %arg9[%gather3A_451, %add3A_454] : memref<64x64xf32, #tpu.memory_space<vmem>>[vector<16xi32>, vector<16xi32>], vector<16xf32>,
        %max3A_460 = arith.maximumf %gather3A_459, %get3A_458 : vector<16xf32>
        tpu.vector_store_idx %arg9[%gather3A_451, %add3A_454], %max3A_460 : memref<64x64xf32, #tpu.memory_space<vmem>>[vector<16xi32>, vector<16xi32>], vector<16xf32>,
        %add3A_461 = arith.constant 16 : i32
        %add3A_462 = vector.broadcast %add3A_461 : i32 to vector<16xi32>
        %add3A_463 = arith.addi %add3A_462, %iota3A : vector<16xi32>
        %get3A_464 = arith.constant 11 : i32
        %get3A_465 = arith.index_cast %get3A_464 : i32 to index
        %get3A_466 = arith.constant 16 : index
        %get3A_467 = tpu.vector_load %arg7[%get3A_465, %get3A_466] {strides = array<i32>} : memref<16x64xf32, #tpu.memory_space<vmem>>, vector<16xf32>,
        tpu.vector_store_idx %arg8[%gather3A_451, %add3A_463], %get3A_467 {add = true} : memref<64x64xf32, #tpu.memory_space<vmem>>[vector<16xi32>, vector<16xi32>], vector<16xf32>,
        %gather3A_468 = tpu.vector_load_idx %arg9[%gather3A_451, %add3A_463] : memref<64x64xf32, #tpu.memory_space<vmem>>[vector<16xi32>, vector<16xi32>], vector<16xf32>,
        %max3A_469 = arith.maximumf %gather3A_468, %get3A_467 : vector<16xf32>
        tpu.vector_store_idx %arg9[%gather3A_451, %add3A_463], %max3A_469 : memref<64x64xf32, #tpu.memory_space<vmem>>[vector<16xi32>, vector<16xi32>], vector<16xf32>,
        %add3A_470 = arith.constant 32 : i32
        %add3A_471 = vector.broadcast %add3A_470 : i32 to vector<16xi32>
        %add3A_472 = arith.addi %add3A_471, %iota3A : vector<16xi32>
        %get3A_473 = arith.constant 11 : i32
        %get3A_474 = arith.index_cast %get3A_473 : i32 to index
        %get3A_475 = arith.constant 32 : index
        %get3A_476 = tpu.vector_load %arg7[%get3A_474, %get3A_475] {strides = array<i32>} : memref<16x64xf32, #tpu.memory_space<vmem>>, vector<16xf32>,
        tpu.vector_store_idx %arg8[%gather3A_451, %add3A_472], %get3A_476 {add = true} : memref<64x64xf32, #tpu.memory_space<vmem>>[vector<16xi32>, vector<16xi32>], vector<16xf32>,
        %gather3A_477 = tpu.vector_load_idx %arg9[%gather3A_451, %add3A_472] : memref<64x64xf32, #tpu.memory_space<vmem>>[vector<16xi32>, vector<16xi32>], vector<16xf32>,
        %max3A_478 = arith.maximumf %gather3A_477, %get3A_476 : vector<16xf32>
        tpu.vector_store_idx %arg9[%gather3A_451, %add3A_472], %max3A_478 : memref<64x64xf32, #tpu.memory_space<vmem>>[vector<16xi32>, vector<16xi32>], vector<16xf32>,
        %add3A_479 = arith.constant 48 : i32
        %add3A_480 = vector.broadcast %add3A_479 : i32 to vector<16xi32>
        %add3A_481 = arith.addi %add3A_480, %iota3A : vector<16xi32>
        %get3A_482 = arith.constant 11 : i32
        %get3A_483 = arith.index_cast %get3A_482 : i32 to index
        %get3A_484 = arith.constant 48 : index
        %get3A_485 = tpu.vector_load %arg7[%get3A_483, %get3A_484] {strides = array<i32>} : memref<16x64xf32, #tpu.memory_space<vmem>>, vector<16xf32>,
        tpu.vector_store_idx %arg8[%gather3A_451, %add3A_481], %get3A_485 {add = true} : memref<64x64xf32, #tpu.memory_space<vmem>>[vector<16xi32>, vector<16xi32>], vector<16xf32>,
        %gather3A_486 = tpu.vector_load_idx %arg9[%gather3A_451, %add3A_481] : memref<64x64xf32, #tpu.memory_space<vmem>>[vector<16xi32>, vector<16xi32>], vector<16xf32>,
        %max3A_487 = arith.maximumf %gather3A_486, %get3A_485 : vector<16xf32>
        tpu.vector_store_idx %arg9[%gather3A_451, %add3A_481], %max3A_487 : memref<64x64xf32, #tpu.memory_space<vmem>>[vector<16xi32>, vector<16xi32>], vector<16xf32>,
        %broadcast_in_dim3A_488 = arith.constant 12 : i32
        %broadcast_in_dim3A_489 = vector.broadcast %broadcast_in_dim3A_488 : i32 to vector<16xi32>
        %gather3A_490 = tpu.vector_load_idx %arg6[%broadcast_in_dim3A_489] : memref<16xi32, #tpu.memory_space<vmem>>[vector<16xi32>], vector<16xi32>,
        %add3A_491 = arith.constant 0 : i32
        %add3A_492 = vector.broadcast %add3A_491 : i32 to vector<16xi32>
        %add3A_493 = arith.addi %add3A_492, %iota3A : vector<16xi32>
        %get3A_494 = arith.constant 12 : i32
        %get3A_495 = arith.index_cast %get3A_494 : i32 to index
        %get3A_496 = arith.constant 0 : index
        %get3A_497 = tpu.vector_load %arg7[%get3A_495, %get3A_496] {strides = array<i32>} : memref<16x64xf32, #tpu.memory_space<vmem>>, vector<16xf32>,
        tpu.vector_store_idx %arg8[%gather3A_490, %add3A_493], %get3A_497 {add = true} : memref<64x64xf32, #tpu.memory_space<vmem>>[vector<16xi32>, vector<16xi32>], vector<16xf32>,
        %gather3A_498 = tpu.vector_load_idx %arg9[%gather3A_490, %add3A_493] : memref<64x64xf32, #tpu.memory_space<vmem>>[vector<16xi32>, vector<16xi32>], vector<16xf32>,
        %max3A_499 = arith.maximumf %gather3A_498, %get3A_497 : vector<16xf32>
        tpu.vector_store_idx %arg9[%gather3A_490, %add3A_493], %max3A_499 : memref<64x64xf32, #tpu.memory_space<vmem>>[vector<16xi32>, vector<16xi32>], vector<16xf32>,
        %add3A_500 = arith.constant 16 : i32
        %add3A_501 = vector.broadcast %add3A_500 : i32 to vector<16xi32>
        %add3A_502 = arith.addi %add3A_501, %iota3A : vector<16xi32>
        %get3A_503 = arith.constant 12 : i32
        %get3A_504 = arith.index_cast %get3A_503 : i32 to index
        %get3A_505 = arith.constant 16 : index
        %get3A_506 = tpu.vector_load %arg7[%get3A_504, %get3A_505] {strides = array<i32>} : memref<16x64xf32, #tpu.memory_space<vmem>>, vector<16xf32>,
        tpu.vector_store_idx %arg8[%gather3A_490, %add3A_502], %get3A_506 {add = true} : memref<64x64xf32, #tpu.memory_space<vmem>>[vector<16xi32>, vector<16xi32>], vector<16xf32>,
        %gather3A_507 = tpu.vector_load_idx %arg9[%gather3A_490, %add3A_502] : memref<64x64xf32, #tpu.memory_space<vmem>>[vector<16xi32>, vector<16xi32>], vector<16xf32>,
        %max3A_508 = arith.maximumf %gather3A_507, %get3A_506 : vector<16xf32>
        tpu.vector_store_idx %arg9[%gather3A_490, %add3A_502], %max3A_508 : memref<64x64xf32, #tpu.memory_space<vmem>>[vector<16xi32>, vector<16xi32>], vector<16xf32>,
        %add3A_509 = arith.constant 32 : i32
        %add3A_510 = vector.broadcast %add3A_509 : i32 to vector<16xi32>
        %add3A_511 = arith.addi %add3A_510, %iota3A : vector<16xi32>
        %get3A_512 = arith.constant 12 : i32
        %get3A_513 = arith.index_cast %get3A_512 : i32 to index
        %get3A_514 = arith.constant 32 : index
        %get3A_515 = tpu.vector_load %arg7[%get3A_513, %get3A_514] {strides = array<i32>} : memref<16x64xf32, #tpu.memory_space<vmem>>, vector<16xf32>,
        tpu.vector_store_idx %arg8[%gather3A_490, %add3A_511], %get3A_515 {add = true} : memref<64x64xf32, #tpu.memory_space<vmem>>[vector<16xi32>, vector<16xi32>], vector<16xf32>,
        %gather3A_516 = tpu.vector_load_idx %arg9[%gather3A_490, %add3A_511] : memref<64x64xf32, #tpu.memory_space<vmem>>[vector<16xi32>, vector<16xi32>], vector<16xf32>,
        %max3A_517 = arith.maximumf %gather3A_516, %get3A_515 : vector<16xf32>
        tpu.vector_store_idx %arg9[%gather3A_490, %add3A_511], %max3A_517 : memref<64x64xf32, #tpu.memory_space<vmem>>[vector<16xi32>, vector<16xi32>], vector<16xf32>,
        %add3A_518 = arith.constant 48 : i32
        %add3A_519 = vector.broadcast %add3A_518 : i32 to vector<16xi32>
        %add3A_520 = arith.addi %add3A_519, %iota3A : vector<16xi32>
        %get3A_521 = arith.constant 12 : i32
        %get3A_522 = arith.index_cast %get3A_521 : i32 to index
        %get3A_523 = arith.constant 48 : index
        %get3A_524 = tpu.vector_load %arg7[%get3A_522, %get3A_523] {strides = array<i32>} : memref<16x64xf32, #tpu.memory_space<vmem>>, vector<16xf32>,
        tpu.vector_store_idx %arg8[%gather3A_490, %add3A_520], %get3A_524 {add = true} : memref<64x64xf32, #tpu.memory_space<vmem>>[vector<16xi32>, vector<16xi32>], vector<16xf32>,
        %gather3A_525 = tpu.vector_load_idx %arg9[%gather3A_490, %add3A_520] : memref<64x64xf32, #tpu.memory_space<vmem>>[vector<16xi32>, vector<16xi32>], vector<16xf32>,
        %max3A_526 = arith.maximumf %gather3A_525, %get3A_524 : vector<16xf32>
        tpu.vector_store_idx %arg9[%gather3A_490, %add3A_520], %max3A_526 : memref<64x64xf32, #tpu.memory_space<vmem>>[vector<16xi32>, vector<16xi32>], vector<16xf32>,
        %broadcast_in_dim3A_527 = arith.constant 13 : i32
        %broadcast_in_dim3A_528 = vector.broadcast %broadcast_in_dim3A_527 : i32 to vector<16xi32>
        %gather3A_529 = tpu.vector_load_idx %arg6[%broadcast_in_dim3A_528] : memref<16xi32, #tpu.memory_space<vmem>>[vector<16xi32>], vector<16xi32>,
        %add3A_530 = arith.constant 0 : i32
        %add3A_531 = vector.broadcast %add3A_530 : i32 to vector<16xi32>
        %add3A_532 = arith.addi %add3A_531, %iota3A : vector<16xi32>
        %get3A_533 = arith.constant 13 : i32
        %get3A_534 = arith.index_cast %get3A_533 : i32 to index
        %get3A_535 = arith.constant 0 : index
        %get3A_536 = tpu.vector_load %arg7[%get3A_534, %get3A_535] {strides = array<i32>} : memref<16x64xf32, #tpu.memory_space<vmem>>, vector<16xf32>,
        tpu.vector_store_idx %arg8[%gather3A_529, %add3A_532], %get3A_536 {add = true} : memref<64x64xf32, #tpu.memory_space<vmem>>[vector<16xi32>, vector<16xi32>], vector<16xf32>,
        %gather3A_537 = tpu.vector_load_idx %arg9[%gather3A_529, %add3A_532] : memref<64x64xf32, #tpu.memory_space<vmem>>[vector<16xi32>, vector<16xi32>], vector<16xf32>,
        %max3A_538 = arith.maximumf %gather3A_537, %get3A_536 : vector<16xf32>
        tpu.vector_store_idx %arg9[%gather3A_529, %add3A_532], %max3A_538 : memref<64x64xf32, #tpu.memory_space<vmem>>[vector<16xi32>, vector<16xi32>], vector<16xf32>,
        %add3A_539 = arith.constant 16 : i32
        %add3A_540 = vector.broadcast %add3A_539 : i32 to vector<16xi32>
        %add3A_541 = arith.addi %add3A_540, %iota3A : vector<16xi32>
        %get3A_542 = arith.constant 13 : i32
        %get3A_543 = arith.index_cast %get3A_542 : i32 to index
        %get3A_544 = arith.constant 16 : index
        %get3A_545 = tpu.vector_load %arg7[%get3A_543, %get3A_544] {strides = array<i32>} : memref<16x64xf32, #tpu.memory_space<vmem>>, vector<16xf32>,
        tpu.vector_store_idx %arg8[%gather3A_529, %add3A_541], %get3A_545 {add = true} : memref<64x64xf32, #tpu.memory_space<vmem>>[vector<16xi32>, vector<16xi32>], vector<16xf32>,
        %gather3A_546 = tpu.vector_load_idx %arg9[%gather3A_529, %add3A_541] : memref<64x64xf32, #tpu.memory_space<vmem>>[vector<16xi32>, vector<16xi32>], vector<16xf32>,
        %max3A_547 = arith.maximumf %gather3A_546, %get3A_545 : vector<16xf32>
        tpu.vector_store_idx %arg9[%gather3A_529, %add3A_541], %max3A_547 : memref<64x64xf32, #tpu.memory_space<vmem>>[vector<16xi32>, vector<16xi32>], vector<16xf32>,
        %add3A_548 = arith.constant 32 : i32
        %add3A_549 = vector.broadcast %add3A_548 : i32 to vector<16xi32>
        %add3A_550 = arith.addi %add3A_549, %iota3A : vector<16xi32>
        %get3A_551 = arith.constant 13 : i32
        %get3A_552 = arith.index_cast %get3A_551 : i32 to index
        %get3A_553 = arith.constant 32 : index
        %get3A_554 = tpu.vector_load %arg7[%get3A_552, %get3A_553] {strides = array<i32>} : memref<16x64xf32, #tpu.memory_space<vmem>>, vector<16xf32>,
        tpu.vector_store_idx %arg8[%gather3A_529, %add3A_550], %get3A_554 {add = true} : memref<64x64xf32, #tpu.memory_space<vmem>>[vector<16xi32>, vector<16xi32>], vector<16xf32>,
        %gather3A_555 = tpu.vector_load_idx %arg9[%gather3A_529, %add3A_550] : memref<64x64xf32, #tpu.memory_space<vmem>>[vector<16xi32>, vector<16xi32>], vector<16xf32>,
        %max3A_556 = arith.maximumf %gather3A_555, %get3A_554 : vector<16xf32>
        tpu.vector_store_idx %arg9[%gather3A_529, %add3A_550], %max3A_556 : memref<64x64xf32, #tpu.memory_space<vmem>>[vector<16xi32>, vector<16xi32>], vector<16xf32>,
        %add3A_557 = arith.constant 48 : i32
        %add3A_558 = vector.broadcast %add3A_557 : i32 to vector<16xi32>
        %add3A_559 = arith.addi %add3A_558, %iota3A : vector<16xi32>
        %get3A_560 = arith.constant 13 : i32
        %get3A_561 = arith.index_cast %get3A_560 : i32 to index
        %get3A_562 = arith.constant 48 : index
        %get3A_563 = tpu.vector_load %arg7[%get3A_561, %get3A_562] {strides = array<i32>} : memref<16x64xf32, #tpu.memory_space<vmem>>, vector<16xf32>,
        tpu.vector_store_idx %arg8[%gather3A_529, %add3A_559], %get3A_563 {add = true} : memref<64x64xf32, #tpu.memory_space<vmem>>[vector<16xi32>, vector<16xi32>], vector<16xf32>,
        %gather3A_564 = tpu.vector_load_idx %arg9[%gather3A_529, %add3A_559] : memref<64x64xf32, #tpu.memory_space<vmem>>[vector<16xi32>, vector<16xi32>], vector<16xf32>,
        %max3A_565 = arith.maximumf %gather3A_564, %get3A_563 : vector<16xf32>
        tpu.vector_store_idx %arg9[%gather3A_529, %add3A_559], %max3A_565 : memref<64x64xf32, #tpu.memory_space<vmem>>[vector<16xi32>, vector<16xi32>], vector<16xf32>,
        %broadcast_in_dim3A_566 = arith.constant 14 : i32
        %broadcast_in_dim3A_567 = vector.broadcast %broadcast_in_dim3A_566 : i32 to vector<16xi32>
        %gather3A_568 = tpu.vector_load_idx %arg6[%broadcast_in_dim3A_567] : memref<16xi32, #tpu.memory_space<vmem>>[vector<16xi32>], vector<16xi32>,
        %add3A_569 = arith.constant 0 : i32
        %add3A_570 = vector.broadcast %add3A_569 : i32 to vector<16xi32>
        %add3A_571 = arith.addi %add3A_570, %iota3A : vector<16xi32>
        %get3A_572 = arith.constant 14 : i32
        %get3A_573 = arith.index_cast %get3A_572 : i32 to index
        %get3A_574 = arith.constant 0 : index
        %get3A_575 = tpu.vector_load %arg7[%get3A_573, %get3A_574] {strides = array<i32>} : memref<16x64xf32, #tpu.memory_space<vmem>>, vector<16xf32>,
        tpu.vector_store_idx %arg8[%gather3A_568, %add3A_571], %get3A_575 {add = true} : memref<64x64xf32, #tpu.memory_space<vmem>>[vector<16xi32>, vector<16xi32>], vector<16xf32>,
        %gather3A_576 = tpu.vector_load_idx %arg9[%gather3A_568, %add3A_571] : memref<64x64xf32, #tpu.memory_space<vmem>>[vector<16xi32>, vector<16xi32>], vector<16xf32>,
        %max3A_577 = arith.maximumf %gather3A_576, %get3A_575 : vector<16xf32>
        tpu.vector_store_idx %arg9[%gather3A_568, %add3A_571], %max3A_577 : memref<64x64xf32, #tpu.memory_space<vmem>>[vector<16xi32>, vector<16xi32>], vector<16xf32>,
        %add3A_578 = arith.constant 16 : i32
        %add3A_579 = vector.broadcast %add3A_578 : i32 to vector<16xi32>
        %add3A_580 = arith.addi %add3A_579, %iota3A : vector<16xi32>
        %get3A_581 = arith.constant 14 : i32
        %get3A_582 = arith.index_cast %get3A_581 : i32 to index
        %get3A_583 = arith.constant 16 : index
        %get3A_584 = tpu.vector_load %arg7[%get3A_582, %get3A_583] {strides = array<i32>} : memref<16x64xf32, #tpu.memory_space<vmem>>, vector<16xf32>,
        tpu.vector_store_idx %arg8[%gather3A_568, %add3A_580], %get3A_584 {add = true} : memref<64x64xf32, #tpu.memory_space<vmem>>[vector<16xi32>, vector<16xi32>], vector<16xf32>,
        %gather3A_585 = tpu.vector_load_idx %arg9[%gather3A_568, %add3A_580] : memref<64x64xf32, #tpu.memory_space<vmem>>[vector<16xi32>, vector<16xi32>], vector<16xf32>,
        %max3A_586 = arith.maximumf %gather3A_585, %get3A_584 : vector<16xf32>
        tpu.vector_store_idx %arg9[%gather3A_568, %add3A_580], %max3A_586 : memref<64x64xf32, #tpu.memory_space<vmem>>[vector<16xi32>, vector<16xi32>], vector<16xf32>,
        %add3A_587 = arith.constant 32 : i32
        %add3A_588 = vector.broadcast %add3A_587 : i32 to vector<16xi32>
        %add3A_589 = arith.addi %add3A_588, %iota3A : vector<16xi32>
        %get3A_590 = arith.constant 14 : i32
        %get3A_591 = arith.index_cast %get3A_590 : i32 to index
        %get3A_592 = arith.constant 32 : index
        %get3A_593 = tpu.vector_load %arg7[%get3A_591, %get3A_592] {strides = array<i32>} : memref<16x64xf32, #tpu.memory_space<vmem>>, vector<16xf32>,
        tpu.vector_store_idx %arg8[%gather3A_568, %add3A_589], %get3A_593 {add = true} : memref<64x64xf32, #tpu.memory_space<vmem>>[vector<16xi32>, vector<16xi32>], vector<16xf32>,
        %gather3A_594 = tpu.vector_load_idx %arg9[%gather3A_568, %add3A_589] : memref<64x64xf32, #tpu.memory_space<vmem>>[vector<16xi32>, vector<16xi32>], vector<16xf32>,
        %max3A_595 = arith.maximumf %gather3A_594, %get3A_593 : vector<16xf32>
        tpu.vector_store_idx %arg9[%gather3A_568, %add3A_589], %max3A_595 : memref<64x64xf32, #tpu.memory_space<vmem>>[vector<16xi32>, vector<16xi32>], vector<16xf32>,
        %add3A_596 = arith.constant 48 : i32
        %add3A_597 = vector.broadcast %add3A_596 : i32 to vector<16xi32>
        %add3A_598 = arith.addi %add3A_597, %iota3A : vector<16xi32>
        %get3A_599 = arith.constant 14 : i32
        %get3A_600 = arith.index_cast %get3A_599 : i32 to index
        %get3A_601 = arith.constant 48 : index
        %get3A_602 = tpu.vector_load %arg7[%get3A_600, %get3A_601] {strides = array<i32>} : memref<16x64xf32, #tpu.memory_space<vmem>>, vector<16xf32>,
        tpu.vector_store_idx %arg8[%gather3A_568, %add3A_598], %get3A_602 {add = true} : memref<64x64xf32, #tpu.memory_space<vmem>>[vector<16xi32>, vector<16xi32>], vector<16xf32>,
        %gather3A_603 = tpu.vector_load_idx %arg9[%gather3A_568, %add3A_598] : memref<64x64xf32, #tpu.memory_space<vmem>>[vector<16xi32>, vector<16xi32>], vector<16xf32>,
        %max3A_604 = arith.maximumf %gather3A_603, %get3A_602 : vector<16xf32>
        tpu.vector_store_idx %arg9[%gather3A_568, %add3A_598], %max3A_604 : memref<64x64xf32, #tpu.memory_space<vmem>>[vector<16xi32>, vector<16xi32>], vector<16xf32>,
        %broadcast_in_dim3A_605 = arith.constant 15 : i32
        %broadcast_in_dim3A_606 = vector.broadcast %broadcast_in_dim3A_605 : i32 to vector<16xi32>
        %gather3A_607 = tpu.vector_load_idx %arg6[%broadcast_in_dim3A_606] : memref<16xi32, #tpu.memory_space<vmem>>[vector<16xi32>], vector<16xi32>,
        %add3A_608 = arith.constant 0 : i32
        %add3A_609 = vector.broadcast %add3A_608 : i32 to vector<16xi32>
        %add3A_610 = arith.addi %add3A_609, %iota3A : vector<16xi32>
        %get3A_611 = arith.constant 15 : i32
        %get3A_612 = arith.index_cast %get3A_611 : i32 to index
        %get3A_613 = arith.constant 0 : index
        %get3A_614 = tpu.vector_load %arg7[%get3A_612, %get3A_613] {strides = array<i32>} : memref<16x64xf32, #tpu.memory_space<vmem>>, vector<16xf32>,
        tpu.vector_store_idx %arg8[%gather3A_607, %add3A_610], %get3A_614 {add = true} : memref<64x64xf32, #tpu.memory_space<vmem>>[vector<16xi32>, vector<16xi32>], vector<16xf32>,
        %gather3A_615 = tpu.vector_load_idx %arg9[%gather3A_607, %add3A_610] : memref<64x64xf32, #tpu.memory_space<vmem>>[vector<16xi32>, vector<16xi32>], vector<16xf32>,
        %max3A_616 = arith.maximumf %gather3A_615, %get3A_614 : vector<16xf32>
        tpu.vector_store_idx %arg9[%gather3A_607, %add3A_610], %max3A_616 : memref<64x64xf32, #tpu.memory_space<vmem>>[vector<16xi32>, vector<16xi32>], vector<16xf32>,
        %add3A_617 = arith.constant 16 : i32
        %add3A_618 = vector.broadcast %add3A_617 : i32 to vector<16xi32>
        %add3A_619 = arith.addi %add3A_618, %iota3A : vector<16xi32>
        %get3A_620 = arith.constant 15 : i32
        %get3A_621 = arith.index_cast %get3A_620 : i32 to index
        %get3A_622 = arith.constant 16 : index
        %get3A_623 = tpu.vector_load %arg7[%get3A_621, %get3A_622] {strides = array<i32>} : memref<16x64xf32, #tpu.memory_space<vmem>>, vector<16xf32>,
        tpu.vector_store_idx %arg8[%gather3A_607, %add3A_619], %get3A_623 {add = true} : memref<64x64xf32, #tpu.memory_space<vmem>>[vector<16xi32>, vector<16xi32>], vector<16xf32>,
        %gather3A_624 = tpu.vector_load_idx %arg9[%gather3A_607, %add3A_619] : memref<64x64xf32, #tpu.memory_space<vmem>>[vector<16xi32>, vector<16xi32>], vector<16xf32>,
        %max3A_625 = arith.maximumf %gather3A_624, %get3A_623 : vector<16xf32>
        tpu.vector_store_idx %arg9[%gather3A_607, %add3A_619], %max3A_625 : memref<64x64xf32, #tpu.memory_space<vmem>>[vector<16xi32>, vector<16xi32>], vector<16xf32>,
        %add3A_626 = arith.constant 32 : i32
        %add3A_627 = vector.broadcast %add3A_626 : i32 to vector<16xi32>
        %add3A_628 = arith.addi %add3A_627, %iota3A : vector<16xi32>
        %get3A_629 = arith.constant 15 : i32
        %get3A_630 = arith.index_cast %get3A_629 : i32 to index
        %get3A_631 = arith.constant 32 : index
        %get3A_632 = tpu.vector_load %arg7[%get3A_630, %get3A_631] {strides = array<i32>} : memref<16x64xf32, #tpu.memory_space<vmem>>, vector<16xf32>,
        tpu.vector_store_idx %arg8[%gather3A_607, %add3A_628], %get3A_632 {add = true} : memref<64x64xf32, #tpu.memory_space<vmem>>[vector<16xi32>, vector<16xi32>], vector<16xf32>,
        %gather3A_633 = tpu.vector_load_idx %arg9[%gather3A_607, %add3A_628] : memref<64x64xf32, #tpu.memory_space<vmem>>[vector<16xi32>, vector<16xi32>], vector<16xf32>,
        %max3A_634 = arith.maximumf %gather3A_633, %get3A_632 : vector<16xf32>
        tpu.vector_store_idx %arg9[%gather3A_607, %add3A_628], %max3A_634 : memref<64x64xf32, #tpu.memory_space<vmem>>[vector<16xi32>, vector<16xi32>], vector<16xf32>,
        %add3A_635 = arith.constant 48 : i32
        %add3A_636 = vector.broadcast %add3A_635 : i32 to vector<16xi32>
        %add3A_637 = arith.addi %add3A_636, %iota3A : vector<16xi32>
        %get3A_638 = arith.constant 15 : i32
        %get3A_639 = arith.index_cast %get3A_638 : i32 to index
        %get3A_640 = arith.constant 48 : index
        %get3A_641 = tpu.vector_load %arg7[%get3A_639, %get3A_640] {strides = array<i32>} : memref<16x64xf32, #tpu.memory_space<vmem>>, vector<16xf32>,
        tpu.vector_store_idx %arg8[%gather3A_607, %add3A_637], %get3A_641 {add = true} : memref<64x64xf32, #tpu.memory_space<vmem>>[vector<16xi32>, vector<16xi32>], vector<16xf32>,
        %gather3A_642 = tpu.vector_load_idx %arg9[%gather3A_607, %add3A_637] : memref<64x64xf32, #tpu.memory_space<vmem>>[vector<16xi32>, vector<16xi32>], vector<16xf32>,
        %max3A_643 = arith.maximumf %gather3A_642, %get3A_641 : vector<16xf32>
        tpu.vector_store_idx %arg9[%gather3A_607, %add3A_637], %max3A_643 : memref<64x64xf32, #tpu.memory_space<vmem>>[vector<16xi32>, vector<16xi32>], vector<16xf32>,
      } else {
      }
    }
    %scan3A_9 = arith.constant 20 : i32
    "tpu.region"() ({
      %run_scoped3A = tpu.sem_alloc : memref<!tpu.dma_semaphore, #tpu.memory_space<semaphore_mem>>
      %dma_start3A = arith.constant 0 : i32
      %dma_start3A_10 = arith.constant 0 : i32
      %dma_start3A_11 = tpu.memref_slice %arg4[%add3A, %dma_start3A, %dma_start3A_10] : memref<32x64x64xf32, #tpu.memory_space<hbm>> -> memref<1x64x64xf32, #tpu.memory_space<hbm>>
      %dma_start3A_12 = tpu.memref_squeeze %dma_start3A_11 : memref<1x64x64xf32, #tpu.memory_space<hbm>> -> memref<64x64xf32, #tpu.memory_space<hbm>>
      %dma_start3A_13 = arith.constant 0 : i32
      %dma_start3A_14 = arith.constant 0 : i32
      %dma_start3A_15 = tpu.memref_slice %arg4[%add3A, %dma_start3A_13, %dma_start3A_14] : memref<32x64x64xf32, #tpu.memory_space<hbm>> -> memref<1x64x64xf32, #tpu.memory_space<hbm>>
      %dma_start3A_16 = tpu.memref_squeeze %dma_start3A_15 : memref<1x64x64xf32, #tpu.memory_space<hbm>> -> memref<64x64xf32, #tpu.memory_space<hbm>>
      tpu.enqueue_dma source(%arg8 : memref<64x64xf32, #tpu.memory_space<vmem>>) target(%dma_start3A_16 : memref<64x64xf32, #tpu.memory_space<hbm>>) target_semaphore(%run_scoped3A : memref<!tpu.dma_semaphore, #tpu.memory_space<semaphore_mem>>)
      %dma_wait3A = arith.constant 0 : i32
      %dma_wait3A_17 = arith.constant 0 : i32
      %dma_wait3A_18 = tpu.memref_slice %arg4[%add3A, %dma_wait3A, %dma_wait3A_17] : memref<32x64x64xf32, #tpu.memory_space<hbm>> -> memref<1x64x64xf32, #tpu.memory_space<hbm>>
      %dma_wait3A_19 = tpu.memref_squeeze %dma_wait3A_18 : memref<1x64x64xf32, #tpu.memory_space<hbm>> -> memref<64x64xf32, #tpu.memory_space<hbm>>
      %dma_wait3A_20 = arith.constant 0 : i32
      %dma_wait3A_21 = arith.constant 0 : i32
      %dma_wait3A_22 = tpu.memref_slice %arg4[%add3A, %dma_wait3A_20, %dma_wait3A_21] : memref<32x64x64xf32, #tpu.memory_space<hbm>> -> memref<1x64x64xf32, #tpu.memory_space<hbm>>
      %dma_wait3A_23 = tpu.memref_squeeze %dma_wait3A_22 : memref<1x64x64xf32, #tpu.memory_space<hbm>> -> memref<64x64xf32, #tpu.memory_space<hbm>>
      tpu.wait_dma2 semaphore(%run_scoped3A : memref<!tpu.dma_semaphore, #tpu.memory_space<semaphore_mem>>) src(%arg8 : memref<64x64xf32, #tpu.memory_space<vmem>>) dst(%dma_wait3A_23 : memref<64x64xf32, #tpu.memory_space<hbm>>)
      tpu.yield
    }) : () -> ()
    "tpu.region"() ({
      %run_scoped3A = tpu.sem_alloc : memref<!tpu.dma_semaphore, #tpu.memory_space<semaphore_mem>>
      %dma_start3A = arith.constant 0 : i32
      %dma_start3A_10 = arith.constant 0 : i32
      %dma_start3A_11 = tpu.memref_slice %arg5[%add3A, %dma_start3A, %dma_start3A_10] : memref<32x64x64xf32, #tpu.memory_space<hbm>> -> memref<1x64x64xf32, #tpu.memory_space<hbm>>
      %dma_start3A_12 = tpu.memref_squeeze %dma_start3A_11 : memref<1x64x64xf32, #tpu.memory_space<hbm>> -> memref<64x64xf32, #tpu.memory_space<hbm>>
      %dma_start3A_13 = arith.constant 0 : i32
      %dma_start3A_14 = arith.constant 0 : i32
      %dma_start3A_15 = tpu.memref_slice %arg5[%add3A, %dma_start3A_13, %dma_start3A_14] : memref<32x64x64xf32, #tpu.memory_space<hbm>> -> memref<1x64x64xf32, #tpu.memory_space<hbm>>
      %dma_start3A_16 = tpu.memref_squeeze %dma_start3A_15 : memref<1x64x64xf32, #tpu.memory_space<hbm>> -> memref<64x64xf32, #tpu.memory_space<hbm>>
      tpu.enqueue_dma source(%arg9 : memref<64x64xf32, #tpu.memory_space<vmem>>) target(%dma_start3A_16 : memref<64x64xf32, #tpu.memory_space<hbm>>) target_semaphore(%run_scoped3A : memref<!tpu.dma_semaphore, #tpu.memory_space<semaphore_mem>>)
      %dma_wait3A = arith.constant 0 : i32
      %dma_wait3A_17 = arith.constant 0 : i32
      %dma_wait3A_18 = tpu.memref_slice %arg5[%add3A, %dma_wait3A, %dma_wait3A_17] : memref<32x64x64xf32, #tpu.memory_space<hbm>> -> memref<1x64x64xf32, #tpu.memory_space<hbm>>
      %dma_wait3A_19 = tpu.memref_squeeze %dma_wait3A_18 : memref<1x64x64xf32, #tpu.memory_space<hbm>> -> memref<64x64xf32, #tpu.memory_space<hbm>>
      %dma_wait3A_20 = arith.constant 0 : i32
      %dma_wait3A_21 = arith.constant 0 : i32
      %dma_wait3A_22 = tpu.memref_slice %arg5[%add3A, %dma_wait3A_20, %dma_wait3A_21] : memref<32x64x64xf32, #tpu.memory_space<hbm>> -> memref<1x64x64xf32, #tpu.memory_space<hbm>>
      %dma_wait3A_23 = tpu.memref_squeeze %dma_wait3A_22 : memref<1x64x64xf32, #tpu.memory_space<hbm>> -> memref<64x64xf32, #tpu.memory_space<hbm>>
      tpu.wait_dma2 semaphore(%run_scoped3A : memref<!tpu.dma_semaphore, #tpu.memory_space<semaphore_mem>>) src(%arg9 : memref<64x64xf32, #tpu.memory_space<vmem>>) dst(%dma_wait3A_23 : memref<64x64xf32, #tpu.memory_space<hbm>>)
      tpu.yield
    }) : () -> ()
    return
  }
}

module attributes {stable_mosaic.version = 14 : i64} {
  func.func @_tc2_body(%arg0: i32, %arg1: memref<2x2000x128xf32, #tpu.memory_space<vmem>>, %arg2: memref<2x2000x128xf32, #tpu.memory_space<vmem>>, %arg3: memref<2000x128xf32, #tpu.memory_space<vmem>>, %arg4: memref<2000x128xf32, #tpu.memory_space<vmem>>, %arg5: memref<2000x1xf32, #tpu.memory_space<vmem>>, %arg6: memref<1x256xf32, #tpu.memory_space<vmem>>, %arg7: memref<1x256xf32, #tpu.memory_space<vmem>>, %arg8: memref<1x256xf32, #tpu.memory_space<vmem>>, %arg9: memref<1x256xf32, #tpu.memory_space<vmem>>, %arg10: memref<1x256xf32, #tpu.memory_space<vmem>>, %arg11: memref<256x128xf32, #tpu.memory_space<vmem>>, %arg12: memref<2000x128xf32, #tpu.memory_space<vmem>>) attributes {dimension_semantics = [#tpu.dimension_semantics<arbitrary>], iteration_bounds = array<i64: 5>, scalar_prefetch = 0 : i64, scratch_operands = 0 : i64, tpu.core_type = #tpu.core_type<tc>, window_params = [{transform_indices = @transform_0, window_bounds = array<i64: 2, 2000, 128>}, {transform_indices = @transform_1, window_bounds = array<i64: 2, 2000, 128>}, {transform_indices = @transform_2, window_bounds = array<i64: 2000, 128>}, {transform_indices = @transform_3, window_bounds = array<i64: 2000, 128>}, {transform_indices = @transform_4, window_bounds = array<i64: 2000, 1>}, {pipeline_mode = #tpu.pipeline_mode<synchronous>, transform_indices = @transform_5, window_bounds = array<i64: 1, 256>}, {pipeline_mode = #tpu.pipeline_mode<synchronous>, transform_indices = @transform_6, window_bounds = array<i64: 1, 256>}, {pipeline_mode = #tpu.pipeline_mode<synchronous>, transform_indices = @transform_7, window_bounds = array<i64: 1, 256>}, {pipeline_mode = #tpu.pipeline_mode<synchronous>, transform_indices = @transform_8, window_bounds = array<i64: 1, 256>}, {pipeline_mode = #tpu.pipeline_mode<synchronous>, transform_indices = @transform_9, window_bounds = array<i64: 1, 256>}, {pipeline_mode = #tpu.pipeline_mode<synchronous>, transform_indices = @transform_10, window_bounds = array<i64: 256, 128>}, {transform_indices = @transform_11, window_bounds = array<i64: 2000, 128>}]} {
    %get3A = arith.constant 0 : index
    %get3A_0 = arith.constant 0 : index
    %get3A_1 = vector.load %arg5[%get3A, %get3A_0] : memref<2000x1xf32, #tpu.memory_space<vmem>>, vector<2000x1xf32>
    %get3A_2 = arith.constant 0 : index
    %get3A_3 = arith.constant 0 : index
    %get3A_4 = arith.constant 0 : index
    %get3A_5 = vector.load %arg1[%get3A_2, %get3A_3, %get3A_4] : memref<2x2000x128xf32, #tpu.memory_space<vmem>>, vector<1x2000x128xf32>
    %get3A_6 = vector.shape_cast %get3A_5 : vector<1x2000x128xf32> to vector<2000x128xf32>
    %get3A_7 = arith.constant 1 : index
    %get3A_8 = arith.constant 0 : index
    %get3A_9 = arith.constant 0 : index
    %get3A_10 = vector.load %arg1[%get3A_7, %get3A_8, %get3A_9] : memref<2x2000x128xf32, #tpu.memory_space<vmem>>, vector<1x2000x128xf32>
    %get3A_11 = vector.shape_cast %get3A_10 : vector<1x2000x128xf32> to vector<2000x128xf32>
    %add3A = arith.addf %get3A_6, %get3A_11 : vector<2000x128xf32>
    %get3A_12 = arith.constant 0 : index
    %get3A_13 = arith.constant 0 : index
    %get3A_14 = vector.load %arg3[%get3A_12, %get3A_13] : memref<2000x128xf32, #tpu.memory_space<vmem>>, vector<2000x128xf32>
    %add3A_15 = arith.addf %add3A, %get3A_14 : vector<2000x128xf32>
    %mul3A = vector.broadcast %get3A_1 : vector<2000x1xf32> to vector<2000x128xf32>
    %mul3A_16 = arith.mulf %mul3A, %add3A_15 : vector<2000x128xf32>
    %get3A_17 = arith.constant 0 : index
    %get3A_18 = arith.constant 0 : index
    %get3A_19 = arith.constant 0 : index
    %get3A_20 = vector.load %arg2[%get3A_17, %get3A_18, %get3A_19] : memref<2x2000x128xf32, #tpu.memory_space<vmem>>, vector<1x2000x128xf32>
    %get3A_21 = vector.shape_cast %get3A_20 : vector<1x2000x128xf32> to vector<2000x128xf32>
    %get3A_22 = arith.constant 1 : index
    %get3A_23 = arith.constant 0 : index
    %get3A_24 = arith.constant 0 : index
    %get3A_25 = vector.load %arg2[%get3A_22, %get3A_23, %get3A_24] : memref<2x2000x128xf32, #tpu.memory_space<vmem>>, vector<1x2000x128xf32>
    %get3A_26 = vector.shape_cast %get3A_25 : vector<1x2000x128xf32> to vector<2000x128xf32>
    %add3A_27 = arith.addf %get3A_21, %get3A_26 : vector<2000x128xf32>
    %get3A_28 = arith.constant 0 : index
    %get3A_29 = arith.constant 0 : index
    %get3A_30 = vector.load %arg4[%get3A_28, %get3A_29] : memref<2000x128xf32, #tpu.memory_space<vmem>>, vector<2000x128xf32>
    %add3A_31 = arith.addf %add3A_27, %get3A_30 : vector<2000x128xf32>
    %mul3A_32 = vector.broadcast %get3A_1 : vector<2000x1xf32> to vector<2000x128xf32>
    %mul3A_33 = arith.mulf %mul3A_32, %add3A_31 : vector<2000x128xf32>
    %concatenate3A = tpu.concatenate %mul3A_16, %mul3A_33 in 1 : vector<2000x128xf32>, vector<2000x128xf32> -> vector<2000x256xf32>
    %get3A_34 = arith.constant 0 : index
    %get3A_35 = arith.constant 0 : index
    %get3A_36 = vector.load %arg6[%get3A_34, %get3A_35] : memref<1x256xf32, #tpu.memory_space<vmem>>, vector<1x256xf32>
    %add3A_37 = vector.broadcast %get3A_36 : vector<1x256xf32> to vector<2000x256xf32>
    %add3A_38 = arith.addf %concatenate3A, %add3A_37 : vector<2000x256xf32>
    %get3A_39 = arith.constant 0 : index
    %get3A_40 = arith.constant 0 : index
    %get3A_41 = vector.load %arg7[%get3A_39, %get3A_40] : memref<1x256xf32, #tpu.memory_space<vmem>>, vector<1x256xf32>
    %get3A_42 = arith.constant 0 : index
    %get3A_43 = arith.constant 0 : index
    %get3A_44 = vector.load %arg8[%get3A_42, %get3A_43] : memref<1x256xf32, #tpu.memory_space<vmem>>, vector<1x256xf32>
    %get3A_45 = arith.constant 0 : index
    %get3A_46 = arith.constant 0 : index
    %get3A_47 = vector.load %arg9[%get3A_45, %get3A_46] : memref<1x256xf32, #tpu.memory_space<vmem>>, vector<1x256xf32>
    %get3A_48 = arith.constant 0 : index
    %get3A_49 = arith.constant 0 : index
    %get3A_50 = vector.load %arg10[%get3A_48, %get3A_49] : memref<1x256xf32, #tpu.memory_space<vmem>>, vector<1x256xf32>
    %sub3A = vector.broadcast %get3A_41 : vector<1x256xf32> to vector<2000x256xf32>
    %sub3A_51 = arith.subf %add3A_38, %sub3A : vector<2000x256xf32>
    %mul3A_52 = vector.broadcast %get3A_44 : vector<1x256xf32> to vector<2000x256xf32>
    %mul3A_53 = arith.mulf %sub3A_51, %mul3A_52 : vector<2000x256xf32>
    %mul3A_54 = vector.broadcast %get3A_47 : vector<1x256xf32> to vector<2000x256xf32>
    %mul3A_55 = arith.mulf %mul3A_53, %mul3A_54 : vector<2000x256xf32>
    %add3A_56 = vector.broadcast %get3A_50 : vector<1x256xf32> to vector<2000x256xf32>
    %add3A_57 = arith.addf %mul3A_55, %add3A_56 : vector<2000x256xf32>
    %gt3A = arith.constant 0.000000e+00 : f32
    %gt3A_58 = vector.broadcast %gt3A : f32 to vector<2000x256xf32>
    %gt3A_59 = arith.cmpf ogt, %add3A_57, %gt3A_58 : vector<2000x256xf32>
    %exp3A = math.exp %add3A_57 : vector<2000x256xf32>
    %sub3A_60 = arith.constant 1.000000e+00 : f32
    %sub3A_61 = vector.broadcast %sub3A_60 : f32 to vector<2000x256xf32>
    %sub3A_62 = arith.subf %exp3A, %sub3A_61 : vector<2000x256xf32>
    %select_n3A = arith.select %gt3A_59, %add3A_57, %sub3A_62 : vector<2000x256xi1>, vector<2000x256xf32>
    %get3A_63 = arith.constant 0 : index
    %get3A_64 = arith.constant 0 : index
    %get3A_65 = vector.load %arg11[%get3A_63, %get3A_64] : memref<256x128xf32, #tpu.memory_space<vmem>>, vector<256x128xf32>
    %convert_element_type3A = arith.truncf %select_n3A : vector<2000x256xf32> to vector<2000x256xbf16>
    %convert_element_type3A_66 = arith.truncf %get3A_65 : vector<256x128xf32> to vector<256x128xbf16>
    %dot_general3A = arith.constant dense<0.000000e+00> : vector<2000x128xf32>
    %dot_general3A_67 = tpu.matmul %convert_element_type3A, %convert_element_type3A_66, %dot_general3A {dimension_numbers = #tpu.dot_dimension_numbers<[1], [0], [0], [1], [0, 0, 1, 1], [], []>, transpose_lhs_hint = false} : vector<2000x256xbf16>, vector<256x128xbf16>, vector<2000x128xf32> -> vector<2000x128xf32>
    %mul3A_68 = vector.broadcast %get3A_1 : vector<2000x1xf32> to vector<2000x128xf32>
    %mul3A_69 = arith.mulf %mul3A_68, %dot_general3A_67 : vector<2000x128xf32>
    %swap3A = arith.constant 0 : index
    %swap3A_70 = arith.constant 0 : index
    %swap3A_71 = vector.load %arg12[%swap3A, %swap3A_70] : memref<2000x128xf32, #tpu.memory_space<vmem>>, vector<2000x128xf32>
    tpu.vector_store %arg12[%swap3A, %swap3A_70], %mul3A_69 {strides = array<i32>} : memref<2000x128xf32, #tpu.memory_space<vmem>>, vector<2000x128xf32>,
    return
  }
  func.func @transform_0(%arg0: i32) -> (i32, i32, i32) {
    %c0_i32 = arith.constant 0 : i32
    %c0_i32_0 = arith.constant 0 : i32
    %c0_i32_1 = arith.constant 0 : i32
    return %c0_i32, %arg0, %c0_i32_0 : i32, i32, i32
  }
  func.func @transform_1(%arg0: i32) -> (i32, i32, i32) {
    %c0_i32 = arith.constant 0 : i32
    %c0_i32_0 = arith.constant 0 : i32
    %c0_i32_1 = arith.constant 0 : i32
    return %c0_i32, %arg0, %c0_i32_0 : i32, i32, i32
  }
  func.func @transform_2(%arg0: i32) -> (i32, i32) {
    %c0_i32 = arith.constant 0 : i32
    %c0_i32_0 = arith.constant 0 : i32
    return %arg0, %c0_i32 : i32, i32
  }
  func.func @transform_3(%arg0: i32) -> (i32, i32) {
    %c0_i32 = arith.constant 0 : i32
    %c0_i32_0 = arith.constant 0 : i32
    return %arg0, %c0_i32 : i32, i32
  }
  func.func @transform_4(%arg0: i32) -> (i32, i32) {
    %c0_i32 = arith.constant 0 : i32
    %c0_i32_0 = arith.constant 0 : i32
    return %arg0, %c0_i32 : i32, i32
  }
  func.func @transform_5(%arg0: i32) -> (i32, i32) {
    %c0_i32 = arith.constant 0 : i32
    %c0_i32_0 = arith.constant 0 : i32
    %c0_i32_1 = arith.constant 0 : i32
    return %c0_i32, %c0_i32_0 : i32, i32
  }
  func.func @transform_6(%arg0: i32) -> (i32, i32) {
    %c0_i32 = arith.constant 0 : i32
    %c0_i32_0 = arith.constant 0 : i32
    %c0_i32_1 = arith.constant 0 : i32
    return %c0_i32, %c0_i32_0 : i32, i32
  }
  func.func @transform_7(%arg0: i32) -> (i32, i32) {
    %c0_i32 = arith.constant 0 : i32
    %c0_i32_0 = arith.constant 0 : i32
    %c0_i32_1 = arith.constant 0 : i32
    return %c0_i32, %c0_i32_0 : i32, i32
  }
  func.func @transform_8(%arg0: i32) -> (i32, i32) {
    %c0_i32 = arith.constant 0 : i32
    %c0_i32_0 = arith.constant 0 : i32
    %c0_i32_1 = arith.constant 0 : i32
    return %c0_i32, %c0_i32_0 : i32, i32
  }
  func.func @transform_9(%arg0: i32) -> (i32, i32) {
    %c0_i32 = arith.constant 0 : i32
    %c0_i32_0 = arith.constant 0 : i32
    %c0_i32_1 = arith.constant 0 : i32
    return %c0_i32, %c0_i32_0 : i32, i32
  }
  func.func @transform_10(%arg0: i32) -> (i32, i32) {
    %c0_i32 = arith.constant 0 : i32
    %c0_i32_0 = arith.constant 0 : i32
    %c0_i32_1 = arith.constant 0 : i32
    return %c0_i32, %c0_i32_0 : i32, i32
  }
  func.func @transform_11(%arg0: i32) -> (i32, i32) {
    %c0_i32 = arith.constant 0 : i32
    %c0_i32_0 = arith.constant 0 : i32
    return %arg0, %c0_i32 : i32, i32
  }
}

module attributes {stable_mosaic.version = 14 : i64} {
  func.func @_tc1_body(%arg0: i32, %arg1: memref<2x2000x128xf32, #tpu.memory_space<vmem>>, %arg2: memref<2000x128xf32, #tpu.memory_space<vmem>>, %arg3: memref<128x256xf32, #tpu.memory_space<vmem>>, %arg4: memref<2000x1xf32, #tpu.memory_space<vmem>>, %arg5: memref<2000x128xf32, #tpu.memory_space<vmem>>, %arg6: memref<2000x128xf32, #tpu.memory_space<vmem>>) attributes {dimension_semantics = [#tpu.dimension_semantics<arbitrary>], iteration_bounds = array<i64: 5>, scalar_prefetch = 0 : i64, scratch_operands = 0 : i64, tpu.core_type = #tpu.core_type<tc>, window_params = [{transform_indices = @transform_0, window_bounds = array<i64: 2, 2000, 128>}, {transform_indices = @transform_1, window_bounds = array<i64: 2000, 128>}, {pipeline_mode = #tpu.pipeline_mode<synchronous>, transform_indices = @transform_2, window_bounds = array<i64: 128, 256>}, {transform_indices = @transform_3, window_bounds = array<i64: 2000, 1>}, {transform_indices = @transform_4, window_bounds = array<i64: 2000, 128>}, {transform_indices = @transform_5, window_bounds = array<i64: 2000, 128>}]} {
    %get3A = arith.constant 0 : index
    %get3A_0 = arith.constant 0 : index
    %get3A_1 = arith.constant 0 : index
    %get3A_2 = vector.load %arg1[%get3A, %get3A_0, %get3A_1] : memref<2x2000x128xf32, #tpu.memory_space<vmem>>, vector<1x2000x1xf32>
    %get3A_3 = vector.shape_cast %get3A_2 : vector<1x2000x1xf32> to vector<2000x1xf32>
    %get3A_4 = arith.constant 1 : index
    %get3A_5 = arith.constant 0 : index
    %get3A_6 = arith.constant 0 : index
    %get3A_7 = vector.load %arg1[%get3A_4, %get3A_5, %get3A_6] : memref<2x2000x128xf32, #tpu.memory_space<vmem>>, vector<1x2000x1xf32>
    %get3A_8 = vector.shape_cast %get3A_7 : vector<1x2000x1xf32> to vector<2000x1xf32>
    %add3A = arith.addf %get3A_3, %get3A_8 : vector<2000x1xf32>
    %add3A_9 = arith.constant 1.000000e+00 : f32
    %add3A_10 = vector.broadcast %add3A_9 : f32 to vector<2000x1xf32>
    %add3A_11 = arith.addf %add3A, %add3A_10 : vector<2000x1xf32>
    %rsqrt3A = math.rsqrt %add3A_11 : vector<2000x1xf32>
    %swap3A = arith.constant 0 : index
    %swap3A_12 = arith.constant 0 : index
    %swap3A_13 = vector.load %arg4[%swap3A, %swap3A_12] : memref<2000x1xf32, #tpu.memory_space<vmem>>, vector<2000x1xf32>
    tpu.vector_store %arg4[%swap3A, %swap3A_12], %rsqrt3A {strides = array<i32>} : memref<2000x1xf32, #tpu.memory_space<vmem>>, vector<2000x1xf32>,
    %get3A_14 = arith.constant 0 : index
    %get3A_15 = arith.constant 0 : index
    %get3A_16 = vector.load %arg2[%get3A_14, %get3A_15] : memref<2000x128xf32, #tpu.memory_space<vmem>>, vector<2000x128xf32>
    %get3A_17 = arith.constant 0 : index
    %get3A_18 = arith.constant 0 : index
    %get3A_19 = vector.load %arg3[%get3A_17, %get3A_18] : memref<128x256xf32, #tpu.memory_space<vmem>>, vector<128x256xf32>
    %convert_element_type3A = arith.truncf %get3A_16 : vector<2000x128xf32> to vector<2000x128xbf16>
    %convert_element_type3A_20 = arith.truncf %get3A_19 : vector<128x256xf32> to vector<128x256xbf16>
    %dot_general3A = arith.constant dense<0.000000e+00> : vector<2000x256xf32>
    %dot_general3A_21 = tpu.matmul %convert_element_type3A, %convert_element_type3A_20, %dot_general3A {dimension_numbers = #tpu.dot_dimension_numbers<[1], [0], [0], [1], [0, 0, 1, 1], [], []>, transpose_lhs_hint = false} : vector<2000x128xbf16>, vector<128x256xbf16>, vector<2000x256xf32> -> vector<2000x256xf32>
    %mul3A = vector.broadcast %rsqrt3A : vector<2000x1xf32> to vector<2000x256xf32>
    %mul3A_22 = arith.mulf %mul3A, %dot_general3A_21 : vector<2000x256xf32>
    %slice3A = vector.extract_strided_slice %mul3A_22 {offsets = [0, 0], sizes = [2000, 128], strides = [1, 1]} : vector<2000x256xf32> to vector<2000x128xf32>
    %swap3A_23 = arith.constant 0 : index
    %swap3A_24 = arith.constant 0 : index
    %swap3A_25 = vector.load %arg5[%swap3A_23, %swap3A_24] : memref<2000x128xf32, #tpu.memory_space<vmem>>, vector<2000x128xf32>
    tpu.vector_store %arg5[%swap3A_23, %swap3A_24], %slice3A {strides = array<i32>} : memref<2000x128xf32, #tpu.memory_space<vmem>>, vector<2000x128xf32>,
    %slice3A_26 = vector.extract_strided_slice %mul3A_22 {offsets = [0, 128], sizes = [2000, 128], strides = [1, 1]} : vector<2000x256xf32> to vector<2000x128xf32>
    %swap3A_27 = arith.constant 0 : index
    %swap3A_28 = arith.constant 0 : index
    %swap3A_29 = vector.load %arg6[%swap3A_27, %swap3A_28] : memref<2000x128xf32, #tpu.memory_space<vmem>>, vector<2000x128xf32>
    tpu.vector_store %arg6[%swap3A_27, %swap3A_28], %slice3A_26 {strides = array<i32>} : memref<2000x128xf32, #tpu.memory_space<vmem>>, vector<2000x128xf32>,
    return
  }
  func.func @transform_0(%arg0: i32) -> (i32, i32, i32) {
    %c0_i32 = arith.constant 0 : i32
    %c0_i32_0 = arith.constant 0 : i32
    %c0_i32_1 = arith.constant 0 : i32
    return %c0_i32, %arg0, %c0_i32_0 : i32, i32, i32
  }
  func.func @transform_1(%arg0: i32) -> (i32, i32) {
    %c0_i32 = arith.constant 0 : i32
    %c0_i32_0 = arith.constant 0 : i32
    return %arg0, %c0_i32 : i32, i32
  }
  func.func @transform_2(%arg0: i32) -> (i32, i32) {
    %c0_i32 = arith.constant 0 : i32
    %c0_i32_0 = arith.constant 0 : i32
    %c0_i32_1 = arith.constant 0 : i32
    return %c0_i32, %c0_i32_0 : i32, i32
  }
  func.func @transform_3(%arg0: i32) -> (i32, i32) {
    %c0_i32 = arith.constant 0 : i32
    %c0_i32_0 = arith.constant 0 : i32
    return %arg0, %c0_i32 : i32, i32
  }
  func.func @transform_4(%arg0: i32) -> (i32, i32) {
    %c0_i32 = arith.constant 0 : i32
    %c0_i32_0 = arith.constant 0 : i32
    return %arg0, %c0_i32 : i32, i32
  }
  func.func @transform_5(%arg0: i32) -> (i32, i32) {
    %c0_i32 = arith.constant 0 : i32
    %c0_i32_0 = arith.constant 0 : i32
    return %arg0, %c0_i32 : i32, i32
  }
}

module attributes {stable_mosaic.version = 14 : i64} {
  func.func @_tc3_body(%arg0: i32, %arg1: memref<2x2000x128xf32, #tpu.memory_space<vmem>>, %arg2: memref<2000x128xf32, #tpu.memory_space<vmem>>, %arg3: memref<2000x1xf32, #tpu.memory_space<vmem>>, %arg4: memref<1x128xf32, #tpu.memory_space<vmem>>, %arg5: memref<1x128xf32, #tpu.memory_space<vmem>>, %arg6: memref<1x128xf32, #tpu.memory_space<vmem>>, %arg7: memref<1x128xf32, #tpu.memory_space<vmem>>, %arg8: memref<1x128xf32, #tpu.memory_space<vmem>>, %arg9: memref<128x128xf32, #tpu.memory_space<vmem>>, %arg10: memref<2000x128xf32, #tpu.memory_space<vmem>>) attributes {dimension_semantics = [#tpu.dimension_semantics<arbitrary>], iteration_bounds = array<i64: 5>, scalar_prefetch = 0 : i64, scratch_operands = 0 : i64, tpu.core_type = #tpu.core_type<tc>, window_params = [{transform_indices = @transform_0, window_bounds = array<i64: 2, 2000, 128>}, {transform_indices = @transform_1, window_bounds = array<i64: 2000, 128>}, {transform_indices = @transform_2, window_bounds = array<i64: 2000, 1>}, {pipeline_mode = #tpu.pipeline_mode<synchronous>, transform_indices = @transform_3, window_bounds = array<i64: 1, 128>}, {pipeline_mode = #tpu.pipeline_mode<synchronous>, transform_indices = @transform_4, window_bounds = array<i64: 1, 128>}, {pipeline_mode = #tpu.pipeline_mode<synchronous>, transform_indices = @transform_5, window_bounds = array<i64: 1, 128>}, {pipeline_mode = #tpu.pipeline_mode<synchronous>, transform_indices = @transform_6, window_bounds = array<i64: 1, 128>}, {pipeline_mode = #tpu.pipeline_mode<synchronous>, transform_indices = @transform_7, window_bounds = array<i64: 1, 128>}, {pipeline_mode = #tpu.pipeline_mode<synchronous>, transform_indices = @transform_8, window_bounds = array<i64: 128, 128>}, {transform_indices = @transform_9, window_bounds = array<i64: 2000, 128>}]} {
    %get3A = arith.constant 0 : index
    %get3A_0 = arith.constant 0 : index
    %get3A_1 = vector.load %arg3[%get3A, %get3A_0] : memref<2000x1xf32, #tpu.memory_space<vmem>>, vector<2000x1xf32>
    %get3A_2 = arith.constant 0 : index
    %get3A_3 = arith.constant 0 : index
    %get3A_4 = arith.constant 0 : index
    %get3A_5 = vector.load %arg1[%get3A_2, %get3A_3, %get3A_4] : memref<2x2000x128xf32, #tpu.memory_space<vmem>>, vector<1x2000x128xf32>
    %get3A_6 = vector.shape_cast %get3A_5 : vector<1x2000x128xf32> to vector<2000x128xf32>
    %get3A_7 = arith.constant 1 : index
    %get3A_8 = arith.constant 0 : index
    %get3A_9 = arith.constant 0 : index
    %get3A_10 = vector.load %arg1[%get3A_7, %get3A_8, %get3A_9] : memref<2x2000x128xf32, #tpu.memory_space<vmem>>, vector<1x2000x128xf32>
    %get3A_11 = vector.shape_cast %get3A_10 : vector<1x2000x128xf32> to vector<2000x128xf32>
    %add3A = arith.addf %get3A_6, %get3A_11 : vector<2000x128xf32>
    %get3A_12 = arith.constant 0 : index
    %get3A_13 = arith.constant 0 : index
    %get3A_14 = vector.load %arg2[%get3A_12, %get3A_13] : memref<2000x128xf32, #tpu.memory_space<vmem>>, vector<2000x128xf32>
    %add3A_15 = arith.addf %add3A, %get3A_14 : vector<2000x128xf32>
    %mul3A = vector.broadcast %get3A_1 : vector<2000x1xf32> to vector<2000x128xf32>
    %mul3A_16 = arith.mulf %mul3A, %add3A_15 : vector<2000x128xf32>
    %get3A_17 = arith.constant 0 : index
    %get3A_18 = arith.constant 0 : index
    %get3A_19 = vector.load %arg4[%get3A_17, %get3A_18] : memref<1x128xf32, #tpu.memory_space<vmem>>, vector<1x128xf32>
    %add3A_20 = vector.broadcast %get3A_19 : vector<1x128xf32> to vector<2000x128xf32>
    %add3A_21 = arith.addf %mul3A_16, %add3A_20 : vector<2000x128xf32>
    %get3A_22 = arith.constant 0 : index
    %get3A_23 = arith.constant 0 : index
    %get3A_24 = vector.load %arg5[%get3A_22, %get3A_23] : memref<1x128xf32, #tpu.memory_space<vmem>>, vector<1x128xf32>
    %get3A_25 = arith.constant 0 : index
    %get3A_26 = arith.constant 0 : index
    %get3A_27 = vector.load %arg6[%get3A_25, %get3A_26] : memref<1x128xf32, #tpu.memory_space<vmem>>, vector<1x128xf32>
    %get3A_28 = arith.constant 0 : index
    %get3A_29 = arith.constant 0 : index
    %get3A_30 = vector.load %arg7[%get3A_28, %get3A_29] : memref<1x128xf32, #tpu.memory_space<vmem>>, vector<1x128xf32>
    %get3A_31 = arith.constant 0 : index
    %get3A_32 = arith.constant 0 : index
    %get3A_33 = vector.load %arg8[%get3A_31, %get3A_32] : memref<1x128xf32, #tpu.memory_space<vmem>>, vector<1x128xf32>
    %sub3A = vector.broadcast %get3A_24 : vector<1x128xf32> to vector<2000x128xf32>
    %sub3A_34 = arith.subf %add3A_21, %sub3A : vector<2000x128xf32>
    %mul3A_35 = vector.broadcast %get3A_27 : vector<1x128xf32> to vector<2000x128xf32>
    %mul3A_36 = arith.mulf %sub3A_34, %mul3A_35 : vector<2000x128xf32>
    %mul3A_37 = vector.broadcast %get3A_30 : vector<1x128xf32> to vector<2000x128xf32>
    %mul3A_38 = arith.mulf %mul3A_36, %mul3A_37 : vector<2000x128xf32>
    %add3A_39 = vector.broadcast %get3A_33 : vector<1x128xf32> to vector<2000x128xf32>
    %add3A_40 = arith.addf %mul3A_38, %add3A_39 : vector<2000x128xf32>
    %gt3A = arith.constant 0.000000e+00 : f32
    %gt3A_41 = vector.broadcast %gt3A : f32 to vector<2000x128xf32>
    %gt3A_42 = arith.cmpf ogt, %add3A_40, %gt3A_41 : vector<2000x128xf32>
    %exp3A = math.exp %add3A_40 : vector<2000x128xf32>
    %sub3A_43 = arith.constant 1.000000e+00 : f32
    %sub3A_44 = vector.broadcast %sub3A_43 : f32 to vector<2000x128xf32>
    %sub3A_45 = arith.subf %exp3A, %sub3A_44 : vector<2000x128xf32>
    %select_n3A = arith.select %gt3A_42, %add3A_40, %sub3A_45 : vector<2000x128xi1>, vector<2000x128xf32>
    %get3A_46 = arith.constant 0 : index
    %get3A_47 = arith.constant 0 : index
    %get3A_48 = vector.load %arg9[%get3A_46, %get3A_47] : memref<128x128xf32, #tpu.memory_space<vmem>>, vector<128x128xf32>
    %convert_element_type3A = arith.truncf %select_n3A : vector<2000x128xf32> to vector<2000x128xbf16>
    %convert_element_type3A_49 = arith.truncf %get3A_48 : vector<128x128xf32> to vector<128x128xbf16>
    %dot_general3A = arith.constant dense<0.000000e+00> : vector<2000x128xf32>
    %dot_general3A_50 = tpu.matmul %convert_element_type3A, %convert_element_type3A_49, %dot_general3A {dimension_numbers = #tpu.dot_dimension_numbers<[1], [0], [0], [1], [0, 0, 1, 1], [], []>, transpose_lhs_hint = false} : vector<2000x128xbf16>, vector<128x128xbf16>, vector<2000x128xf32> -> vector<2000x128xf32>
    %mul3A_51 = vector.broadcast %get3A_1 : vector<2000x1xf32> to vector<2000x128xf32>
    %mul3A_52 = arith.mulf %mul3A_51, %dot_general3A_50 : vector<2000x128xf32>
    %swap3A = arith.constant 0 : index
    %swap3A_53 = arith.constant 0 : index
    %swap3A_54 = vector.load %arg10[%swap3A, %swap3A_53] : memref<2000x128xf32, #tpu.memory_space<vmem>>, vector<2000x128xf32>
    tpu.vector_store %arg10[%swap3A, %swap3A_53], %mul3A_52 {strides = array<i32>} : memref<2000x128xf32, #tpu.memory_space<vmem>>, vector<2000x128xf32>,
    return
  }
  func.func @transform_0(%arg0: i32) -> (i32, i32, i32) {
    %c0_i32 = arith.constant 0 : i32
    %c0_i32_0 = arith.constant 0 : i32
    %c0_i32_1 = arith.constant 0 : i32
    return %c0_i32, %arg0, %c0_i32_0 : i32, i32, i32
  }
  func.func @transform_1(%arg0: i32) -> (i32, i32) {
    %c0_i32 = arith.constant 0 : i32
    %c0_i32_0 = arith.constant 0 : i32
    return %arg0, %c0_i32 : i32, i32
  }
  func.func @transform_2(%arg0: i32) -> (i32, i32) {
    %c0_i32 = arith.constant 0 : i32
    %c0_i32_0 = arith.constant 0 : i32
    return %arg0, %c0_i32 : i32, i32
  }
  func.func @transform_3(%arg0: i32) -> (i32, i32) {
    %c0_i32 = arith.constant 0 : i32
    %c0_i32_0 = arith.constant 0 : i32
    %c0_i32_1 = arith.constant 0 : i32
    return %c0_i32, %c0_i32_0 : i32, i32
  }
  func.func @transform_4(%arg0: i32) -> (i32, i32) {
    %c0_i32 = arith.constant 0 : i32
    %c0_i32_0 = arith.constant 0 : i32
    %c0_i32_1 = arith.constant 0 : i32
    return %c0_i32, %c0_i32_0 : i32, i32
  }
  func.func @transform_5(%arg0: i32) -> (i32, i32) {
    %c0_i32 = arith.constant 0 : i32
    %c0_i32_0 = arith.constant 0 : i32
    %c0_i32_1 = arith.constant 0 : i32
    return %c0_i32, %c0_i32_0 : i32, i32
  }
  func.func @transform_6(%arg0: i32) -> (i32, i32) {
    %c0_i32 = arith.constant 0 : i32
    %c0_i32_0 = arith.constant 0 : i32
    %c0_i32_1 = arith.constant 0 : i32
    return %c0_i32, %c0_i32_0 : i32, i32
  }
  func.func @transform_7(%arg0: i32) -> (i32, i32) {
    %c0_i32 = arith.constant 0 : i32
    %c0_i32_0 = arith.constant 0 : i32
    %c0_i32_1 = arith.constant 0 : i32
    return %c0_i32, %c0_i32_0 : i32, i32
  }
  func.func @transform_8(%arg0: i32) -> (i32, i32) {
    %c0_i32 = arith.constant 0 : i32
    %c0_i32_0 = arith.constant 0 : i32
    %c0_i32_1 = arith.constant 0 : i32
    return %c0_i32, %c0_i32_0 : i32, i32
  }
  func.func @transform_9(%arg0: i32) -> (i32, i32) {
    %c0_i32 = arith.constant 0 : i32
    %c0_i32_0 = arith.constant 0 : i32
    return %arg0, %c0_i32 : i32, i32
  }
}

module attributes {stable_mosaic.version = 14 : i64} {
  func.func @_tc4_body(%arg0: i32, %arg1: memref<2x2000x128xf32, #tpu.memory_space<vmem>>, %arg2: memref<2000x128xf32, #tpu.memory_space<vmem>>, %arg3: memref<2000x1xf32, #tpu.memory_space<vmem>>, %arg4: memref<1x64xf32, #tpu.memory_space<vmem>>, %arg5: memref<1x64xf32, #tpu.memory_space<vmem>>, %arg6: memref<1x64xf32, #tpu.memory_space<vmem>>, %arg7: memref<1x64xf32, #tpu.memory_space<vmem>>, %arg8: memref<1x64xf32, #tpu.memory_space<vmem>>, %arg9: memref<2000x64xf32, #tpu.memory_space<vmem>>) attributes {dimension_semantics = [#tpu.dimension_semantics<arbitrary>], iteration_bounds = array<i64: 5>, scalar_prefetch = 0 : i64, scratch_operands = 0 : i64, tpu.core_type = #tpu.core_type<tc>, window_params = [{transform_indices = @transform_0, window_bounds = array<i64: 2, 2000, 128>}, {transform_indices = @transform_1, window_bounds = array<i64: 2000, 128>}, {transform_indices = @transform_2, window_bounds = array<i64: 2000, 1>}, {pipeline_mode = #tpu.pipeline_mode<synchronous>, transform_indices = @transform_3, window_bounds = array<i64: 1, 64>}, {pipeline_mode = #tpu.pipeline_mode<synchronous>, transform_indices = @transform_4, window_bounds = array<i64: 1, 64>}, {pipeline_mode = #tpu.pipeline_mode<synchronous>, transform_indices = @transform_5, window_bounds = array<i64: 1, 64>}, {pipeline_mode = #tpu.pipeline_mode<synchronous>, transform_indices = @transform_6, window_bounds = array<i64: 1, 64>}, {pipeline_mode = #tpu.pipeline_mode<synchronous>, transform_indices = @transform_7, window_bounds = array<i64: 1, 64>}, {transform_indices = @transform_8, window_bounds = array<i64: 2000, 64>}]} {
    %get3A = arith.constant 0 : index
    %get3A_0 = arith.constant 0 : index
    %get3A_1 = vector.load %arg3[%get3A, %get3A_0] : memref<2000x1xf32, #tpu.memory_space<vmem>>, vector<2000x1xf32>
    %get3A_2 = arith.constant 0 : index
    %get3A_3 = arith.constant 0 : index
    %get3A_4 = arith.constant 0 : index
    %get3A_5 = vector.load %arg1[%get3A_2, %get3A_3, %get3A_4] : memref<2x2000x128xf32, #tpu.memory_space<vmem>>, vector<1x2000x128xf32>
    %get3A_6 = vector.shape_cast %get3A_5 : vector<1x2000x128xf32> to vector<2000x128xf32>
    %get3A_7 = arith.constant 1 : index
    %get3A_8 = arith.constant 0 : index
    %get3A_9 = arith.constant 0 : index
    %get3A_10 = vector.load %arg1[%get3A_7, %get3A_8, %get3A_9] : memref<2x2000x128xf32, #tpu.memory_space<vmem>>, vector<1x2000x128xf32>
    %get3A_11 = vector.shape_cast %get3A_10 : vector<1x2000x128xf32> to vector<2000x128xf32>
    %add3A = arith.addf %get3A_6, %get3A_11 : vector<2000x128xf32>
    %get3A_12 = arith.constant 0 : index
    %get3A_13 = arith.constant 0 : index
    %get3A_14 = vector.load %arg2[%get3A_12, %get3A_13] : memref<2000x128xf32, #tpu.memory_space<vmem>>, vector<2000x128xf32>
    %add3A_15 = arith.addf %add3A, %get3A_14 : vector<2000x128xf32>
    %mul3A = vector.broadcast %get3A_1 : vector<2000x1xf32> to vector<2000x128xf32>
    %mul3A_16 = arith.mulf %mul3A, %add3A_15 : vector<2000x128xf32>
    %slice3A = vector.extract_strided_slice %mul3A_16 {offsets = [0, 0], sizes = [2000, 64], strides = [1, 1]} : vector<2000x128xf32> to vector<2000x64xf32>
    %get3A_17 = arith.constant 0 : index
    %get3A_18 = arith.constant 0 : index
    %get3A_19 = vector.load %arg4[%get3A_17, %get3A_18] : memref<1x64xf32, #tpu.memory_space<vmem>>, vector<1x64xf32>
    %add3A_20 = vector.broadcast %get3A_19 : vector<1x64xf32> to vector<2000x64xf32>
    %add3A_21 = arith.addf %slice3A, %add3A_20 : vector<2000x64xf32>
    %get3A_22 = arith.constant 0 : index
    %get3A_23 = arith.constant 0 : index
    %get3A_24 = vector.load %arg5[%get3A_22, %get3A_23] : memref<1x64xf32, #tpu.memory_space<vmem>>, vector<1x64xf32>
    %get3A_25 = arith.constant 0 : index
    %get3A_26 = arith.constant 0 : index
    %get3A_27 = vector.load %arg6[%get3A_25, %get3A_26] : memref<1x64xf32, #tpu.memory_space<vmem>>, vector<1x64xf32>
    %get3A_28 = arith.constant 0 : index
    %get3A_29 = arith.constant 0 : index
    %get3A_30 = vector.load %arg7[%get3A_28, %get3A_29] : memref<1x64xf32, #tpu.memory_space<vmem>>, vector<1x64xf32>
    %get3A_31 = arith.constant 0 : index
    %get3A_32 = arith.constant 0 : index
    %get3A_33 = vector.load %arg8[%get3A_31, %get3A_32] : memref<1x64xf32, #tpu.memory_space<vmem>>, vector<1x64xf32>
    %sub3A = vector.broadcast %get3A_24 : vector<1x64xf32> to vector<2000x64xf32>
    %sub3A_34 = arith.subf %add3A_21, %sub3A : vector<2000x64xf32>
    %mul3A_35 = vector.broadcast %get3A_27 : vector<1x64xf32> to vector<2000x64xf32>
    %mul3A_36 = arith.mulf %sub3A_34, %mul3A_35 : vector<2000x64xf32>
    %mul3A_37 = vector.broadcast %get3A_30 : vector<1x64xf32> to vector<2000x64xf32>
    %mul3A_38 = arith.mulf %mul3A_36, %mul3A_37 : vector<2000x64xf32>
    %add3A_39 = vector.broadcast %get3A_33 : vector<1x64xf32> to vector<2000x64xf32>
    %add3A_40 = arith.addf %mul3A_38, %add3A_39 : vector<2000x64xf32>
    %gt3A = arith.constant 0.000000e+00 : f32
    %gt3A_41 = vector.broadcast %gt3A : f32 to vector<2000x64xf32>
    %gt3A_42 = arith.cmpf ogt, %add3A_40, %gt3A_41 : vector<2000x64xf32>
    %exp3A = math.exp %add3A_40 : vector<2000x64xf32>
    %sub3A_43 = arith.constant 1.000000e+00 : f32
    %sub3A_44 = vector.broadcast %sub3A_43 : f32 to vector<2000x64xf32>
    %sub3A_45 = arith.subf %exp3A, %sub3A_44 : vector<2000x64xf32>
    %select_n3A = arith.select %gt3A_42, %add3A_40, %sub3A_45 : vector<2000x64xi1>, vector<2000x64xf32>
    %swap3A = arith.constant 0 : index
    %swap3A_46 = arith.constant 0 : index
    %swap3A_47 = vector.load %arg9[%swap3A, %swap3A_46] : memref<2000x64xf32, #tpu.memory_space<vmem>>, vector<2000x64xf32>
    tpu.vector_store %arg9[%swap3A, %swap3A_46], %select_n3A {strides = array<i32>} : memref<2000x64xf32, #tpu.memory_space<vmem>>, vector<2000x64xf32>,
    return
  }
  func.func @transform_0(%arg0: i32) -> (i32, i32, i32) {
    %c0_i32 = arith.constant 0 : i32
    %c0_i32_0 = arith.constant 0 : i32
    %c0_i32_1 = arith.constant 0 : i32
    return %c0_i32, %arg0, %c0_i32_0 : i32, i32, i32
  }
  func.func @transform_1(%arg0: i32) -> (i32, i32) {
    %c0_i32 = arith.constant 0 : i32
    %c0_i32_0 = arith.constant 0 : i32
    return %arg0, %c0_i32 : i32, i32
  }
  func.func @transform_2(%arg0: i32) -> (i32, i32) {
    %c0_i32 = arith.constant 0 : i32
    %c0_i32_0 = arith.constant 0 : i32
    return %arg0, %c0_i32 : i32, i32
  }
  func.func @transform_3(%arg0: i32) -> (i32, i32) {
    %c0_i32 = arith.constant 0 : i32
    %c0_i32_0 = arith.constant 0 : i32
    %c0_i32_1 = arith.constant 0 : i32
    return %c0_i32, %c0_i32_0 : i32, i32
  }
  func.func @transform_4(%arg0: i32) -> (i32, i32) {
    %c0_i32 = arith.constant 0 : i32
    %c0_i32_0 = arith.constant 0 : i32
    %c0_i32_1 = arith.constant 0 : i32
    return %c0_i32, %c0_i32_0 : i32, i32
  }
  func.func @transform_5(%arg0: i32) -> (i32, i32) {
    %c0_i32 = arith.constant 0 : i32
    %c0_i32_0 = arith.constant 0 : i32
    %c0_i32_1 = arith.constant 0 : i32
    return %c0_i32, %c0_i32_0 : i32, i32
  }
  func.func @transform_6(%arg0: i32) -> (i32, i32) {
    %c0_i32 = arith.constant 0 : i32
    %c0_i32_0 = arith.constant 0 : i32
    %c0_i32_1 = arith.constant 0 : i32
    return %c0_i32, %c0_i32_0 : i32, i32
  }
  func.func @transform_7(%arg0: i32) -> (i32, i32) {
    %c0_i32 = arith.constant 0 : i32
    %c0_i32_0 = arith.constant 0 : i32
    %c0_i32_1 = arith.constant 0 : i32
    return %c0_i32, %c0_i32_0 : i32, i32
  }
  func.func @transform_8(%arg0: i32) -> (i32, i32) {
    %c0_i32 = arith.constant 0 : i32
    %c0_i32_0 = arith.constant 0 : i32
    return %arg0, %c0_i32 : i32, i32
  }
}

module attributes {stable_mosaic.version = 14 : i64} {
  func.func @_tcf_body(%arg0: memref<32x64x64xf32, #tpu.memory_space<vmem>>, %arg1: memref<32x64x64xf32, #tpu.memory_space<vmem>>, %arg2: memref<1x10000xi32, #tpu.memory_space<vmem>>, %arg3: memref<128x64xf32, #tpu.memory_space<vmem>>, %arg4: memref<1x64xf32, #tpu.memory_space<vmem>>, %arg5: memref<64x2xf32, #tpu.memory_space<vmem>>, %arg6: memref<1x2xf32, #tpu.memory_space<vmem>>, %arg7: memref<64x2xf32, #tpu.memory_space<vmem>>) attributes {dimension_semantics = [], scalar_prefetch = 0 : i64, scratch_operands = 0 : i64, tpu.core_type = #tpu.core_type<tc>} {
    %get3A = arith.constant 0 : index
    %get3A_0 = arith.constant 0 : index
    %get3A_1 = vector.load %arg2[%get3A, %get3A_0] : memref<1x10000xi32, #tpu.memory_space<vmem>>, vector<1x10000xi32>
    %iota3A = tpu.iota {dimensions = array<i32: 0>} : vector<64x10000xi32>
    %eq3A = vector.broadcast %get3A_1 : vector<1x10000xi32> to vector<64x10000xi32>
    %eq3A_2 = arith.cmpi eq, %eq3A, %iota3A : vector<64x10000xi32>
    %convert_element_type3A = arith.extui %eq3A_2 : vector<64x10000xi1> to vector<64x10000xi32>
    %convert_element_type3A_3 = arith.sitofp %convert_element_type3A : vector<64x10000xi32> to vector<64x10000xf32>
    %reduce_sum3A = arith.constant dense<0.000000e+00> : vector<64xf32>
    %reduce_sum3A_4 = vector.multi_reduction <add>, %convert_element_type3A_3, %reduce_sum3A [1] : vector<64x10000xf32> to vector<64xf32>
    %broadcast_in_dim3A = vector.shape_cast %reduce_sum3A_4 : vector<64xf32> to vector<64x1xf32>
    %get3A_5 = arith.constant 0 : index
    %get3A_6 = arith.constant 0 : index
    %get3A_7 = arith.constant 0 : index
    %get3A_8 = vector.load %arg0[%get3A_5, %get3A_6, %get3A_7] : memref<32x64x64xf32, #tpu.memory_space<vmem>>, vector<32x64x64xf32>
    %reduce_sum3A_9 = arith.constant dense<0.000000e+00> : vector<64x64xf32>
    %reduce_sum3A_10 = vector.multi_reduction <add>, %get3A_8, %reduce_sum3A_9 [0] : vector<32x64x64xf32> to vector<64x64xf32>
    %max3A = arith.constant 1.000000e+00 : f32
    %max3A_11 = vector.broadcast %max3A : f32 to vector<64x1xf32>
    %max3A_12 = arith.maximumf %broadcast_in_dim3A, %max3A_11 : vector<64x1xf32>
    %div3A = vector.broadcast %max3A_12 : vector<64x1xf32> to vector<64x64xf32>
    %div3A_13 = arith.divf %reduce_sum3A_10, %div3A : vector<64x64xf32>
    %get3A_14 = arith.constant 0 : index
    %get3A_15 = arith.constant 0 : index
    %get3A_16 = arith.constant 0 : index
    %get3A_17 = vector.load %arg1[%get3A_14, %get3A_15, %get3A_16] : memref<32x64x64xf32, #tpu.memory_space<vmem>>, vector<32x64x64xf32>
    %reduce_max3A = arith.constant dense<0xFF800000> : vector<64x64xf32>
    %reduce_max3A_18 = vector.multi_reduction <maximumf>, %get3A_17, %reduce_max3A [0] : vector<32x64x64xf32> to vector<64x64xf32>
    %concatenate3A = tpu.concatenate %div3A_13, %reduce_max3A_18 in 1 : vector<64x64xf32>, vector<64x64xf32> -> vector<64x128xf32>
    %get3A_19 = arith.constant 0 : index
    %get3A_20 = arith.constant 0 : index
    %get3A_21 = vector.load %arg3[%get3A_19, %get3A_20] : memref<128x64xf32, #tpu.memory_space<vmem>>, vector<128x64xf32>
    %convert_element_type3A_22 = arith.truncf %concatenate3A : vector<64x128xf32> to vector<64x128xbf16>
    %convert_element_type3A_23 = arith.truncf %get3A_21 : vector<128x64xf32> to vector<128x64xbf16>
    %dot_general3A = arith.constant dense<0.000000e+00> : vector<64x64xf32>
    %dot_general3A_24 = tpu.matmul %convert_element_type3A_22, %convert_element_type3A_23, %dot_general3A {dimension_numbers = #tpu.dot_dimension_numbers<[1], [0], [0], [1], [0, 0, 1, 1], [], []>, transpose_lhs_hint = false} : vector<64x128xbf16>, vector<128x64xbf16>, vector<64x64xf32> -> vector<64x64xf32>
    %get3A_25 = arith.constant 0 : index
    %get3A_26 = arith.constant 0 : index
    %get3A_27 = vector.load %arg4[%get3A_25, %get3A_26] : memref<1x64xf32, #tpu.memory_space<vmem>>, vector<1x64xf32>
    %add3A = vector.broadcast %get3A_27 : vector<1x64xf32> to vector<64x64xf32>
    %add3A_28 = arith.addf %dot_general3A_24, %add3A : vector<64x64xf32>
    %gt3A = arith.constant 0.000000e+00 : f32
    %gt3A_29 = vector.broadcast %gt3A : f32 to vector<64x64xf32>
    %gt3A_30 = arith.cmpf ogt, %add3A_28, %gt3A_29 : vector<64x64xf32>
    %exp3A = math.exp %add3A_28 : vector<64x64xf32>
    %sub3A = arith.constant 1.000000e+00 : f32
    %sub3A_31 = vector.broadcast %sub3A : f32 to vector<64x64xf32>
    %sub3A_32 = arith.subf %exp3A, %sub3A_31 : vector<64x64xf32>
    %select_n3A = arith.select %gt3A_30, %add3A_28, %sub3A_32 : vector<64x64xi1>, vector<64x64xf32>
    %get3A_33 = arith.constant 0 : index
    %get3A_34 = arith.constant 0 : index
    %get3A_35 = vector.load %arg5[%get3A_33, %get3A_34] : memref<64x2xf32, #tpu.memory_space<vmem>>, vector<64x2xf32>
    %convert_element_type3A_36 = arith.truncf %select_n3A : vector<64x64xf32> to vector<64x64xbf16>
    %convert_element_type3A_37 = arith.truncf %get3A_35 : vector<64x2xf32> to vector<64x2xbf16>
    %dot_general3A_38 = arith.constant dense<0.000000e+00> : vector<64x2xf32>
    %dot_general3A_39 = tpu.matmul %convert_element_type3A_36, %convert_element_type3A_37, %dot_general3A_38 {dimension_numbers = #tpu.dot_dimension_numbers<[1], [0], [0], [1], [0, 0, 1, 1], [], []>, transpose_lhs_hint = false} : vector<64x64xbf16>, vector<64x2xbf16>, vector<64x2xf32> -> vector<64x2xf32>
    %get3A_40 = arith.constant 0 : index
    %get3A_41 = arith.constant 0 : index
    %get3A_42 = vector.load %arg6[%get3A_40, %get3A_41] : memref<1x2xf32, #tpu.memory_space<vmem>>, vector<1x2xf32>
    %add3A_43 = vector.broadcast %get3A_42 : vector<1x2xf32> to vector<64x2xf32>
    %add3A_44 = arith.addf %dot_general3A_39, %add3A_43 : vector<64x2xf32>
    %swap3A = arith.constant 0 : index
    %swap3A_45 = arith.constant 0 : index
    %swap3A_46 = vector.load %arg7[%swap3A, %swap3A_45] : memref<64x2xf32, #tpu.memory_space<vmem>>, vector<64x2xf32>
    tpu.vector_store %arg7[%swap3A, %swap3A_45], %add3A_44 {strides = array<i32>} : memref<64x2xf32, #tpu.memory_space<vmem>>, vector<64x2xf32>,
    return
  }
}

</mosaic_0001>

<sc_bundles>
// kernel: kernel.13.cloned.1.call-start
scs
__scs_entry_jumppad:
0x0: {  	(pc) =	sbr.rel $0x88, $3  }
0x1: {  	(tag) =	ssettag $0x0;
	lr =	simm.s32 $0x1  }
0x2: {  	[smem:$0x3F88] =	sst lr;
	_ =	strace $0xD0000000  }
0x3: {  	_ = 	snop  }
0x4: {  	_ = 	snop  }
0x5: {  	_ = 	snop  }
0x6: {  	_ = 	snop  }
0x7: {  	_ = 	snop  }
__scs_overlays_trampoline_lowered:
0x8: {  	[smem:$0x3F97] =	sst s0  }
0x9: {  	[smem:$0x3F98] =	sst s1  }
0xa: {  	[smem:$0x3F99] =	sst s2  }
0xb: {  	[smem:$0x3F9A] =	sst s3  }
0xc: {  	[smem:$0x3F9B] =	sst s4  }
0xd: {  	[smem:$0x3F9C] =	sst s5  }
0xe: {  	[smem:$0x3F9D] =	sst s6  }
0xf: {  	[smem:$0x3F9E] =	sst s7  }
0x10: {  	[smem:$0x3F9F] =	sst s8  }
0x11: {  	[smem:$0x3FA0] =	sst s9;
	s0 =	simm.s32 @!p0 $0x0  }
0x12: {  	s1 =	sld [smem:$0x3F86];
	s0 =	simm.s32 @p0 $0x1  }
0x13: {  	[smem:$0x3FA1] =	sst s0;
	s0 =	simm.s32 @!p1 $0x0  }
0x14: {  	s2 =	sld [smem:$0x3F85];
	s0 =	simm.s32 @p1 $0x1  }
0x15: {  	[smem:$0x3FA2] =	sst s0;
	s0 =	simm.s32 @!p2 $0x0  }
0x16: {  	s3 =	sld [smem:$0x3FDB];
	s0 =	simm.s32 @p2 $0x1  }
0x17: {  	s4 =	simm.s32 $0x1BF5;
	[smem:$0x3FA4] =	sst s0  }
0x18: {  	s0 =	sld [smem:$0x3F87];
	_ =	swait.ge [sflag:s4], $0x0  }
0x19: {  	s7 =	sld [smem:$0x3F88]  }
0x1a: {  	s8 =	sadd.s32 $0xFFFFE003, lr  }
0x1b: {  	s9 =	sadd.s32 $0xFFFFFEF7, lr;
	s5 =	simm.s32 $0xFFFFFFFF;
	p2 =	slt.u32 s8, $0xFFFFF086  }
0x1c: {  	p1 =	slt.u32 s9, $0xF7A;
	s5 =	simm.s32 @!p2 $0x0  }
0x1d: {  	s5 =	simm.s32 @p1 $0x1;
	p0 =	seq.s32 s7, s2  }
0x1e: {  	s7 =	smul.u32 @!p0 $0xF7A, s2;
	p2 =	seq.s32 @!p0 s5, $0x0  }
0x1f: {  	s9 =	smul.u32 $0xF7A, s1;
	s8 =	simm.s32 @!p0 $0x1BF5;
	p2 =	por !p2, p0  }
0x20: {  	[sflag:s8] =	ssyncset.s32 @!p0 $0xFFFFF086;
	s6 =	sadd.s32 @!p0 s3, s7;
	s7 =	simm.s32 @!p0 $0x108  }
0x21: {  	s3 =	sadd.s32 s3, s9;
	s6 =	sadd.s32 @!p0 $0x88, s6;
	s7 =	simm.s32 @p2 $0x1082  }
0x22: {  	[simem:s7], [sflag:s8] =	dma.local @!p0 [hbm:s6], $0xF7A  }
0x23: {  	s9 =	sor.u32 $0xD0000000, s2;
	s6 =	simm.s32 $0x108;
	_ =	swait.ge @!p0 [sflag:s8], $0x0  }
0x24: {  	s3 =	sadd.s32 $0x88, s3;
	s6 =	simm.s32 @!p1 $0x1082;
	[sflag:s4] =	ssyncset.s32 $0xFFFFF086  }
0x25: {  	[simem:s6], [sflag:s4] =	dma.local [hbm:s3], $0xF7A  }
0x26: {  	[smem:$0x3F88] =	sst s1;
	(tag) =	ssettag s2;
	_ =	strace s9  }
0x27: {  	s1 =	sld [smem:$0x3F98]  }
0x28: {  	s2 =	sld [smem:$0x3F99]  }
0x29: {  	s4 =	sld [smem:$0x3F9B]  }
0x2a: {  	p0 =	seq.s32 s5, $0x0;
	s5 =	sld [smem:$0x3F9C]  }
0x2b: {  	s6 =	sld [smem:$0x3F9D]  }
0x2c: {  	s7 =	sld [smem:$0x3F9E]  }
0x2d: {  	s3 =	simm.s32 $0x108;
	s8 =	sld [smem:$0x3F9F]  }
0x2e: {  	s3 =	simm.s32 @!p0 $0x1082;
	s9 =	sld [smem:$0x3FA0]  }
0x2f: {  	lr =	sadd.s32 s0, s3;
	s0 =	sld [smem:$0x3F97]  }
0x30: {  	s3 =	sld [smem:$0x3F9A]  }
0x31: {  	[smem:$0x3FA3] =	sst s10  }
0x32: {  	s10 =	sld [smem:$0x3FA1];
	_ =	sdelay $0x3  }
0x33: {  	p0 =	seq.s32 s10, $0x1;
	s10 =	sld [smem:$0x3FA3];
	_ =	sdelay $0x3  }
0x34: {  	[smem:$0x3FA3] =	sst s10  }
0x35: {  	s10 =	sld [smem:$0x3FA2];
	_ =	sdelay $0x3  }
0x36: {  	p1 =	seq.s32 s10, $0x1;
	s10 =	sld [smem:$0x3FA3];
	_ =	sdelay $0x3  }
0x37: {  	[smem:$0x3FA3] =	sst s10  }
0x38: {  	s10 =	sld [smem:$0x3FA4]  }
0x39: {  	_ = 	snop;
	(pc) =	sbr.ind lr, $3  }
0x3a: {  	_ = 	snop  }
0x3b: {  	_ = 	snop  }
0x3c: {  	p2 =	seq.s32 s10, $0x1;
	s10 =	sld [smem:$0x3FA3]  }
0x3d: {  	_ =	shalt  }
0x3e: {  	_ =	shalt  }
0x3f: {  	_ =	shalt  }
0x40: {  	_ =	shalt  }
0x41: {  	_ =	shalt  }
0x42: {  	_ =	shalt  }
0x43: {  	_ =	shalt  }
0x44: {  	_ =	shalt  }
0x45: {  	_ =	shalt  }
0x46: {  	_ =	shalt  }
0x47: {  	_ =	shalt  }
0x48: {  	_ =	shalt  }
0x49: {  	_ =	shalt  }
0x4a: {  	_ =	shalt  }
0x4b: {  	_ =	shalt  }
0x4c: {  	_ =	shalt  }
0x4d: {  	_ =	shalt  }
0x4e: {  	_ =	shalt  }
0x4f: {  	_ =	shalt  }
0x50: {  	_ =	shalt  }
0x51: {  	_ =	shalt  }
0x52: {  	_ =	shalt  }
0x53: {  	_ =	shalt  }
0x54: {  	_ =	shalt  }
0x55: {  	_ =	shalt  }
0x56: {  	_ =	shalt  }
0x57: {  	_ =	shalt  }
0x58: {  	_ =	shalt  }
0x59: {  	_ =	shalt  }
0x5a: {  	_ =	shalt  }
0x5b: {  	_ =	shalt  }
0x5c: {  	_ =	shalt  }
0x5d: {  	_ =	shalt  }
0x5e: {  	_ =	shalt  }
0x5f: {  	_ =	shalt  }
0x60: {  	_ =	shalt  }
0x61: {  	_ =	shalt  }
0x62: {  	_ =	shalt  }
0x63: {  	_ =	shalt  }
0x64: {  	_ =	shalt  }
0x65: {  	_ =	shalt  }
0x66: {  	_ =	shalt  }
0x67: {  	_ =	shalt  }
0x68: {  	_ =	shalt  }
0x69: {  	_ =	shalt  }
0x6a: {  	_ =	shalt  }
0x6b: {  	_ =	shalt  }
0x6c: {  	_ =	shalt  }
0x6d: {  	_ =	shalt  }
0x6e: {  	_ =	shalt  }
0x6f: {  	_ =	shalt  }
0x70: {  	_ =	shalt  }
0x71: {  	_ =	shalt  }
0x72: {  	_ =	shalt  }
0x73: {  	_ =	shalt  }
0x74: {  	_ =	shalt  }
0x75: {  	_ =	shalt  }
0x76: {  	_ =	shalt  }
0x77: {  	_ =	shalt  }
0x78: {  	_ =	shalt  }
0x79: {  	_ =	shalt  }
0x7a: {  	_ =	shalt  }
0x7b: {  	_ =	shalt  }
0x7c: {  	_ =	shalt  }
0x7d: {  	_ =	shalt  }
0x7e: {  	_ =	shalt  }
0x7f: {  	_ =	shalt  }
0x80: {  	_ =	shalt  }
0x81: {  	_ =	shalt  }
0x82: {  	_ =	shalt  }
0x83: {  	_ =	shalt  }
0x84: {  	_ =	shalt  }
0x85: {  	_ =	shalt  }
0x86: {  	_ =	shalt  }
0x87: {  	_ =	shalt  }
.Lfunc_end0:
.L_simem_size_0:
called_computation_lowered:
.L_overlay_start_0:
0x88: {  	s2 =	sld [smem:$0x3FD9]  }
0x89: {  	s3 =	sld [smem:$0x3FFE];
	_ =	sdelay $0x1  }
0x8a: {  	s1 =	srdreg.scid  }
0x8b: {  	s0 =	sand.u32 $0x1, s1  }
0x8c: {  	s16 =	sshll.u32 s0, $0xA;
	s2 =	sadd.s32 s3, s2  }
0x8d: {  	s2 =	sadd.s32 s2, s16  }
0x8e: {  	[smem:$0x3FAF] =	sst s2  }
0x8f: {  	_ = 	snop  }
0x90: {  	(tm) =	ssettm $0x1  }
0x91: {  	s17 =	sld [smem:$0x3FFB];
	_ =	sdelay $0x3  }
0x92: {  	_ =	strace s17  }
0x93: {  	s2 =	sld [smem:$0x3FFC];
	_ =	sdelay $0x3  }
0x94: {  	_ =	strace s2  }
0x95: {  	s2 =	sld [smem:$0x3FFD];
	_ =	sdelay $0x3  }
0x96: {  	_ =	strace s2  }
0x97: {  	_ =	strace $0x8FFFFFFF  }
0x98: {  	s18 =	sld [smem:$0x3FDB];
	_ =	sdelay $0x1  }
0x99: {  	s19 =	simm.s32 $_scs_section_size  }
0x9a: {  	s4 =	simm.s32 $_size__tile_overlayer_lowered;
	s5 =	simm.s32 $_tile_overlayer_lowered  }
0x9b: {  	s22 =	simm.s32 $0x1BFF;
	s21 =	sshll.u32 s5, $0x1;
	s2 =	sadd.s32 s19, s18  }
0x9c: {  	s6 =	simm.s32 $0x0;
	s20 =	sshll.u32 s4, $0x1;
	s4 =	sadd.s32 s21, s2  }
0x9d: {  	[timem:s6], [sflag:s22] =	dma.local [hbm:s4], s20  }
0x9e: {  	_ =	swait.ge [sflag:s22], s20  }
0x9f: {  	s3 =	ssub.s32 $0x0, s20;
	[sflag:s22] =	ssyncset.done $0x0  }
0xa0: {  	[sflag:s22] =	ssyncadd.s32 s3;
	_ =	sdelay $0x1  }
0xa1: {  	s23 =	simm.s32 $0x1B8B  }
0xa2: {  	_ =	swait.ge [sflag:s23], $0x1  }
0xa3: {  	[sflag:s23] =	ssyncset.done $0x0  }
0xa4: {  	s25 =	simm.s32 $0x1B8E;
	s24 =	sld [smem:$0x3FFE];
	[sflag:s23] =	ssyncadd.s32 $0xFFFFFFFF  }
0xa5: {  	s26 =	simm.s32 $execute0_lowered;
	[smem:$0x3FD2] =	sst s25  }
0xa6: {  	s4 =	sshll.u32 s26, $0x1;
	_ =	strace $0x80000046;
	[dreg:$0x1] =	wrdreg $0xFFFFFFFF  }
0xa7: {  	s28 =	simm.s32 $_size_execute0_lowered;
	s2 =	sadd.s32 s2, s4;
	[dreg:$0x0] =	wrdreg $0x0  }
0xa8: {  	s4 =	sshll.u32 s28, $0x1;
	[dreg:$0x2] =	wrdreg s2  }
0xa9: {  	[dreg:$0x3] =	wrdreg s4  }
0xaa: {  	[dreg:$0x4] =	wrdreg $0xC0  }
0xab: {  	_ =	task [dreg:s6], $0x5FFFF  }
0xac: {  	[dreg:$0x1] =	wrdreg $0xFFFFFFFF  }
0xad: {  	[dreg:$0x0] =	wrdreg $0x60  }
0xae: {  	[dreg:$0x2] =	wrdreg s24  }
0xaf: {  	[dreg:$0x3] =	wrdreg $0x69000  }
0xb0: {  	[dreg:$0x4] =	wrdreg $0x9  }
0xb1: {  	_ =	task.clear_ibuf [dreg:s6], $0x5FFFF;
	_ =	strace $0x90000046  }
0xb2: {  	s29 =	simm.s32 $0x9;
	_ =	strace $0x80000048  }
0xb3: {  	_ =	swait.ge [sflag:s29], $0x1  }
0xb4: {  	[sflag:s29] =	ssyncadd.s32 $0xFFFFFFFF  }
0xb5: {  	_ =	strace $0x90000048  }
0xb6: {  	_ =	sfence  }
0xb7: {  	s30 =	sld [smem:$0x0];
	_ =	sdelay $0x2  }
0xb8: {  	s31 =	sshll.u32 s1, $0xD;
	s1 =	sshrl.u32 s1, $0x2  }
0xb9: {  	s3 =	sand.u32 $0x4000, s31;
	s1 =	sadd.s32 s1, s30  }
0xba: {  	s0 =	sor.u32 s3, s0;
	s1 =	sshll.u32 s1, $0x11  }
0xbb: {  	s0 =	sor.u32 s1, s0  }
0xbc: {  	s0 =	sadd.s32 $0x8F2B, s0  }
0xbd: {  	[sflag:s0] =	ssyncadd.remote.s32 $0x1  }
0xbe: {  	_ =	sfence.sel $0xFFFF  }
0xbf: {  	[dreg:$0x0] =	wrdreg $0xFFFFFFFF;
	(pc) =	sbr.abs _section_cstart, $3  }
0xc0: {  	[dreg:$0x1] =	wrdreg $0xFFFFFFFF  }
0xc1: {  	_ =	task.clear_ibuf [dreg:s6], $0x2FFFF;
	_ =	strace $0x9FFFFFFF  }
0xc2: {  	(tm) =	ssettm $0x7FFFFFFF  }
0xc3: {  	_ =	shalt  }
tec
execute0_lowered:
.L_overlay_start_1:
0x0: {  	(tag) =	ssettag $0x1  }
0x1: {  	s1 =	srdreg.scid;
	s4 =	rddreg [dreg:$0x0]  }
0x2: {  	s0 =	stileid.u32;
	s2 =	rddreg [dreg:$0x1];
	s3 =	simm.s32 $0x0  }
0x3: {  	s10 =	simm.s32 $0x2900;
	s11 =	simm.s32 $0x1;
	s6 =	smul.u32 $0x4E20, s0  }
0x4: {  	s12 =	simm.s32 $0x50;
	s5 =	sand.u32 $0x1, s1;
	s9 =	smul.u32 $0x14000, s0  }
0x5: {  	s13 =	simm.s32 $0x0;
	s1 =	rddreg [dreg:$0x2];
	s7 =	smul.u32 $0x2710, s5  }
0x6: {  	[smem:$0x7FF] =	sst s3;
	s8 =	smul.u32 $0x140000, s5;
	s5 =	ssub.s32 $0x2, s5  }
0x7: {  	_ =	strace $0x80000047;
	s31 =	sshrl.u32 s5, $0x1;
	s6 =	sadd.s32 s7, s6  }
0x8: {  	s30 =	sadd.s32 s9, s8;
	s5 =	ssub.s32 s5, s31;
	s8 =	simm.s32 $0x80  }
0x9: {  	s9 =	simm.s32 $0x2880;
	s6 =	sshrl.u32 s6, $0x3;
	s7 =	sshrl.u32 s30, $0x3  }
0xa: {  	s5 =	smax.u32 s5, $0x1;
	s6 =	sadd.s32 s6, s4;
	s7 =	sadd.s32 s7, s4  }
0xb: {  	v0 =	vimm.f32 $1.000000000e+00;
	v1 =	vimm.f32 $0.0e+00;
	v2 =	vlaneseq.u32;
	s4 =	smul.u32 $0x280, s0;
	s6 =	sadd.s32 $0x10600, s6;
	s7 =	sadd.s32 $0x1A400, s7  }
.LBB2_1:
0xc: {  	s14 =	simm.s32 $0x0;
	s15 =	simm.s32 $0x200  }
.LBB2_2:
0xd: {  	p0 =	sne.s32 s15, $0x9E00;
	[tilespmem:s14+$0xF0] =	vst v0  }
0xe: {  	[tilespmem:s14+$0x80] =	vst v0  }
0xf: {  	[tilespmem:s14+$0x90] =	vst v0  }
.Ltmp0:
0x10: {  	[tilespmem:s14+$0xA0] =	vst v0;
	(pc) =	sbr.rel @p0 .LBB2_2-.Ltmp0, $4  }
0x11: {  	[tilespmem:s14+$0xB0] =	vst v0  }
0x12: {  	[tilespmem:s14+$0xC0] =	vst v0  }
0x13: {  	[tilespmem:s14+$0xD0] =	vst v0  }
0x14: {  	[tilespmem:s14+$0xE0] =	vst v0;
	s14 =	sshra.s32 s15, $0x2;
	s15 =	sadd.s32 $0x200, s15  }
0x15: {  	[tilespmem:s14+$0xF0] =	vst v0  }
0x16: {  	[tilespmem:s14+$0x80] =	vst v0  }
0x17: {  	[tilespmem:s14+$0x90] =	vst v0  }
0x18: {  	[tilespmem:s14+$0xA0] =	vst v0  }
0x19: {  	[tilespmem:s14+$0xB0] =	vst v0  }
0x1a: {  	[tilespmem:s14+$0xC0] =	vst v0  }
0x1b: {  	[tilespmem:s14+$0xD0] =	vst v0  }
0x1c: {  	[tilespmem:s14+$0xE0] =	vst v0;
	s14 =	simm.s32 $0x0;
	s15 =	simm.s32 $0x200  }
.LBB2_4:
0x1d: {  	p0 =	sne.s32 s15, $0xFE00;
	[tilespmem:s14+$0x2970] =	vst v1  }
0x1e: {  	[tilespmem:s14+$0x2900] =	vst v1  }
0x1f: {  	[tilespmem:s14+$0x2910] =	vst v1  }
.Ltmp1:
0x20: {  	[tilespmem:s14+$0x2920] =	vst v1;
	(pc) =	sbr.rel @p0 .LBB2_4-.Ltmp1, $4  }
0x21: {  	[tilespmem:s14+$0x2930] =	vst v1  }
0x22: {  	[tilespmem:s14+$0x2940] =	vst v1  }
0x23: {  	[tilespmem:s14+$0x2950] =	vst v1  }
0x24: {  	[tilespmem:s14+$0x2960] =	vst v1;
	s14 =	sshra.s32 s15, $0x2;
	s15 =	sadd.s32 $0x200, s15  }
0x25: {  	[tilespmem:s14+$0x2970] =	vst v1  }
0x26: {  	[tilespmem:s14+$0x2900] =	vst v1  }
0x27: {  	[tilespmem:s14+$0x2910] =	vst v1  }
0x28: {  	[tilespmem:s14+$0x2920] =	vst v1  }
0x29: {  	[tilespmem:s14+$0x2930] =	vst v1  }
0x2a: {  	[tilespmem:s14+$0x2940] =	vst v1  }
0x2b: {  	[tilespmem:s14+$0x2950] =	vst v1;
	s15 =	sadd.s32 $0x0, s4  }
0x2c: {  	[tilespmem:s14+$0x2960] =	vst v1;
	v3 =	vor.u32 s15, v2;
	s26 =	sadd.s32 $0x70, s15  }
0x2d: {  	s16 =	sadd.s32 $0x60, s15;
	[tilespmem:$0x2880] =	vst v3;
	v3 =	vor.u32 s26, v2  }
0x2e: {  	s30 =	sadd.s32 $0x30, s15;
	v4 =	vor.u32 s16, v2;
	[tilespmem:$0x28F0] =	vst v3  }
0x2f: {  	s28 =	sadd.s32 $0x50, s15;
	v5 =	vor.u32 s30, v2;
	[tilespmem:$0x28E0] =	vst v4  }
0x30: {  	s29 =	sadd.s32 $0x40, s15;
	v3 =	vor.u32 s28, v2;
	[tilespmem:$0x28B0] =	vst v5  }
0x31: {  	s31 =	sadd.s32 $0x20, s15;
	v4 =	vor.u32 s29, v2;
	[tilespmem:$0x28D0] =	vst v3  }
0x32: {  	s14 =	simm.s32 $0x80;
	s15 =	sadd.s32 $0x10, s15;
	[tilespmem:$0x28C0] =	vst v4;
	v3 =	vor.u32 s31, v2  }
.LBB2_6:
0x33: {  	p0 =	sne.s32 s14, $0x200;
	v4 =	vor.u32 s15, v2;
	[tilespmem:$0x28A0] =	vst v3  }
0x34: {  	[tilespmem:$0x2890] =	vst v4;
	[spmem:s2] =	stream.indirect.scatter [tilespmem:s10], [sflag:$0x1], $0x80, s9, s8, $0xb8  }
0x35: {  	_ =	swait.ge [sflag:s11], $0x4000  }
0x36: {  	s15 =	sadd.s32 s14, s4;
	[sflag:s11] =	ssyncset.done $0x0  }
0x37: {  	v3 =	vor.u32 s15, v2;
	s16 =	sadd.s32 $0x70, s15;
	[sflag:s11] =	ssyncadd.s32 $0xFFFFC000  }
0x38: {  	s17 =	sadd.s32 $0x60, s15;
	[tilespmem:$0x2880] =	vst v3;
	v3 =	vor.u32 s16, v2  }
.Ltmp2:
0x39: {  	v4 =	vor.u32 s17, v2;
	s16 =	sadd.s32 $0x50, s15;
	[tilespmem:$0x28F0] =	vst v3;
	(pc) =	sbr.rel @p0 .LBB2_6-.Ltmp2, $4  }
0x3a: {  	s17 =	sadd.s32 $0x40, s15;
	v3 =	vor.u32 s16, v2;
	[tilespmem:$0x28E0] =	vst v4  }
0x3b: {  	s16 =	sadd.s32 $0x30, s15;
	v4 =	vor.u32 s17, v2;
	[tilespmem:$0x28D0] =	vst v3  }
0x3c: {  	s17 =	sadd.s32 $0x20, s15;
	v5 =	vor.u32 s16, v2;
	[tilespmem:$0x28C0] =	vst v4  }
0x3d: {  	s14 =	sadd.s32 $0x80, s14;
	s15 =	sadd.s32 $0x10, s15;
	v3 =	vor.u32 s17, v2;
	[tilespmem:$0x28B0] =	vst v5  }
0x3e: {  	v4 =	vor.u32 s15, v2;
	[tilespmem:$0x28A0] =	vst v3  }
0x3f: {  	[tilespmem:$0x2890] =	vst v4  }
0x40: {  	[spmem:s2] =	stream.indirect.scatter [tilespmem:s10], [sflag:$0x1], $0x80, s9, s8, $0xb8;
	[tilespmem:$0x1A900] =	vst v63  }
0x41: {  	_ =	swait.ge [sflag:s11], $0x4000  }
0x42: {  	[sflag:s11] =	ssyncset.done $0x0  }
0x43: {  	[sflag:s11] =	ssyncadd.s32 $0xFFFFC000  }
0x44: {  	s14 =	sadd.s32 $0x0, s6;
	[bflag:$0x0] =	sbarrier.arrive $0xFFFF  }
0x45: {  	[tilespmem:s3], [sflag:$0x1] =	stream.linear.gather [hbm4b:s14+s3], $0x50, $0x38;
	[tilespmem:$0x1A900] =	vst v63  }
0x46: {  	_ =	swait.ge [sflag:s11], $0x50  }
0x47: {  	[sflag:s11] =	ssyncset.done $0x0  }
0x48: {  	[sflag:s11] =	ssyncadd.s32 $0xFFFFFFB0  }
0x49: {  	[spmem:s2] =	stream.indirect.scatter.add.f32 [tilespmem:s8], [sflag:$0x1], $0x80, s3, s12, $0xb8;
	[tilespmem:$0x1A900] =	vst v63  }
0x4a: {  	_ =	swait.ge [sflag:s11], $0x2800  }
0x4b: {  	s15 =	simm.s32 $0x14;
	s14 =	simm.s32 $0xA;
	[sflag:s11] =	ssyncset.done $0x0  }
.LBB2_8:
0x4c: {  	s16 =	sadd.s32 s14, s6  }
0x4d: {  	[sflag:s11] =	ssyncadd.s32 $0xFFFFD800;
	s14 =	smov.u32 s15;
	s17 =	sadd.s32 $0xA, s15  }
0x4e: {  	[tilespmem:s3], [sflag:$0x1] =	stream.linear.gather [hbm4b:s16+s3], $0x50, $0x38;
	[tilespmem:$0x1A900] =	vst v63  }
0x4f: {  	p0 =	sne.s32 s15, $0x4D8;
	_ =	swait.ge [sflag:s11], $0x50  }
.Ltmp3:
0x50: {  	[sflag:s11] =	ssyncset.done $0x0;
	(pc) =	sbr.rel @p0 .LBB2_8-.Ltmp3, $4  }
0x51: {  	[sflag:s11] =	ssyncadd.s32 $0xFFFFFFB0  }
0x52: {  	[spmem:s2] =	stream.indirect.scatter.add.f32 [tilespmem:s8], [sflag:$0x1], $0x80, s3, s12, $0xb8;
	[tilespmem:$0x1A900] =	vst v63  }
0x53: {  	_ =	swait.ge [sflag:s11], $0x2800  }
0x54: {  	s15 =	smov.u32 s17;
	[sflag:s11] =	ssyncset.done $0x0  }
0x55: {  	s14 =	sadd.s32 s14, s6;
	[sflag:s11] =	ssyncadd.s32 $0xFFFFD800  }
0x56: {  	[tilespmem:s3], [sflag:$0x1] =	stream.linear.gather [hbm4b:s14+s3], $0x50, $0x38;
	[tilespmem:$0x1A900] =	vst v63  }
0x57: {  	_ =	swait.ge [sflag:s11], $0x50  }
0x58: {  	[sflag:s11] =	ssyncset.done $0x0  }
0x59: {  	[sflag:s11] =	ssyncadd.s32 $0xFFFFFFB0  }
0x5a: {  	[spmem:s2] =	stream.indirect.scatter.add.f32 [tilespmem:s8], [sflag:$0x1], $0x80, s3, s12, $0xb8;
	[tilespmem:$0x1A900] =	vst v63  }
0x5b: {  	_ =	swait.ge [sflag:s11], $0x2800  }
0x5c: {  	[sflag:s11] =	ssyncset.done $0x0  }
0x5d: {  	s26 =	sadd.s32 $0x0, s4;
	[sflag:s11] =	ssyncadd.s32 $0xFFFFD800  }
0x5e: {  	v3 =	vor.u32 s26, v2;
	s16 =	sadd.s32 $0x20, s26;
	[bflag:$0x0] =	sbarrier.arrive $0xFFFF  }
0x5f: {  	s30 =	sadd.s32 $0x40, s26;
	v4 =	vor.u32 s16, v2;
	[tilespmem:$0x2880] =	vst v3  }
0x60: {  	s14 =	sadd.s32 $0x30, s26;
	v62 =	vor.u32 s30, v2;
	[tilespmem:$0x28A0] =	vst v4  }
0x61: {  	s15 =	sadd.s32 $0x10, s26;
	v63 =	vor.u32 s14, v2;
	[tilespmem:$0x28C0] =	vst v62  }
0x62: {  	s28 =	sadd.s32 $0x70, s26;
	v3 =	vor.u32 s15, v2;
	[tilespmem:$0x28B0] =	vst v63  }
0x63: {  	s29 =	sadd.s32 $0x50, s26;
	[tilespmem:$0x2890] =	vst v3;
	v3 =	vor.u32 s28, v2  }
0x64: {  	s31 =	sadd.s32 $0x60, s26;
	[tilespmem:$0x28F0] =	vst v3;
	v3 =	vor.u32 s29, v2  }
0x65: {  	[tilespmem:$0x28D0] =	vst v3;
	v3 =	vor.u32 s31, v2  }
0x66: {  	s14 =	simm.s32 $0x80;
	s16 =	smov.u32 s7;
	s15 =	smov.u32 s7;
	[tilespmem:$0x28E0] =	vst v3  }
0x67: {  	[tilespmem:s10], [sflag:$0x1] =	stream.indirect.gather [spmem:s2], $0x80, s9, s8, $0xb8;
	[tilespmem:$0x1A900] =	vst v63  }
.LBB2_10:
0x68: {  	p0 =	sne.s32 s14, $0x200;
	_ =	swait.ge [sflag:s11], $0x4000;
	s16 =	sadd.s32 $0x800, s16  }
0x69: {  	s17 =	smov.u32 s14;
	s14 =	sadd.s32 $0x80, s14;
	[sflag:s11] =	ssyncset.done $0x0  }
0x6a: {  	[sflag:s11] =	ssyncadd.s32 $0xFFFFC000  }
0x6b: {  	[hbm4b:s15+s3] =	stream.linear.scatter [tilespmem:s10], [sflag:$0x1], $0x4000, $0x38;
	[tilespmem:$0x1A900] =	vst v63  }
0x6c: {  	s15 =	smov.u32 s16;
	_ =	swait.ge [sflag:s11], $0x4000  }
0x6d: {  	s17 =	sadd.s32 s17, s4;
	[sflag:s11] =	ssyncset.done $0x0  }
0x6e: {  	v3 =	vor.u32 s17, v2;
	s18 =	sadd.s32 $0x10, s17;
	s19 =	sadd.s32 $0x20, s17;
	[sflag:s11] =	ssyncadd.s32 $0xFFFFC000  }
0x6f: {  	s20 =	sadd.s32 $0x70, s17;
	v4 =	vor.u32 s19, v2;
	s19 =	sadd.s32 $0x50, s17;
	[tilespmem:$0x2880] =	vst v3;
	v3 =	vor.u32 s18, v2;
	s18 =	sadd.s32 $0x40, s17  }
0x70: {  	s21 =	sadd.s32 $0x30, s17;
	v6 =	vor.u32 s20, v2;
	v5 =	vor.u32 s19, v2;
	s17 =	sadd.s32 $0x60, s17;
	[tilespmem:$0x2890] =	vst v3;
	v3 =	vor.u32 s18, v2  }
0x71: {  	v7 =	vor.u32 s21, v2;
	v8 =	vor.u32 s17, v2;
	[tilespmem:$0x28F0] =	vst v6  }
0x72: {  	[tilespmem:$0x28A0] =	vst v4  }
.Ltmp4:
0x73: {  	[tilespmem:$0x28D0] =	vst v5;
	(pc) =	sbr.rel @p0 .LBB2_10-.Ltmp4, $4  }
0x74: {  	[tilespmem:$0x28C0] =	vst v3  }
0x75: {  	[tilespmem:$0x28E0] =	vst v8  }
0x76: {  	[tilespmem:$0x28B0] =	vst v7  }
0x77: {  	[tilespmem:s10], [sflag:$0x1] =	stream.indirect.gather [spmem:s2], $0x80, s9, s8, $0xb8;
	[tilespmem:$0x1A900] =	vst v63  }
0x78: {  	_ =	swait.ge [sflag:s11], $0x4000;
	s13 =	sadd.s32 $0x1, s13  }
0x79: {  	[sflag:s11] =	ssyncset.done $0x0;
	p0 =	sne.s32 s13, s5  }
.Ltmp5:
0x7a: {  	[sflag:s11] =	ssyncadd.s32 $0xFFFFC000;
	(pc) =	sbr.rel @p0 .LBB2_1-.Ltmp5, $4  }
0x7b: {  	[hbm4b:s15+s3] =	stream.linear.scatter [tilespmem:s10], [sflag:$0x1], $0x4000, $0x38;
	[tilespmem:$0x1A900] =	vst v63  }
0x7c: {  	_ =	swait.ge [sflag:s11], $0x4000  }
0x7d: {  	[sflag:s11] =	ssyncset.done $0x0  }
0x7e: {  	[sflag:s11] =	ssyncadd.s32 $0xFFFFC000  }
0x7f: {  	_ =	sfence.sel $0x180000  }
0x80: {  	[bflag:$0x0] =	sbarrier.arrive $0xFFFF  }
0x81: {  	p0 =	sne.s32 s0, $0x0;
	_ =	strace $0x90000047  }
0x82: {  	s0 =	sadd.s32 @!p0 $0x100000, s1;
	[bflag:$0x2] =	sbarrier.arrive $0xFFFF  }
0x83: {  	[sflag:s0] =	ssyncadd.tile.s32 @!p0 $0x1;
	_ =	shalt  }
.Lfunc_end2:
_tile_overlayer_lowered:
.L_overlay_start_2:
0x84: {  	(tag) =	ssettag $0x2  }
0x85: {  	s0 =	rddreg [dreg:$0x0];
	s2 =	stileid.u32  }
0x86: {  	s1 =	rddreg [dreg:$0x1];
	p0 =	sne.s32 s2, $0x0  }
0x87: {  	s3 =	rddreg [dreg:$0x2];
	[bflag:$0x3] =	sbarrier.arrive $0xFFFF;
	s2 =	simm.s32 @!p0 $0x1C01  }
0x88: {  	[timem:s3], [sflag:s2] =	dma.local @!p0 [hbm:s0], s1  }
0x89: {  	s0 =	simm.s32 @!p0 $0x1  }
0x8a: {  	_ =	swait.ge @!p0 [sflag:s0], s1  }
0x8b: {  	s1 =	ssub.s32 @!p0 $0x0, s1;
	[sflag:s0] =	ssyncset.done @!p0 $0x0  }
0x8c: {  	[sflag:s0] =	ssyncadd.s32 @!p0 s1  }
0x8d: {  	[bflag:$0x3] =	sbarrier.arrive $0xFFFF  }
0x8e: {  	_ =	shalt  }

// kernel: kernel.16.cloned.1.call-start
scs
__scs_entry_jumppad:
0x0: {  	(pc) =	sbr.rel $0x88, $3  }
0x1: {  	(tag) =	ssettag $0x0;
	lr =	simm.s32 $0x1  }
0x2: {  	[smem:$0x3F88] =	sst lr;
	_ =	strace $0xD0000000  }
0x3: {  	_ = 	snop  }
0x4: {  	_ = 	snop  }
0x5: {  	_ = 	snop  }
0x6: {  	_ = 	snop  }
0x7: {  	_ = 	snop  }
__scs_overlays_trampoline_lowered:
0x8: {  	[smem:$0x3F97] =	sst s0  }
0x9: {  	[smem:$0x3F98] =	sst s1  }
0xa: {  	[smem:$0x3F99] =	sst s2  }
0xb: {  	[smem:$0x3F9A] =	sst s3  }
0xc: {  	[smem:$0x3F9B] =	sst s4  }
0xd: {  	[smem:$0x3F9C] =	sst s5  }
0xe: {  	[smem:$0x3F9D] =	sst s6  }
0xf: {  	[smem:$0x3F9E] =	sst s7  }
0x10: {  	[smem:$0x3F9F] =	sst s8  }
0x11: {  	[smem:$0x3FA0] =	sst s9;
	s0 =	simm.s32 @!p0 $0x0  }
0x12: {  	s1 =	sld [smem:$0x3F86];
	s0 =	simm.s32 @p0 $0x1  }
0x13: {  	[smem:$0x3FA1] =	sst s0;
	s0 =	simm.s32 @!p1 $0x0  }
0x14: {  	s2 =	sld [smem:$0x3F85];
	s0 =	simm.s32 @p1 $0x1  }
0x15: {  	[smem:$0x3FA2] =	sst s0;
	s0 =	simm.s32 @!p2 $0x0  }
0x16: {  	s3 =	sld [smem:$0x3FDB];
	s0 =	simm.s32 @p2 $0x1  }
0x17: {  	s4 =	simm.s32 $0x1BF5;
	[smem:$0x3FA4] =	sst s0  }
0x18: {  	s0 =	sld [smem:$0x3F87];
	_ =	swait.ge [sflag:s4], $0x0  }
0x19: {  	s7 =	sld [smem:$0x3F88]  }
0x1a: {  	s8 =	sadd.s32 $0xFFFFE003, lr  }
0x1b: {  	s9 =	sadd.s32 $0xFFFFFEF7, lr;
	s5 =	simm.s32 $0xFFFFFFFF;
	p2 =	slt.u32 s8, $0xFFFFF086  }
0x1c: {  	p1 =	slt.u32 s9, $0xF7A;
	s5 =	simm.s32 @!p2 $0x0  }
0x1d: {  	s5 =	simm.s32 @p1 $0x1;
	p0 =	seq.s32 s7, s2  }
0x1e: {  	s7 =	smul.u32 @!p0 $0xF7A, s2;
	p2 =	seq.s32 @!p0 s5, $0x0  }
0x1f: {  	s9 =	smul.u32 $0xF7A, s1;
	s8 =	simm.s32 @!p0 $0x1BF5;
	p2 =	por !p2, p0  }
0x20: {  	[sflag:s8] =	ssyncset.s32 @!p0 $0xFFFFF086;
	s6 =	sadd.s32 @!p0 s3, s7;
	s7 =	simm.s32 @!p0 $0x108  }
0x21: {  	s3 =	sadd.s32 s3, s9;
	s6 =	sadd.s32 @!p0 $0x88, s6;
	s7 =	simm.s32 @p2 $0x1082  }
0x22: {  	[simem:s7], [sflag:s8] =	dma.local @!p0 [hbm:s6], $0xF7A  }
0x23: {  	s9 =	sor.u32 $0xD0000000, s2;
	s6 =	simm.s32 $0x108;
	_ =	swait.ge @!p0 [sflag:s8], $0x0  }
0x24: {  	s3 =	sadd.s32 $0x88, s3;
	s6 =	simm.s32 @!p1 $0x1082;
	[sflag:s4] =	ssyncset.s32 $0xFFFFF086  }
0x25: {  	[simem:s6], [sflag:s4] =	dma.local [hbm:s3], $0xF7A  }
0x26: {  	[smem:$0x3F88] =	sst s1;
	(tag) =	ssettag s2;
	_ =	strace s9  }
0x27: {  	s1 =	sld [smem:$0x3F98]  }
0x28: {  	s2 =	sld [smem:$0x3F99]  }
0x29: {  	s4 =	sld [smem:$0x3F9B]  }
0x2a: {  	p0 =	seq.s32 s5, $0x0;
	s5 =	sld [smem:$0x3F9C]  }
0x2b: {  	s6 =	sld [smem:$0x3F9D]  }
0x2c: {  	s7 =	sld [smem:$0x3F9E]  }
0x2d: {  	s3 =	simm.s32 $0x108;
	s8 =	sld [smem:$0x3F9F]  }
0x2e: {  	s3 =	simm.s32 @!p0 $0x1082;
	s9 =	sld [smem:$0x3FA0]  }
0x2f: {  	lr =	sadd.s32 s0, s3;
	s0 =	sld [smem:$0x3F97]  }
0x30: {  	s3 =	sld [smem:$0x3F9A]  }
0x31: {  	[smem:$0x3FA3] =	sst s10  }
0x32: {  	s10 =	sld [smem:$0x3FA1];
	_ =	sdelay $0x3  }
0x33: {  	p0 =	seq.s32 s10, $0x1;
	s10 =	sld [smem:$0x3FA3];
	_ =	sdelay $0x3  }
0x34: {  	[smem:$0x3FA3] =	sst s10  }
0x35: {  	s10 =	sld [smem:$0x3FA2];
	_ =	sdelay $0x3  }
0x36: {  	p1 =	seq.s32 s10, $0x1;
	s10 =	sld [smem:$0x3FA3];
	_ =	sdelay $0x3  }
0x37: {  	[smem:$0x3FA3] =	sst s10  }
0x38: {  	s10 =	sld [smem:$0x3FA4]  }
0x39: {  	_ = 	snop;
	(pc) =	sbr.ind lr, $3  }
0x3a: {  	_ = 	snop  }
0x3b: {  	_ = 	snop  }
0x3c: {  	p2 =	seq.s32 s10, $0x1;
	s10 =	sld [smem:$0x3FA3]  }
0x3d: {  	_ =	shalt  }
0x3e: {  	_ =	shalt  }
0x3f: {  	_ =	shalt  }
0x40: {  	_ =	shalt  }
0x41: {  	_ =	shalt  }
0x42: {  	_ =	shalt  }
0x43: {  	_ =	shalt  }
0x44: {  	_ =	shalt  }
0x45: {  	_ =	shalt  }
0x46: {  	_ =	shalt  }
0x47: {  	_ =	shalt  }
0x48: {  	_ =	shalt  }
0x49: {  	_ =	shalt  }
0x4a: {  	_ =	shalt  }
0x4b: {  	_ =	shalt  }
0x4c: {  	_ =	shalt  }
0x4d: {  	_ =	shalt  }
0x4e: {  	_ =	shalt  }
0x4f: {  	_ =	shalt  }
0x50: {  	_ =	shalt  }
0x51: {  	_ =	shalt  }
0x52: {  	_ =	shalt  }
0x53: {  	_ =	shalt  }
0x54: {  	_ =	shalt  }
0x55: {  	_ =	shalt  }
0x56: {  	_ =	shalt  }
0x57: {  	_ =	shalt  }
0x58: {  	_ =	shalt  }
0x59: {  	_ =	shalt  }
0x5a: {  	_ =	shalt  }
0x5b: {  	_ =	shalt  }
0x5c: {  	_ =	shalt  }
0x5d: {  	_ =	shalt  }
0x5e: {  	_ =	shalt  }
0x5f: {  	_ =	shalt  }
0x60: {  	_ =	shalt  }
0x61: {  	_ =	shalt  }
0x62: {  	_ =	shalt  }
0x63: {  	_ =	shalt  }
0x64: {  	_ =	shalt  }
0x65: {  	_ =	shalt  }
0x66: {  	_ =	shalt  }
0x67: {  	_ =	shalt  }
0x68: {  	_ =	shalt  }
0x69: {  	_ =	shalt  }
0x6a: {  	_ =	shalt  }
0x6b: {  	_ =	shalt  }
0x6c: {  	_ =	shalt  }
0x6d: {  	_ =	shalt  }
0x6e: {  	_ =	shalt  }
0x6f: {  	_ =	shalt  }
0x70: {  	_ =	shalt  }
0x71: {  	_ =	shalt  }
0x72: {  	_ =	shalt  }
0x73: {  	_ =	shalt  }
0x74: {  	_ =	shalt  }
0x75: {  	_ =	shalt  }
0x76: {  	_ =	shalt  }
0x77: {  	_ =	shalt  }
0x78: {  	_ =	shalt  }
0x79: {  	_ =	shalt  }
0x7a: {  	_ =	shalt  }
0x7b: {  	_ =	shalt  }
0x7c: {  	_ =	shalt  }
0x7d: {  	_ =	shalt  }
0x7e: {  	_ =	shalt  }
0x7f: {  	_ =	shalt  }
0x80: {  	_ =	shalt  }
0x81: {  	_ =	shalt  }
0x82: {  	_ =	shalt  }
0x83: {  	_ =	shalt  }
0x84: {  	_ =	shalt  }
0x85: {  	_ =	shalt  }
0x86: {  	_ =	shalt  }
0x87: {  	_ =	shalt  }
.Lfunc_end0:
.L_simem_size_0:
called_computation.1_lowered:
.L_overlay_start_0:
0x88: {  	s2 =	sld [smem:$0x3FD9]  }
0x89: {  	s3 =	sld [smem:$0x3FFE];
	_ =	sdelay $0x1  }
0x8a: {  	s1 =	srdreg.scid  }
0x8b: {  	s0 =	sand.u32 $0x1, s1  }
0x8c: {  	s17 =	sshll.u32 s0, $0xA;
	s2 =	sadd.s32 s3, s2  }
0x8d: {  	s2 =	sadd.s32 s2, s17  }
0x8e: {  	[smem:$0x3FAF] =	sst s2  }
0x8f: {  	_ = 	snop  }
0x90: {  	(tm) =	ssettm $0x1  }
0x91: {  	s18 =	sld [smem:$0x3FFB];
	_ =	sdelay $0x3  }
0x92: {  	_ =	strace s18  }
0x93: {  	s2 =	sld [smem:$0x3FFC];
	_ =	sdelay $0x3  }
0x94: {  	_ =	strace s2  }
0x95: {  	s2 =	sld [smem:$0x3FFD];
	_ =	sdelay $0x3  }
0x96: {  	_ =	strace s2  }
0x97: {  	_ =	strace $0x8FFFFFFF  }
0x98: {  	s19 =	sld [smem:$0x3FDB];
	_ =	sdelay $0x1  }
0x99: {  	s20 =	simm.s32 $_scs_section_size  }
0x9a: {  	s4 =	simm.s32 $_size__tile_overlayer_lowered;
	s5 =	simm.s32 $_tile_overlayer_lowered  }
0x9b: {  	s6 =	simm.s32 $0x1BFF;
	s21 =	sshll.u32 s5, $0x1;
	s3 =	sadd.s32 s20, s19  }
0x9c: {  	s22 =	simm.s32 $0x0;
	s4 =	sshll.u32 s4, $0x1;
	s5 =	sadd.s32 s21, s3  }
0x9d: {  	[timem:s22], [sflag:s6] =	dma.local [hbm:s5], s4  }
0x9e: {  	_ =	swait.ge [sflag:s6], s4  }
0x9f: {  	s4 =	ssub.s32 $0x0, s4;
	[sflag:s6] =	ssyncset.done $0x0  }
0xa0: {  	[sflag:s6] =	ssyncadd.s32 s4;
	_ =	sdelay $0x1  }
0xa1: {  	s23 =	simm.s32 $0x1B8B  }
0xa2: {  	_ =	swait.ge [sflag:s23], $0x1  }
0xa3: {  	[sflag:s23] =	ssyncset.done $0x0  }
0xa4: {  	[sflag:s23] =	ssyncadd.s32 $0xFFFFFFFF  }
0xa5: {  	s4 =	sld [smem:$0x0]  }
0xa6: {  	s5 =	sand.u32 $0xFFFFFFFE, s1  }
0xa7: {  	p0 =	sne.s32 s1, s5  }
0xa8: {  	s5 =	sshll.u32 @p0 s5, $0xE  }
0xa9: {  	s5 =	sadd.s32 @p0 $0x11B8D, s5;
	s6 =	sshll.u32 @p0 s4, $0x11  }
0xaa: {  	s5 =	sor.u32 @p0 s6, s5  }
0xab: {  	[sflag:s5] =	ssyncadd.remote.s32 @p0 $0x1;
	_ =	sdelay $0x1  }
0xac: {  	s5 =	simm.s32 @p0 $0x1B8D  }
0xad: {  	_ =	swait.eq @p0 [sflag:s5], $0x1  }
0xae: {  	[sflag:s5] =	ssyncadd.s32 @p0 $0xFFFFFFFF  }
0xaf: {  	s6 =	sshll.u32 @!p0 s1, $0xE  }
0xb0: {  	s6 =	sor.u32 @!p0 $0x4000, s6;
	s5 =	simm.s32 @!p0 $0x1B8D  }
0xb1: {  	s4 =	sshll.u32 @!p0 s4, $0x11;
	s6 =	sadd.s32 @!p0 $0x11B8D, s6;
	_ =	swait.eq @!p0 [sflag:s5], $0x1  }
0xb2: {  	s4 =	sor.u32 @!p0 s4, s6;
	[sflag:s5] =	ssyncadd.s32 @!p0 $0xFFFFFFFF  }
0xb3: {  	s25 =	simm.s32 $0x1B8E;
	s24 =	sld [smem:$0x3FFE];
	[sflag:s4] =	ssyncadd.remote.s32 @!p0 $0x1  }
0xb4: {  	s26 =	simm.s32 $execute0_lowered;
	[smem:$0x3FD2] =	sst s25  }
0xb5: {  	s5 =	sshll.u32 s26, $0x1;
	_ =	strace $0x8000004C;
	[dreg:$0x1] =	wrdreg $0xFFFFFFFF  }
0xb6: {  	s28 =	simm.s32 $_size_execute0_lowered;
	s3 =	sadd.s32 s3, s5;
	[dreg:$0x0] =	wrdreg $0x0  }
0xb7: {  	s5 =	sshll.u32 s28, $0x1;
	[dreg:$0x2] =	wrdreg s3  }
0xb8: {  	[dreg:$0x3] =	wrdreg s5  }
0xb9: {  	[dreg:$0x4] =	wrdreg $0xC0  }
0xba: {  	_ =	task [dreg:s22], $0x5FFFF  }
0xbb: {  	[dreg:$0x1] =	wrdreg $0xFFFFFFFF  }
0xbc: {  	[dreg:$0x0] =	wrdreg $0x60  }
0xbd: {  	[dreg:$0x2] =	wrdreg s24  }
0xbe: {  	[dreg:$0x3] =	wrdreg $0x69800  }
0xbf: {  	[dreg:$0x4] =	wrdreg $0x9  }
0xc0: {  	_ =	task.clear_ibuf [dreg:s22], $0x5FFFF;
	_ =	strace $0x9000004C  }
0xc1: {  	s29 =	simm.s32 $0x9;
	_ =	strace $0x8000004E  }
0xc2: {  	_ =	swait.ge [sflag:s29], $0x1  }
0xc3: {  	[sflag:s29] =	ssyncadd.s32 $0xFFFFFFFF  }
0xc4: {  	_ =	strace $0x9000004E  }
0xc5: {  	_ =	sfence  }
0xc6: {  	s30 =	sld [smem:$0x0];
	_ =	sdelay $0x2  }
0xc7: {  	s31 =	sshll.u32 s1, $0xD;
	s1 =	sshrl.u32 s1, $0x2  }
0xc8: {  	s4 =	sand.u32 $0x4000, s31;
	s1 =	sadd.s32 s1, s30  }
0xc9: {  	s0 =	sor.u32 s4, s0;
	s1 =	sshll.u32 s1, $0x11  }
0xca: {  	s0 =	sor.u32 s1, s0  }
0xcb: {  	s0 =	sadd.s32 $0x8F2B, s0  }
0xcc: {  	[sflag:s0] =	ssyncadd.remote.s32 $0x1  }
0xcd: {  	_ =	sfence.sel $0xFFFF  }
0xce: {  	[dreg:$0x0] =	wrdreg $0xFFFFFFFF;
	(pc) =	sbr.abs _section_cstart, $3  }
0xcf: {  	[dreg:$0x1] =	wrdreg $0xFFFFFFFF  }
0xd0: {  	_ =	task.clear_ibuf [dreg:s22], $0x2FFFF;
	_ =	strace $0x9FFFFFFF  }
0xd1: {  	(tm) =	ssettm $0x7FFFFFFF  }
tec
execute0_lowered:
.L_overlay_start_1:
0x0: {  	(tag) =	ssettag $0x1  }
0x1: {  	s1 =	srdreg.scid  }
0x2: {  	s0 =	stileid.u32;
	s5 =	rddreg [dreg:$0x0]  }
0x3: {  	s2 =	rddreg [dreg:$0x1];
	s3 =	simm.s32 $0x0;
	s11 =	simm.s32 $0x2900  }
0x4: {  	s12 =	simm.s32 $0x2980;
	s13 =	simm.s32 $0x2;
	s14 =	simm.s32 $0x50  }
0x5: {  	s15 =	simm.s32 $0x100;
	s16 =	simm.s32 $0x1;
	s7 =	smul.u32 $0x4E20, s0  }
0x6: {  	s6 =	sand.u32 $0x1, s1;
	s1 =	rddreg [dreg:$0x2];
	s10 =	smul.u32 $0x14000, s0  }
0x7: {  	s17 =	simm.s32 $0x0;
	[smem:$0x7FF] =	sst s3;
	s8 =	smul.u32 $0x2710, s6  }
0x8: {  	s4 =	sadd.s32 $0x41600, s5;
	s9 =	smul.u32 $0x140000, s6;
	s6 =	ssub.s32 $0x2, s6  }
0x9: {  	_ =	strace $0x8000004D;
	s30 =	sshrl.u32 s6, $0x1;
	s7 =	sadd.s32 s8, s7  }
0xa: {  	s26 =	sadd.s32 s10, s9;
	s6 =	ssub.s32 s6, s30;
	s10 =	simm.s32 $0x80  }
0xb: {  	s7 =	sshrl.u32 s7, $0x3;
	s29 =	sshrl.u32 s26, $0x3;
	s6 =	smax.u32 s6, $0x1  }
0xc: {  	s28 =	sadd.s32 s7, s5;
	s31 =	sadd.s32 s29, s5;
	s5 =	smul.u32 $0x280, s0  }
0xd: {  	v0 =	vimm.f32 $0.0e+00;
	v1 =	vlaneseq.u32;
	s7 =	sadd.s32 $0x10600, s28;
	s8 =	sadd.s32 $0x6800, s28;
	s9 =	sadd.s32 $0xB8800, s31  }
.LBB2_1:
0xe: {  	s18 =	simm.s32 $0x0;
	s19 =	simm.s32 $0x200  }
.LBB2_2:
0xf: {  	p0 =	sne.s32 s19, $0xFE00;
	[tilespmem:s18+$0x29F0] =	vst v0  }
0x10: {  	[tilespmem:s18+$0x2980] =	vst v0  }
0x11: {  	[tilespmem:s18+$0x2990] =	vst v0  }
.Ltmp0:
0x12: {  	[tilespmem:s18+$0x29A0] =	vst v0;
	(pc) =	sbr.rel @p0 .LBB2_2-.Ltmp0, $4  }
0x13: {  	[tilespmem:s18+$0x29B0] =	vst v0  }
0x14: {  	[tilespmem:s18+$0x29C0] =	vst v0  }
0x15: {  	[tilespmem:s18+$0x29D0] =	vst v0  }
0x16: {  	[tilespmem:s18+$0x29E0] =	vst v0;
	s18 =	sshra.s32 s19, $0x2;
	s19 =	sadd.s32 $0x200, s19  }
0x17: {  	[tilespmem:s18+$0x29F0] =	vst v0  }
0x18: {  	[tilespmem:s18+$0x2980] =	vst v0  }
0x19: {  	[tilespmem:s18+$0x2990] =	vst v0  }
0x1a: {  	[tilespmem:s18+$0x29A0] =	vst v0  }
0x1b: {  	[tilespmem:s18+$0x29B0] =	vst v0  }
0x1c: {  	[tilespmem:s18+$0x29C0] =	vst v0  }
0x1d: {  	[tilespmem:s18+$0x29D0] =	vst v0;
	s19 =	sadd.s32 $0x0, s5  }
0x1e: {  	[tilespmem:s18+$0x29E0] =	vst v0;
	v2 =	vor.u32 s19, v1;
	s26 =	sadd.s32 $0x70, s19  }
0x1f: {  	s20 =	sadd.s32 $0x60, s19;
	[tilespmem:$0x2900] =	vst v2;
	v2 =	vor.u32 s26, v1  }
0x20: {  	s30 =	sadd.s32 $0x30, s19;
	v3 =	vor.u32 s20, v1;
	[tilespmem:$0x2970] =	vst v2  }
0x21: {  	s28 =	sadd.s32 $0x50, s19;
	v4 =	vor.u32 s30, v1;
	[tilespmem:$0x2960] =	vst v3  }
0x22: {  	s29 =	sadd.s32 $0x40, s19;
	v2 =	vor.u32 s28, v1;
	[tilespmem:$0x2930] =	vst v4  }
0x23: {  	s31 =	sadd.s32 $0x20, s19;
	v3 =	vor.u32 s29, v1;
	[tilespmem:$0x2950] =	vst v2  }
0x24: {  	s18 =	simm.s32 $0x80;
	s19 =	sadd.s32 $0x10, s19;
	[tilespmem:$0x2940] =	vst v3;
	v2 =	vor.u32 s31, v1  }
.LBB2_4:
0x25: {  	p0 =	sne.s32 s18, $0x200;
	v3 =	vor.u32 s19, v1;
	[tilespmem:$0x2920] =	vst v2  }
0x26: {  	[tilespmem:$0x2910] =	vst v3;
	[spmem:s2] =	stream.indirect.scatter [tilespmem:s12], [sflag:$0x2], $0x80, s11, s10, $0xb8  }
0x27: {  	_ =	swait.ge [sflag:s13], $0x4000  }
0x28: {  	s19 =	sadd.s32 s18, s5;
	[sflag:s13] =	ssyncset.done $0x0  }
0x29: {  	v2 =	vor.u32 s19, v1;
	s20 =	sadd.s32 $0x70, s19;
	[sflag:s13] =	ssyncadd.s32 $0xFFFFC000  }
0x2a: {  	s21 =	sadd.s32 $0x60, s19;
	[tilespmem:$0x2900] =	vst v2;
	v2 =	vor.u32 s20, v1  }
.Ltmp1:
0x2b: {  	v3 =	vor.u32 s21, v1;
	s20 =	sadd.s32 $0x50, s19;
	[tilespmem:$0x2970] =	vst v2;
	(pc) =	sbr.rel @p0 .LBB2_4-.Ltmp1, $4  }
0x2c: {  	s21 =	sadd.s32 $0x40, s19;
	v2 =	vor.u32 s20, v1;
	[tilespmem:$0x2960] =	vst v3  }
0x2d: {  	s20 =	sadd.s32 $0x30, s19;
	v3 =	vor.u32 s21, v1;
	[tilespmem:$0x2950] =	vst v2  }
0x2e: {  	s21 =	sadd.s32 $0x20, s19;
	v4 =	vor.u32 s20, v1;
	[tilespmem:$0x2940] =	vst v3  }
0x2f: {  	s18 =	sadd.s32 $0x80, s18;
	s19 =	sadd.s32 $0x10, s19;
	v2 =	vor.u32 s21, v1;
	[tilespmem:$0x2930] =	vst v4  }
0x30: {  	v3 =	vor.u32 s19, v1;
	[tilespmem:$0x2920] =	vst v2  }
0x31: {  	[tilespmem:$0x2910] =	vst v3  }
0x32: {  	[spmem:s2] =	stream.indirect.scatter [tilespmem:s12], [sflag:$0x2], $0x80, s11, s10, $0xb8;
	[tilespmem:$0x1A980] =	vst v63  }
0x33: {  	_ =	swait.ge [sflag:s13], $0x4000  }
0x34: {  	[sflag:s13] =	ssyncset.done $0x0  }
0x35: {  	[sflag:s13] =	ssyncadd.s32 $0xFFFFC000  }
0x36: {  	s18 =	sadd.s32 $0x0, s8;
	[bflag:$0x0] =	sbarrier.arrive $0xFFFF  }
0x37: {  	[tilespmem:s3], [sflag:$0x2] =	stream.linear.gather [hbm4b:s18+s3], $0x50, $0x38;
	[tilespmem:$0x1A980] =	vst v63  }
0x38: {  	_ =	swait.ge [sflag:s13], $0x50  }
0x39: {  	[sflag:s13] =	ssyncset.done $0x0  }
0x3a: {  	s31 =	sadd.s32 $0x0, s7;
	[sflag:s13] =	ssyncadd.s32 $0xFFFFFFB0  }
0x3b: {  	[tilespmem:s10], [sflag:$0x2] =	stream.linear.gather [hbm4b:s31+s3], $0x50, $0x38;
	[tilespmem:$0x1A980] =	vst v63  }
0x3c: {  	_ =	swait.ge [sflag:s13], $0x50  }
0x3d: {  	[sflag:s13] =	ssyncset.done $0x0  }
0x3e: {  	[sflag:s13] =	ssyncadd.s32 $0xFFFFFFB0  }
0x3f: {  	[tilespmem:s15], [sflag:$0x1] =	stream.indirect.gather [hbm4b:s4+s14], $0x80, s3, s14, $0xb8;
	[tilespmem:$0x1A980] =	vst v63  }
0x40: {  	_ =	swait.ge [sflag:s16], $0x2800  }
0x41: {  	[sflag:s16] =	ssyncset.done $0x0  }
0x42: {  	[sflag:s16] =	ssyncadd.s32 $0xFFFFD800  }
0x43: {  	[spmem:s2] =	stream.indirect.scatter.add.f32 [tilespmem:s15], [sflag:$0x2], $0x80, s10, s14, $0xb8;
	[tilespmem:$0x1A980] =	vst v63  }
0x44: {  	_ =	swait.ge [sflag:s13], $0x2800  }
0x45: {  	s19 =	simm.s32 $0x14;
	s18 =	simm.s32 $0xA;
	[sflag:s13] =	ssyncset.done $0x0  }
.LBB2_6:
0x46: {  	s20 =	sadd.s32 s18, s8  }
0x47: {  	[sflag:s13] =	ssyncadd.s32 $0xFFFFD800;
	s21 =	smov.u32 s19;
	s22 =	sadd.s32 $0xA, s19  }
0x48: {  	[tilespmem:s3], [sflag:$0x2] =	stream.linear.gather [hbm4b:s20+s3], $0x50, $0x38;
	[tilespmem:$0x1A980] =	vst v63  }
0x49: {  	p0 =	sne.s32 s19, $0x4D8;
	_ =	swait.ge [sflag:s13], $0x50  }
0x4a: {  	[sflag:s13] =	ssyncset.done $0x0  }
0x4b: {  	s19 =	sadd.s32 s18, s7;
	s18 =	smov.u32 s21;
	[sflag:s13] =	ssyncadd.s32 $0xFFFFFFB0  }
0x4c: {  	[tilespmem:s10], [sflag:$0x2] =	stream.linear.gather [hbm4b:s19+s3], $0x50, $0x38;
	[tilespmem:$0x1A980] =	vst v63  }
0x4d: {  	_ =	swait.ge [sflag:s13], $0x50  }
0x4e: {  	[sflag:s13] =	ssyncset.done $0x0  }
0x4f: {  	[sflag:s13] =	ssyncadd.s32 $0xFFFFFFB0  }
0x50: {  	[tilespmem:s15], [sflag:$0x1] =	stream.indirect.gather [hbm4b:s4+s14], $0x80, s3, s14, $0xb8;
	[tilespmem:$0x1A980] =	vst v63  }
0x51: {  	_ =	swait.ge [sflag:s16], $0x2800  }
.Ltmp2:
0x52: {  	[sflag:s16] =	ssyncset.done $0x0;
	(pc) =	sbr.rel @p0 .LBB2_6-.Ltmp2, $4  }
0x53: {  	[sflag:s16] =	ssyncadd.s32 $0xFFFFD800  }
0x54: {  	[spmem:s2] =	stream.indirect.scatter.add.f32 [tilespmem:s15], [sflag:$0x2], $0x80, s10, s14, $0xb8;
	[tilespmem:$0x1A980] =	vst v63  }
0x55: {  	_ =	swait.ge [sflag:s13], $0x2800  }
0x56: {  	s19 =	smov.u32 s22;
	[sflag:s13] =	ssyncset.done $0x0  }
0x57: {  	s19 =	sadd.s32 s18, s8;
	[sflag:s13] =	ssyncadd.s32 $0xFFFFD800  }
0x58: {  	[tilespmem:s3], [sflag:$0x2] =	stream.linear.gather [hbm4b:s19+s3], $0x50, $0x38;
	[tilespmem:$0x1A980] =	vst v63  }
0x59: {  	_ =	swait.ge [sflag:s13], $0x50  }
0x5a: {  	[sflag:s13] =	ssyncset.done $0x0  }
0x5b: {  	s24 =	sadd.s32 s18, s7;
	[sflag:s13] =	ssyncadd.s32 $0xFFFFFFB0  }
0x5c: {  	[tilespmem:s10], [sflag:$0x2] =	stream.linear.gather [hbm4b:s24+s3], $0x50, $0x38;
	[tilespmem:$0x1A980] =	vst v63  }
0x5d: {  	_ =	swait.ge [sflag:s13], $0x50  }
0x5e: {  	[sflag:s13] =	ssyncset.done $0x0  }
0x5f: {  	[sflag:s13] =	ssyncadd.s32 $0xFFFFFFB0  }
0x60: {  	[tilespmem:s15], [sflag:$0x1] =	stream.indirect.gather [hbm4b:s4+s14], $0x80, s3, s14, $0xb8;
	[tilespmem:$0x1A980] =	vst v63  }
0x61: {  	_ =	swait.ge [sflag:s16], $0x2800  }
0x62: {  	[sflag:s16] =	ssyncset.done $0x0  }
0x63: {  	[sflag:s16] =	ssyncadd.s32 $0xFFFFD800  }
0x64: {  	[spmem:s2] =	stream.indirect.scatter.add.f32 [tilespmem:s15], [sflag:$0x2], $0x80, s10, s14, $0xb8;
	[tilespmem:$0x1A980] =	vst v63  }
0x65: {  	_ =	swait.ge [sflag:s13], $0x2800  }
0x66: {  	[sflag:s13] =	ssyncset.done $0x0  }
0x67: {  	s25 =	sadd.s32 $0x0, s5;
	[sflag:s13] =	ssyncadd.s32 $0xFFFFD800  }
0x68: {  	v2 =	vor.u32 s25, v1;
	s20 =	sadd.s32 $0x20, s25;
	[bflag:$0x0] =	sbarrier.arrive $0xFFFF  }
0x69: {  	s26 =	sadd.s32 $0x10, s25;
	v3 =	vor.u32 s20, v1;
	[tilespmem:$0x2900] =	vst v2  }
0x6a: {  	s30 =	sadd.s32 $0x40, s25;
	v2 =	vor.u32 s26, v1;
	[tilespmem:$0x2920] =	vst v3  }
0x6b: {  	s28 =	sadd.s32 $0x70, s25;
	v3 =	vor.u32 s30, v1;
	[tilespmem:$0x2910] =	vst v2  }
0x6c: {  	s18 =	sadd.s32 $0x30, s25;
	v2 =	vor.u32 s28, v1;
	[tilespmem:$0x2940] =	vst v3  }
0x6d: {  	s29 =	sadd.s32 $0x50, s25;
	v3 =	vor.u32 s18, v1;
	[tilespmem:$0x2970] =	vst v2  }
0x6e: {  	s31 =	sadd.s32 $0x60, s25;
	v2 =	vor.u32 s29, v1;
	[tilespmem:$0x2930] =	vst v3  }
0x6f: {  	[tilespmem:$0x2950] =	vst v2;
	v2 =	vor.u32 s31, v1  }
0x70: {  	s19 =	smov.u32 s9;
	s20 =	smov.u32 s9;
	s18 =	simm.s32 $0x80;
	[tilespmem:$0x2960] =	vst v2  }
0x71: {  	[tilespmem:s12], [sflag:$0x2] =	stream.indirect.gather [spmem:s2], $0x80, s11, s10, $0xb8;
	[tilespmem:$0x1A980] =	vst v63  }
.LBB2_8:
0x72: {  	p0 =	sne.s32 s18, $0x200;
	_ =	swait.ge [sflag:s13], $0x4000;
	s20 =	sadd.s32 $0x800, s20  }
0x73: {  	s21 =	smov.u32 s18;
	s18 =	sadd.s32 $0x80, s18;
	[sflag:s13] =	ssyncset.done $0x0  }
0x74: {  	[sflag:s13] =	ssyncadd.s32 $0xFFFFC000  }
0x75: {  	[hbm4b:s19+s3] =	stream.linear.scatter [tilespmem:s12], [sflag:$0x2], $0x4000, $0x38;
	[tilespmem:$0x1A980] =	vst v63  }
0x76: {  	s19 =	smov.u32 s20;
	_ =	swait.ge [sflag:s13], $0x4000  }
0x77: {  	s21 =	sadd.s32 s21, s5;
	[sflag:s13] =	ssyncset.done $0x0  }
0x78: {  	v2 =	vor.u32 s21, v1;
	s22 =	sadd.s32 $0x10, s21;
	s23 =	sadd.s32 $0x20, s21;
	[sflag:s13] =	ssyncadd.s32 $0xFFFFC000  }
0x79: {  	s24 =	sadd.s32 $0x70, s21;
	v3 =	vor.u32 s23, v1;
	s23 =	sadd.s32 $0x50, s21;
	[tilespmem:$0x2900] =	vst v2;
	v2 =	vor.u32 s22, v1;
	s22 =	sadd.s32 $0x40, s21  }
0x7a: {  	s25 =	sadd.s32 $0x30, s21;
	v5 =	vor.u32 s24, v1;
	v4 =	vor.u32 s23, v1;
	s21 =	sadd.s32 $0x60, s21;
	[tilespmem:$0x2910] =	vst v2;
	v2 =	vor.u32 s22, v1  }
0x7b: {  	v6 =	vor.u32 s25, v1;
	v7 =	vor.u32 s21, v1;
	[tilespmem:$0x2970] =	vst v5  }
0x7c: {  	[tilespmem:$0x2920] =	vst v3  }
.Ltmp3:
0x7d: {  	[tilespmem:$0x2950] =	vst v4;
	(pc) =	sbr.rel @p0 .LBB2_8-.Ltmp3, $4  }
0x7e: {  	[tilespmem:$0x2940] =	vst v2  }
0x7f: {  	[tilespmem:$0x2960] =	vst v7  }
0x80: {  	[tilespmem:$0x2930] =	vst v6  }
0x81: {  	[tilespmem:s12], [sflag:$0x2] =	stream.indirect.gather [spmem:s2], $0x80, s11, s10, $0xb8;
	[tilespmem:$0x1A980] =	vst v63  }
0x82: {  	_ =	swait.ge [sflag:s13], $0x4000;
	s17 =	sadd.s32 $0x1, s17  }
0x83: {  	[sflag:s13] =	ssyncset.done $0x0;
	p0 =	sne.s32 s17, s6  }
.Ltmp4:
0x84: {  	[sflag:s13] =	ssyncadd.s32 $0xFFFFC000;
	(pc) =	sbr.rel @p0 .LBB2_1-.Ltmp4, $4  }
0x85: {  	[hbm4b:s19+s3] =	stream.linear.scatter [tilespmem:s12], [sflag:$0x2], $0x4000, $0x38;
	[tilespmem:$0x1A980] =	vst v63  }
0x86: {  	_ =	swait.ge [sflag:s13], $0x4000  }
0x87: {  	[sflag:s13] =	ssyncset.done $0x0  }
0x88: {  	[sflag:s13] =	ssyncadd.s32 $0xFFFFC000  }
0x89: {  	_ =	sfence.sel $0x180000  }
0x8a: {  	[bflag:$0x0] =	sbarrier.arrive $0xFFFF  }
0x8b: {  	p0 =	sne.s32 s0, $0x0;
	_ =	strace $0x9000004D  }
0x8c: {  	s0 =	sadd.s32 @!p0 $0x100000, s1;
	[bflag:$0x2] =	sbarrier.arrive $0xFFFF  }
0x8d: {  	[sflag:s0] =	ssyncadd.tile.s32 @!p0 $0x1;
	_ =	shalt  }
.Lfunc_end2:
_tile_overlayer_lowered:
.L_overlay_start_2:
0x8e: {  	(tag) =	ssettag $0x2  }
0x8f: {  	s0 =	rddreg [dreg:$0x0];
	s2 =	stileid.u32  }
0x90: {  	s1 =	rddreg [dreg:$0x1];
	p0 =	sne.s32 s2, $0x0  }
0x91: {  	s3 =	rddreg [dreg:$0x2];
	[bflag:$0x3] =	sbarrier.arrive $0xFFFF;
	s2 =	simm.s32 @!p0 $0x1C02  }
0x92: {  	[timem:s3], [sflag:s2] =	dma.local @!p0 [hbm:s0], s1  }
0x93: {  	s0 =	simm.s32 @!p0 $0x2  }
0x94: {  	_ =	swait.ge @!p0 [sflag:s0], s1  }
0x95: {  	s1 =	ssub.s32 @!p0 $0x0, s1;
	[sflag:s0] =	ssyncset.done @!p0 $0x0  }
0x96: {  	[sflag:s0] =	ssyncadd.s32 @!p0 s1  }
0x97: {  	[bflag:$0x3] =	sbarrier.arrive $0xFFFF  }
0x98: {  	_ =	shalt  }

// kernel: kernel.19.cloned.1.call-start
scs
__scs_entry_jumppad:
0x0: {  	(pc) =	sbr.rel $0x88, $3  }
0x1: {  	(tag) =	ssettag $0x0;
	lr =	simm.s32 $0x1  }
0x2: {  	[smem:$0x3F88] =	sst lr;
	_ =	strace $0xD0000000  }
0x3: {  	_ = 	snop  }
0x4: {  	_ = 	snop  }
0x5: {  	_ = 	snop  }
0x6: {  	_ = 	snop  }
0x7: {  	_ = 	snop  }
__scs_overlays_trampoline_lowered:
0x8: {  	[smem:$0x3F97] =	sst s0  }
0x9: {  	[smem:$0x3F98] =	sst s1  }
0xa: {  	[smem:$0x3F99] =	sst s2  }
0xb: {  	[smem:$0x3F9A] =	sst s3  }
0xc: {  	[smem:$0x3F9B] =	sst s4  }
0xd: {  	[smem:$0x3F9C] =	sst s5  }
0xe: {  	[smem:$0x3F9D] =	sst s6  }
0xf: {  	[smem:$0x3F9E] =	sst s7  }
0x10: {  	[smem:$0x3F9F] =	sst s8  }
0x11: {  	[smem:$0x3FA0] =	sst s9;
	s0 =	simm.s32 @!p0 $0x0  }
0x12: {  	s1 =	sld [smem:$0x3F86];
	s0 =	simm.s32 @p0 $0x1  }
0x13: {  	[smem:$0x3FA1] =	sst s0;
	s0 =	simm.s32 @!p1 $0x0  }
0x14: {  	s2 =	sld [smem:$0x3F85];
	s0 =	simm.s32 @p1 $0x1  }
0x15: {  	[smem:$0x3FA2] =	sst s0;
	s0 =	simm.s32 @!p2 $0x0  }
0x16: {  	s3 =	sld [smem:$0x3FDB];
	s0 =	simm.s32 @p2 $0x1  }
0x17: {  	s4 =	simm.s32 $0x1BF5;
	[smem:$0x3FA4] =	sst s0  }
0x18: {  	s0 =	sld [smem:$0x3F87];
	_ =	swait.ge [sflag:s4], $0x0  }
0x19: {  	s7 =	sld [smem:$0x3F88]  }
0x1a: {  	s8 =	sadd.s32 $0xFFFFE003, lr  }
0x1b: {  	s9 =	sadd.s32 $0xFFFFFEF7, lr;
	s5 =	simm.s32 $0xFFFFFFFF;
	p2 =	slt.u32 s8, $0xFFFFF086  }
0x1c: {  	p1 =	slt.u32 s9, $0xF7A;
	s5 =	simm.s32 @!p2 $0x0  }
0x1d: {  	s5 =	simm.s32 @p1 $0x1;
	p0 =	seq.s32 s7, s2  }
0x1e: {  	s7 =	smul.u32 @!p0 $0xF7A, s2;
	p2 =	seq.s32 @!p0 s5, $0x0  }
0x1f: {  	s9 =	smul.u32 $0xF7A, s1;
	s8 =	simm.s32 @!p0 $0x1BF5;
	p2 =	por !p2, p0  }
0x20: {  	[sflag:s8] =	ssyncset.s32 @!p0 $0xFFFFF086;
	s6 =	sadd.s32 @!p0 s3, s7;
	s7 =	simm.s32 @!p0 $0x108  }
0x21: {  	s3 =	sadd.s32 s3, s9;
	s6 =	sadd.s32 @!p0 $0x88, s6;
	s7 =	simm.s32 @p2 $0x1082  }
0x22: {  	[simem:s7], [sflag:s8] =	dma.local @!p0 [hbm:s6], $0xF7A  }
0x23: {  	s9 =	sor.u32 $0xD0000000, s2;
	s6 =	simm.s32 $0x108;
	_ =	swait.ge @!p0 [sflag:s8], $0x0  }
0x24: {  	s3 =	sadd.s32 $0x88, s3;
	s6 =	simm.s32 @!p1 $0x1082;
	[sflag:s4] =	ssyncset.s32 $0xFFFFF086  }
0x25: {  	[simem:s6], [sflag:s4] =	dma.local [hbm:s3], $0xF7A  }
0x26: {  	[smem:$0x3F88] =	sst s1;
	(tag) =	ssettag s2;
	_ =	strace s9  }
0x27: {  	s1 =	sld [smem:$0x3F98]  }
0x28: {  	s2 =	sld [smem:$0x3F99]  }
0x29: {  	s4 =	sld [smem:$0x3F9B]  }
0x2a: {  	p0 =	seq.s32 s5, $0x0;
	s5 =	sld [smem:$0x3F9C]  }
0x2b: {  	s6 =	sld [smem:$0x3F9D]  }
0x2c: {  	s7 =	sld [smem:$0x3F9E]  }
0x2d: {  	s3 =	simm.s32 $0x108;
	s8 =	sld [smem:$0x3F9F]  }
0x2e: {  	s3 =	simm.s32 @!p0 $0x1082;
	s9 =	sld [smem:$0x3FA0]  }
0x2f: {  	lr =	sadd.s32 s0, s3;
	s0 =	sld [smem:$0x3F97]  }
0x30: {  	s3 =	sld [smem:$0x3F9A]  }
0x31: {  	[smem:$0x3FA3] =	sst s10  }
0x32: {  	s10 =	sld [smem:$0x3FA1];
	_ =	sdelay $0x3  }
0x33: {  	p0 =	seq.s32 s10, $0x1;
	s10 =	sld [smem:$0x3FA3];
	_ =	sdelay $0x3  }
0x34: {  	[smem:$0x3FA3] =	sst s10  }
0x35: {  	s10 =	sld [smem:$0x3FA2];
	_ =	sdelay $0x3  }
0x36: {  	p1 =	seq.s32 s10, $0x1;
	s10 =	sld [smem:$0x3FA3];
	_ =	sdelay $0x3  }
0x37: {  	[smem:$0x3FA3] =	sst s10  }
0x38: {  	s10 =	sld [smem:$0x3FA4]  }
0x39: {  	_ = 	snop;
	(pc) =	sbr.ind lr, $3  }
0x3a: {  	_ = 	snop  }
0x3b: {  	_ = 	snop  }
0x3c: {  	p2 =	seq.s32 s10, $0x1;
	s10 =	sld [smem:$0x3FA3]  }
0x3d: {  	_ =	shalt  }
0x3e: {  	_ =	shalt  }
0x3f: {  	_ =	shalt  }
0x40: {  	_ =	shalt  }
0x41: {  	_ =	shalt  }
0x42: {  	_ =	shalt  }
0x43: {  	_ =	shalt  }
0x44: {  	_ =	shalt  }
0x45: {  	_ =	shalt  }
0x46: {  	_ =	shalt  }
0x47: {  	_ =	shalt  }
0x48: {  	_ =	shalt  }
0x49: {  	_ =	shalt  }
0x4a: {  	_ =	shalt  }
0x4b: {  	_ =	shalt  }
0x4c: {  	_ =	shalt  }
0x4d: {  	_ =	shalt  }
0x4e: {  	_ =	shalt  }
0x4f: {  	_ =	shalt  }
0x50: {  	_ =	shalt  }
0x51: {  	_ =	shalt  }
0x52: {  	_ =	shalt  }
0x53: {  	_ =	shalt  }
0x54: {  	_ =	shalt  }
0x55: {  	_ =	shalt  }
0x56: {  	_ =	shalt  }
0x57: {  	_ =	shalt  }
0x58: {  	_ =	shalt  }
0x59: {  	_ =	shalt  }
0x5a: {  	_ =	shalt  }
0x5b: {  	_ =	shalt  }
0x5c: {  	_ =	shalt  }
0x5d: {  	_ =	shalt  }
0x5e: {  	_ =	shalt  }
0x5f: {  	_ =	shalt  }
0x60: {  	_ =	shalt  }
0x61: {  	_ =	shalt  }
0x62: {  	_ =	shalt  }
0x63: {  	_ =	shalt  }
0x64: {  	_ =	shalt  }
0x65: {  	_ =	shalt  }
0x66: {  	_ =	shalt  }
0x67: {  	_ =	shalt  }
0x68: {  	_ =	shalt  }
0x69: {  	_ =	shalt  }
0x6a: {  	_ =	shalt  }
0x6b: {  	_ =	shalt  }
0x6c: {  	_ =	shalt  }
0x6d: {  	_ =	shalt  }
0x6e: {  	_ =	shalt  }
0x6f: {  	_ =	shalt  }
0x70: {  	_ =	shalt  }
0x71: {  	_ =	shalt  }
0x72: {  	_ =	shalt  }
0x73: {  	_ =	shalt  }
0x74: {  	_ =	shalt  }
0x75: {  	_ =	shalt  }
0x76: {  	_ =	shalt  }
0x77: {  	_ =	shalt  }
0x78: {  	_ =	shalt  }
0x79: {  	_ =	shalt  }
0x7a: {  	_ =	shalt  }
0x7b: {  	_ =	shalt  }
0x7c: {  	_ =	shalt  }
0x7d: {  	_ =	shalt  }
0x7e: {  	_ =	shalt  }
0x7f: {  	_ =	shalt  }
0x80: {  	_ =	shalt  }
0x81: {  	_ =	shalt  }
0x82: {  	_ =	shalt  }
0x83: {  	_ =	shalt  }
0x84: {  	_ =	shalt  }
0x85: {  	_ =	shalt  }
0x86: {  	_ =	shalt  }
0x87: {  	_ =	shalt  }
.Lfunc_end0:
.L_simem_size_0:
called_computation.2_lowered:
.L_overlay_start_0:
0x88: {  	s2 =	sld [smem:$0x3FD9]  }
0x89: {  	s3 =	sld [smem:$0x3FFE];
	_ =	sdelay $0x1  }
0x8a: {  	s1 =	srdreg.scid  }
0x8b: {  	s0 =	sand.u32 $0x1, s1  }
0x8c: {  	s16 =	sshll.u32 s0, $0xA;
	s2 =	sadd.s32 s3, s2  }
0x8d: {  	s2 =	sadd.s32 s2, s16  }
0x8e: {  	[smem:$0x3FAF] =	sst s2  }
0x8f: {  	_ = 	snop  }
0x90: {  	(tm) =	ssettm $0x1  }
0x91: {  	s17 =	sld [smem:$0x3FFB];
	_ =	sdelay $0x3  }
0x92: {  	_ =	strace s17  }
0x93: {  	s2 =	sld [smem:$0x3FFC];
	_ =	sdelay $0x3  }
0x94: {  	_ =	strace s2  }
0x95: {  	s2 =	sld [smem:$0x3FFD];
	_ =	sdelay $0x3  }
0x96: {  	_ =	strace s2  }
0x97: {  	_ =	strace $0x8FFFFFFF  }
0x98: {  	s18 =	sld [smem:$0x3FDB];
	_ =	sdelay $0x1  }
0x99: {  	s19 =	simm.s32 $_scs_section_size  }
0x9a: {  	s4 =	simm.s32 $_size__tile_overlayer_lowered;
	s5 =	simm.s32 $_tile_overlayer_lowered  }
0x9b: {  	s22 =	simm.s32 $0x1BFF;
	s21 =	sshll.u32 s5, $0x1;
	s2 =	sadd.s32 s19, s18  }
0x9c: {  	s6 =	simm.s32 $0x0;
	s20 =	sshll.u32 s4, $0x1;
	s4 =	sadd.s32 s21, s2  }
0x9d: {  	[timem:s6], [sflag:s22] =	dma.local [hbm:s4], s20  }
0x9e: {  	_ =	swait.ge [sflag:s22], s20  }
0x9f: {  	s3 =	ssub.s32 $0x0, s20;
	[sflag:s22] =	ssyncset.done $0x0  }
0xa0: {  	[sflag:s22] =	ssyncadd.s32 s3;
	_ =	sdelay $0x1  }
0xa1: {  	s23 =	simm.s32 $0x1B8B  }
0xa2: {  	_ =	swait.ge [sflag:s23], $0x1  }
0xa3: {  	[sflag:s23] =	ssyncset.done $0x0  }
0xa4: {  	s25 =	simm.s32 $0x1B8E;
	s24 =	sld [smem:$0x3FFE];
	[sflag:s23] =	ssyncadd.s32 $0xFFFFFFFF  }
0xa5: {  	s26 =	simm.s32 $execute0_lowered;
	[smem:$0x3FD2] =	sst s25  }
0xa6: {  	s4 =	sshll.u32 s26, $0x1;
	_ =	strace $0x80000049;
	[dreg:$0x1] =	wrdreg $0xFFFFFFFF  }
0xa7: {  	s28 =	simm.s32 $_size_execute0_lowered;
	s2 =	sadd.s32 s2, s4;
	[dreg:$0x0] =	wrdreg $0x0  }
0xa8: {  	s4 =	sshll.u32 s28, $0x1;
	[dreg:$0x2] =	wrdreg s2  }
0xa9: {  	[dreg:$0x3] =	wrdreg s4  }
0xaa: {  	[dreg:$0x4] =	wrdreg $0xC0  }
0xab: {  	_ =	task [dreg:s6], $0x5FFFF  }
0xac: {  	[dreg:$0x1] =	wrdreg $0xFFFFFFFF  }
0xad: {  	[dreg:$0x0] =	wrdreg $0x60  }
0xae: {  	[dreg:$0x2] =	wrdreg s24  }
0xaf: {  	[dreg:$0x3] =	wrdreg $0x69800  }
0xb0: {  	[dreg:$0x4] =	wrdreg $0xA  }
0xb1: {  	_ =	task.clear_ibuf [dreg:s6], $0x5FFFF;
	_ =	strace $0x90000049  }
0xb2: {  	s29 =	simm.s32 $0xA;
	_ =	strace $0x8000004B  }
0xb3: {  	_ =	swait.ge [sflag:s29], $0x1  }
0xb4: {  	[sflag:s29] =	ssyncadd.s32 $0xFFFFFFFF  }
0xb5: {  	_ =	strace $0x9000004B  }
0xb6: {  	_ =	sfence  }
0xb7: {  	s30 =	sld [smem:$0x0];
	_ =	sdelay $0x2  }
0xb8: {  	s31 =	sshll.u32 s1, $0xD;
	s1 =	sshrl.u32 s1, $0x2  }
0xb9: {  	s3 =	sand.u32 $0x4000, s31;
	s1 =	sadd.s32 s1, s30  }
0xba: {  	s0 =	sor.u32 s3, s0;
	s1 =	sshll.u32 s1, $0x11  }
0xbb: {  	s0 =	sor.u32 s1, s0  }
0xbc: {  	s0 =	sadd.s32 $0x8F2B, s0  }
0xbd: {  	[sflag:s0] =	ssyncadd.remote.s32 $0x1  }
0xbe: {  	_ =	sfence.sel $0xFFFF  }
0xbf: {  	[dreg:$0x0] =	wrdreg $0xFFFFFFFF;
	(pc) =	sbr.abs _section_cstart, $3  }
0xc0: {  	[dreg:$0x1] =	wrdreg $0xFFFFFFFF  }
0xc1: {  	_ =	task.clear_ibuf [dreg:s6], $0x2FFFF;
	_ =	strace $0x9FFFFFFF  }
0xc2: {  	(tm) =	ssettm $0x7FFFFFFF  }
0xc3: {  	_ =	shalt  }
tec
execute0_lowered:
.L_overlay_start_1:
0x0: {  	(tag) =	ssettag $0x1  }
0x1: {  	s1 =	srdreg.scid  }
0x2: {  	s0 =	stileid.u32;
	s5 =	rddreg [dreg:$0x0]  }
0x3: {  	s2 =	rddreg [dreg:$0x1];
	s3 =	simm.s32 $0x0;
	s11 =	simm.s32 $0x2900  }
0x4: {  	s12 =	simm.s32 $0x2980;
	s13 =	simm.s32 $0x2;
	s14 =	simm.s32 $0x50  }
0x5: {  	s15 =	simm.s32 $0x100;
	s16 =	simm.s32 $0x1;
	s7 =	smul.u32 $0x4E20, s0  }
0x6: {  	s6 =	sand.u32 $0x1, s1;
	s1 =	rddreg [dreg:$0x2];
	s10 =	smul.u32 $0x14000, s0  }
0x7: {  	s17 =	simm.s32 $0x0;
	[smem:$0x7FF] =	sst s3;
	s8 =	smul.u32 $0x2710, s6  }
0x8: {  	s4 =	sadd.s32 $0x1A400, s5;
	s9 =	smul.u32 $0x140000, s6;
	s6 =	ssub.s32 $0x2, s6  }
0x9: {  	_ =	strace $0x8000004A;
	s30 =	sshrl.u32 s6, $0x1;
	s7 =	sadd.s32 s8, s7  }
0xa: {  	s26 =	sadd.s32 s10, s9;
	s6 =	ssub.s32 s6, s30;
	s10 =	simm.s32 $0x80  }
0xb: {  	s7 =	sshrl.u32 s7, $0x3;
	s29 =	sshrl.u32 s26, $0x3;
	s6 =	smax.u32 s6, $0x1  }
0xc: {  	s28 =	sadd.s32 s7, s5;
	s31 =	sadd.s32 s29, s5;
	s5 =	smul.u32 $0x280, s0  }
0xd: {  	v0 =	vimm.f32 $0.0e+00;
	v1 =	vlaneseq.u32;
	s7 =	sadd.s32 $0x10600, s28;
	s8 =	sadd.s32 $0x6800, s28;
	s9 =	sadd.s32 $0x68800, s31  }
.LBB2_1:
0xe: {  	s18 =	simm.s32 $0x0;
	s19 =	simm.s32 $0x200  }
.LBB2_2:
0xf: {  	p0 =	sne.s32 s19, $0xFE00;
	[tilespmem:s18+$0x29F0] =	vst v0  }
0x10: {  	[tilespmem:s18+$0x2980] =	vst v0  }
0x11: {  	[tilespmem:s18+$0x2990] =	vst v0  }
.Ltmp0:
0x12: {  	[tilespmem:s18+$0x29A0] =	vst v0;
	(pc) =	sbr.rel @p0 .LBB2_2-.Ltmp0, $4  }
0x13: {  	[tilespmem:s18+$0x29B0] =	vst v0  }
0x14: {  	[tilespmem:s18+$0x29C0] =	vst v0  }
0x15: {  	[tilespmem:s18+$0x29D0] =	vst v0  }
0x16: {  	[tilespmem:s18+$0x29E0] =	vst v0;
	s18 =	sshra.s32 s19, $0x2;
	s19 =	sadd.s32 $0x200, s19  }
0x17: {  	[tilespmem:s18+$0x29F0] =	vst v0  }
0x18: {  	[tilespmem:s18+$0x2980] =	vst v0  }
0x19: {  	[tilespmem:s18+$0x2990] =	vst v0  }
0x1a: {  	[tilespmem:s18+$0x29A0] =	vst v0  }
0x1b: {  	[tilespmem:s18+$0x29B0] =	vst v0  }
0x1c: {  	[tilespmem:s18+$0x29C0] =	vst v0  }
0x1d: {  	[tilespmem:s18+$0x29D0] =	vst v0;
	s19 =	sadd.s32 $0x0, s5  }
0x1e: {  	[tilespmem:s18+$0x29E0] =	vst v0;
	v2 =	vor.u32 s19, v1;
	s26 =	sadd.s32 $0x70, s19  }
0x1f: {  	s20 =	sadd.s32 $0x60, s19;
	[tilespmem:$0x2900] =	vst v2;
	v2 =	vor.u32 s26, v1  }
0x20: {  	s30 =	sadd.s32 $0x30, s19;
	v3 =	vor.u32 s20, v1;
	[tilespmem:$0x2970] =	vst v2  }
0x21: {  	s28 =	sadd.s32 $0x50, s19;
	v4 =	vor.u32 s30, v1;
	[tilespmem:$0x2960] =	vst v3  }
0x22: {  	s29 =	sadd.s32 $0x40, s19;
	v2 =	vor.u32 s28, v1;
	[tilespmem:$0x2930] =	vst v4  }
0x23: {  	s31 =	sadd.s32 $0x20, s19;
	v3 =	vor.u32 s29, v1;
	[tilespmem:$0x2950] =	vst v2  }
0x24: {  	s18 =	simm.s32 $0x80;
	s19 =	sadd.s32 $0x10, s19;
	[tilespmem:$0x2940] =	vst v3;
	v2 =	vor.u32 s31, v1  }
.LBB2_4:
0x25: {  	p0 =	sne.s32 s18, $0x200;
	v3 =	vor.u32 s19, v1;
	[tilespmem:$0x2920] =	vst v2  }
0x26: {  	[tilespmem:$0x2910] =	vst v3;
	[spmem:s2] =	stream.indirect.scatter [tilespmem:s12], [sflag:$0x2], $0x80, s11, s10, $0xb8  }
0x27: {  	_ =	swait.ge [sflag:s13], $0x4000  }
0x28: {  	s19 =	sadd.s32 s18, s5;
	[sflag:s13] =	ssyncset.done $0x0  }
0x29: {  	v2 =	vor.u32 s19, v1;
	s20 =	sadd.s32 $0x70, s19;
	[sflag:s13] =	ssyncadd.s32 $0xFFFFC000  }
0x2a: {  	s21 =	sadd.s32 $0x60, s19;
	[tilespmem:$0x2900] =	vst v2;
	v2 =	vor.u32 s20, v1  }
.Ltmp1:
0x2b: {  	v3 =	vor.u32 s21, v1;
	s20 =	sadd.s32 $0x50, s19;
	[tilespmem:$0x2970] =	vst v2;
	(pc) =	sbr.rel @p0 .LBB2_4-.Ltmp1, $4  }
0x2c: {  	s21 =	sadd.s32 $0x40, s19;
	v2 =	vor.u32 s20, v1;
	[tilespmem:$0x2960] =	vst v3  }
0x2d: {  	s20 =	sadd.s32 $0x30, s19;
	v3 =	vor.u32 s21, v1;
	[tilespmem:$0x2950] =	vst v2  }
0x2e: {  	s21 =	sadd.s32 $0x20, s19;
	v4 =	vor.u32 s20, v1;
	[tilespmem:$0x2940] =	vst v3  }
0x2f: {  	s18 =	sadd.s32 $0x80, s18;
	s19 =	sadd.s32 $0x10, s19;
	v2 =	vor.u32 s21, v1;
	[tilespmem:$0x2930] =	vst v4  }
0x30: {  	v3 =	vor.u32 s19, v1;
	[tilespmem:$0x2920] =	vst v2  }
0x31: {  	[tilespmem:$0x2910] =	vst v3  }
0x32: {  	[spmem:s2] =	stream.indirect.scatter [tilespmem:s12], [sflag:$0x2], $0x80, s11, s10, $0xb8;
	[tilespmem:$0x1A980] =	vst v63  }
0x33: {  	_ =	swait.ge [sflag:s13], $0x4000  }
0x34: {  	[sflag:s13] =	ssyncset.done $0x0  }
0x35: {  	[sflag:s13] =	ssyncadd.s32 $0xFFFFC000  }
0x36: {  	s18 =	sadd.s32 $0x0, s8;
	[bflag:$0x0] =	sbarrier.arrive $0xFFFF  }
0x37: {  	[tilespmem:s3], [sflag:$0x2] =	stream.linear.gather [hbm4b:s18+s3], $0x50, $0x38;
	[tilespmem:$0x1A980] =	vst v63  }
0x38: {  	_ =	swait.ge [sflag:s13], $0x50  }
0x39: {  	[sflag:s13] =	ssyncset.done $0x0  }
0x3a: {  	s31 =	sadd.s32 $0x0, s7;
	[sflag:s13] =	ssyncadd.s32 $0xFFFFFFB0  }
0x3b: {  	[tilespmem:s10], [sflag:$0x2] =	stream.linear.gather [hbm4b:s31+s3], $0x50, $0x38;
	[tilespmem:$0x1A980] =	vst v63  }
0x3c: {  	_ =	swait.ge [sflag:s13], $0x50  }
0x3d: {  	[sflag:s13] =	ssyncset.done $0x0  }
0x3e: {  	[sflag:s13] =	ssyncadd.s32 $0xFFFFFFB0  }
0x3f: {  	[tilespmem:s15], [sflag:$0x1] =	stream.indirect.gather [hbm4b:s4+s14], $0x80, s3, s14, $0xb8;
	[tilespmem:$0x1A980] =	vst v63  }
0x40: {  	_ =	swait.ge [sflag:s16], $0x2800  }
0x41: {  	[sflag:s16] =	ssyncset.done $0x0  }
0x42: {  	[sflag:s16] =	ssyncadd.s32 $0xFFFFD800  }
0x43: {  	[spmem:s2] =	stream.indirect.scatter.add.f32 [tilespmem:s15], [sflag:$0x2], $0x80, s10, s14, $0xb8;
	[tilespmem:$0x1A980] =	vst v63  }
0x44: {  	_ =	swait.ge [sflag:s13], $0x2800  }
0x45: {  	s19 =	simm.s32 $0x14;
	s18 =	simm.s32 $0xA;
	[sflag:s13] =	ssyncset.done $0x0  }
.LBB2_6:
0x46: {  	s20 =	sadd.s32 s18, s8  }
0x47: {  	[sflag:s13] =	ssyncadd.s32 $0xFFFFD800;
	s21 =	smov.u32 s19;
	s22 =	sadd.s32 $0xA, s19  }
0x48: {  	[tilespmem:s3], [sflag:$0x2] =	stream.linear.gather [hbm4b:s20+s3], $0x50, $0x38;
	[tilespmem:$0x1A980] =	vst v63  }
0x49: {  	p0 =	sne.s32 s19, $0x4D8;
	_ =	swait.ge [sflag:s13], $0x50  }
0x4a: {  	[sflag:s13] =	ssyncset.done $0x0  }
0x4b: {  	s19 =	sadd.s32 s18, s7;
	s18 =	smov.u32 s21;
	[sflag:s13] =	ssyncadd.s32 $0xFFFFFFB0  }
0x4c: {  	[tilespmem:s10], [sflag:$0x2] =	stream.linear.gather [hbm4b:s19+s3], $0x50, $0x38;
	[tilespmem:$0x1A980] =	vst v63  }
0x4d: {  	_ =	swait.ge [sflag:s13], $0x50  }
0x4e: {  	[sflag:s13] =	ssyncset.done $0x0  }
0x4f: {  	[sflag:s13] =	ssyncadd.s32 $0xFFFFFFB0  }
0x50: {  	[tilespmem:s15], [sflag:$0x1] =	stream.indirect.gather [hbm4b:s4+s14], $0x80, s3, s14, $0xb8;
	[tilespmem:$0x1A980] =	vst v63  }
0x51: {  	_ =	swait.ge [sflag:s16], $0x2800  }
.Ltmp2:
0x52: {  	[sflag:s16] =	ssyncset.done $0x0;
	(pc) =	sbr.rel @p0 .LBB2_6-.Ltmp2, $4  }
0x53: {  	[sflag:s16] =	ssyncadd.s32 $0xFFFFD800  }
0x54: {  	[spmem:s2] =	stream.indirect.scatter.add.f32 [tilespmem:s15], [sflag:$0x2], $0x80, s10, s14, $0xb8;
	[tilespmem:$0x1A980] =	vst v63  }
0x55: {  	_ =	swait.ge [sflag:s13], $0x2800  }
0x56: {  	s19 =	smov.u32 s22;
	[sflag:s13] =	ssyncset.done $0x0  }
0x57: {  	s19 =	sadd.s32 s18, s8;
	[sflag:s13] =	ssyncadd.s32 $0xFFFFD800  }
0x58: {  	[tilespmem:s3], [sflag:$0x2] =	stream.linear.gather [hbm4b:s19+s3], $0x50, $0x38;
	[tilespmem:$0x1A980] =	vst v63  }
0x59: {  	_ =	swait.ge [sflag:s13], $0x50  }
0x5a: {  	[sflag:s13] =	ssyncset.done $0x0  }
0x5b: {  	s24 =	sadd.s32 s18, s7;
	[sflag:s13] =	ssyncadd.s32 $0xFFFFFFB0  }
0x5c: {  	[tilespmem:s10], [sflag:$0x2] =	stream.linear.gather [hbm4b:s24+s3], $0x50, $0x38;
	[tilespmem:$0x1A980] =	vst v63  }
0x5d: {  	_ =	swait.ge [sflag:s13], $0x50  }
0x5e: {  	[sflag:s13] =	ssyncset.done $0x0  }
0x5f: {  	[sflag:s13] =	ssyncadd.s32 $0xFFFFFFB0  }
0x60: {  	[tilespmem:s15], [sflag:$0x1] =	stream.indirect.gather [hbm4b:s4+s14], $0x80, s3, s14, $0xb8;
	[tilespmem:$0x1A980] =	vst v63  }
0x61: {  	_ =	swait.ge [sflag:s16], $0x2800  }
0x62: {  	[sflag:s16] =	ssyncset.done $0x0  }
0x63: {  	[sflag:s16] =	ssyncadd.s32 $0xFFFFD800  }
0x64: {  	[spmem:s2] =	stream.indirect.scatter.add.f32 [tilespmem:s15], [sflag:$0x2], $0x80, s10, s14, $0xb8;
	[tilespmem:$0x1A980] =	vst v63  }
0x65: {  	_ =	swait.ge [sflag:s13], $0x2800  }
0x66: {  	[sflag:s13] =	ssyncset.done $0x0  }
0x67: {  	s25 =	sadd.s32 $0x0, s5;
	[sflag:s13] =	ssyncadd.s32 $0xFFFFD800  }
0x68: {  	v2 =	vor.u32 s25, v1;
	s20 =	sadd.s32 $0x20, s25;
	[bflag:$0x0] =	sbarrier.arrive $0xFFFF  }
0x69: {  	s26 =	sadd.s32 $0x10, s25;
	v3 =	vor.u32 s20, v1;
	[tilespmem:$0x2900] =	vst v2  }
0x6a: {  	s30 =	sadd.s32 $0x40, s25;
	v2 =	vor.u32 s26, v1;
	[tilespmem:$0x2920] =	vst v3  }
0x6b: {  	s28 =	sadd.s32 $0x70, s25;
	v3 =	vor.u32 s30, v1;
	[tilespmem:$0x2910] =	vst v2  }
0x6c: {  	s18 =	sadd.s32 $0x30, s25;
	v2 =	vor.u32 s28, v1;
	[tilespmem:$0x2940] =	vst v3  }
0x6d: {  	s29 =	sadd.s32 $0x50, s25;
	v3 =	vor.u32 s18, v1;
	[tilespmem:$0x2970] =	vst v2  }
0x6e: {  	s31 =	sadd.s32 $0x60, s25;
	v2 =	vor.u32 s29, v1;
	[tilespmem:$0x2930] =	vst v3  }
0x6f: {  	[tilespmem:$0x2950] =	vst v2;
	v2 =	vor.u32 s31, v1  }
0x70: {  	s19 =	smov.u32 s9;
	s20 =	smov.u32 s9;
	s18 =	simm.s32 $0x80;
	[tilespmem:$0x2960] =	vst v2  }
0x71: {  	[tilespmem:s12], [sflag:$0x2] =	stream.indirect.gather [spmem:s2], $0x80, s11, s10, $0xb8;
	[tilespmem:$0x1A980] =	vst v63  }
.LBB2_8:
0x72: {  	p0 =	sne.s32 s18, $0x200;
	_ =	swait.ge [sflag:s13], $0x4000;
	s20 =	sadd.s32 $0x800, s20  }
0x73: {  	s21 =	smov.u32 s18;
	s18 =	sadd.s32 $0x80, s18;
	[sflag:s13] =	ssyncset.done $0x0  }
0x74: {  	[sflag:s13] =	ssyncadd.s32 $0xFFFFC000  }
0x75: {  	[hbm4b:s19+s3] =	stream.linear.scatter [tilespmem:s12], [sflag:$0x2], $0x4000, $0x38;
	[tilespmem:$0x1A980] =	vst v63  }
0x76: {  	s19 =	smov.u32 s20;
	_ =	swait.ge [sflag:s13], $0x4000  }
0x77: {  	s21 =	sadd.s32 s21, s5;
	[sflag:s13] =	ssyncset.done $0x0  }
0x78: {  	v2 =	vor.u32 s21, v1;
	s22 =	sadd.s32 $0x10, s21;
	s23 =	sadd.s32 $0x20, s21;
	[sflag:s13] =	ssyncadd.s32 $0xFFFFC000  }
0x79: {  	s24 =	sadd.s32 $0x70, s21;
	v3 =	vor.u32 s23, v1;
	s23 =	sadd.s32 $0x50, s21;
	[tilespmem:$0x2900] =	vst v2;
	v2 =	vor.u32 s22, v1;
	s22 =	sadd.s32 $0x40, s21  }
0x7a: {  	s25 =	sadd.s32 $0x30, s21;
	v5 =	vor.u32 s24, v1;
	v4 =	vor.u32 s23, v1;
	s21 =	sadd.s32 $0x60, s21;
	[tilespmem:$0x2910] =	vst v2;
	v2 =	vor.u32 s22, v1  }
0x7b: {  	v6 =	vor.u32 s25, v1;
	v7 =	vor.u32 s21, v1;
	[tilespmem:$0x2970] =	vst v5  }
0x7c: {  	[tilespmem:$0x2920] =	vst v3  }
.Ltmp3:
0x7d: {  	[tilespmem:$0x2950] =	vst v4;
	(pc) =	sbr.rel @p0 .LBB2_8-.Ltmp3, $4  }
0x7e: {  	[tilespmem:$0x2940] =	vst v2  }
0x7f: {  	[tilespmem:$0x2960] =	vst v7  }
0x80: {  	[tilespmem:$0x2930] =	vst v6  }
0x81: {  	[tilespmem:s12], [sflag:$0x2] =	stream.indirect.gather [spmem:s2], $0x80, s11, s10, $0xb8;
	[tilespmem:$0x1A980] =	vst v63  }
0x82: {  	_ =	swait.ge [sflag:s13], $0x4000;
	s17 =	sadd.s32 $0x1, s17  }
0x83: {  	[sflag:s13] =	ssyncset.done $0x0;
	p0 =	sne.s32 s17, s6  }
.Ltmp4:
0x84: {  	[sflag:s13] =	ssyncadd.s32 $0xFFFFC000;
	(pc) =	sbr.rel @p0 .LBB2_1-.Ltmp4, $4  }
0x85: {  	[hbm4b:s19+s3] =	stream.linear.scatter [tilespmem:s12], [sflag:$0x2], $0x4000, $0x38;
	[tilespmem:$0x1A980] =	vst v63  }
0x86: {  	_ =	swait.ge [sflag:s13], $0x4000  }
0x87: {  	[sflag:s13] =	ssyncset.done $0x0  }
0x88: {  	[sflag:s13] =	ssyncadd.s32 $0xFFFFC000  }
0x89: {  	_ =	sfence.sel $0x180000  }
0x8a: {  	[bflag:$0x0] =	sbarrier.arrive $0xFFFF  }
0x8b: {  	p0 =	sne.s32 s0, $0x0;
	_ =	strace $0x9000004A  }
0x8c: {  	s0 =	sadd.s32 @!p0 $0x100000, s1;
	[bflag:$0x2] =	sbarrier.arrive $0xFFFF  }
0x8d: {  	[sflag:s0] =	ssyncadd.tile.s32 @!p0 $0x1;
	_ =	shalt  }
.Lfunc_end2:
_tile_overlayer_lowered:
.L_overlay_start_2:
0x8e: {  	(tag) =	ssettag $0x2  }
0x8f: {  	s0 =	rddreg [dreg:$0x0];
	s2 =	stileid.u32  }
0x90: {  	s1 =	rddreg [dreg:$0x1];
	p0 =	sne.s32 s2, $0x0  }
0x91: {  	s3 =	rddreg [dreg:$0x2];
	[bflag:$0x3] =	sbarrier.arrive $0xFFFF;
	s2 =	simm.s32 @!p0 $0x1C02  }
0x92: {  	[timem:s3], [sflag:s2] =	dma.local @!p0 [hbm:s0], s1  }
0x93: {  	s0 =	simm.s32 @!p0 $0x2  }
0x94: {  	_ =	swait.ge @!p0 [sflag:s0], s1  }
0x95: {  	s1 =	ssub.s32 @!p0 $0x0, s1;
	[sflag:s0] =	ssyncset.done @!p0 $0x0  }
0x96: {  	[sflag:s0] =	ssyncadd.s32 @!p0 s1  }
0x97: {  	[bflag:$0x3] =	sbarrier.arrive $0xFFFF  }
0x98: {  	_ =	shalt  }

// kernel: kernel.22.cloned.1.call-start
scs
__scs_entry_jumppad:
0x0: {  	(pc) =	sbr.rel $0x88, $3  }
0x1: {  	(tag) =	ssettag $0x0;
	lr =	simm.s32 $0x1  }
0x2: {  	[smem:$0x3F88] =	sst lr;
	_ =	strace $0xD0000000  }
0x3: {  	_ = 	snop  }
0x4: {  	_ = 	snop  }
0x5: {  	_ = 	snop  }
0x6: {  	_ = 	snop  }
0x7: {  	_ = 	snop  }
__scs_overlays_trampoline_lowered:
0x8: {  	[smem:$0x3F97] =	sst s0  }
0x9: {  	[smem:$0x3F98] =	sst s1  }
0xa: {  	[smem:$0x3F99] =	sst s2  }
0xb: {  	[smem:$0x3F9A] =	sst s3  }
0xc: {  	[smem:$0x3F9B] =	sst s4  }
0xd: {  	[smem:$0x3F9C] =	sst s5  }
0xe: {  	[smem:$0x3F9D] =	sst s6  }
0xf: {  	[smem:$0x3F9E] =	sst s7  }
0x10: {  	[smem:$0x3F9F] =	sst s8  }
0x11: {  	[smem:$0x3FA0] =	sst s9;
	s0 =	simm.s32 @!p0 $0x0  }
0x12: {  	s1 =	sld [smem:$0x3F86];
	s0 =	simm.s32 @p0 $0x1  }
0x13: {  	[smem:$0x3FA1] =	sst s0;
	s0 =	simm.s32 @!p1 $0x0  }
0x14: {  	s2 =	sld [smem:$0x3F85];
	s0 =	simm.s32 @p1 $0x1  }
0x15: {  	[smem:$0x3FA2] =	sst s0;
	s0 =	simm.s32 @!p2 $0x0  }
0x16: {  	s3 =	sld [smem:$0x3FDB];
	s0 =	simm.s32 @p2 $0x1  }
0x17: {  	s4 =	simm.s32 $0x1BF5;
	[smem:$0x3FA4] =	sst s0  }
0x18: {  	s0 =	sld [smem:$0x3F87];
	_ =	swait.ge [sflag:s4], $0x0  }
0x19: {  	s7 =	sld [smem:$0x3F88]  }
0x1a: {  	s8 =	sadd.s32 $0xFFFFE003, lr  }
0x1b: {  	s9 =	sadd.s32 $0xFFFFFEF7, lr;
	s5 =	simm.s32 $0xFFFFFFFF;
	p2 =	slt.u32 s8, $0xFFFFF086  }
0x1c: {  	p1 =	slt.u32 s9, $0xF7A;
	s5 =	simm.s32 @!p2 $0x0  }
0x1d: {  	s5 =	simm.s32 @p1 $0x1;
	p0 =	seq.s32 s7, s2  }
0x1e: {  	s7 =	smul.u32 @!p0 $0xF7A, s2;
	p2 =	seq.s32 @!p0 s5, $0x0  }
0x1f: {  	s9 =	smul.u32 $0xF7A, s1;
	s8 =	simm.s32 @!p0 $0x1BF5;
	p2 =	por !p2, p0  }
0x20: {  	[sflag:s8] =	ssyncset.s32 @!p0 $0xFFFFF086;
	s6 =	sadd.s32 @!p0 s3, s7;
	s7 =	simm.s32 @!p0 $0x108  }
0x21: {  	s3 =	sadd.s32 s3, s9;
	s6 =	sadd.s32 @!p0 $0x88, s6;
	s7 =	simm.s32 @p2 $0x1082  }
0x22: {  	[simem:s7], [sflag:s8] =	dma.local @!p0 [hbm:s6], $0xF7A  }
0x23: {  	s9 =	sor.u32 $0xD0000000, s2;
	s6 =	simm.s32 $0x108;
	_ =	swait.ge @!p0 [sflag:s8], $0x0  }
0x24: {  	s3 =	sadd.s32 $0x88, s3;
	s6 =	simm.s32 @!p1 $0x1082;
	[sflag:s4] =	ssyncset.s32 $0xFFFFF086  }
0x25: {  	[simem:s6], [sflag:s4] =	dma.local [hbm:s3], $0xF7A  }
0x26: {  	[smem:$0x3F88] =	sst s1;
	(tag) =	ssettag s2;
	_ =	strace s9  }
0x27: {  	s1 =	sld [smem:$0x3F98]  }
0x28: {  	s2 =	sld [smem:$0x3F99]  }
0x29: {  	s4 =	sld [smem:$0x3F9B]  }
0x2a: {  	p0 =	seq.s32 s5, $0x0;
	s5 =	sld [smem:$0x3F9C]  }
0x2b: {  	s6 =	sld [smem:$0x3F9D]  }
0x2c: {  	s7 =	sld [smem:$0x3F9E]  }
0x2d: {  	s3 =	simm.s32 $0x108;
	s8 =	sld [smem:$0x3F9F]  }
0x2e: {  	s3 =	simm.s32 @!p0 $0x1082;
	s9 =	sld [smem:$0x3FA0]  }
0x2f: {  	lr =	sadd.s32 s0, s3;
	s0 =	sld [smem:$0x3F97]  }
0x30: {  	s3 =	sld [smem:$0x3F9A]  }
0x31: {  	[smem:$0x3FA3] =	sst s10  }
0x32: {  	s10 =	sld [smem:$0x3FA1];
	_ =	sdelay $0x3  }
0x33: {  	p0 =	seq.s32 s10, $0x1;
	s10 =	sld [smem:$0x3FA3];
	_ =	sdelay $0x3  }
0x34: {  	[smem:$0x3FA3] =	sst s10  }
0x35: {  	s10 =	sld [smem:$0x3FA2];
	_ =	sdelay $0x3  }
0x36: {  	p1 =	seq.s32 s10, $0x1;
	s10 =	sld [smem:$0x3FA3];
	_ =	sdelay $0x3  }
0x37: {  	[smem:$0x3FA3] =	sst s10  }
0x38: {  	s10 =	sld [smem:$0x3FA4]  }
0x39: {  	_ = 	snop;
	(pc) =	sbr.ind lr, $3  }
0x3a: {  	_ = 	snop  }
0x3b: {  	_ = 	snop  }
0x3c: {  	p2 =	seq.s32 s10, $0x1;
	s10 =	sld [smem:$0x3FA3]  }
0x3d: {  	_ =	shalt  }
0x3e: {  	_ =	shalt  }
0x3f: {  	_ =	shalt  }
0x40: {  	_ =	shalt  }
0x41: {  	_ =	shalt  }
0x42: {  	_ =	shalt  }
0x43: {  	_ =	shalt  }
0x44: {  	_ =	shalt  }
0x45: {  	_ =	shalt  }
0x46: {  	_ =	shalt  }
0x47: {  	_ =	shalt  }
0x48: {  	_ =	shalt  }
0x49: {  	_ =	shalt  }
0x4a: {  	_ =	shalt  }
0x4b: {  	_ =	shalt  }
0x4c: {  	_ =	shalt  }
0x4d: {  	_ =	shalt  }
0x4e: {  	_ =	shalt  }
0x4f: {  	_ =	shalt  }
0x50: {  	_ =	shalt  }
0x51: {  	_ =	shalt  }
0x52: {  	_ =	shalt  }
0x53: {  	_ =	shalt  }
0x54: {  	_ =	shalt  }
0x55: {  	_ =	shalt  }
0x56: {  	_ =	shalt  }
0x57: {  	_ =	shalt  }
0x58: {  	_ =	shalt  }
0x59: {  	_ =	shalt  }
0x5a: {  	_ =	shalt  }
0x5b: {  	_ =	shalt  }
0x5c: {  	_ =	shalt  }
0x5d: {  	_ =	shalt  }
0x5e: {  	_ =	shalt  }
0x5f: {  	_ =	shalt  }
0x60: {  	_ =	shalt  }
0x61: {  	_ =	shalt  }
0x62: {  	_ =	shalt  }
0x63: {  	_ =	shalt  }
0x64: {  	_ =	shalt  }
0x65: {  	_ =	shalt  }
0x66: {  	_ =	shalt  }
0x67: {  	_ =	shalt  }
0x68: {  	_ =	shalt  }
0x69: {  	_ =	shalt  }
0x6a: {  	_ =	shalt  }
0x6b: {  	_ =	shalt  }
0x6c: {  	_ =	shalt  }
0x6d: {  	_ =	shalt  }
0x6e: {  	_ =	shalt  }
0x6f: {  	_ =	shalt  }
0x70: {  	_ =	shalt  }
0x71: {  	_ =	shalt  }
0x72: {  	_ =	shalt  }
0x73: {  	_ =	shalt  }
0x74: {  	_ =	shalt  }
0x75: {  	_ =	shalt  }
0x76: {  	_ =	shalt  }
0x77: {  	_ =	shalt  }
0x78: {  	_ =	shalt  }
0x79: {  	_ =	shalt  }
0x7a: {  	_ =	shalt  }
0x7b: {  	_ =	shalt  }
0x7c: {  	_ =	shalt  }
0x7d: {  	_ =	shalt  }
0x7e: {  	_ =	shalt  }
0x7f: {  	_ =	shalt  }
0x80: {  	_ =	shalt  }
0x81: {  	_ =	shalt  }
0x82: {  	_ =	shalt  }
0x83: {  	_ =	shalt  }
0x84: {  	_ =	shalt  }
0x85: {  	_ =	shalt  }
0x86: {  	_ =	shalt  }
0x87: {  	_ =	shalt  }
.Lfunc_end0:
.L_simem_size_0:
called_computation.3_lowered:
.L_overlay_start_0:
0x88: {  	s2 =	sld [smem:$0x3FD9]  }
0x89: {  	s3 =	sld [smem:$0x3FFE];
	_ =	sdelay $0x1  }
0x8a: {  	s1 =	srdreg.scid  }
0x8b: {  	s0 =	sand.u32 $0x1, s1  }
0x8c: {  	s16 =	sshll.u32 s0, $0xA;
	s2 =	sadd.s32 s3, s2  }
0x8d: {  	s2 =	sadd.s32 s2, s16  }
0x8e: {  	[smem:$0x3FAF] =	sst s2  }
0x8f: {  	_ = 	snop  }
0x90: {  	(tm) =	ssettm $0x1  }
0x91: {  	s17 =	sld [smem:$0x3FFB];
	_ =	sdelay $0x3  }
0x92: {  	_ =	strace s17  }
0x93: {  	s2 =	sld [smem:$0x3FFC];
	_ =	sdelay $0x3  }
0x94: {  	_ =	strace s2  }
0x95: {  	s2 =	sld [smem:$0x3FFD];
	_ =	sdelay $0x3  }
0x96: {  	_ =	strace s2  }
0x97: {  	_ =	strace $0x8FFFFFFF  }
0x98: {  	s18 =	sld [smem:$0x3FDB];
	_ =	sdelay $0x1  }
0x99: {  	s19 =	simm.s32 $_scs_section_size  }
0x9a: {  	s4 =	simm.s32 $_size__tile_overlayer_lowered;
	s5 =	simm.s32 $_tile_overlayer_lowered  }
0x9b: {  	s22 =	simm.s32 $0x1BFF;
	s21 =	sshll.u32 s5, $0x1;
	s2 =	sadd.s32 s19, s18  }
0x9c: {  	s6 =	simm.s32 $0x0;
	s20 =	sshll.u32 s4, $0x1;
	s4 =	sadd.s32 s21, s2  }
0x9d: {  	[timem:s6], [sflag:s22] =	dma.local [hbm:s4], s20  }
0x9e: {  	_ =	swait.ge [sflag:s22], s20  }
0x9f: {  	s3 =	ssub.s32 $0x0, s20;
	[sflag:s22] =	ssyncset.done $0x0  }
0xa0: {  	[sflag:s22] =	ssyncadd.s32 s3;
	_ =	sdelay $0x1  }
0xa1: {  	s23 =	simm.s32 $0x1B8B  }
0xa2: {  	_ =	swait.ge [sflag:s23], $0x1  }
0xa3: {  	[sflag:s23] =	ssyncset.done $0x0  }
0xa4: {  	s25 =	simm.s32 $0x1B8E;
	s24 =	sld [smem:$0x3FFE];
	[sflag:s23] =	ssyncadd.s32 $0xFFFFFFFF  }
0xa5: {  	s26 =	simm.s32 $execute0_lowered;
	[smem:$0x3FD2] =	sst s25  }
0xa6: {  	s4 =	sshll.u32 s26, $0x1;
	_ =	strace $0x8000004F;
	[dreg:$0x1] =	wrdreg $0xFFFFFFFF  }
0xa7: {  	s28 =	simm.s32 $_size_execute0_lowered;
	s2 =	sadd.s32 s2, s4;
	[dreg:$0x0] =	wrdreg $0x0  }
0xa8: {  	s4 =	sshll.u32 s28, $0x1;
	[dreg:$0x2] =	wrdreg s2  }
0xa9: {  	[dreg:$0x3] =	wrdreg s4  }
0xaa: {  	[dreg:$0x4] =	wrdreg $0xC0  }
0xab: {  	_ =	task [dreg:s6], $0x5FFFF  }
0xac: {  	[dreg:$0x1] =	wrdreg $0xFFFFFFFF  }
0xad: {  	[dreg:$0x0] =	wrdreg $0x60  }
0xae: {  	[dreg:$0x2] =	wrdreg s24  }
0xaf: {  	[dreg:$0x3] =	wrdreg $0x69800  }
0xb0: {  	[dreg:$0x4] =	wrdreg $0x9  }
0xb1: {  	_ =	task.clear_ibuf [dreg:s6], $0x5FFFF;
	_ =	strace $0x9000004F  }
0xb2: {  	s29 =	simm.s32 $0x9;
	_ =	strace $0x80000051  }
0xb3: {  	_ =	swait.ge [sflag:s29], $0x1  }
0xb4: {  	[sflag:s29] =	ssyncadd.s32 $0xFFFFFFFF  }
0xb5: {  	_ =	strace $0x90000051  }
0xb6: {  	_ =	sfence  }
0xb7: {  	s30 =	sld [smem:$0x0];
	_ =	sdelay $0x2  }
0xb8: {  	s31 =	sshll.u32 s1, $0xD;
	s1 =	sshrl.u32 s1, $0x2  }
0xb9: {  	s3 =	sand.u32 $0x4000, s31;
	s1 =	sadd.s32 s1, s30  }
0xba: {  	s0 =	sor.u32 s3, s0;
	s1 =	sshll.u32 s1, $0x11  }
0xbb: {  	s0 =	sor.u32 s1, s0  }
0xbc: {  	s0 =	sadd.s32 $0x8F2B, s0  }
0xbd: {  	[sflag:s0] =	ssyncadd.remote.s32 $0x1  }
0xbe: {  	_ =	sfence.sel $0xFFFF  }
0xbf: {  	[dreg:$0x0] =	wrdreg $0xFFFFFFFF;
	(pc) =	sbr.abs _section_cstart, $3  }
0xc0: {  	[dreg:$0x1] =	wrdreg $0xFFFFFFFF  }
0xc1: {  	_ =	task.clear_ibuf [dreg:s6], $0x2FFFF;
	_ =	strace $0x9FFFFFFF  }
0xc2: {  	(tm) =	ssettm $0x7FFFFFFF  }
0xc3: {  	_ =	shalt  }
tec
execute0_lowered:
.L_overlay_start_1:
0x0: {  	(tag) =	ssettag $0x1  }
0x1: {  	s1 =	srdreg.scid  }
0x2: {  	s0 =	stileid.u32;
	s5 =	rddreg [dreg:$0x0]  }
0x3: {  	s2 =	rddreg [dreg:$0x1];
	s3 =	simm.s32 $0x0;
	s11 =	simm.s32 $0x2900  }
0x4: {  	s12 =	simm.s32 $0x2980;
	s13 =	simm.s32 $0x2;
	s14 =	simm.s32 $0x50  }
0x5: {  	s15 =	simm.s32 $0x100;
	s16 =	simm.s32 $0x1;
	s7 =	smul.u32 $0x4E20, s0  }
0x6: {  	s6 =	sand.u32 $0x1, s1;
	s1 =	rddreg [dreg:$0x2];
	s10 =	smul.u32 $0x14000, s0  }
0x7: {  	s17 =	simm.s32 $0x0;
	[smem:$0x7FF] =	sst s3;
	s8 =	smul.u32 $0x2710, s6  }
0x8: {  	s4 =	sadd.s32 $0x1A400, s5;
	s9 =	smul.u32 $0x140000, s6;
	s6 =	ssub.s32 $0x2, s6  }
0x9: {  	_ =	strace $0x80000050;
	s30 =	sshrl.u32 s6, $0x1;
	s7 =	sadd.s32 s8, s7  }
0xa: {  	s26 =	sadd.s32 s10, s9;
	s6 =	ssub.s32 s6, s30;
	s10 =	simm.s32 $0x80  }
0xb: {  	s7 =	sshrl.u32 s7, $0x3;
	s29 =	sshrl.u32 s26, $0x3;
	s6 =	smax.u32 s6, $0x1  }
0xc: {  	s28 =	sadd.s32 s7, s5;
	s31 =	sadd.s32 s29, s5;
	s5 =	smul.u32 $0x280, s0  }
0xd: {  	v0 =	vimm.f32 $0.0e+00;
	v1 =	vlaneseq.u32;
	s7 =	sadd.s32 $0x10600, s28;
	s8 =	sadd.s32 $0x6800, s28;
	s9 =	sadd.s32 $0x41600, s31  }
.LBB2_1:
0xe: {  	s18 =	simm.s32 $0x0;
	s19 =	simm.s32 $0x200  }
.LBB2_2:
0xf: {  	p0 =	sne.s32 s19, $0xFE00;
	[tilespmem:s18+$0x29F0] =	vst v0  }
0x10: {  	[tilespmem:s18+$0x2980] =	vst v0  }
0x11: {  	[tilespmem:s18+$0x2990] =	vst v0  }
.Ltmp0:
0x12: {  	[tilespmem:s18+$0x29A0] =	vst v0;
	(pc) =	sbr.rel @p0 .LBB2_2-.Ltmp0, $4  }
0x13: {  	[tilespmem:s18+$0x29B0] =	vst v0  }
0x14: {  	[tilespmem:s18+$0x29C0] =	vst v0  }
0x15: {  	[tilespmem:s18+$0x29D0] =	vst v0  }
0x16: {  	[tilespmem:s18+$0x29E0] =	vst v0;
	s18 =	sshra.s32 s19, $0x2;
	s19 =	sadd.s32 $0x200, s19  }
0x17: {  	[tilespmem:s18+$0x29F0] =	vst v0  }
0x18: {  	[tilespmem:s18+$0x2980] =	vst v0  }
0x19: {  	[tilespmem:s18+$0x2990] =	vst v0  }
0x1a: {  	[tilespmem:s18+$0x29A0] =	vst v0  }
0x1b: {  	[tilespmem:s18+$0x29B0] =	vst v0  }
0x1c: {  	[tilespmem:s18+$0x29C0] =	vst v0  }
0x1d: {  	[tilespmem:s18+$0x29D0] =	vst v0;
	s19 =	sadd.s32 $0x0, s5  }
0x1e: {  	[tilespmem:s18+$0x29E0] =	vst v0;
	v2 =	vor.u32 s19, v1;
	s26 =	sadd.s32 $0x70, s19  }
0x1f: {  	s20 =	sadd.s32 $0x60, s19;
	[tilespmem:$0x2900] =	vst v2;
	v2 =	vor.u32 s26, v1  }
0x20: {  	s30 =	sadd.s32 $0x30, s19;
	v3 =	vor.u32 s20, v1;
	[tilespmem:$0x2970] =	vst v2  }
0x21: {  	s28 =	sadd.s32 $0x50, s19;
	v4 =	vor.u32 s30, v1;
	[tilespmem:$0x2960] =	vst v3  }
0x22: {  	s29 =	sadd.s32 $0x40, s19;
	v2 =	vor.u32 s28, v1;
	[tilespmem:$0x2930] =	vst v4  }
0x23: {  	s31 =	sadd.s32 $0x20, s19;
	v3 =	vor.u32 s29, v1;
	[tilespmem:$0x2950] =	vst v2  }
0x24: {  	s18 =	simm.s32 $0x80;
	s19 =	sadd.s32 $0x10, s19;
	[tilespmem:$0x2940] =	vst v3;
	v2 =	vor.u32 s31, v1  }
.LBB2_4:
0x25: {  	p0 =	sne.s32 s18, $0x200;
	v3 =	vor.u32 s19, v1;
	[tilespmem:$0x2920] =	vst v2  }
0x26: {  	[tilespmem:$0x2910] =	vst v3;
	[spmem:s2] =	stream.indirect.scatter [tilespmem:s12], [sflag:$0x2], $0x80, s11, s10, $0xb8  }
0x27: {  	_ =	swait.ge [sflag:s13], $0x4000  }
0x28: {  	s19 =	sadd.s32 s18, s5;
	[sflag:s13] =	ssyncset.done $0x0  }
0x29: {  	v2 =	vor.u32 s19, v1;
	s20 =	sadd.s32 $0x70, s19;
	[sflag:s13] =	ssyncadd.s32 $0xFFFFC000  }
0x2a: {  	s21 =	sadd.s32 $0x60, s19;
	[tilespmem:$0x2900] =	vst v2;
	v2 =	vor.u32 s20, v1  }
.Ltmp1:
0x2b: {  	v3 =	vor.u32 s21, v1;
	s20 =	sadd.s32 $0x50, s19;
	[tilespmem:$0x2970] =	vst v2;
	(pc) =	sbr.rel @p0 .LBB2_4-.Ltmp1, $4  }
0x2c: {  	s21 =	sadd.s32 $0x40, s19;
	v2 =	vor.u32 s20, v1;
	[tilespmem:$0x2960] =	vst v3  }
0x2d: {  	s20 =	sadd.s32 $0x30, s19;
	v3 =	vor.u32 s21, v1;
	[tilespmem:$0x2950] =	vst v2  }
0x2e: {  	s21 =	sadd.s32 $0x20, s19;
	v4 =	vor.u32 s20, v1;
	[tilespmem:$0x2940] =	vst v3  }
0x2f: {  	s18 =	sadd.s32 $0x80, s18;
	s19 =	sadd.s32 $0x10, s19;
	v2 =	vor.u32 s21, v1;
	[tilespmem:$0x2930] =	vst v4  }
0x30: {  	v3 =	vor.u32 s19, v1;
	[tilespmem:$0x2920] =	vst v2  }
0x31: {  	[tilespmem:$0x2910] =	vst v3  }
0x32: {  	[spmem:s2] =	stream.indirect.scatter [tilespmem:s12], [sflag:$0x2], $0x80, s11, s10, $0xb8;
	[tilespmem:$0x1A980] =	vst v63  }
0x33: {  	_ =	swait.ge [sflag:s13], $0x4000  }
0x34: {  	[sflag:s13] =	ssyncset.done $0x0  }
0x35: {  	[sflag:s13] =	ssyncadd.s32 $0xFFFFC000  }
0x36: {  	s18 =	sadd.s32 $0x0, s8;
	[bflag:$0x0] =	sbarrier.arrive $0xFFFF  }
0x37: {  	[tilespmem:s3], [sflag:$0x2] =	stream.linear.gather [hbm4b:s18+s3], $0x50, $0x38;
	[tilespmem:$0x1A980] =	vst v63  }
0x38: {  	_ =	swait.ge [sflag:s13], $0x50  }
0x39: {  	[sflag:s13] =	ssyncset.done $0x0  }
0x3a: {  	s31 =	sadd.s32 $0x0, s7;
	[sflag:s13] =	ssyncadd.s32 $0xFFFFFFB0  }
0x3b: {  	[tilespmem:s10], [sflag:$0x2] =	stream.linear.gather [hbm4b:s31+s3], $0x50, $0x38;
	[tilespmem:$0x1A980] =	vst v63  }
0x3c: {  	_ =	swait.ge [sflag:s13], $0x50  }
0x3d: {  	[sflag:s13] =	ssyncset.done $0x0  }
0x3e: {  	[sflag:s13] =	ssyncadd.s32 $0xFFFFFFB0  }
0x3f: {  	[tilespmem:s15], [sflag:$0x1] =	stream.indirect.gather [hbm4b:s4+s14], $0x80, s3, s14, $0xb8;
	[tilespmem:$0x1A980] =	vst v63  }
0x40: {  	_ =	swait.ge [sflag:s16], $0x2800  }
0x41: {  	[sflag:s16] =	ssyncset.done $0x0  }
0x42: {  	[sflag:s16] =	ssyncadd.s32 $0xFFFFD800  }
0x43: {  	[spmem:s2] =	stream.indirect.scatter.add.f32 [tilespmem:s15], [sflag:$0x2], $0x80, s10, s14, $0xb8;
	[tilespmem:$0x1A980] =	vst v63  }
0x44: {  	_ =	swait.ge [sflag:s13], $0x2800  }
0x45: {  	s19 =	simm.s32 $0x14;
	s18 =	simm.s32 $0xA;
	[sflag:s13] =	ssyncset.done $0x0  }
.LBB2_6:
0x46: {  	s20 =	sadd.s32 s18, s8  }
0x47: {  	[sflag:s13] =	ssyncadd.s32 $0xFFFFD800;
	s21 =	smov.u32 s19;
	s22 =	sadd.s32 $0xA, s19  }
0x48: {  	[tilespmem:s3], [sflag:$0x2] =	stream.linear.gather [hbm4b:s20+s3], $0x50, $0x38;
	[tilespmem:$0x1A980] =	vst v63  }
0x49: {  	p0 =	sne.s32 s19, $0x4D8;
	_ =	swait.ge [sflag:s13], $0x50  }
0x4a: {  	[sflag:s13] =	ssyncset.done $0x0  }
0x4b: {  	s19 =	sadd.s32 s18, s7;
	s18 =	smov.u32 s21;
	[sflag:s13] =	ssyncadd.s32 $0xFFFFFFB0  }
0x4c: {  	[tilespmem:s10], [sflag:$0x2] =	stream.linear.gather [hbm4b:s19+s3], $0x50, $0x38;
	[tilespmem:$0x1A980] =	vst v63  }
0x4d: {  	_ =	swait.ge [sflag:s13], $0x50  }
0x4e: {  	[sflag:s13] =	ssyncset.done $0x0  }
0x4f: {  	[sflag:s13] =	ssyncadd.s32 $0xFFFFFFB0  }
0x50: {  	[tilespmem:s15], [sflag:$0x1] =	stream.indirect.gather [hbm4b:s4+s14], $0x80, s3, s14, $0xb8;
	[tilespmem:$0x1A980] =	vst v63  }
0x51: {  	_ =	swait.ge [sflag:s16], $0x2800  }
.Ltmp2:
0x52: {  	[sflag:s16] =	ssyncset.done $0x0;
	(pc) =	sbr.rel @p0 .LBB2_6-.Ltmp2, $4  }
0x53: {  	[sflag:s16] =	ssyncadd.s32 $0xFFFFD800  }
0x54: {  	[spmem:s2] =	stream.indirect.scatter.add.f32 [tilespmem:s15], [sflag:$0x2], $0x80, s10, s14, $0xb8;
	[tilespmem:$0x1A980] =	vst v63  }
0x55: {  	_ =	swait.ge [sflag:s13], $0x2800  }
0x56: {  	s19 =	smov.u32 s22;
	[sflag:s13] =	ssyncset.done $0x0  }
0x57: {  	s19 =	sadd.s32 s18, s8;
	[sflag:s13] =	ssyncadd.s32 $0xFFFFD800  }
0x58: {  	[tilespmem:s3], [sflag:$0x2] =	stream.linear.gather [hbm4b:s19+s3], $0x50, $0x38;
	[tilespmem:$0x1A980] =	vst v63  }
0x59: {  	_ =	swait.ge [sflag:s13], $0x50  }
0x5a: {  	[sflag:s13] =	ssyncset.done $0x0  }
0x5b: {  	s24 =	sadd.s32 s18, s7;
	[sflag:s13] =	ssyncadd.s32 $0xFFFFFFB0  }
0x5c: {  	[tilespmem:s10], [sflag:$0x2] =	stream.linear.gather [hbm4b:s24+s3], $0x50, $0x38;
	[tilespmem:$0x1A980] =	vst v63  }
0x5d: {  	_ =	swait.ge [sflag:s13], $0x50  }
0x5e: {  	[sflag:s13] =	ssyncset.done $0x0  }
0x5f: {  	[sflag:s13] =	ssyncadd.s32 $0xFFFFFFB0  }
0x60: {  	[tilespmem:s15], [sflag:$0x1] =	stream.indirect.gather [hbm4b:s4+s14], $0x80, s3, s14, $0xb8;
	[tilespmem:$0x1A980] =	vst v63  }
0x61: {  	_ =	swait.ge [sflag:s16], $0x2800  }
0x62: {  	[sflag:s16] =	ssyncset.done $0x0  }
0x63: {  	[sflag:s16] =	ssyncadd.s32 $0xFFFFD800  }
0x64: {  	[spmem:s2] =	stream.indirect.scatter.add.f32 [tilespmem:s15], [sflag:$0x2], $0x80, s10, s14, $0xb8;
	[tilespmem:$0x1A980] =	vst v63  }
0x65: {  	_ =	swait.ge [sflag:s13], $0x2800  }
0x66: {  	[sflag:s13] =	ssyncset.done $0x0  }
0x67: {  	s25 =	sadd.s32 $0x0, s5;
	[sflag:s13] =	ssyncadd.s32 $0xFFFFD800  }
0x68: {  	v2 =	vor.u32 s25, v1;
	s20 =	sadd.s32 $0x20, s25;
	[bflag:$0x0] =	sbarrier.arrive $0xFFFF  }
0x69: {  	s26 =	sadd.s32 $0x10, s25;
	v3 =	vor.u32 s20, v1;
	[tilespmem:$0x2900] =	vst v2  }
0x6a: {  	s30 =	sadd.s32 $0x40, s25;
	v2 =	vor.u32 s26, v1;
	[tilespmem:$0x2920] =	vst v3  }
0x6b: {  	s28 =	sadd.s32 $0x70, s25;
	v3 =	vor.u32 s30, v1;
	[tilespmem:$0x2910] =	vst v2  }
0x6c: {  	s18 =	sadd.s32 $0x30, s25;
	v2 =	vor.u32 s28, v1;
	[tilespmem:$0x2940] =	vst v3  }
0x6d: {  	s29 =	sadd.s32 $0x50, s25;
	v3 =	vor.u32 s18, v1;
	[tilespmem:$0x2970] =	vst v2  }
0x6e: {  	s31 =	sadd.s32 $0x60, s25;
	v2 =	vor.u32 s29, v1;
	[tilespmem:$0x2930] =	vst v3  }
0x6f: {  	[tilespmem:$0x2950] =	vst v2;
	v2 =	vor.u32 s31, v1  }
0x70: {  	s19 =	smov.u32 s9;
	s20 =	smov.u32 s9;
	s18 =	simm.s32 $0x80;
	[tilespmem:$0x2960] =	vst v2  }
0x71: {  	[tilespmem:s12], [sflag:$0x2] =	stream.indirect.gather [spmem:s2], $0x80, s11, s10, $0xb8;
	[tilespmem:$0x1A980] =	vst v63  }
.LBB2_8:
0x72: {  	p0 =	sne.s32 s18, $0x200;
	_ =	swait.ge [sflag:s13], $0x4000;
	s20 =	sadd.s32 $0x800, s20  }
0x73: {  	s21 =	smov.u32 s18;
	s18 =	sadd.s32 $0x80, s18;
	[sflag:s13] =	ssyncset.done $0x0  }
0x74: {  	[sflag:s13] =	ssyncadd.s32 $0xFFFFC000  }
0x75: {  	[hbm4b:s19+s3] =	stream.linear.scatter [tilespmem:s12], [sflag:$0x2], $0x4000, $0x38;
	[tilespmem:$0x1A980] =	vst v63  }
0x76: {  	s19 =	smov.u32 s20;
	_ =	swait.ge [sflag:s13], $0x4000  }
0x77: {  	s21 =	sadd.s32 s21, s5;
	[sflag:s13] =	ssyncset.done $0x0  }
0x78: {  	v2 =	vor.u32 s21, v1;
	s22 =	sadd.s32 $0x10, s21;
	s23 =	sadd.s32 $0x20, s21;
	[sflag:s13] =	ssyncadd.s32 $0xFFFFC000  }
0x79: {  	s24 =	sadd.s32 $0x70, s21;
	v3 =	vor.u32 s23, v1;
	s23 =	sadd.s32 $0x50, s21;
	[tilespmem:$0x2900] =	vst v2;
	v2 =	vor.u32 s22, v1;
	s22 =	sadd.s32 $0x40, s21  }
0x7a: {  	s25 =	sadd.s32 $0x30, s21;
	v5 =	vor.u32 s24, v1;
	v4 =	vor.u32 s23, v1;
	s21 =	sadd.s32 $0x60, s21;
	[tilespmem:$0x2910] =	vst v2;
	v2 =	vor.u32 s22, v1  }
0x7b: {  	v6 =	vor.u32 s25, v1;
	v7 =	vor.u32 s21, v1;
	[tilespmem:$0x2970] =	vst v5  }
0x7c: {  	[tilespmem:$0x2920] =	vst v3  }
.Ltmp3:
0x7d: {  	[tilespmem:$0x2950] =	vst v4;
	(pc) =	sbr.rel @p0 .LBB2_8-.Ltmp3, $4  }
0x7e: {  	[tilespmem:$0x2940] =	vst v2  }
0x7f: {  	[tilespmem:$0x2960] =	vst v7  }
0x80: {  	[tilespmem:$0x2930] =	vst v6  }
0x81: {  	[tilespmem:s12], [sflag:$0x2] =	stream.indirect.gather [spmem:s2], $0x80, s11, s10, $0xb8;
	[tilespmem:$0x1A980] =	vst v63  }
0x82: {  	_ =	swait.ge [sflag:s13], $0x4000;
	s17 =	sadd.s32 $0x1, s17  }
0x83: {  	[sflag:s13] =	ssyncset.done $0x0;
	p0 =	sne.s32 s17, s6  }
.Ltmp4:
0x84: {  	[sflag:s13] =	ssyncadd.s32 $0xFFFFC000;
	(pc) =	sbr.rel @p0 .LBB2_1-.Ltmp4, $4  }
0x85: {  	[hbm4b:s19+s3] =	stream.linear.scatter [tilespmem:s12], [sflag:$0x2], $0x4000, $0x38;
	[tilespmem:$0x1A980] =	vst v63  }
0x86: {  	_ =	swait.ge [sflag:s13], $0x4000  }
0x87: {  	[sflag:s13] =	ssyncset.done $0x0  }
0x88: {  	[sflag:s13] =	ssyncadd.s32 $0xFFFFC000  }
0x89: {  	_ =	sfence.sel $0x180000  }
0x8a: {  	[bflag:$0x0] =	sbarrier.arrive $0xFFFF  }
0x8b: {  	p0 =	sne.s32 s0, $0x0;
	_ =	strace $0x90000050  }
0x8c: {  	s0 =	sadd.s32 @!p0 $0x100000, s1;
	[bflag:$0x2] =	sbarrier.arrive $0xFFFF  }
0x8d: {  	[sflag:s0] =	ssyncadd.tile.s32 @!p0 $0x1;
	_ =	shalt  }
.Lfunc_end2:
_tile_overlayer_lowered:
.L_overlay_start_2:
0x8e: {  	(tag) =	ssettag $0x2  }
0x8f: {  	s0 =	rddreg [dreg:$0x0];
	s2 =	stileid.u32  }
0x90: {  	s1 =	rddreg [dreg:$0x1];
	p0 =	sne.s32 s2, $0x0  }
0x91: {  	s3 =	rddreg [dreg:$0x2];
	[bflag:$0x3] =	sbarrier.arrive $0xFFFF;
	s2 =	simm.s32 @!p0 $0x1C02  }
0x92: {  	[timem:s3], [sflag:s2] =	dma.local @!p0 [hbm:s0], s1  }
0x93: {  	s0 =	simm.s32 @!p0 $0x2  }
0x94: {  	_ =	swait.ge @!p0 [sflag:s0], s1  }
0x95: {  	s1 =	ssub.s32 @!p0 $0x0, s1;
	[sflag:s0] =	ssyncset.done @!p0 $0x0  }
0x96: {  	[sflag:s0] =	ssyncadd.s32 @!p0 s1  }
0x97: {  	[bflag:$0x3] =	sbarrier.arrive $0xFFFF  }
0x98: {  	_ =	shalt  }

// kernel: kernel.25.cloned.1.call-start
scs
__scs_entry_jumppad:
0x0: {  	(pc) =	sbr.rel $0x88, $3  }
0x1: {  	(tag) =	ssettag $0x0;
	lr =	simm.s32 $0x1  }
0x2: {  	[smem:$0x3F88] =	sst lr;
	_ =	strace $0xD0000000  }
0x3: {  	_ = 	snop  }
0x4: {  	_ = 	snop  }
0x5: {  	_ = 	snop  }
0x6: {  	_ = 	snop  }
0x7: {  	_ = 	snop  }
__scs_overlays_trampoline_lowered:
0x8: {  	[smem:$0x3F97] =	sst s0  }
0x9: {  	[smem:$0x3F98] =	sst s1  }
0xa: {  	[smem:$0x3F99] =	sst s2  }
0xb: {  	[smem:$0x3F9A] =	sst s3  }
0xc: {  	[smem:$0x3F9B] =	sst s4  }
0xd: {  	[smem:$0x3F9C] =	sst s5  }
0xe: {  	[smem:$0x3F9D] =	sst s6  }
0xf: {  	[smem:$0x3F9E] =	sst s7  }
0x10: {  	[smem:$0x3F9F] =	sst s8  }
0x11: {  	[smem:$0x3FA0] =	sst s9;
	s0 =	simm.s32 @!p0 $0x0  }
0x12: {  	s1 =	sld [smem:$0x3F86];
	s0 =	simm.s32 @p0 $0x1  }
0x13: {  	[smem:$0x3FA1] =	sst s0;
	s0 =	simm.s32 @!p1 $0x0  }
0x14: {  	s2 =	sld [smem:$0x3F85];
	s0 =	simm.s32 @p1 $0x1  }
0x15: {  	[smem:$0x3FA2] =	sst s0;
	s0 =	simm.s32 @!p2 $0x0  }
0x16: {  	s3 =	sld [smem:$0x3FDB];
	s0 =	simm.s32 @p2 $0x1  }
0x17: {  	s4 =	simm.s32 $0x1BF5;
	[smem:$0x3FA4] =	sst s0  }
0x18: {  	s0 =	sld [smem:$0x3F87];
	_ =	swait.ge [sflag:s4], $0x0  }
0x19: {  	s7 =	sld [smem:$0x3F88]  }
0x1a: {  	s8 =	sadd.s32 $0xFFFFE003, lr  }
0x1b: {  	s9 =	sadd.s32 $0xFFFFFEF7, lr;
	s5 =	simm.s32 $0xFFFFFFFF;
	p2 =	slt.u32 s8, $0xFFFFF086  }
0x1c: {  	p1 =	slt.u32 s9, $0xF7A;
	s5 =	simm.s32 @!p2 $0x0  }
0x1d: {  	s5 =	simm.s32 @p1 $0x1;
	p0 =	seq.s32 s7, s2  }
0x1e: {  	s7 =	smul.u32 @!p0 $0xF7A, s2;
	p2 =	seq.s32 @!p0 s5, $0x0  }
0x1f: {  	s9 =	smul.u32 $0xF7A, s1;
	s8 =	simm.s32 @!p0 $0x1BF5;
	p2 =	por !p2, p0  }
0x20: {  	[sflag:s8] =	ssyncset.s32 @!p0 $0xFFFFF086;
	s6 =	sadd.s32 @!p0 s3, s7;
	s7 =	simm.s32 @!p0 $0x108  }
0x21: {  	s3 =	sadd.s32 s3, s9;
	s6 =	sadd.s32 @!p0 $0x88, s6;
	s7 =	simm.s32 @p2 $0x1082  }
0x22: {  	[simem:s7], [sflag:s8] =	dma.local @!p0 [hbm:s6], $0xF7A  }
0x23: {  	s9 =	sor.u32 $0xD0000000, s2;
	s6 =	simm.s32 $0x108;
	_ =	swait.ge @!p0 [sflag:s8], $0x0  }
0x24: {  	s3 =	sadd.s32 $0x88, s3;
	s6 =	simm.s32 @!p1 $0x1082;
	[sflag:s4] =	ssyncset.s32 $0xFFFFF086  }
0x25: {  	[simem:s6], [sflag:s4] =	dma.local [hbm:s3], $0xF7A  }
0x26: {  	[smem:$0x3F88] =	sst s1;
	(tag) =	ssettag s2;
	_ =	strace s9  }
0x27: {  	s1 =	sld [smem:$0x3F98]  }
0x28: {  	s2 =	sld [smem:$0x3F99]  }
0x29: {  	s4 =	sld [smem:$0x3F9B]  }
0x2a: {  	p0 =	seq.s32 s5, $0x0;
	s5 =	sld [smem:$0x3F9C]  }
0x2b: {  	s6 =	sld [smem:$0x3F9D]  }
0x2c: {  	s7 =	sld [smem:$0x3F9E]  }
0x2d: {  	s3 =	simm.s32 $0x108;
	s8 =	sld [smem:$0x3F9F]  }
0x2e: {  	s3 =	simm.s32 @!p0 $0x1082;
	s9 =	sld [smem:$0x3FA0]  }
0x2f: {  	lr =	sadd.s32 s0, s3;
	s0 =	sld [smem:$0x3F97]  }
0x30: {  	s3 =	sld [smem:$0x3F9A]  }
0x31: {  	[smem:$0x3FA3] =	sst s10  }
0x32: {  	s10 =	sld [smem:$0x3FA1];
	_ =	sdelay $0x3  }
0x33: {  	p0 =	seq.s32 s10, $0x1;
	s10 =	sld [smem:$0x3FA3];
	_ =	sdelay $0x3  }
0x34: {  	[smem:$0x3FA3] =	sst s10  }
0x35: {  	s10 =	sld [smem:$0x3FA2];
	_ =	sdelay $0x3  }
0x36: {  	p1 =	seq.s32 s10, $0x1;
	s10 =	sld [smem:$0x3FA3];
	_ =	sdelay $0x3  }
0x37: {  	[smem:$0x3FA3] =	sst s10  }
0x38: {  	s10 =	sld [smem:$0x3FA4]  }
0x39: {  	_ = 	snop;
	(pc) =	sbr.ind lr, $3  }
0x3a: {  	_ = 	snop  }
0x3b: {  	_ = 	snop  }
0x3c: {  	p2 =	seq.s32 s10, $0x1;
	s10 =	sld [smem:$0x3FA3]  }
0x3d: {  	_ =	shalt  }
0x3e: {  	_ =	shalt  }
0x3f: {  	_ =	shalt  }
0x40: {  	_ =	shalt  }
0x41: {  	_ =	shalt  }
0x42: {  	_ =	shalt  }
0x43: {  	_ =	shalt  }
0x44: {  	_ =	shalt  }
0x45: {  	_ =	shalt  }
0x46: {  	_ =	shalt  }
0x47: {  	_ =	shalt  }
0x48: {  	_ =	shalt  }
0x49: {  	_ =	shalt  }
0x4a: {  	_ =	shalt  }
0x4b: {  	_ =	shalt  }
0x4c: {  	_ =	shalt  }
0x4d: {  	_ =	shalt  }
0x4e: {  	_ =	shalt  }
0x4f: {  	_ =	shalt  }
0x50: {  	_ =	shalt  }
0x51: {  	_ =	shalt  }
0x52: {  	_ =	shalt  }
0x53: {  	_ =	shalt  }
0x54: {  	_ =	shalt  }
0x55: {  	_ =	shalt  }
0x56: {  	_ =	shalt  }
0x57: {  	_ =	shalt  }
0x58: {  	_ =	shalt  }
0x59: {  	_ =	shalt  }
0x5a: {  	_ =	shalt  }
0x5b: {  	_ =	shalt  }
0x5c: {  	_ =	shalt  }
0x5d: {  	_ =	shalt  }
0x5e: {  	_ =	shalt  }
0x5f: {  	_ =	shalt  }
0x60: {  	_ =	shalt  }
0x61: {  	_ =	shalt  }
0x62: {  	_ =	shalt  }
0x63: {  	_ =	shalt  }
0x64: {  	_ =	shalt  }
0x65: {  	_ =	shalt  }
0x66: {  	_ =	shalt  }
0x67: {  	_ =	shalt  }
0x68: {  	_ =	shalt  }
0x69: {  	_ =	shalt  }
0x6a: {  	_ =	shalt  }
0x6b: {  	_ =	shalt  }
0x6c: {  	_ =	shalt  }
0x6d: {  	_ =	shalt  }
0x6e: {  	_ =	shalt  }
0x6f: {  	_ =	shalt  }
0x70: {  	_ =	shalt  }
0x71: {  	_ =	shalt  }
0x72: {  	_ =	shalt  }
0x73: {  	_ =	shalt  }
0x74: {  	_ =	shalt  }
0x75: {  	_ =	shalt  }
0x76: {  	_ =	shalt  }
0x77: {  	_ =	shalt  }
0x78: {  	_ =	shalt  }
0x79: {  	_ =	shalt  }
0x7a: {  	_ =	shalt  }
0x7b: {  	_ =	shalt  }
0x7c: {  	_ =	shalt  }
0x7d: {  	_ =	shalt  }
0x7e: {  	_ =	shalt  }
0x7f: {  	_ =	shalt  }
0x80: {  	_ =	shalt  }
0x81: {  	_ =	shalt  }
0x82: {  	_ =	shalt  }
0x83: {  	_ =	shalt  }
0x84: {  	_ =	shalt  }
0x85: {  	_ =	shalt  }
0x86: {  	_ =	shalt  }
0x87: {  	_ =	shalt  }
.Lfunc_end0:
.L_simem_size_0:
called_computation.4_lowered:
.L_overlay_start_0:
0x88: {  	s2 =	sld [smem:$0x3FD9]  }
0x89: {  	s3 =	sld [smem:$0x3FFE];
	_ =	sdelay $0x1  }
0x8a: {  	s1 =	srdreg.scid  }
0x8b: {  	s0 =	sand.u32 $0x1, s1  }
0x8c: {  	s16 =	sshll.u32 s0, $0xA;
	s2 =	sadd.s32 s3, s2  }
0x8d: {  	s2 =	sadd.s32 s2, s16  }
0x8e: {  	[smem:$0x3FAF] =	sst s2  }
0x8f: {  	_ = 	snop  }
0x90: {  	(tm) =	ssettm $0x1  }
0x91: {  	s17 =	sld [smem:$0x3FFB];
	_ =	sdelay $0x3  }
0x92: {  	_ =	strace s17  }
0x93: {  	s2 =	sld [smem:$0x3FFC];
	_ =	sdelay $0x3  }
0x94: {  	_ =	strace s2  }
0x95: {  	s2 =	sld [smem:$0x3FFD];
	_ =	sdelay $0x3  }
0x96: {  	_ =	strace s2  }
0x97: {  	_ =	strace $0x8FFFFFFF  }
0x98: {  	s18 =	sld [smem:$0x3FDB];
	_ =	sdelay $0x1  }
0x99: {  	s19 =	simm.s32 $_scs_section_size  }
0x9a: {  	s4 =	simm.s32 $_size__tile_overlayer_lowered;
	s5 =	simm.s32 $_tile_overlayer_lowered  }
0x9b: {  	s22 =	simm.s32 $0x1BFF;
	s21 =	sshll.u32 s5, $0x1;
	s2 =	sadd.s32 s19, s18  }
0x9c: {  	s6 =	simm.s32 $0x0;
	s20 =	sshll.u32 s4, $0x1;
	s4 =	sadd.s32 s21, s2  }
0x9d: {  	[timem:s6], [sflag:s22] =	dma.local [hbm:s4], s20  }
0x9e: {  	_ =	swait.ge [sflag:s22], s20  }
0x9f: {  	s3 =	ssub.s32 $0x0, s20;
	[sflag:s22] =	ssyncset.done $0x0  }
0xa0: {  	[sflag:s22] =	ssyncadd.s32 s3;
	_ =	sdelay $0x1  }
0xa1: {  	s23 =	simm.s32 $0x1B8B  }
0xa2: {  	_ =	swait.ge [sflag:s23], $0x1  }
0xa3: {  	[sflag:s23] =	ssyncset.done $0x0  }
0xa4: {  	s25 =	simm.s32 $0x1B8E;
	s24 =	sld [smem:$0x3FFE];
	[sflag:s23] =	ssyncadd.s32 $0xFFFFFFFF  }
0xa5: {  	s26 =	simm.s32 $execute0_lowered;
	[smem:$0x3FD2] =	sst s25  }
0xa6: {  	s4 =	sshll.u32 s26, $0x1;
	_ =	strace $0x80000052;
	[dreg:$0x1] =	wrdreg $0xFFFFFFFF  }
0xa7: {  	s28 =	simm.s32 $_size_execute0_lowered;
	s2 =	sadd.s32 s2, s4;
	[dreg:$0x0] =	wrdreg $0x0  }
0xa8: {  	s4 =	sshll.u32 s28, $0x1;
	[dreg:$0x2] =	wrdreg s2  }
0xa9: {  	[dreg:$0x3] =	wrdreg s4  }
0xaa: {  	[dreg:$0x4] =	wrdreg $0xC0  }
0xab: {  	_ =	task [dreg:s6], $0x5FFFF  }
0xac: {  	[dreg:$0x1] =	wrdreg $0xFFFFFFFF  }
0xad: {  	[dreg:$0x0] =	wrdreg $0x60  }
0xae: {  	[dreg:$0x2] =	wrdreg s24  }
0xaf: {  	[dreg:$0x3] =	wrdreg $0x69800  }
0xb0: {  	[dreg:$0x4] =	wrdreg $0x9  }
0xb1: {  	_ =	task.clear_ibuf [dreg:s6], $0x5FFFF;
	_ =	strace $0x90000052  }
0xb2: {  	s29 =	simm.s32 $0x9;
	_ =	strace $0x80000054  }
0xb3: {  	_ =	swait.ge [sflag:s29], $0x1  }
0xb4: {  	[sflag:s29] =	ssyncadd.s32 $0xFFFFFFFF  }
0xb5: {  	_ =	strace $0x90000054  }
0xb6: {  	_ =	sfence  }
0xb7: {  	s30 =	sld [smem:$0x0];
	_ =	sdelay $0x2  }
0xb8: {  	s31 =	sshll.u32 s1, $0xD;
	s1 =	sshrl.u32 s1, $0x2  }
0xb9: {  	s3 =	sand.u32 $0x4000, s31;
	s1 =	sadd.s32 s1, s30  }
0xba: {  	s0 =	sor.u32 s3, s0;
	s1 =	sshll.u32 s1, $0x11  }
0xbb: {  	s0 =	sor.u32 s1, s0  }
0xbc: {  	s0 =	sadd.s32 $0x8F2B, s0  }
0xbd: {  	[sflag:s0] =	ssyncadd.remote.s32 $0x1  }
0xbe: {  	_ =	sfence.sel $0xFFFF  }
0xbf: {  	[dreg:$0x0] =	wrdreg $0xFFFFFFFF;
	(pc) =	sbr.abs _section_cstart, $3  }
0xc0: {  	[dreg:$0x1] =	wrdreg $0xFFFFFFFF  }
0xc1: {  	_ =	task.clear_ibuf [dreg:s6], $0x2FFFF;
	_ =	strace $0x9FFFFFFF  }
0xc2: {  	(tm) =	ssettm $0x7FFFFFFF  }
0xc3: {  	_ =	shalt  }
tec
execute0_lowered:
.L_overlay_start_1:
0x0: {  	(tag) =	ssettag $0x1  }
0x1: {  	s1 =	srdreg.scid  }
0x2: {  	s0 =	stileid.u32;
	s5 =	rddreg [dreg:$0x0]  }
0x3: {  	s2 =	rddreg [dreg:$0x1];
	s3 =	simm.s32 $0x0;
	s11 =	simm.s32 $0x2900  }
0x4: {  	s12 =	simm.s32 $0x2980;
	s13 =	simm.s32 $0x2;
	s14 =	simm.s32 $0x50  }
0x5: {  	s15 =	simm.s32 $0x100;
	s16 =	simm.s32 $0x1;
	s7 =	smul.u32 $0x4E20, s0  }
0x6: {  	s6 =	sand.u32 $0x1, s1;
	s1 =	rddreg [dreg:$0x2];
	s10 =	smul.u32 $0x14000, s0  }
0x7: {  	s17 =	simm.s32 $0x0;
	[smem:$0x7FF] =	sst s3;
	s8 =	smul.u32 $0x2710, s6  }
0x8: {  	s4 =	sadd.s32 $0x1A400, s5;
	s9 =	smul.u32 $0x140000, s6;
	s6 =	ssub.s32 $0x2, s6  }
0x9: {  	_ =	strace $0x80000053;
	s30 =	sshrl.u32 s6, $0x1;
	s7 =	sadd.s32 s8, s7  }
0xa: {  	s26 =	sadd.s32 s10, s9;
	s6 =	ssub.s32 s6, s30;
	s10 =	simm.s32 $0x80  }
0xb: {  	s7 =	sshrl.u32 s7, $0x3;
	s29 =	sshrl.u32 s26, $0x3;
	s6 =	smax.u32 s6, $0x1  }
0xc: {  	s28 =	sadd.s32 s7, s5;
	s31 =	sadd.s32 s29, s5;
	s5 =	smul.u32 $0x280, s0  }
0xd: {  	v0 =	vimm.f32 $0.0e+00;
	v1 =	vlaneseq.u32;
	s7 =	sadd.s32 $0x10600, s28;
	s8 =	sadd.s32 $0x6800, s28;
	s9 =	sadd.s32 $0x41600, s31  }
.LBB2_1:
0xe: {  	s18 =	simm.s32 $0x0;
	s19 =	simm.s32 $0x200  }
.LBB2_2:
0xf: {  	p0 =	sne.s32 s19, $0xFE00;
	[tilespmem:s18+$0x29F0] =	vst v0  }
0x10: {  	[tilespmem:s18+$0x2980] =	vst v0  }
0x11: {  	[tilespmem:s18+$0x2990] =	vst v0  }
.Ltmp0:
0x12: {  	[tilespmem:s18+$0x29A0] =	vst v0;
	(pc) =	sbr.rel @p0 .LBB2_2-.Ltmp0, $4  }
0x13: {  	[tilespmem:s18+$0x29B0] =	vst v0  }
0x14: {  	[tilespmem:s18+$0x29C0] =	vst v0  }
0x15: {  	[tilespmem:s18+$0x29D0] =	vst v0  }
0x16: {  	[tilespmem:s18+$0x29E0] =	vst v0;
	s18 =	sshra.s32 s19, $0x2;
	s19 =	sadd.s32 $0x200, s19  }
0x17: {  	[tilespmem:s18+$0x29F0] =	vst v0  }
0x18: {  	[tilespmem:s18+$0x2980] =	vst v0  }
0x19: {  	[tilespmem:s18+$0x2990] =	vst v0  }
0x1a: {  	[tilespmem:s18+$0x29A0] =	vst v0  }
0x1b: {  	[tilespmem:s18+$0x29B0] =	vst v0  }
0x1c: {  	[tilespmem:s18+$0x29C0] =	vst v0  }
0x1d: {  	[tilespmem:s18+$0x29D0] =	vst v0;
	s19 =	sadd.s32 $0x0, s5  }
0x1e: {  	[tilespmem:s18+$0x29E0] =	vst v0;
	v2 =	vor.u32 s19, v1;
	s26 =	sadd.s32 $0x70, s19  }
0x1f: {  	s20 =	sadd.s32 $0x60, s19;
	[tilespmem:$0x2900] =	vst v2;
	v2 =	vor.u32 s26, v1  }
0x20: {  	s30 =	sadd.s32 $0x30, s19;
	v3 =	vor.u32 s20, v1;
	[tilespmem:$0x2970] =	vst v2  }
0x21: {  	s28 =	sadd.s32 $0x50, s19;
	v4 =	vor.u32 s30, v1;
	[tilespmem:$0x2960] =	vst v3  }
0x22: {  	s29 =	sadd.s32 $0x40, s19;
	v2 =	vor.u32 s28, v1;
	[tilespmem:$0x2930] =	vst v4  }
0x23: {  	s31 =	sadd.s32 $0x20, s19;
	v3 =	vor.u32 s29, v1;
	[tilespmem:$0x2950] =	vst v2  }
0x24: {  	s18 =	simm.s32 $0x80;
	s19 =	sadd.s32 $0x10, s19;
	[tilespmem:$0x2940] =	vst v3;
	v2 =	vor.u32 s31, v1  }
.LBB2_4:
0x25: {  	p0 =	sne.s32 s18, $0x200;
	v3 =	vor.u32 s19, v1;
	[tilespmem:$0x2920] =	vst v2  }
0x26: {  	[tilespmem:$0x2910] =	vst v3;
	[spmem:s2] =	stream.indirect.scatter [tilespmem:s12], [sflag:$0x2], $0x80, s11, s10, $0xb8  }
0x27: {  	_ =	swait.ge [sflag:s13], $0x4000  }
0x28: {  	s19 =	sadd.s32 s18, s5;
	[sflag:s13] =	ssyncset.done $0x0  }
0x29: {  	v2 =	vor.u32 s19, v1;
	s20 =	sadd.s32 $0x70, s19;
	[sflag:s13] =	ssyncadd.s32 $0xFFFFC000  }
0x2a: {  	s21 =	sadd.s32 $0x60, s19;
	[tilespmem:$0x2900] =	vst v2;
	v2 =	vor.u32 s20, v1  }
.Ltmp1:
0x2b: {  	v3 =	vor.u32 s21, v1;
	s20 =	sadd.s32 $0x50, s19;
	[tilespmem:$0x2970] =	vst v2;
	(pc) =	sbr.rel @p0 .LBB2_4-.Ltmp1, $4  }
0x2c: {  	s21 =	sadd.s32 $0x40, s19;
	v2 =	vor.u32 s20, v1;
	[tilespmem:$0x2960] =	vst v3  }
0x2d: {  	s20 =	sadd.s32 $0x30, s19;
	v3 =	vor.u32 s21, v1;
	[tilespmem:$0x2950] =	vst v2  }
0x2e: {  	s21 =	sadd.s32 $0x20, s19;
	v4 =	vor.u32 s20, v1;
	[tilespmem:$0x2940] =	vst v3  }
0x2f: {  	s18 =	sadd.s32 $0x80, s18;
	s19 =	sadd.s32 $0x10, s19;
	v2 =	vor.u32 s21, v1;
	[tilespmem:$0x2930] =	vst v4  }
0x30: {  	v3 =	vor.u32 s19, v1;
	[tilespmem:$0x2920] =	vst v2  }
0x31: {  	[tilespmem:$0x2910] =	vst v3  }
0x32: {  	[spmem:s2] =	stream.indirect.scatter [tilespmem:s12], [sflag:$0x2], $0x80, s11, s10, $0xb8;
	[tilespmem:$0x1A980] =	vst v63  }
0x33: {  	_ =	swait.ge [sflag:s13], $0x4000  }
0x34: {  	[sflag:s13] =	ssyncset.done $0x0  }
0x35: {  	[sflag:s13] =	ssyncadd.s32 $0xFFFFC000  }
0x36: {  	s18 =	sadd.s32 $0x0, s8;
	[bflag:$0x0] =	sbarrier.arrive $0xFFFF  }
0x37: {  	[tilespmem:s3], [sflag:$0x2] =	stream.linear.gather [hbm4b:s18+s3], $0x50, $0x38;
	[tilespmem:$0x1A980] =	vst v63  }
0x38: {  	_ =	swait.ge [sflag:s13], $0x50  }
0x39: {  	[sflag:s13] =	ssyncset.done $0x0  }
0x3a: {  	s31 =	sadd.s32 $0x0, s7;
	[sflag:s13] =	ssyncadd.s32 $0xFFFFFFB0  }
0x3b: {  	[tilespmem:s10], [sflag:$0x2] =	stream.linear.gather [hbm4b:s31+s3], $0x50, $0x38;
	[tilespmem:$0x1A980] =	vst v63  }
0x3c: {  	_ =	swait.ge [sflag:s13], $0x50  }
0x3d: {  	[sflag:s13] =	ssyncset.done $0x0  }
0x3e: {  	[sflag:s13] =	ssyncadd.s32 $0xFFFFFFB0  }
0x3f: {  	[tilespmem:s15], [sflag:$0x1] =	stream.indirect.gather [hbm4b:s4+s14], $0x80, s3, s14, $0xb8;
	[tilespmem:$0x1A980] =	vst v63  }
0x40: {  	_ =	swait.ge [sflag:s16], $0x2800  }
0x41: {  	[sflag:s16] =	ssyncset.done $0x0  }
0x42: {  	[sflag:s16] =	ssyncadd.s32 $0xFFFFD800  }
0x43: {  	[spmem:s2] =	stream.indirect.scatter.add.f32 [tilespmem:s15], [sflag:$0x2], $0x80, s10, s14, $0xb8;
	[tilespmem:$0x1A980] =	vst v63  }
0x44: {  	_ =	swait.ge [sflag:s13], $0x2800  }
0x45: {  	s19 =	simm.s32 $0x14;
	s18 =	simm.s32 $0xA;
	[sflag:s13] =	ssyncset.done $0x0  }
.LBB2_6:
0x46: {  	s20 =	sadd.s32 s18, s8  }
0x47: {  	[sflag:s13] =	ssyncadd.s32 $0xFFFFD800;
	s21 =	smov.u32 s19;
	s22 =	sadd.s32 $0xA, s19  }
0x48: {  	[tilespmem:s3], [sflag:$0x2] =	stream.linear.gather [hbm4b:s20+s3], $0x50, $0x38;
	[tilespmem:$0x1A980] =	vst v63  }
0x49: {  	p0 =	sne.s32 s19, $0x4D8;
	_ =	swait.ge [sflag:s13], $0x50  }
0x4a: {  	[sflag:s13] =	ssyncset.done $0x0  }
0x4b: {  	s19 =	sadd.s32 s18, s7;
	s18 =	smov.u32 s21;
	[sflag:s13] =	ssyncadd.s32 $0xFFFFFFB0  }
0x4c: {  	[tilespmem:s10], [sflag:$0x2] =	stream.linear.gather [hbm4b:s19+s3], $0x50, $0x38;
	[tilespmem:$0x1A980] =	vst v63  }
0x4d: {  	_ =	swait.ge [sflag:s13], $0x50  }
0x4e: {  	[sflag:s13] =	ssyncset.done $0x0  }
0x4f: {  	[sflag:s13] =	ssyncadd.s32 $0xFFFFFFB0  }
0x50: {  	[tilespmem:s15], [sflag:$0x1] =	stream.indirect.gather [hbm4b:s4+s14], $0x80, s3, s14, $0xb8;
	[tilespmem:$0x1A980] =	vst v63  }
0x51: {  	_ =	swait.ge [sflag:s16], $0x2800  }
.Ltmp2:
0x52: {  	[sflag:s16] =	ssyncset.done $0x0;
	(pc) =	sbr.rel @p0 .LBB2_6-.Ltmp2, $4  }
0x53: {  	[sflag:s16] =	ssyncadd.s32 $0xFFFFD800  }
0x54: {  	[spmem:s2] =	stream.indirect.scatter.add.f32 [tilespmem:s15], [sflag:$0x2], $0x80, s10, s14, $0xb8;
	[tilespmem:$0x1A980] =	vst v63  }
0x55: {  	_ =	swait.ge [sflag:s13], $0x2800  }
0x56: {  	s19 =	smov.u32 s22;
	[sflag:s13] =	ssyncset.done $0x0  }
0x57: {  	s19 =	sadd.s32 s18, s8;
	[sflag:s13] =	ssyncadd.s32 $0xFFFFD800  }
0x58: {  	[tilespmem:s3], [sflag:$0x2] =	stream.linear.gather [hbm4b:s19+s3], $0x50, $0x38;
	[tilespmem:$0x1A980] =	vst v63  }
0x59: {  	_ =	swait.ge [sflag:s13], $0x50  }
0x5a: {  	[sflag:s13] =	ssyncset.done $0x0  }
0x5b: {  	s24 =	sadd.s32 s18, s7;
	[sflag:s13] =	ssyncadd.s32 $0xFFFFFFB0  }
0x5c: {  	[tilespmem:s10], [sflag:$0x2] =	stream.linear.gather [hbm4b:s24+s3], $0x50, $0x38;
	[tilespmem:$0x1A980] =	vst v63  }
0x5d: {  	_ =	swait.ge [sflag:s13], $0x50  }
0x5e: {  	[sflag:s13] =	ssyncset.done $0x0  }
0x5f: {  	[sflag:s13] =	ssyncadd.s32 $0xFFFFFFB0  }
0x60: {  	[tilespmem:s15], [sflag:$0x1] =	stream.indirect.gather [hbm4b:s4+s14], $0x80, s3, s14, $0xb8;
	[tilespmem:$0x1A980] =	vst v63  }
0x61: {  	_ =	swait.ge [sflag:s16], $0x2800  }
0x62: {  	[sflag:s16] =	ssyncset.done $0x0  }
0x63: {  	[sflag:s16] =	ssyncadd.s32 $0xFFFFD800  }
0x64: {  	[spmem:s2] =	stream.indirect.scatter.add.f32 [tilespmem:s15], [sflag:$0x2], $0x80, s10, s14, $0xb8;
	[tilespmem:$0x1A980] =	vst v63  }
0x65: {  	_ =	swait.ge [sflag:s13], $0x2800  }
0x66: {  	[sflag:s13] =	ssyncset.done $0x0  }
0x67: {  	s25 =	sadd.s32 $0x0, s5;
	[sflag:s13] =	ssyncadd.s32 $0xFFFFD800  }
0x68: {  	v2 =	vor.u32 s25, v1;
	s20 =	sadd.s32 $0x20, s25;
	[bflag:$0x0] =	sbarrier.arrive $0xFFFF  }
0x69: {  	s26 =	sadd.s32 $0x10, s25;
	v3 =	vor.u32 s20, v1;
	[tilespmem:$0x2900] =	vst v2  }
0x6a: {  	s30 =	sadd.s32 $0x40, s25;
	v2 =	vor.u32 s26, v1;
	[tilespmem:$0x2920] =	vst v3  }
0x6b: {  	s28 =	sadd.s32 $0x70, s25;
	v3 =	vor.u32 s30, v1;
	[tilespmem:$0x2910] =	vst v2  }
0x6c: {  	s18 =	sadd.s32 $0x30, s25;
	v2 =	vor.u32 s28, v1;
	[tilespmem:$0x2940] =	vst v3  }
0x6d: {  	s29 =	sadd.s32 $0x50, s25;
	v3 =	vor.u32 s18, v1;
	[tilespmem:$0x2970] =	vst v2  }
0x6e: {  	s31 =	sadd.s32 $0x60, s25;
	v2 =	vor.u32 s29, v1;
	[tilespmem:$0x2930] =	vst v3  }
0x6f: {  	[tilespmem:$0x2950] =	vst v2;
	v2 =	vor.u32 s31, v1  }
0x70: {  	s19 =	smov.u32 s9;
	s20 =	smov.u32 s9;
	s18 =	simm.s32 $0x80;
	[tilespmem:$0x2960] =	vst v2  }
0x71: {  	[tilespmem:s12], [sflag:$0x2] =	stream.indirect.gather [spmem:s2], $0x80, s11, s10, $0xb8;
	[tilespmem:$0x1A980] =	vst v63  }
.LBB2_8:
0x72: {  	p0 =	sne.s32 s18, $0x200;
	_ =	swait.ge [sflag:s13], $0x4000;
	s20 =	sadd.s32 $0x800, s20  }
0x73: {  	s21 =	smov.u32 s18;
	s18 =	sadd.s32 $0x80, s18;
	[sflag:s13] =	ssyncset.done $0x0  }
0x74: {  	[sflag:s13] =	ssyncadd.s32 $0xFFFFC000  }
0x75: {  	[hbm4b:s19+s3] =	stream.linear.scatter [tilespmem:s12], [sflag:$0x2], $0x4000, $0x38;
	[tilespmem:$0x1A980] =	vst v63  }
0x76: {  	s19 =	smov.u32 s20;
	_ =	swait.ge [sflag:s13], $0x4000  }
0x77: {  	s21 =	sadd.s32 s21, s5;
	[sflag:s13] =	ssyncset.done $0x0  }
0x78: {  	v2 =	vor.u32 s21, v1;
	s22 =	sadd.s32 $0x10, s21;
	s23 =	sadd.s32 $0x20, s21;
	[sflag:s13] =	ssyncadd.s32 $0xFFFFC000  }
0x79: {  	s24 =	sadd.s32 $0x70, s21;
	v3 =	vor.u32 s23, v1;
	s23 =	sadd.s32 $0x50, s21;
	[tilespmem:$0x2900] =	vst v2;
	v2 =	vor.u32 s22, v1;
	s22 =	sadd.s32 $0x40, s21  }
0x7a: {  	s25 =	sadd.s32 $0x30, s21;
	v5 =	vor.u32 s24, v1;
	v4 =	vor.u32 s23, v1;
	s21 =	sadd.s32 $0x60, s21;
	[tilespmem:$0x2910] =	vst v2;
	v2 =	vor.u32 s22, v1  }
0x7b: {  	v6 =	vor.u32 s25, v1;
	v7 =	vor.u32 s21, v1;
	[tilespmem:$0x2970] =	vst v5  }
0x7c: {  	[tilespmem:$0x2920] =	vst v3  }
.Ltmp3:
0x7d: {  	[tilespmem:$0x2950] =	vst v4;
	(pc) =	sbr.rel @p0 .LBB2_8-.Ltmp3, $4  }
0x7e: {  	[tilespmem:$0x2940] =	vst v2  }
0x7f: {  	[tilespmem:$0x2960] =	vst v7  }
0x80: {  	[tilespmem:$0x2930] =	vst v6  }
0x81: {  	[tilespmem:s12], [sflag:$0x2] =	stream.indirect.gather [spmem:s2], $0x80, s11, s10, $0xb8;
	[tilespmem:$0x1A980] =	vst v63  }
0x82: {  	_ =	swait.ge [sflag:s13], $0x4000;
	s17 =	sadd.s32 $0x1, s17  }
0x83: {  	[sflag:s13] =	ssyncset.done $0x0;
	p0 =	sne.s32 s17, s6  }
.Ltmp4:
0x84: {  	[sflag:s13] =	ssyncadd.s32 $0xFFFFC000;
	(pc) =	sbr.rel @p0 .LBB2_1-.Ltmp4, $4  }
0x85: {  	[hbm4b:s19+s3] =	stream.linear.scatter [tilespmem:s12], [sflag:$0x2], $0x4000, $0x38;
	[tilespmem:$0x1A980] =	vst v63  }
0x86: {  	_ =	swait.ge [sflag:s13], $0x4000  }
0x87: {  	[sflag:s13] =	ssyncset.done $0x0  }
0x88: {  	[sflag:s13] =	ssyncadd.s32 $0xFFFFC000  }
0x89: {  	_ =	sfence.sel $0x180000  }
0x8a: {  	[bflag:$0x0] =	sbarrier.arrive $0xFFFF  }
0x8b: {  	p0 =	sne.s32 s0, $0x0;
	_ =	strace $0x90000053  }
0x8c: {  	s0 =	sadd.s32 @!p0 $0x100000, s1;
	[bflag:$0x2] =	sbarrier.arrive $0xFFFF  }
0x8d: {  	[sflag:s0] =	ssyncadd.tile.s32 @!p0 $0x1;
	_ =	shalt  }
.Lfunc_end2:
_tile_overlayer_lowered:
.L_overlay_start_2:
0x8e: {  	(tag) =	ssettag $0x2  }
0x8f: {  	s0 =	rddreg [dreg:$0x0];
	s2 =	stileid.u32  }
0x90: {  	s1 =	rddreg [dreg:$0x1];
	p0 =	sne.s32 s2, $0x0  }
0x91: {  	s3 =	rddreg [dreg:$0x2];
	[bflag:$0x3] =	sbarrier.arrive $0xFFFF;
	s2 =	simm.s32 @!p0 $0x1C02  }
0x92: {  	[timem:s3], [sflag:s2] =	dma.local @!p0 [hbm:s0], s1  }
0x93: {  	s0 =	simm.s32 @!p0 $0x2  }
0x94: {  	_ =	swait.ge @!p0 [sflag:s0], s1  }
0x95: {  	s1 =	ssub.s32 @!p0 $0x0, s1;
	[sflag:s0] =	ssyncset.done @!p0 $0x0  }
0x96: {  	[sflag:s0] =	ssyncadd.s32 @!p0 s1  }
0x97: {  	[bflag:$0x3] =	sbarrier.arrive $0xFFFF  }
0x98: {  	_ =	shalt  }

// kernel: kernel.28.cloned.1.call-start
scs
__scs_entry_jumppad:
0x0: {  	(pc) =	sbr.rel $0x88, $3  }
0x1: {  	(tag) =	ssettag $0x0;
	lr =	simm.s32 $0x1  }
0x2: {  	[smem:$0x3F88] =	sst lr;
	_ =	strace $0xD0000000  }
0x3: {  	_ = 	snop  }
0x4: {  	_ = 	snop  }
0x5: {  	_ = 	snop  }
0x6: {  	_ = 	snop  }
0x7: {  	_ = 	snop  }
__scs_overlays_trampoline_lowered:
0x8: {  	[smem:$0x3F97] =	sst s0  }
0x9: {  	[smem:$0x3F98] =	sst s1  }
0xa: {  	[smem:$0x3F99] =	sst s2  }
0xb: {  	[smem:$0x3F9A] =	sst s3  }
0xc: {  	[smem:$0x3F9B] =	sst s4  }
0xd: {  	[smem:$0x3F9C] =	sst s5  }
0xe: {  	[smem:$0x3F9D] =	sst s6  }
0xf: {  	[smem:$0x3F9E] =	sst s7  }
0x10: {  	[smem:$0x3F9F] =	sst s8  }
0x11: {  	[smem:$0x3FA0] =	sst s9;
	s0 =	simm.s32 @!p0 $0x0  }
0x12: {  	s1 =	sld [smem:$0x3F86];
	s0 =	simm.s32 @p0 $0x1  }
0x13: {  	[smem:$0x3FA1] =	sst s0;
	s0 =	simm.s32 @!p1 $0x0  }
0x14: {  	s2 =	sld [smem:$0x3F85];
	s0 =	simm.s32 @p1 $0x1  }
0x15: {  	[smem:$0x3FA2] =	sst s0;
	s0 =	simm.s32 @!p2 $0x0  }
0x16: {  	s3 =	sld [smem:$0x3FDB];
	s0 =	simm.s32 @p2 $0x1  }
0x17: {  	s4 =	simm.s32 $0x1BF5;
	[smem:$0x3FA4] =	sst s0  }
0x18: {  	s0 =	sld [smem:$0x3F87];
	_ =	swait.ge [sflag:s4], $0x0  }
0x19: {  	s7 =	sld [smem:$0x3F88]  }
0x1a: {  	s8 =	sadd.s32 $0xFFFFE003, lr  }
0x1b: {  	s9 =	sadd.s32 $0xFFFFFEF7, lr;
	s5 =	simm.s32 $0xFFFFFFFF;
	p2 =	slt.u32 s8, $0xFFFFF086  }
0x1c: {  	p1 =	slt.u32 s9, $0xF7A;
	s5 =	simm.s32 @!p2 $0x0  }
0x1d: {  	s5 =	simm.s32 @p1 $0x1;
	p0 =	seq.s32 s7, s2  }
0x1e: {  	s7 =	smul.u32 @!p0 $0xF7A, s2;
	p2 =	seq.s32 @!p0 s5, $0x0  }
0x1f: {  	s9 =	smul.u32 $0xF7A, s1;
	s8 =	simm.s32 @!p0 $0x1BF5;
	p2 =	por !p2, p0  }
0x20: {  	[sflag:s8] =	ssyncset.s32 @!p0 $0xFFFFF086;
	s6 =	sadd.s32 @!p0 s3, s7;
	s7 =	simm.s32 @!p0 $0x108  }
0x21: {  	s3 =	sadd.s32 s3, s9;
	s6 =	sadd.s32 @!p0 $0x88, s6;
	s7 =	simm.s32 @p2 $0x1082  }
0x22: {  	[simem:s7], [sflag:s8] =	dma.local @!p0 [hbm:s6], $0xF7A  }
0x23: {  	s9 =	sor.u32 $0xD0000000, s2;
	s6 =	simm.s32 $0x108;
	_ =	swait.ge @!p0 [sflag:s8], $0x0  }
0x24: {  	s3 =	sadd.s32 $0x88, s3;
	s6 =	simm.s32 @!p1 $0x1082;
	[sflag:s4] =	ssyncset.s32 $0xFFFFF086  }
0x25: {  	[simem:s6], [sflag:s4] =	dma.local [hbm:s3], $0xF7A  }
0x26: {  	[smem:$0x3F88] =	sst s1;
	(tag) =	ssettag s2;
	_ =	strace s9  }
0x27: {  	s1 =	sld [smem:$0x3F98]  }
0x28: {  	s2 =	sld [smem:$0x3F99]  }
0x29: {  	s4 =	sld [smem:$0x3F9B]  }
0x2a: {  	p0 =	seq.s32 s5, $0x0;
	s5 =	sld [smem:$0x3F9C]  }
0x2b: {  	s6 =	sld [smem:$0x3F9D]  }
0x2c: {  	s7 =	sld [smem:$0x3F9E]  }
0x2d: {  	s3 =	simm.s32 $0x108;
	s8 =	sld [smem:$0x3F9F]  }
0x2e: {  	s3 =	simm.s32 @!p0 $0x1082;
	s9 =	sld [smem:$0x3FA0]  }
0x2f: {  	lr =	sadd.s32 s0, s3;
	s0 =	sld [smem:$0x3F97]  }
0x30: {  	s3 =	sld [smem:$0x3F9A]  }
0x31: {  	[smem:$0x3FA3] =	sst s10  }
0x32: {  	s10 =	sld [smem:$0x3FA1];
	_ =	sdelay $0x3  }
0x33: {  	p0 =	seq.s32 s10, $0x1;
	s10 =	sld [smem:$0x3FA3];
	_ =	sdelay $0x3  }
0x34: {  	[smem:$0x3FA3] =	sst s10  }
0x35: {  	s10 =	sld [smem:$0x3FA2];
	_ =	sdelay $0x3  }
0x36: {  	p1 =	seq.s32 s10, $0x1;
	s10 =	sld [smem:$0x3FA3];
	_ =	sdelay $0x3  }
0x37: {  	[smem:$0x3FA3] =	sst s10  }
0x38: {  	s10 =	sld [smem:$0x3FA4]  }
0x39: {  	_ = 	snop;
	(pc) =	sbr.ind lr, $3  }
0x3a: {  	_ = 	snop  }
0x3b: {  	_ = 	snop  }
0x3c: {  	p2 =	seq.s32 s10, $0x1;
	s10 =	sld [smem:$0x3FA3]  }
0x3d: {  	_ =	shalt  }
0x3e: {  	_ =	shalt  }
0x3f: {  	_ =	shalt  }
0x40: {  	_ =	shalt  }
0x41: {  	_ =	shalt  }
0x42: {  	_ =	shalt  }
0x43: {  	_ =	shalt  }
0x44: {  	_ =	shalt  }
0x45: {  	_ =	shalt  }
0x46: {  	_ =	shalt  }
0x47: {  	_ =	shalt  }
0x48: {  	_ =	shalt  }
0x49: {  	_ =	shalt  }
0x4a: {  	_ =	shalt  }
0x4b: {  	_ =	shalt  }
0x4c: {  	_ =	shalt  }
0x4d: {  	_ =	shalt  }
0x4e: {  	_ =	shalt  }
0x4f: {  	_ =	shalt  }
0x50: {  	_ =	shalt  }
0x51: {  	_ =	shalt  }
0x52: {  	_ =	shalt  }
0x53: {  	_ =	shalt  }
0x54: {  	_ =	shalt  }
0x55: {  	_ =	shalt  }
0x56: {  	_ =	shalt  }
0x57: {  	_ =	shalt  }
0x58: {  	_ =	shalt  }
0x59: {  	_ =	shalt  }
0x5a: {  	_ =	shalt  }
0x5b: {  	_ =	shalt  }
0x5c: {  	_ =	shalt  }
0x5d: {  	_ =	shalt  }
0x5e: {  	_ =	shalt  }
0x5f: {  	_ =	shalt  }
0x60: {  	_ =	shalt  }
0x61: {  	_ =	shalt  }
0x62: {  	_ =	shalt  }
0x63: {  	_ =	shalt  }
0x64: {  	_ =	shalt  }
0x65: {  	_ =	shalt  }
0x66: {  	_ =	shalt  }
0x67: {  	_ =	shalt  }
0x68: {  	_ =	shalt  }
0x69: {  	_ =	shalt  }
0x6a: {  	_ =	shalt  }
0x6b: {  	_ =	shalt  }
0x6c: {  	_ =	shalt  }
0x6d: {  	_ =	shalt  }
0x6e: {  	_ =	shalt  }
0x6f: {  	_ =	shalt  }
0x70: {  	_ =	shalt  }
0x71: {  	_ =	shalt  }
0x72: {  	_ =	shalt  }
0x73: {  	_ =	shalt  }
0x74: {  	_ =	shalt  }
0x75: {  	_ =	shalt  }
0x76: {  	_ =	shalt  }
0x77: {  	_ =	shalt  }
0x78: {  	_ =	shalt  }
0x79: {  	_ =	shalt  }
0x7a: {  	_ =	shalt  }
0x7b: {  	_ =	shalt  }
0x7c: {  	_ =	shalt  }
0x7d: {  	_ =	shalt  }
0x7e: {  	_ =	shalt  }
0x7f: {  	_ =	shalt  }
0x80: {  	_ =	shalt  }
0x81: {  	_ =	shalt  }
0x82: {  	_ =	shalt  }
0x83: {  	_ =	shalt  }
0x84: {  	_ =	shalt  }
0x85: {  	_ =	shalt  }
0x86: {  	_ =	shalt  }
0x87: {  	_ =	shalt  }
.Lfunc_end0:
.L_simem_size_0:
called_computation.5_lowered:
.L_overlay_start_0:
0x88: {  	s2 =	sld [smem:$0x3FD9]  }
0x89: {  	s3 =	sld [smem:$0x3FFE];
	_ =	sdelay $0x1  }
0x8a: {  	s1 =	srdreg.scid  }
0x8b: {  	s0 =	sand.u32 $0x1, s1  }
0x8c: {  	s17 =	sshll.u32 s0, $0xA;
	s2 =	sadd.s32 s3, s2  }
0x8d: {  	s2 =	sadd.s32 s2, s17  }
0x8e: {  	[smem:$0x3FAF] =	sst s2  }
0x8f: {  	_ = 	snop  }
0x90: {  	s2 =	sld [smem:$0x3FC7];
	(tm) =	ssettm $0x1  }
0x91: {  	s18 =	sld [smem:$0x3FFB];
	_ =	sdelay $0x3  }
0x92: {  	_ =	strace s18  }
0x93: {  	s3 =	sld [smem:$0x3FFC];
	_ =	sdelay $0x3  }
0x94: {  	_ =	strace s3  }
0x95: {  	s3 =	sld [smem:$0x3FFD];
	_ =	sdelay $0x3  }
0x96: {  	_ =	strace s3  }
0x97: {  	_ =	strace $0x8FFFFFFF  }
0x98: {  	s19 =	sld [smem:$0x3FDB];
	_ =	sdelay $0x1  }
0x99: {  	s4 =	simm.s32 $_scs_section_size  }
0x9a: {  	s5 =	simm.s32 $_size__tile_overlayer_lowered;
	s6 =	simm.s32 $_tile_overlayer_lowered  }
0x9b: {  	s22 =	simm.s32 $0x1BFF;
	s21 =	sshll.u32 s6, $0x1;
	s3 =	sadd.s32 s4, s19  }
0x9c: {  	s7 =	simm.s32 $0x0;
	s20 =	sshll.u32 s5, $0x1;
	s5 =	sadd.s32 s21, s3  }
0x9d: {  	[timem:s7], [sflag:s22] =	dma.local [hbm:s5], s20  }
0x9e: {  	_ =	swait.ge [sflag:s22], s20  }
0x9f: {  	s4 =	ssub.s32 $0x0, s20;
	[sflag:s22] =	ssyncset.done $0x0  }
0xa0: {  	[sflag:s22] =	ssyncadd.s32 s4;
	_ =	sdelay $0x1  }
0xa1: {  	s23 =	simm.s32 $0x1B8B  }
0xa2: {  	_ =	swait.ge [sflag:s23], $0x1  }
0xa3: {  	[sflag:s23] =	ssyncset.done $0x0  }
0xa4: {  	s25 =	simm.s32 $0x1B8E;
	s24 =	sld [smem:$0x3FFE];
	[sflag:s23] =	ssyncadd.s32 $0xFFFFFFFF  }
0xa5: {  	s26 =	simm.s32 $execute0_lowered;
	[smem:$0x3FD2] =	sst s25  }
0xa6: {  	s5 =	sshll.u32 s26, $0x1;
	_ =	strace $0x80000055;
	[dreg:$0x1] =	wrdreg $0xFFFFFFFF  }
0xa7: {  	s28 =	simm.s32 $_size_execute0_lowered;
	s3 =	sadd.s32 s3, s5;
	[dreg:$0x0] =	wrdreg $0x0  }
0xa8: {  	s5 =	sshll.u32 s28, $0x1;
	[dreg:$0x2] =	wrdreg s3  }
0xa9: {  	[dreg:$0x3] =	wrdreg s5  }
0xaa: {  	[dreg:$0x4] =	wrdreg $0xC0  }
0xab: {  	_ =	task [dreg:s7], $0x5FFFF  }
0xac: {  	[dreg:$0x1] =	wrdreg $0xFFFFFFFF  }
0xad: {  	[dreg:$0x0] =	wrdreg $0x60  }
0xae: {  	[dreg:$0x2] =	wrdreg s24  }
0xaf: {  	[dreg:$0x3] =	wrdreg s2  }
0xb0: {  	[dreg:$0x4] =	wrdreg $0x9  }
0xb1: {  	_ =	task.clear_ibuf [dreg:s7], $0x5FFFF;
	_ =	strace $0x90000055  }
0xb2: {  	s29 =	simm.s32 $0x9;
	_ =	strace $0x80000057  }
0xb3: {  	_ =	swait.ge [sflag:s29], $0x1  }
0xb4: {  	[sflag:s29] =	ssyncadd.s32 $0xFFFFFFFF  }
0xb5: {  	_ =	strace $0x90000057  }
0xb6: {  	_ =	sfence  }
0xb7: {  	s30 =	sld [smem:$0x0];
	_ =	sdelay $0x2  }
0xb8: {  	s31 =	sshll.u32 s1, $0xD;
	s1 =	sshrl.u32 s1, $0x2  }
0xb9: {  	s3 =	sand.u32 $0x4000, s31;
	s1 =	sadd.s32 s1, s30  }
0xba: {  	s0 =	sor.u32 s3, s0;
	s1 =	sshll.u32 s1, $0x11  }
0xbb: {  	s0 =	sor.u32 s1, s0  }
0xbc: {  	s0 =	sadd.s32 $0x8F2B, s0  }
0xbd: {  	[sflag:s0] =	ssyncadd.remote.s32 $0x1  }
0xbe: {  	_ =	sfence.sel $0xFFFF  }
0xbf: {  	[dreg:$0x0] =	wrdreg $0xFFFFFFFF;
	(pc) =	sbr.abs _section_cstart, $3  }
0xc0: {  	[dreg:$0x1] =	wrdreg $0xFFFFFFFF  }
0xc1: {  	_ =	task.clear_ibuf [dreg:s7], $0x2FFFF;
	_ =	strace $0x9FFFFFFF  }
0xc2: {  	(tm) =	ssettm $0x7FFFFFFF  }
0xc3: {  	_ =	shalt  }
tec
execute0_lowered:
.L_overlay_start_1:
0x0: {  	(tag) =	ssettag $0x1  }
0x1: {  	s4 =	rddreg [dreg:$0x0]  }
0x2: {  	s6 =	rddreg [dreg:$0x1]  }
0x3: {  	s0 =	rddreg [dreg:$0x2];
	s2 =	simm.s32 $0x0  }
0x4: {  	s1 =	stileid.u32;
	s3 =	srdreg.scid;
	s13 =	simm.s32 $0x0  }
0x5: {  	[smem:$0x7FF] =	sst s2;
	s7 =	sand.u32 $0x1, s3;
	s30 =	sshll.u32 s1, $0x1  }
0x6: {  	s8 =	sshll.u32 s1, $0x9;
	s31 =	sshll.u32 s1, $0x2;
	_ =	strace $0x80000056  }
0x7: {  	v0 =	vimm.f32 $0.0e+00;
	v1 =	vimm.f32 $-Inf;
	v2 =	vlaneseq.u32;
	s3 =	sor.u32 s7, s30;
	s5 =	ssub.s32 $0x2, s7;
	s8 =	sadd.s32 s8, s4  }
0x8: {  	v3 =	vimm.s32 $0x7;
	v7 =	vimm.s32 $0x1;
	v8 =	vimm.s32 $0x2;
	s11 =	sshll.u32 s7, $0x1;
	s12 =	sshll.u32 s7, $0x8;
	s9 =	sshll.u32 s3, $0xA  }
.Ltmp0:
0x9: {  	v9 =	vimm.s32 $0x3;
	v10 =	vimm.s32 $0x4;
	v11 =	vimm.s32 $0x5;
	s10 =	sshrl.u32 s5, $0x1;
	s8 =	sadd.s32 s12, s8;
	(pc) =	sbr.rel .LBB2_1-.Ltmp0, $4  }
0xa: {  	v12 =	vimm.s32 $0x6;
	v13 =	vimm.s32 $0x8;
	v14 =	vimm.s32 $0x9;
	s12 =	simm.s32 $0x2880;
	s9 =	sadd.s32 s9, s4;
	s10 =	ssub.s32 s5, s10  }
0xb: {  	v15 =	vimm.s32 $0xA;
	v16 =	vimm.s32 $0xB;
	v17 =	vimm.s32 $0xC;
	s8 =	sadd.s32 $0x6800, s8;
	s4 =	sadd.s32 $0x2DA00, s9;
	s5 =	sadd.s32 $0x35A00, s9  }
0xc: {  	v18 =	vimm.s32 $0xD;
	v19 =	vimm.s32 $0xE;
	v20 =	vimm.s32 $0xF;
	s9 =	sadd.s32 s31, s6;
	s6 =	smax.u32 s10, $0x1;
	s10 =	simm.s32 $0x80  }
0xd: {  	v4 =	vor.u32 $0x10, v2;
	v5 =	vor.u32 $0x20, v2;
	v6 =	vor.u32 $0x30, v2;
	s7 =	sadd.s32 s11, s9;
	s9 =	simm.s32 $0x1;
	s11 =	simm.s32 $0x880  }
.LBB2_7:
0xe: {  	[hbm4b:s4+s2] =	stream.linear.scatter [tilespmem:s11], [sflag:$0x1], $0x2000, $0x38;
	[tilespmem:$0x4880] =	vst v63  }
0xf: {  	s13 =	sadd.s32 $0x1, s13;
	_ =	swait.ge [sflag:s9], $0x2000  }
0x10: {  	p0 =	sne.s32 s13, s6;
	[sflag:s9] =	ssyncset.done $0x0  }
.Ltmp1:
0x11: {  	[sflag:s9] =	ssyncadd.s32 $0xFFFFE000;
	(pc) =	sbr.rel @!p0 .LBB2_8-.Ltmp1, $4  }
0x12: {  	[hbm4b:s5+s2] =	stream.linear.scatter [tilespmem:s12], [sflag:$0x1], $0x2000, $0x38;
	[tilespmem:$0x4880] =	vst v63  }
0x13: {  	_ =	swait.ge [sflag:s9], $0x2000  }
0x14: {  	[sflag:s9] =	ssyncset.done $0x0  }
0x15: {  	[sflag:s9] =	ssyncadd.s32 $0xFFFFE000  }
.LBB2_1:
0x16: {  	s14 =	simm.s32 $0x0;
	s15 =	simm.s32 $0x200  }
.LBB2_2:
0x17: {  	p0 =	sne.s32 s15, $0x7E00;
	[tilespmem:s14+$0x28B0] =	vst v1  }
0x18: {  	[tilespmem:s14+$0x880] =	vst v0  }
0x19: {  	[tilespmem:s14+$0x2880] =	vst v1  }
.Ltmp2:
0x1a: {  	[tilespmem:s14+$0x890] =	vst v0;
	(pc) =	sbr.rel @p0 .LBB2_2-.Ltmp2, $4  }
0x1b: {  	[tilespmem:s14+$0x2890] =	vst v1  }
0x1c: {  	[tilespmem:s14+$0x8A0] =	vst v0  }
0x1d: {  	[tilespmem:s14+$0x28A0] =	vst v1  }
0x1e: {  	[tilespmem:s14+$0x8B0] =	vst v0;
	s14 =	sshra.s32 s15, $0x2;
	s15 =	sadd.s32 $0x200, s15  }
0x1f: {  	[tilespmem:s14+$0x28B0] =	vst v1  }
0x20: {  	[tilespmem:s14+$0x880] =	vst v0  }
0x21: {  	[tilespmem:s14+$0x2880] =	vst v1  }
.Ltmp3:
0x22: {  	[tilespmem:s14+$0x890] =	vst v0;
	(pc) =	sbr.rel .LBB2_4-.Ltmp3, $4  }
0x23: {  	[tilespmem:s14+$0x2890] =	vst v1  }
0x24: {  	[tilespmem:s14+$0x8A0] =	vst v0  }
0x25: {  	[tilespmem:s14+$0x28A0] =	vst v1  }
0x26: {  	[tilespmem:s14+$0x8B0] =	vst v0;
	s14 =	simm.s32 $0x0;
	s15 =	smov.u32 s8;
	s16 =	smov.u32 s7  }
.LBB2_6:
0x27: {  	s14 =	sadd.s32 $0x20, s14  }
0x28: {  	p0 =	sne.s32 s14, $0x280  }
.Ltmp4:
0x29: {  	_ = 	snop;
	(pc) =	sbr.rel @!p0 .LBB2_7-.Ltmp4, $2  }
0x2a: {  	_ =	sdelay $0x2  }
0x2b: {  	s16 =	sadd.s32 $0x40, s16;
	s15 =	sadd.s32 $0x2000, s15  }
.LBB2_4:
0x2c: {  	s17 =	sadd.s32 s14, s3  }
0x2d: {  	p0 =	sgt.u32 s17, $0x270  }
.Ltmp5:
0x2e: {  	_ = 	snop;
	(pc) =	sbr.rel @p0 .LBB2_6-.Ltmp5, $1  }
0x2f: {  	_ =	sdelay $0x3  }
0x30: {  	[tilespmem:s2], [sflag:$0x1] =	stream.linear.gather [hbm4b:s16+s2], $0x10, $0x38;
	[tilespmem:$0x4880] =	vst v63  }
0x31: {  	_ =	swait.ge [sflag:s9], $0x10  }
0x32: {  	[sflag:s9] =	ssyncset.done $0x0  }
0x33: {  	[sflag:s9] =	ssyncadd.s32 $0xFFFFFFF0  }
0x34: {  	[tilespmem:s10], [sflag:$0x1] =	stream.linear.gather [hbm4b:s15+s2], $0x800, $0x38;
	[tilespmem:$0x4880] =	vst v63  }
0x35: {  	_ =	swait.ge [sflag:s9], $0x800  }
0x36: {  	[sflag:s9] =	ssyncset.done $0x0  }
0x37: {  	[sflag:s9] =	ssyncadd.s32 $0xFFFFF800  }
0x38: {  	v21 =	vld.msk [tilespmem:s2+$0x0], $0xffff;
	_ =	sdelay $0x4  }
0x39: {  	v21 =	vshll.u32 v21, $0x7  }
0x3a: {  	v22 =	vld [tilespmem:$0x80];
	v23 =	vor.u32 v2, v21;
	_ =	sdelay $0x4  }
0x3b: {  	[tilespmem:v23+s11+$0x0] =	vst.idx.add.f32.msk $0xffff, v22  }
0x3c: {  	v24 =	vld.idx.msk [tilespmem:v23+s12+$0x0], $0xffff;
	_ =	sdelay $0x4  }
0x3d: {  	v22 =	vmax.f32 v24, v22  }
0x3e: {  	[tilespmem:v23+s12+$0x0] =	vst.idx.msk $0xffff, v22  }
0x3f: {  	v23 =	vor.u32 v4, v21;
	v22 =	vld [tilespmem:$0x90];
	_ =	sdelay $0x4  }
0x40: {  	[tilespmem:v23+s11+$0x0] =	vst.idx.add.f32.msk $0xffff, v22  }
0x41: {  	v53 =	vld.idx.msk [tilespmem:v23+s12+$0x0], $0xffff;
	_ =	sdelay $0x4  }
0x42: {  	v22 =	vmax.f32 v53, v22  }
0x43: {  	[tilespmem:v23+s12+$0x0] =	vst.idx.msk $0xffff, v22  }
0x44: {  	v23 =	vor.u32 v5, v21;
	v22 =	vld [tilespmem:$0xA0];
	_ =	sdelay $0x4  }
0x45: {  	[tilespmem:v23+s11+$0x0] =	vst.idx.add.f32.msk $0xffff, v22  }
0x46: {  	v54 =	vld.idx.msk [tilespmem:v23+s12+$0x0], $0xffff;
	_ =	sdelay $0x4  }
0x47: {  	v22 =	vmax.f32 v54, v22  }
0x48: {  	[tilespmem:v23+s12+$0x0] =	vst.idx.msk $0xffff, v22  }
0x49: {  	v21 =	vor.u32 v6, v21;
	v22 =	vld [tilespmem:$0xB0];
	_ =	sdelay $0x4  }
0x4a: {  	[tilespmem:v21+s11+$0x0] =	vst.idx.add.f32.msk $0xffff, v22  }
0x4b: {  	v23 =	vld.idx.msk [tilespmem:v21+s12+$0x0], $0xffff;
	_ =	sdelay $0x4  }
0x4c: {  	v22 =	vmax.f32 v23, v22  }
0x4d: {  	[tilespmem:v21+s12+$0x0] =	vst.idx.msk $0xffff, v22  }
0x4e: {  	v21 =	vld.idx.msk [tilespmem:v7+s2+$0x0], $0xffff;
	_ =	sdelay $0x4  }
0x4f: {  	v21 =	vshll.u32 v21, $0x7  }
0x50: {  	v22 =	vld [tilespmem:$0x100];
	v23 =	vor.u32 v2, v21;
	_ =	sdelay $0x4  }
0x51: {  	[tilespmem:v23+s11+$0x0] =	vst.idx.add.f32.msk $0xffff, v22  }
0x52: {  	v55 =	vld.idx.msk [tilespmem:v23+s12+$0x0], $0xffff;
	_ =	sdelay $0x4  }
0x53: {  	v22 =	vmax.f32 v55, v22  }
0x54: {  	[tilespmem:v23+s12+$0x0] =	vst.idx.msk $0xffff, v22  }
0x55: {  	v23 =	vor.u32 v4, v21;
	v22 =	vld [tilespmem:$0x110];
	_ =	sdelay $0x4  }
0x56: {  	[tilespmem:v23+s11+$0x0] =	vst.idx.add.f32.msk $0xffff, v22  }
0x57: {  	v56 =	vld.idx.msk [tilespmem:v23+s12+$0x0], $0xffff;
	_ =	sdelay $0x4  }
0x58: {  	v22 =	vmax.f32 v56, v22  }
0x59: {  	[tilespmem:v23+s12+$0x0] =	vst.idx.msk $0xffff, v22  }
0x5a: {  	v23 =	vor.u32 v5, v21;
	v22 =	vld [tilespmem:$0x120];
	_ =	sdelay $0x4  }
0x5b: {  	[tilespmem:v23+s11+$0x0] =	vst.idx.add.f32.msk $0xffff, v22  }
0x5c: {  	v57 =	vld.idx.msk [tilespmem:v23+s12+$0x0], $0xffff;
	_ =	sdelay $0x4  }
0x5d: {  	v22 =	vmax.f32 v57, v22  }
0x5e: {  	[tilespmem:v23+s12+$0x0] =	vst.idx.msk $0xffff, v22  }
0x5f: {  	v21 =	vor.u32 v6, v21;
	v22 =	vld [tilespmem:$0x130];
	_ =	sdelay $0x4  }
0x60: {  	[tilespmem:v21+s11+$0x0] =	vst.idx.add.f32.msk $0xffff, v22  }
0x61: {  	v23 =	vld.idx.msk [tilespmem:v21+s12+$0x0], $0xffff;
	_ =	sdelay $0x4  }
0x62: {  	v22 =	vmax.f32 v23, v22  }
0x63: {  	[tilespmem:v21+s12+$0x0] =	vst.idx.msk $0xffff, v22  }
0x64: {  	v21 =	vld.idx.msk [tilespmem:v8+s2+$0x0], $0xffff;
	_ =	sdelay $0x4  }
0x65: {  	v21 =	vshll.u32 v21, $0x7  }
0x66: {  	v22 =	vld [tilespmem:$0x180];
	v23 =	vor.u32 v2, v21;
	_ =	sdelay $0x4  }
0x67: {  	[tilespmem:v23+s11+$0x0] =	vst.idx.add.f32.msk $0xffff, v22  }
0x68: {  	v58 =	vld.idx.msk [tilespmem:v23+s12+$0x0], $0xffff;
	_ =	sdelay $0x4  }
0x69: {  	v22 =	vmax.f32 v58, v22  }
0x6a: {  	[tilespmem:v23+s12+$0x0] =	vst.idx.msk $0xffff, v22  }
0x6b: {  	v23 =	vor.u32 v4, v21;
	v22 =	vld [tilespmem:$0x190];
	_ =	sdelay $0x4  }
0x6c: {  	[tilespmem:v23+s11+$0x0] =	vst.idx.add.f32.msk $0xffff, v22  }
0x6d: {  	v59 =	vld.idx.msk [tilespmem:v23+s12+$0x0], $0xffff;
	_ =	sdelay $0x4  }
0x6e: {  	v22 =	vmax.f32 v59, v22  }
0x6f: {  	[tilespmem:v23+s12+$0x0] =	vst.idx.msk $0xffff, v22  }
0x70: {  	v23 =	vor.u32 v5, v21;
	v22 =	vld [tilespmem:$0x1A0];
	_ =	sdelay $0x4  }
0x71: {  	[tilespmem:v23+s11+$0x0] =	vst.idx.add.f32.msk $0xffff, v22  }
0x72: {  	v60 =	vld.idx.msk [tilespmem:v23+s12+$0x0], $0xffff;
	_ =	sdelay $0x4  }
0x73: {  	v22 =	vmax.f32 v60, v22  }
0x74: {  	[tilespmem:v23+s12+$0x0] =	vst.idx.msk $0xffff, v22  }
0x75: {  	v21 =	vor.u32 v6, v21;
	v22 =	vld [tilespmem:$0x1B0];
	_ =	sdelay $0x4  }
0x76: {  	[tilespmem:v21+s11+$0x0] =	vst.idx.add.f32.msk $0xffff, v22  }
0x77: {  	v23 =	vld.idx.msk [tilespmem:v21+s12+$0x0], $0xffff;
	_ =	sdelay $0x4  }
0x78: {  	v22 =	vmax.f32 v23, v22  }
0x79: {  	[tilespmem:v21+s12+$0x0] =	vst.idx.msk $0xffff, v22  }
0x7a: {  	v21 =	vld.idx.msk [tilespmem:v9+s2+$0x0], $0xffff;
	_ =	sdelay $0x4  }
0x7b: {  	v21 =	vshll.u32 v21, $0x7  }
0x7c: {  	v22 =	vld [tilespmem:$0x200];
	v23 =	vor.u32 v2, v21;
	_ =	sdelay $0x4  }
0x7d: {  	[tilespmem:v23+s11+$0x0] =	vst.idx.add.f32.msk $0xffff, v22  }
0x7e: {  	v61 =	vld.idx.msk [tilespmem:v23+s12+$0x0], $0xffff;
	_ =	sdelay $0x4  }
0x7f: {  	v22 =	vmax.f32 v61, v22  }
0x80: {  	[tilespmem:v23+s12+$0x0] =	vst.idx.msk $0xffff, v22  }
0x81: {  	v23 =	vor.u32 v4, v21;
	v22 =	vld [tilespmem:$0x210];
	_ =	sdelay $0x4  }
0x82: {  	[tilespmem:v23+s11+$0x0] =	vst.idx.add.f32.msk $0xffff, v22  }
0x83: {  	v62 =	vld.idx.msk [tilespmem:v23+s12+$0x0], $0xffff;
	_ =	sdelay $0x4  }
0x84: {  	v22 =	vmax.f32 v62, v22  }
0x85: {  	[tilespmem:v23+s12+$0x0] =	vst.idx.msk $0xffff, v22  }
0x86: {  	v23 =	vor.u32 v5, v21;
	v22 =	vld [tilespmem:$0x220];
	_ =	sdelay $0x4  }
0x87: {  	[tilespmem:v23+s11+$0x0] =	vst.idx.add.f32.msk $0xffff, v22  }
0x88: {  	v63 =	vld.idx.msk [tilespmem:v23+s12+$0x0], $0xffff;
	_ =	sdelay $0x4  }
0x89: {  	v22 =	vmax.f32 v63, v22  }
0x8a: {  	[tilespmem:v23+s12+$0x0] =	vst.idx.msk $0xffff, v22  }
0x8b: {  	v21 =	vor.u32 v6, v21;
	v22 =	vld [tilespmem:$0x230];
	_ =	sdelay $0x4  }
0x8c: {  	[tilespmem:v21+s11+$0x0] =	vst.idx.add.f32.msk $0xffff, v22  }
0x8d: {  	v23 =	vld.idx.msk [tilespmem:v21+s12+$0x0], $0xffff;
	_ =	sdelay $0x4  }
0x8e: {  	v22 =	vmax.f32 v23, v22  }
0x8f: {  	[tilespmem:v21+s12+$0x0] =	vst.idx.msk $0xffff, v22  }
0x90: {  	v21 =	vld.idx.msk [tilespmem:v10+s2+$0x0], $0xffff;
	_ =	sdelay $0x4  }
0x91: {  	v21 =	vshll.u32 v21, $0x7  }
0x92: {  	v22 =	vld [tilespmem:$0x280];
	v23 =	vor.u32 v2, v21;
	_ =	sdelay $0x4  }
0x93: {  	[tilespmem:v23+s11+$0x0] =	vst.idx.add.f32.msk $0xffff, v22  }
0x94: {  	v28 =	vld.idx.msk [tilespmem:v23+s12+$0x0], $0xffff;
	_ =	sdelay $0x4  }
0x95: {  	v22 =	vmax.f32 v28, v22  }
0x96: {  	[tilespmem:v23+s12+$0x0] =	vst.idx.msk $0xffff, v22  }
0x97: {  	v23 =	vor.u32 v4, v21;
	v22 =	vld [tilespmem:$0x290];
	_ =	sdelay $0x4  }
0x98: {  	[tilespmem:v23+s11+$0x0] =	vst.idx.add.f32.msk $0xffff, v22  }
0x99: {  	v29 =	vld.idx.msk [tilespmem:v23+s12+$0x0], $0xffff;
	_ =	sdelay $0x4  }
0x9a: {  	v22 =	vmax.f32 v29, v22  }
0x9b: {  	[tilespmem:v23+s12+$0x0] =	vst.idx.msk $0xffff, v22  }
0x9c: {  	v23 =	vor.u32 v5, v21;
	v22 =	vld [tilespmem:$0x2A0];
	_ =	sdelay $0x4  }
0x9d: {  	[tilespmem:v23+s11+$0x0] =	vst.idx.add.f32.msk $0xffff, v22  }
0x9e: {  	v30 =	vld.idx.msk [tilespmem:v23+s12+$0x0], $0xffff;
	_ =	sdelay $0x4  }
0x9f: {  	v22 =	vmax.f32 v30, v22  }
0xa0: {  	[tilespmem:v23+s12+$0x0] =	vst.idx.msk $0xffff, v22  }
0xa1: {  	v21 =	vor.u32 v6, v21;
	v22 =	vld [tilespmem:$0x2B0];
	_ =	sdelay $0x4  }
0xa2: {  	[tilespmem:v21+s11+$0x0] =	vst.idx.add.f32.msk $0xffff, v22  }
0xa3: {  	v23 =	vld.idx.msk [tilespmem:v21+s12+$0x0], $0xffff;
	_ =	sdelay $0x4  }
0xa4: {  	v22 =	vmax.f32 v23, v22  }
0xa5: {  	[tilespmem:v21+s12+$0x0] =	vst.idx.msk $0xffff, v22  }
0xa6: {  	v21 =	vld.idx.msk [tilespmem:v11+s2+$0x0], $0xffff;
	_ =	sdelay $0x4  }
0xa7: {  	v21 =	vshll.u32 v21, $0x7  }
0xa8: {  	v22 =	vld [tilespmem:$0x300];
	v23 =	vor.u32 v2, v21;
	_ =	sdelay $0x4  }
0xa9: {  	[tilespmem:v23+s11+$0x0] =	vst.idx.add.f32.msk $0xffff, v22  }
0xaa: {  	v31 =	vld.idx.msk [tilespmem:v23+s12+$0x0], $0xffff;
	_ =	sdelay $0x4  }
0xab: {  	v22 =	vmax.f32 v31, v22  }
0xac: {  	[tilespmem:v23+s12+$0x0] =	vst.idx.msk $0xffff, v22  }
0xad: {  	v23 =	vor.u32 v4, v21;
	v22 =	vld [tilespmem:$0x310];
	_ =	sdelay $0x4  }
0xae: {  	[tilespmem:v23+s11+$0x0] =	vst.idx.add.f32.msk $0xffff, v22  }
0xaf: {  	v32 =	vld.idx.msk [tilespmem:v23+s12+$0x0], $0xffff;
	_ =	sdelay $0x4  }
0xb0: {  	v22 =	vmax.f32 v32, v22  }
0xb1: {  	[tilespmem:v23+s12+$0x0] =	vst.idx.msk $0xffff, v22  }
0xb2: {  	v23 =	vor.u32 v5, v21;
	v22 =	vld [tilespmem:$0x320];
	_ =	sdelay $0x4  }
0xb3: {  	[tilespmem:v23+s11+$0x0] =	vst.idx.add.f32.msk $0xffff, v22  }
0xb4: {  	v33 =	vld.idx.msk [tilespmem:v23+s12+$0x0], $0xffff;
	_ =	sdelay $0x4  }
0xb5: {  	v22 =	vmax.f32 v33, v22  }
0xb6: {  	[tilespmem:v23+s12+$0x0] =	vst.idx.msk $0xffff, v22  }
0xb7: {  	v21 =	vor.u32 v6, v21;
	v22 =	vld [tilespmem:$0x330];
	_ =	sdelay $0x4  }
0xb8: {  	[tilespmem:v21+s11+$0x0] =	vst.idx.add.f32.msk $0xffff, v22  }
0xb9: {  	v23 =	vld.idx.msk [tilespmem:v21+s12+$0x0], $0xffff;
	_ =	sdelay $0x4  }
0xba: {  	v22 =	vmax.f32 v23, v22  }
0xbb: {  	[tilespmem:v21+s12+$0x0] =	vst.idx.msk $0xffff, v22  }
0xbc: {  	v21 =	vld.idx.msk [tilespmem:v12+s2+$0x0], $0xffff;
	_ =	sdelay $0x4  }
0xbd: {  	v21 =	vshll.u32 v21, $0x7  }
0xbe: {  	v22 =	vld [tilespmem:$0x380];
	v23 =	vor.u32 v2, v21;
	_ =	sdelay $0x4  }
0xbf: {  	[tilespmem:v23+s11+$0x0] =	vst.idx.add.f32.msk $0xffff, v22  }
0xc0: {  	v34 =	vld.idx.msk [tilespmem:v23+s12+$0x0], $0xffff;
	_ =	sdelay $0x4  }
0xc1: {  	v22 =	vmax.f32 v34, v22  }
0xc2: {  	[tilespmem:v23+s12+$0x0] =	vst.idx.msk $0xffff, v22  }
0xc3: {  	v23 =	vor.u32 v4, v21;
	v22 =	vld [tilespmem:$0x390];
	_ =	sdelay $0x4  }
0xc4: {  	[tilespmem:v23+s11+$0x0] =	vst.idx.add.f32.msk $0xffff, v22  }
0xc5: {  	v35 =	vld.idx.msk [tilespmem:v23+s12+$0x0], $0xffff;
	_ =	sdelay $0x4  }
0xc6: {  	v22 =	vmax.f32 v35, v22  }
0xc7: {  	[tilespmem:v23+s12+$0x0] =	vst.idx.msk $0xffff, v22  }
0xc8: {  	v23 =	vor.u32 v5, v21;
	v22 =	vld [tilespmem:$0x3A0];
	_ =	sdelay $0x4  }
0xc9: {  	[tilespmem:v23+s11+$0x0] =	vst.idx.add.f32.msk $0xffff, v22  }
0xca: {  	v36 =	vld.idx.msk [tilespmem:v23+s12+$0x0], $0xffff;
	_ =	sdelay $0x4  }
0xcb: {  	v22 =	vmax.f32 v36, v22  }
0xcc: {  	[tilespmem:v23+s12+$0x0] =	vst.idx.msk $0xffff, v22  }
0xcd: {  	v21 =	vor.u32 v6, v21;
	v22 =	vld [tilespmem:$0x3B0];
	_ =	sdelay $0x4  }
0xce: {  	[tilespmem:v21+s11+$0x0] =	vst.idx.add.f32.msk $0xffff, v22  }
0xcf: {  	v23 =	vld.idx.msk [tilespmem:v21+s12+$0x0], $0xffff;
	_ =	sdelay $0x4  }
0xd0: {  	v22 =	vmax.f32 v23, v22  }
0xd1: {  	[tilespmem:v21+s12+$0x0] =	vst.idx.msk $0xffff, v22  }
0xd2: {  	v21 =	vld.idx.msk [tilespmem:v3+s2+$0x0], $0xffff;
	_ =	sdelay $0x4  }
0xd3: {  	v21 =	vshll.u32 v21, $0x7  }
0xd4: {  	v22 =	vld [tilespmem:$0x400];
	v23 =	vor.u32 v2, v21;
	_ =	sdelay $0x4  }
0xd5: {  	[tilespmem:v23+s11+$0x0] =	vst.idx.add.f32.msk $0xffff, v22  }
0xd6: {  	v37 =	vld.idx.msk [tilespmem:v23+s12+$0x0], $0xffff;
	_ =	sdelay $0x4  }
0xd7: {  	v22 =	vmax.f32 v37, v22  }
0xd8: {  	[tilespmem:v23+s12+$0x0] =	vst.idx.msk $0xffff, v22  }
0xd9: {  	v23 =	vor.u32 v4, v21;
	v22 =	vld [tilespmem:$0x410];
	_ =	sdelay $0x4  }
0xda: {  	[tilespmem:v23+s11+$0x0] =	vst.idx.add.f32.msk $0xffff, v22  }
0xdb: {  	v38 =	vld.idx.msk [tilespmem:v23+s12+$0x0], $0xffff;
	_ =	sdelay $0x4  }
0xdc: {  	v22 =	vmax.f32 v38, v22  }
0xdd: {  	[tilespmem:v23+s12+$0x0] =	vst.idx.msk $0xffff, v22  }
0xde: {  	v23 =	vor.u32 v5, v21;
	v22 =	vld [tilespmem:$0x420];
	_ =	sdelay $0x4  }
0xdf: {  	[tilespmem:v23+s11+$0x0] =	vst.idx.add.f32.msk $0xffff, v22  }
0xe0: {  	v39 =	vld.idx.msk [tilespmem:v23+s12+$0x0], $0xffff;
	_ =	sdelay $0x4  }
0xe1: {  	v22 =	vmax.f32 v39, v22  }
0xe2: {  	[tilespmem:v23+s12+$0x0] =	vst.idx.msk $0xffff, v22  }
0xe3: {  	v21 =	vor.u32 v6, v21;
	v22 =	vld [tilespmem:$0x430];
	_ =	sdelay $0x4  }
0xe4: {  	[tilespmem:v21+s11+$0x0] =	vst.idx.add.f32.msk $0xffff, v22  }
0xe5: {  	v23 =	vld.idx.msk [tilespmem:v21+s12+$0x0], $0xffff;
	_ =	sdelay $0x4  }
0xe6: {  	v22 =	vmax.f32 v23, v22  }
0xe7: {  	[tilespmem:v21+s12+$0x0] =	vst.idx.msk $0xffff, v22  }
0xe8: {  	v21 =	vld.idx.msk [tilespmem:v13+s2+$0x0], $0xffff;
	_ =	sdelay $0x4  }
0xe9: {  	v21 =	vshll.u32 v21, $0x7  }
0xea: {  	v22 =	vld [tilespmem:$0x480];
	v23 =	vor.u32 v2, v21;
	_ =	sdelay $0x4  }
0xeb: {  	[tilespmem:v23+s11+$0x0] =	vst.idx.add.f32.msk $0xffff, v22  }
0xec: {  	v40 =	vld.idx.msk [tilespmem:v23+s12+$0x0], $0xffff;
	_ =	sdelay $0x4  }
0xed: {  	v22 =	vmax.f32 v40, v22  }
0xee: {  	[tilespmem:v23+s12+$0x0] =	vst.idx.msk $0xffff, v22  }
0xef: {  	v23 =	vor.u32 v4, v21;
	v22 =	vld [tilespmem:$0x490];
	_ =	sdelay $0x4  }
0xf0: {  	[tilespmem:v23+s11+$0x0] =	vst.idx.add.f32.msk $0xffff, v22  }
0xf1: {  	v41 =	vld.idx.msk [tilespmem:v23+s12+$0x0], $0xffff;
	_ =	sdelay $0x4  }
0xf2: {  	v22 =	vmax.f32 v41, v22  }
0xf3: {  	[tilespmem:v23+s12+$0x0] =	vst.idx.msk $0xffff, v22  }
0xf4: {  	v23 =	vor.u32 v5, v21;
	v22 =	vld [tilespmem:$0x4A0];
	_ =	sdelay $0x4  }
0xf5: {  	[tilespmem:v23+s11+$0x0] =	vst.idx.add.f32.msk $0xffff, v22  }
0xf6: {  	v42 =	vld.idx.msk [tilespmem:v23+s12+$0x0], $0xffff;
	_ =	sdelay $0x4  }
0xf7: {  	v22 =	vmax.f32 v42, v22  }
0xf8: {  	[tilespmem:v23+s12+$0x0] =	vst.idx.msk $0xffff, v22  }
0xf9: {  	v21 =	vor.u32 v6, v21;
	v22 =	vld [tilespmem:$0x4B0];
	_ =	sdelay $0x4  }
0xfa: {  	[tilespmem:v21+s11+$0x0] =	vst.idx.add.f32.msk $0xffff, v22  }
0xfb: {  	v23 =	vld.idx.msk [tilespmem:v21+s12+$0x0], $0xffff;
	_ =	sdelay $0x4  }
0xfc: {  	v22 =	vmax.f32 v23, v22  }
0xfd: {  	[tilespmem:v21+s12+$0x0] =	vst.idx.msk $0xffff, v22  }
0xfe: {  	v21 =	vld.idx.msk [tilespmem:v14+s2+$0x0], $0xffff;
	_ =	sdelay $0x4  }
0xff: {  	v21 =	vshll.u32 v21, $0x7  }
0x100: {  	v22 =	vld [tilespmem:$0x500];
	v23 =	vor.u32 v2, v21;
	_ =	sdelay $0x4  }
0x101: {  	[tilespmem:v23+s11+$0x0] =	vst.idx.add.f32.msk $0xffff, v22  }
0x102: {  	v43 =	vld.idx.msk [tilespmem:v23+s12+$0x0], $0xffff;
	_ =	sdelay $0x4  }
0x103: {  	v22 =	vmax.f32 v43, v22  }
0x104: {  	[tilespmem:v23+s12+$0x0] =	vst.idx.msk $0xffff, v22  }
0x105: {  	v23 =	vor.u32 v4, v21;
	v22 =	vld [tilespmem:$0x510];
	_ =	sdelay $0x4  }
0x106: {  	[tilespmem:v23+s11+$0x0] =	vst.idx.add.f32.msk $0xffff, v22  }
0x107: {  	v44 =	vld.idx.msk [tilespmem:v23+s12+$0x0], $0xffff;
	_ =	sdelay $0x4  }
0x108: {  	v22 =	vmax.f32 v44, v22  }
0x109: {  	[tilespmem:v23+s12+$0x0] =	vst.idx.msk $0xffff, v22  }
0x10a: {  	v23 =	vor.u32 v5, v21;
	v22 =	vld [tilespmem:$0x520];
	_ =	sdelay $0x4  }
0x10b: {  	[tilespmem:v23+s11+$0x0] =	vst.idx.add.f32.msk $0xffff, v22  }
0x10c: {  	v45 =	vld.idx.msk [tilespmem:v23+s12+$0x0], $0xffff;
	_ =	sdelay $0x4  }
0x10d: {  	v22 =	vmax.f32 v45, v22  }
0x10e: {  	[tilespmem:v23+s12+$0x0] =	vst.idx.msk $0xffff, v22  }
0x10f: {  	v21 =	vor.u32 v6, v21;
	v22 =	vld [tilespmem:$0x530];
	_ =	sdelay $0x4  }
0x110: {  	[tilespmem:v21+s11+$0x0] =	vst.idx.add.f32.msk $0xffff, v22  }
0x111: {  	v23 =	vld.idx.msk [tilespmem:v21+s12+$0x0], $0xffff;
	_ =	sdelay $0x4  }
0x112: {  	v22 =	vmax.f32 v23, v22  }
0x113: {  	[tilespmem:v21+s12+$0x0] =	vst.idx.msk $0xffff, v22  }
0x114: {  	v21 =	vld.idx.msk [tilespmem:v15+s2+$0x0], $0xffff;
	_ =	sdelay $0x4  }
0x115: {  	v21 =	vshll.u32 v21, $0x7  }
0x116: {  	v22 =	vld [tilespmem:$0x580];
	v23 =	vor.u32 v2, v21;
	_ =	sdelay $0x4  }
0x117: {  	[tilespmem:v23+s11+$0x0] =	vst.idx.add.f32.msk $0xffff, v22  }
0x118: {  	v46 =	vld.idx.msk [tilespmem:v23+s12+$0x0], $0xffff;
	_ =	sdelay $0x4  }
0x119: {  	v22 =	vmax.f32 v46, v22  }
0x11a: {  	[tilespmem:v23+s12+$0x0] =	vst.idx.msk $0xffff, v22  }
0x11b: {  	v23 =	vor.u32 v4, v21;
	v22 =	vld [tilespmem:$0x590];
	_ =	sdelay $0x4  }
0x11c: {  	[tilespmem:v23+s11+$0x0] =	vst.idx.add.f32.msk $0xffff, v22  }
0x11d: {  	v47 =	vld.idx.msk [tilespmem:v23+s12+$0x0], $0xffff;
	_ =	sdelay $0x4  }
0x11e: {  	v22 =	vmax.f32 v47, v22  }
0x11f: {  	[tilespmem:v23+s12+$0x0] =	vst.idx.msk $0xffff, v22  }
0x120: {  	v23 =	vor.u32 v5, v21;
	v22 =	vld [tilespmem:$0x5A0];
	_ =	sdelay $0x4  }
0x121: {  	[tilespmem:v23+s11+$0x0] =	vst.idx.add.f32.msk $0xffff, v22  }
0x122: {  	v48 =	vld.idx.msk [tilespmem:v23+s12+$0x0], $0xffff;
	_ =	sdelay $0x4  }
0x123: {  	v22 =	vmax.f32 v48, v22  }
0x124: {  	[tilespmem:v23+s12+$0x0] =	vst.idx.msk $0xffff, v22  }
0x125: {  	v21 =	vor.u32 v6, v21;
	v22 =	vld [tilespmem:$0x5B0];
	_ =	sdelay $0x4  }
0x126: {  	[tilespmem:v21+s11+$0x0] =	vst.idx.add.f32.msk $0xffff, v22  }
0x127: {  	v23 =	vld.idx.msk [tilespmem:v21+s12+$0x0], $0xffff;
	_ =	sdelay $0x4  }
0x128: {  	v22 =	vmax.f32 v23, v22  }
0x129: {  	[tilespmem:v21+s12+$0x0] =	vst.idx.msk $0xffff, v22  }
0x12a: {  	v21 =	vld.idx.msk [tilespmem:v16+s2+$0x0], $0xffff;
	_ =	sdelay $0x4  }
0x12b: {  	v21 =	vshll.u32 v21, $0x7  }
0x12c: {  	v22 =	vld [tilespmem:$0x600];
	v23 =	vor.u32 v2, v21;
	_ =	sdelay $0x4  }
0x12d: {  	[tilespmem:v23+s11+$0x0] =	vst.idx.add.f32.msk $0xffff, v22  }
0x12e: {  	v49 =	vld.idx.msk [tilespmem:v23+s12+$0x0], $0xffff;
	_ =	sdelay $0x4  }
0x12f: {  	v22 =	vmax.f32 v49, v22  }
0x130: {  	[tilespmem:v23+s12+$0x0] =	vst.idx.msk $0xffff, v22  }
0x131: {  	v23 =	vor.u32 v4, v21;
	v22 =	vld [tilespmem:$0x610];
	_ =	sdelay $0x4  }
0x132: {  	[tilespmem:v23+s11+$0x0] =	vst.idx.add.f32.msk $0xffff, v22  }
0x133: {  	v50 =	vld.idx.msk [tilespmem:v23+s12+$0x0], $0xffff;
	_ =	sdelay $0x4  }
0x134: {  	v22 =	vmax.f32 v50, v22  }
0x135: {  	[tilespmem:v23+s12+$0x0] =	vst.idx.msk $0xffff, v22  }
0x136: {  	v23 =	vor.u32 v5, v21;
	v22 =	vld [tilespmem:$0x620];
	_ =	sdelay $0x4  }
0x137: {  	[tilespmem:v23+s11+$0x0] =	vst.idx.add.f32.msk $0xffff, v22  }
0x138: {  	v51 =	vld.idx.msk [tilespmem:v23+s12+$0x0], $0xffff;
	_ =	sdelay $0x4  }
0x139: {  	v22 =	vmax.f32 v51, v22  }
0x13a: {  	[tilespmem:v23+s12+$0x0] =	vst.idx.msk $0xffff, v22  }
0x13b: {  	v21 =	vor.u32 v6, v21;
	v22 =	vld [tilespmem:$0x630];
	_ =	sdelay $0x4  }
0x13c: {  	[tilespmem:v21+s11+$0x0] =	vst.idx.add.f32.msk $0xffff, v22  }
0x13d: {  	v23 =	vld.idx.msk [tilespmem:v21+s12+$0x0], $0xffff;
	_ =	sdelay $0x4  }
0x13e: {  	v22 =	vmax.f32 v23, v22  }
0x13f: {  	[tilespmem:v21+s12+$0x0] =	vst.idx.msk $0xffff, v22  }
0x140: {  	v21 =	vld.idx.msk [tilespmem:v17+s2+$0x0], $0xffff;
	_ =	sdelay $0x4  }
0x141: {  	v21 =	vshll.u32 v21, $0x7  }
0x142: {  	v22 =	vld [tilespmem:$0x680];
	v23 =	vor.u32 v2, v21;
	_ =	sdelay $0x4  }
0x143: {  	[tilespmem:v23+s11+$0x0] =	vst.idx.add.f32.msk $0xffff, v22  }
0x144: {  	v52 =	vld.idx.msk [tilespmem:v23+s12+$0x0], $0xffff;
	_ =	sdelay $0x4  }
0x145: {  	v22 =	vmax.f32 v52, v22  }
0x146: {  	[tilespmem:v23+s12+$0x0] =	vst.idx.msk $0xffff, v22  }
0x147: {  	v23 =	vor.u32 v4, v21;
	v22 =	vld [tilespmem:$0x690];
	_ =	sdelay $0x4  }
0x148: {  	[tilespmem:v23+s11+$0x0] =	vst.idx.add.f32.msk $0xffff, v22  }
0x149: {  	v53 =	vld.idx.msk [tilespmem:v23+s12+$0x0], $0xffff;
	_ =	sdelay $0x4  }
0x14a: {  	v22 =	vmax.f32 v53, v22  }
0x14b: {  	[tilespmem:v23+s12+$0x0] =	vst.idx.msk $0xffff, v22  }
0x14c: {  	v23 =	vor.u32 v5, v21;
	v22 =	vld [tilespmem:$0x6A0];
	_ =	sdelay $0x4  }
0x14d: {  	[tilespmem:v23+s11+$0x0] =	vst.idx.add.f32.msk $0xffff, v22  }
0x14e: {  	v54 =	vld.idx.msk [tilespmem:v23+s12+$0x0], $0xffff;
	_ =	sdelay $0x4  }
0x14f: {  	v22 =	vmax.f32 v54, v22  }
0x150: {  	[tilespmem:v23+s12+$0x0] =	vst.idx.msk $0xffff, v22  }
0x151: {  	v21 =	vor.u32 v6, v21;
	v22 =	vld [tilespmem:$0x6B0];
	_ =	sdelay $0x4  }
0x152: {  	[tilespmem:v21+s11+$0x0] =	vst.idx.add.f32.msk $0xffff, v22  }
0x153: {  	v23 =	vld.idx.msk [tilespmem:v21+s12+$0x0], $0xffff;
	_ =	sdelay $0x4  }
0x154: {  	v22 =	vmax.f32 v23, v22  }
0x155: {  	[tilespmem:v21+s12+$0x0] =	vst.idx.msk $0xffff, v22  }
0x156: {  	v21 =	vld.idx.msk [tilespmem:v18+s2+$0x0], $0xffff;
	_ =	sdelay $0x4  }
0x157: {  	v21 =	vshll.u32 v21, $0x7  }
0x158: {  	v22 =	vld [tilespmem:$0x700];
	v23 =	vor.u32 v2, v21;
	_ =	sdelay $0x4  }
0x159: {  	[tilespmem:v23+s11+$0x0] =	vst.idx.add.f32.msk $0xffff, v22  }
0x15a: {  	v55 =	vld.idx.msk [tilespmem:v23+s12+$0x0], $0xffff;
	_ =	sdelay $0x4  }
0x15b: {  	v22 =	vmax.f32 v55, v22  }
0x15c: {  	[tilespmem:v23+s12+$0x0] =	vst.idx.msk $0xffff, v22  }
0x15d: {  	v23 =	vor.u32 v4, v21;
	v22 =	vld [tilespmem:$0x710];
	_ =	sdelay $0x4  }
0x15e: {  	[tilespmem:v23+s11+$0x0] =	vst.idx.add.f32.msk $0xffff, v22  }
0x15f: {  	v56 =	vld.idx.msk [tilespmem:v23+s12+$0x0], $0xffff;
	_ =	sdelay $0x4  }
0x160: {  	v22 =	vmax.f32 v56, v22  }
0x161: {  	[tilespmem:v23+s12+$0x0] =	vst.idx.msk $0xffff, v22  }
0x162: {  	v23 =	vor.u32 v5, v21;
	v22 =	vld [tilespmem:$0x720];
	_ =	sdelay $0x4  }
0x163: {  	[tilespmem:v23+s11+$0x0] =	vst.idx.add.f32.msk $0xffff, v22  }
0x164: {  	v57 =	vld.idx.msk [tilespmem:v23+s12+$0x0], $0xffff;
	_ =	sdelay $0x4  }
0x165: {  	v22 =	vmax.f32 v57, v22  }
0x166: {  	[tilespmem:v23+s12+$0x0] =	vst.idx.msk $0xffff, v22  }
0x167: {  	v21 =	vor.u32 v6, v21;
	v22 =	vld [tilespmem:$0x730];
	_ =	sdelay $0x4  }
0x168: {  	[tilespmem:v21+s11+$0x0] =	vst.idx.add.f32.msk $0xffff, v22  }
0x169: {  	v23 =	vld.idx.msk [tilespmem:v21+s12+$0x0], $0xffff;
	_ =	sdelay $0x4  }
0x16a: {  	v22 =	vmax.f32 v23, v22  }
0x16b: {  	[tilespmem:v21+s12+$0x0] =	vst.idx.msk $0xffff, v22  }
0x16c: {  	v21 =	vld.idx.msk [tilespmem:v19+s2+$0x0], $0xffff;
	_ =	sdelay $0x4  }
0x16d: {  	v21 =	vshll.u32 v21, $0x7  }
0x16e: {  	v22 =	vld [tilespmem:$0x780];
	v23 =	vor.u32 v2, v21;
	_ =	sdelay $0x4  }
0x16f: {  	[tilespmem:v23+s11+$0x0] =	vst.idx.add.f32.msk $0xffff, v22  }
0x170: {  	v58 =	vld.idx.msk [tilespmem:v23+s12+$0x0], $0xffff;
	_ =	sdelay $0x4  }
0x171: {  	v22 =	vmax.f32 v58, v22  }
0x172: {  	[tilespmem:v23+s12+$0x0] =	vst.idx.msk $0xffff, v22  }
0x173: {  	v23 =	vor.u32 v4, v21;
	v22 =	vld [tilespmem:$0x790];
	_ =	sdelay $0x4  }
0x174: {  	[tilespmem:v23+s11+$0x0] =	vst.idx.add.f32.msk $0xffff, v22  }
0x175: {  	v59 =	vld.idx.msk [tilespmem:v23+s12+$0x0], $0xffff;
	_ =	sdelay $0x4  }
0x176: {  	v22 =	vmax.f32 v59, v22  }
0x177: {  	[tilespmem:v23+s12+$0x0] =	vst.idx.msk $0xffff, v22  }
0x178: {  	v23 =	vor.u32 v5, v21;
	v22 =	vld [tilespmem:$0x7A0];
	_ =	sdelay $0x4  }
0x179: {  	[tilespmem:v23+s11+$0x0] =	vst.idx.add.f32.msk $0xffff, v22  }
0x17a: {  	v60 =	vld.idx.msk [tilespmem:v23+s12+$0x0], $0xffff;
	_ =	sdelay $0x4  }
0x17b: {  	v22 =	vmax.f32 v60, v22  }
0x17c: {  	[tilespmem:v23+s12+$0x0] =	vst.idx.msk $0xffff, v22  }
0x17d: {  	v21 =	vor.u32 v6, v21;
	v22 =	vld [tilespmem:$0x7B0];
	_ =	sdelay $0x4  }
0x17e: {  	[tilespmem:v21+s11+$0x0] =	vst.idx.add.f32.msk $0xffff, v22  }
0x17f: {  	v23 =	vld.idx.msk [tilespmem:v21+s12+$0x0], $0xffff;
	_ =	sdelay $0x4  }
0x180: {  	v22 =	vmax.f32 v23, v22  }
0x181: {  	[tilespmem:v21+s12+$0x0] =	vst.idx.msk $0xffff, v22  }
0x182: {  	v21 =	vld.idx.msk [tilespmem:v20+s2+$0x0], $0xffff;
	_ =	sdelay $0x4  }
0x183: {  	v21 =	vshll.u32 v21, $0x7  }
0x184: {  	v22 =	vld [tilespmem:$0x800];
	v23 =	vor.u32 v2, v21;
	_ =	sdelay $0x4  }
0x185: {  	[tilespmem:v23+s11+$0x0] =	vst.idx.add.f32.msk $0xffff, v22  }
0x186: {  	v61 =	vld.idx.msk [tilespmem:v23+s12+$0x0], $0xffff;
	_ =	sdelay $0x4  }
0x187: {  	v22 =	vmax.f32 v61, v22  }
0x188: {  	[tilespmem:v23+s12+$0x0] =	vst.idx.msk $0xffff, v22  }
0x189: {  	v23 =	vor.u32 v4, v21;
	v22 =	vld [tilespmem:$0x810];
	_ =	sdelay $0x4  }
0x18a: {  	[tilespmem:v23+s11+$0x0] =	vst.idx.add.f32.msk $0xffff, v22  }
0x18b: {  	v62 =	vld.idx.msk [tilespmem:v23+s12+$0x0], $0xffff;
	_ =	sdelay $0x4  }
0x18c: {  	v22 =	vmax.f32 v62, v22  }
0x18d: {  	[tilespmem:v23+s12+$0x0] =	vst.idx.msk $0xffff, v22  }
0x18e: {  	v23 =	vor.u32 v5, v21;
	v22 =	vld [tilespmem:$0x820];
	_ =	sdelay $0x4  }
0x18f: {  	[tilespmem:v23+s11+$0x0] =	vst.idx.add.f32.msk $0xffff, v22  }
0x190: {  	v63 =	vld.idx.msk [tilespmem:v23+s12+$0x0], $0xffff;
	_ =	sdelay $0x4  }
0x191: {  	v22 =	vmax.f32 v63, v22  }
0x192: {  	[tilespmem:v23+s12+$0x0] =	vst.idx.msk $0xffff, v22  }
0x193: {  	v21 =	vor.u32 v6, v21;
	v22 =	vld [tilespmem:$0x830];
	_ =	sdelay $0x4  }
0x194: {  	[tilespmem:v21+s11+$0x0] =	vst.idx.add.f32.msk $0xffff, v22  }
0x195: {  	v23 =	vld.idx.msk [tilespmem:v21+s12+$0x0], $0xffff;
	_ =	sdelay $0x1  }
.Ltmp6:
0x196: {  	_ = 	snop;
	(pc) =	sbr.rel .LBB2_6-.Ltmp6, $3  }
0x197: {  	_ =	sdelay $0x1  }
0x198: {  	v22 =	vmax.f32 v23, v22  }
0x199: {  	[tilespmem:v21+s12+$0x0] =	vst.idx.msk $0xffff, v22  }
.LBB2_8:
0x19a: {  	_ =	sfence.sel $0x180000  }
0x19b: {  	[bflag:$0x0] =	sbarrier.arrive $0xFFFF  }
0x19c: {  	p0 =	sne.s32 s1, $0x0;
	_ =	strace $0x90000056  }
0x19d: {  	s0 =	sadd.s32 @!p0 $0x100000, s0;
	[bflag:$0x2] =	sbarrier.arrive $0xFFFF  }
0x19e: {  	[sflag:s0] =	ssyncadd.tile.s32 @!p0 $0x1;
	_ =	shalt  }
.Lfunc_end2:
_tile_overlayer_lowered:
.L_overlay_start_2:
0x19f: {  	(tag) =	ssettag $0x2  }
0x1a0: {  	s0 =	rddreg [dreg:$0x0];
	s2 =	stileid.u32  }
0x1a1: {  	s1 =	rddreg [dreg:$0x1];
	p0 =	sne.s32 s2, $0x0  }
0x1a2: {  	s3 =	rddreg [dreg:$0x2];
	[bflag:$0x3] =	sbarrier.arrive $0xFFFF;
	s2 =	simm.s32 @!p0 $0x1C01  }
0x1a3: {  	[timem:s3], [sflag:s2] =	dma.local @!p0 [hbm:s0], s1  }
0x1a4: {  	s0 =	simm.s32 @!p0 $0x1  }
0x1a5: {  	_ =	swait.ge @!p0 [sflag:s0], s1  }
0x1a6: {  	s1 =	ssub.s32 @!p0 $0x0, s1;
	[sflag:s0] =	ssyncset.done @!p0 $0x0  }
0x1a7: {  	[sflag:s0] =	ssyncadd.s32 @!p0 s1  }
0x1a8: {  	[bflag:$0x3] =	sbarrier.arrive $0xFFFF  }
0x1a9: {  	_ =	shalt  }

</sc_bundles>
